<compile_context>
chip_gen: v7x
topology: tpu7x:2x2x1
jax: 0.10.2.dev20260603
libtpu: 0.0.44.dev20260713+nightly
codegen_flags: <defaults>
</compile_context>

<pallas_src>
import functools
import jax
import jax.numpy as jnp
from jax import lax
from jax.experimental import pallas as pl
from jax.experimental.pallas import tpu as pltpu
from jax.experimental.pallas import tpu_sc as plsc

_NB = 3
_RA = 2


def _sc_body(B, K, C, H, W, Z,
             x_hbm, m_hbm, z_hbm, out_hbm,
             mv, bufs, rsems, wsems):
    wid = lax.axis_index("s") * 2 + lax.axis_index("c")
    slab = wid // 4
    q = wid % 4
    b = slab // K
    kk = slab % K
    cq = C // 4
    c0 = q * cq
    hh = H // 16
    hper = H // hh
    nch = cq * hper

    def src(i):
        c, h = divmod(i, hper)
        return x_hbm.at[b, kk, c0 + c, pl.ds(h * hh, hh)]

    def dst(i):
        c, h = divmod(i, hper)
        return out_hbm.at[b, (kk * C + c0 + c), pl.ds(h * hh, hh)]

    pltpu.sync_copy(m_hbm, mv)
    sel = mv[pl.ds(slab, 1)][0]

    @pl.when(sel != 0)
    def _copy():
        def cp(i):
            return pltpu.make_async_copy(src(i), dst(i), rsems[i % _NB])

        lag = 2 * _NB
        for i in range(nch):
            cp(i).start()
            if i >= lag:
                cp(i - lag).wait()
        for i in range(nch - lag, nch):
            cp(i).wait()

    @pl.when(sel == 0)
    def _zero():
        pltpu.sync_copy(z_hbm, bufs[0])
        for i in range(nch):
            pltpu.make_async_copy(bufs[0], dst(i), wsems[0]).start()
        for i in range(nch):
            pltpu.make_async_copy(bufs[0], dst(i), wsems[0]).wait()


def kernel(x, mask):
    B, K, C, H, W, Z = x.shape
    hh = H // 16
    m16 = jnp.pad(mask.reshape(B * K).astype(jnp.int32), (0, 16 - B * K))
    zrow = jnp.zeros((hh, W, Z), jnp.float32)

    mesh = plsc.VectorSubcoreMesh(core_axis_name="c", subcore_axis_name="s")
    fn = functools.partial(
        pl.kernel,
        mesh=mesh,
        out_type=jax.ShapeDtypeStruct((B, K * C, H, W, Z), x.dtype),
        scratch_types=[
            pltpu.VMEM((16,), jnp.int32),
            [pltpu.VMEM((hh, W, Z), jnp.float32) for _ in range(_NB)],
            [pltpu.SemaphoreType.DMA for _ in range(_NB)],
            [pltpu.SemaphoreType.DMA for _ in range(_NB)],
        ],
    )(functools.partial(_sc_body, B, K, C, H, W, Z))
    return fn(x, m16, zrow)

# --- scband reference (transcript-rebuilt; emitter-appended) ---
"""Pipeline reference for scband-mask-modal-52304111730845 (READ-ONLY COPY).

The authoritative reference and input builder live on the scoring server;
editing this copy changes nothing except your own understanding.
"""

import jax, jax.numpy as jnp
import numpy as np


def setup_inputs(seed: int = 0) -> dict:
    key = jax.random.key(seed)
    kx, km = jax.random.split(key)
    x = jax.random.normal(kx, (2, 4, 16, 64, 64, 64), dtype=jnp.float32)
    mask = jax.random.randint(km, (2, 4), 0, 2).astype(jnp.bool_)
    return {"x": x, "mask": mask}


def reference(x, mask):
    # Faithful translation of MaskModal.forward:
    #   y = zeros_like(x); y[mask, ...] = x[mask, ...]  (mask over leading [B, K] dims)
    #   return y.view(B, -1, H, W, Z)
    B, K, C, H, W, Z = x.shape
    m = mask[:, :, None, None, None, None]
    y = jnp.where(m, x, jnp.zeros_like(x))
    return y.reshape(B, K * C, H, W, Z)

if __name__ == "__main__":
    import jax
    _d = setup_inputs()
    print(jax.jit(kernel)(*tuple(_d.values())))

</pallas_src>

<mosaic_0001>
#map = affine_map<(d0, d1) -> (0, 0, 0, 0, 0, 0)>
#map1 = affine_map<(d0, d1) -> (0)>
#map2 = affine_map<(d0, d1) -> (0, 0, 0)>
#map3 = affine_map<(d0, d1) -> (0, 0, 0, 0, 0)>
module attributes {stable_mosaic.version = 14 : i64} {
  func.func @_sc_body(%arg0: i32, %arg1: i32, %arg2: memref<2x4x16x64x64x64xf32, #tpu.memory_space<hbm>>, %arg3: memref<16xi32, #tpu.memory_space<hbm>>, %arg4: memref<4x64x64xf32, #tpu.memory_space<hbm>>, %arg5: memref<2x64x64x64x64xf32, #tpu.memory_space<hbm>>, %arg6: memref<16xi32, #tpu.memory_space<vmem>>, %arg7: memref<4x64x64xf32, #tpu.memory_space<vmem>>, %arg8: memref<4x64x64xf32, #tpu.memory_space<vmem>>, %arg9: memref<4x64x64xf32, #tpu.memory_space<vmem>>, %arg10: memref<!tpu.dma_semaphore, #tpu.memory_space<semaphore_mem>>, %arg11: memref<!tpu.dma_semaphore, #tpu.memory_space<semaphore_mem>>, %arg12: memref<!tpu.dma_semaphore, #tpu.memory_space<semaphore_mem>>, %arg13: memref<!tpu.dma_semaphore, #tpu.memory_space<semaphore_mem>>, %arg14: memref<!tpu.dma_semaphore, #tpu.memory_space<semaphore_mem>>, %arg15: memref<!tpu.dma_semaphore, #tpu.memory_space<semaphore_mem>>) attributes {dimension_semantics = [#tpu.dimension_semantics<core_parallel>, #tpu.dimension_semantics<subcore_parallel>], iteration_bounds = array<i64: 2, 16>, scalar_prefetch = 0 : i64, scratch_operands = 10 : i64, tpu.core_type = #tpu.core_type<sc_vector_subcore>, window_params = [{transform_indices = #map}, {transform_indices = #map1}, {transform_indices = #map2}, {transform_indices = #map3}]} {
    %mul3A = arith.constant 2 : i32
    %mul3A_0 = arith.muli %arg1, %mul3A : i32
    %add3A = arith.addi %mul3A_0, %arg0 : i32
    %jit3A = arith.constant 4 : i32
    %div3A = arith.divsi %add3A, %jit3A : i32
    %sign3A = arith.constant 0 : i32
    %sign3A_1 = arith.cmpi sgt, %add3A, %sign3A : i32
    %sign3A_2 = arith.extui %sign3A_1 : i1 to i32
    %sign3A_3 = arith.constant 0 : i32
    %sign3A_4 = arith.cmpi slt, %add3A, %sign3A_3 : i32
    %sign3A_5 = arith.extui %sign3A_4 : i1 to i32
    %sign3A_6 = arith.subi %sign3A_2, %sign3A_5 : i32
    %sign3A_7 = arith.constant 0 : i32
    %sign3A_8 = arith.cmpi sgt, %jit3A, %sign3A_7 : i32
    %sign3A_9 = arith.extui %sign3A_8 : i1 to i32
    %sign3A_10 = arith.constant 0 : i32
    %sign3A_11 = arith.cmpi slt, %jit3A, %sign3A_10 : i32
    %sign3A_12 = arith.extui %sign3A_11 : i1 to i32
    %sign3A_13 = arith.subi %sign3A_9, %sign3A_12 : i32
    %ne3A = arith.cmpi ne, %sign3A_6, %sign3A_13 : i32
    %rem3A = arith.remsi %add3A, %jit3A : i32
    %ne3A_14 = arith.constant 0 : i32
    %ne3A_15 = arith.cmpi ne, %rem3A, %ne3A_14 : i32
    %and3A = arith.andi %ne3A, %ne3A_15 : i1
    %sub3A = arith.constant 1 : i32
    %sub3A_16 = arith.subi %div3A, %sub3A : i32
    %select_n3A = arith.select %and3A, %sub3A_16, %div3A : i32
    %jit3A_17 = arith.constant 4 : i32
    %eq3A = arith.constant 0 : i32
    %eq3A_18 = arith.cmpi eq, %jit3A_17, %eq3A : i32
    %jit3A_19 = arith.constant 1 : i32
    %select_n3A_20 = arith.select %eq3A_18, %jit3A_19, %jit3A_17 : i32
    %rem3A_21 = arith.remsi %add3A, %select_n3A_20 : i32
    %ne3A_22 = arith.constant 0 : i32
    %ne3A_23 = arith.cmpi ne, %rem3A_21, %ne3A_22 : i32
    %lt3A = arith.constant 0 : i32
    %lt3A_24 = arith.cmpi slt, %rem3A_21, %lt3A : i32
    %lt3A_25 = arith.constant 0 : i32
    %lt3A_26 = arith.cmpi slt, %select_n3A_20, %lt3A_25 : i32
    %ne3A_27 = arith.xori %lt3A_24, %lt3A_26 : i1
    %and3A_28 = arith.andi %ne3A_27, %ne3A_23 : i1
    %add3A_29 = arith.addi %rem3A_21, %select_n3A_20 : i32
    %select_n3A_30 = arith.select %and3A_28, %add3A_29, %rem3A_21 : i32
    %jit3A_31 = arith.constant 4 : i32
    %div3A_32 = arith.divsi %select_n3A, %jit3A_31 : i32
    %sign3A_33 = arith.constant 0 : i32
    %sign3A_34 = arith.cmpi sgt, %select_n3A, %sign3A_33 : i32
    %sign3A_35 = arith.extui %sign3A_34 : i1 to i32
    %sign3A_36 = arith.constant 0 : i32
    %sign3A_37 = arith.cmpi slt, %select_n3A, %sign3A_36 : i32
    %sign3A_38 = arith.extui %sign3A_37 : i1 to i32
    %sign3A_39 = arith.subi %sign3A_35, %sign3A_38 : i32
    %sign3A_40 = arith.constant 0 : i32
    %sign3A_41 = arith.cmpi sgt, %jit3A_31, %sign3A_40 : i32
    %sign3A_42 = arith.extui %sign3A_41 : i1 to i32
    %sign3A_43 = arith.constant 0 : i32
    %sign3A_44 = arith.cmpi slt, %jit3A_31, %sign3A_43 : i32
    %sign3A_45 = arith.extui %sign3A_44 : i1 to i32
    %sign3A_46 = arith.subi %sign3A_42, %sign3A_45 : i32
    %ne3A_47 = arith.cmpi ne, %sign3A_39, %sign3A_46 : i32
    %rem3A_48 = arith.remsi %select_n3A, %jit3A_31 : i32
    %ne3A_49 = arith.constant 0 : i32
    %ne3A_50 = arith.cmpi ne, %rem3A_48, %ne3A_49 : i32
    %and3A_51 = arith.andi %ne3A_47, %ne3A_50 : i1
    %sub3A_52 = arith.constant 1 : i32
    %sub3A_53 = arith.subi %div3A_32, %sub3A_52 : i32
    %select_n3A_54 = arith.select %and3A_51, %sub3A_53, %div3A_32 : i32
    %jit3A_55 = arith.constant 4 : i32
    %eq3A_56 = arith.constant 0 : i32
    %eq3A_57 = arith.cmpi eq, %jit3A_55, %eq3A_56 : i32
    %jit3A_58 = arith.constant 1 : i32
    %select_n3A_59 = arith.select %eq3A_57, %jit3A_58, %jit3A_55 : i32
    %rem3A_60 = arith.remsi %select_n3A, %select_n3A_59 : i32
    %ne3A_61 = arith.constant 0 : i32
    %ne3A_62 = arith.cmpi ne, %rem3A_60, %ne3A_61 : i32
    %lt3A_63 = arith.constant 0 : i32
    %lt3A_64 = arith.cmpi slt, %rem3A_60, %lt3A_63 : i32
    %lt3A_65 = arith.constant 0 : i32
    %lt3A_66 = arith.cmpi slt, %select_n3A_59, %lt3A_65 : i32
    %ne3A_67 = arith.xori %lt3A_64, %lt3A_66 : i1
    %and3A_68 = arith.andi %ne3A_67, %ne3A_62 : i1
    %add3A_69 = arith.addi %rem3A_60, %select_n3A_59 : i32
    %select_n3A_70 = arith.select %and3A_68, %add3A_69, %rem3A_60 : i32
    %mul3A_71 = arith.constant 4 : i32
    %mul3A_72 = arith.muli %select_n3A_30, %mul3A_71 : i32
    "tpu.region"() ({
      %run_scoped3A = tpu.sem_alloc : memref<!tpu.dma_semaphore, #tpu.memory_space<semaphore_mem>>
      tpu.enqueue_dma source(%arg3 : memref<16xi32, #tpu.memory_space<hbm>>) target(%arg6 : memref<16xi32, #tpu.memory_space<vmem>>) target_semaphore(%run_scoped3A : memref<!tpu.dma_semaphore, #tpu.memory_space<semaphore_mem>>)
      tpu.wait_dma2 semaphore(%run_scoped3A : memref<!tpu.dma_semaphore, #tpu.memory_space<semaphore_mem>>) src(%arg3 : memref<16xi32, #tpu.memory_space<hbm>>) dst(%arg6 : memref<16xi32, #tpu.memory_space<vmem>>)
      tpu.yield
    }) : () -> ()
    %get3A = arith.index_cast %select_n3A : i32 to index
    %get3A_73 = tpu.vector_load %arg6[%get3A] {strides = array<i32>} : memref<16xi32, #tpu.memory_space<vmem>>, vector<1xi32>,
    %get3A_74 = vector.shape_cast %get3A_73 : vector<1xi32> to vector<1xi32>
    %squeeze3A = vector.extract %get3A_74[0] : i32 from vector<1xi32>
    %ne3A_75 = arith.constant 0 : i32
    %ne3A_76 = arith.cmpi ne, %squeeze3A, %ne3A_75 : i32
    %convert_element_type3A = arith.extui %ne3A_76 : i1 to i32
    %cond3A = arith.constant 0 : i32
    %cond3A_77 = arith.cmpi ne, %convert_element_type3A, %cond3A : i32
    scf.if %cond3A_77 {
      %add3A_83 = arith.constant 0 : i32
      %add3A_84 = arith.addi %mul3A_72, %add3A_83 : i32
      %mul3A_85 = arith.constant 16 : i32
      %mul3A_86 = arith.muli %select_n3A_70, %mul3A_85 : i32
      %add3A_87 = arith.addi %mul3A_86, %mul3A_72 : i32
      %add3A_88 = arith.constant 0 : i32
      %add3A_89 = arith.addi %add3A_87, %add3A_88 : i32
      %dma_start3A = arith.constant 0 : i32
      %dma_start3A_90 = arith.constant 0 : i32
      %dma_start3A_91 = arith.constant 0 : i32
      %dma_start3A_92 = tpu.memref_slice %arg5[%select_n3A_54, %add3A_89, %dma_start3A, %dma_start3A_90, %dma_start3A_91] : memref<2x64x64x64x64xf32, #tpu.memory_space<hbm>> -> memref<1x1x4x64x64xf32, #tpu.memory_space<hbm>>
      %dma_start3A_93 = tpu.memref_squeeze %dma_start3A_92 : memref<1x1x4x64x64xf32, #tpu.memory_space<hbm>> -> memref<4x64x64xf32, #tpu.memory_space<hbm>>
      %dma_start3A_94 = arith.constant 0 : i32
      %dma_start3A_95 = arith.constant 0 : i32
      %dma_start3A_96 = arith.constant 0 : i32
      %dma_start3A_97 = tpu.memref_slice %arg2[%select_n3A_54, %select_n3A_70, %add3A_84, %dma_start3A_94, %dma_start3A_95, %dma_start3A_96] : memref<2x4x16x64x64x64xf32, #tpu.memory_space<hbm>> -> memref<1x1x1x4x64x64xf32, #tpu.memory_space<hbm>>
      %dma_start3A_98 = tpu.memref_squeeze %dma_start3A_97 : memref<1x1x1x4x64x64xf32, #tpu.memory_space<hbm>> -> memref<4x64x64xf32, #tpu.memory_space<hbm>>
      tpu.enqueue_dma source(%dma_start3A_98 : memref<4x64x64xf32, #tpu.memory_space<hbm>>) target(%dma_start3A_93 : memref<4x64x64xf32, #tpu.memory_space<hbm>>) target_semaphore(%arg10 : memref<!tpu.dma_semaphore, #tpu.memory_space<semaphore_mem>>)
      %add3A_99 = arith.constant 0 : i32
      %add3A_100 = arith.addi %mul3A_72, %add3A_99 : i32
      %mul3A_101 = arith.constant 16 : i32
      %mul3A_102 = arith.muli %select_n3A_70, %mul3A_101 : i32
      %add3A_103 = arith.addi %mul3A_102, %mul3A_72 : i32
      %add3A_104 = arith.constant 0 : i32
      %add3A_105 = arith.addi %add3A_103, %add3A_104 : i32
      %dma_start3A_106 = arith.constant 4 : i32
      %dma_start3A_107 = arith.constant 0 : i32
      %dma_start3A_108 = arith.constant 0 : i32
      %dma_start3A_109 = tpu.memref_slice %arg5[%select_n3A_54, %add3A_105, %dma_start3A_106, %dma_start3A_107, %dma_start3A_108] : memref<2x64x64x64x64xf32, #tpu.memory_space<hbm>> -> memref<1x1x4x64x64xf32, #tpu.memory_space<hbm>>
      %dma_start3A_110 = tpu.memref_squeeze %dma_start3A_109 : memref<1x1x4x64x64xf32, #tpu.memory_space<hbm>> -> memref<4x64x64xf32, #tpu.memory_space<hbm>>
      %dma_start3A_111 = arith.constant 4 : i32
      %dma_start3A_112 = arith.constant 0 : i32
      %dma_start3A_113 = arith.constant 0 : i32
      %dma_start3A_114 = tpu.memref_slice %arg2[%select_n3A_54, %select_n3A_70, %add3A_100, %dma_start3A_111, %dma_start3A_112, %dma_start3A_113] : memref<2x4x16x64x64x64xf32, #tpu.memory_space<hbm>> -> memref<1x1x1x4x64x64xf32, #tpu.memory_space<hbm>>
      %dma_start3A_115 = tpu.memref_squeeze %dma_start3A_114 : memref<1x1x1x4x64x64xf32, #tpu.memory_space<hbm>> -> memref<4x64x64xf32, #tpu.memory_space<hbm>>
      tpu.enqueue_dma source(%dma_start3A_115 : memref<4x64x64xf32, #tpu.memory_space<hbm>>) target(%dma_start3A_110 : memref<4x64x64xf32, #tpu.memory_space<hbm>>) target_semaphore(%arg11 : memref<!tpu.dma_semaphore, #tpu.memory_space<semaphore_mem>>)
      %add3A_116 = arith.constant 0 : i32
      %add3A_117 = arith.addi %mul3A_72, %add3A_116 : i32
      %mul3A_118 = arith.constant 16 : i32
      %mul3A_119 = arith.muli %select_n3A_70, %mul3A_118 : i32
      %add3A_120 = arith.addi %mul3A_119, %mul3A_72 : i32
      %add3A_121 = arith.constant 0 : i32
      %add3A_122 = arith.addi %add3A_120, %add3A_121 : i32
      %dma_start3A_123 = arith.constant 8 : i32
      %dma_start3A_124 = arith.constant 0 : i32
      %dma_start3A_125 = arith.constant 0 : i32
      %dma_start3A_126 = tpu.memref_slice %arg5[%select_n3A_54, %add3A_122, %dma_start3A_123, %dma_start3A_124, %dma_start3A_125] : memref<2x64x64x64x64xf32, #tpu.memory_space<hbm>> -> memref<1x1x4x64x64xf32, #tpu.memory_space<hbm>>
      %dma_start3A_127 = tpu.memref_squeeze %dma_start3A_126 : memref<1x1x4x64x64xf32, #tpu.memory_space<hbm>> -> memref<4x64x64xf32, #tpu.memory_space<hbm>>
      %dma_start3A_128 = arith.constant 8 : i32
      %dma_start3A_129 = arith.constant 0 : i32
      %dma_start3A_130 = arith.constant 0 : i32
      %dma_start3A_131 = tpu.memref_slice %arg2[%select_n3A_54, %select_n3A_70, %add3A_117, %dma_start3A_128, %dma_start3A_129, %dma_start3A_130] : memref<2x4x16x64x64x64xf32, #tpu.memory_space<hbm>> -> memref<1x1x1x4x64x64xf32, #tpu.memory_space<hbm>>
      %dma_start3A_132 = tpu.memref_squeeze %dma_start3A_131 : memref<1x1x1x4x64x64xf32, #tpu.memory_space<hbm>> -> memref<4x64x64xf32, #tpu.memory_space<hbm>>
      tpu.enqueue_dma source(%dma_start3A_132 : memref<4x64x64xf32, #tpu.memory_space<hbm>>) target(%dma_start3A_127 : memref<4x64x64xf32, #tpu.memory_space<hbm>>) target_semaphore(%arg12 : memref<!tpu.dma_semaphore, #tpu.memory_space<semaphore_mem>>)
      %add3A_133 = arith.constant 0 : i32
      %add3A_134 = arith.addi %mul3A_72, %add3A_133 : i32
      %mul3A_135 = arith.constant 16 : i32
      %mul3A_136 = arith.muli %select_n3A_70, %mul3A_135 : i32
      %add3A_137 = arith.addi %mul3A_136, %mul3A_72 : i32
      %add3A_138 = arith.constant 0 : i32
      %add3A_139 = arith.addi %add3A_137, %add3A_138 : i32
      %dma_start3A_140 = arith.constant 12 : i32
      %dma_start3A_141 = arith.constant 0 : i32
      %dma_start3A_142 = arith.constant 0 : i32
      %dma_start3A_143 = tpu.memref_slice %arg5[%select_n3A_54, %add3A_139, %dma_start3A_140, %dma_start3A_141, %dma_start3A_142] : memref<2x64x64x64x64xf32, #tpu.memory_space<hbm>> -> memref<1x1x4x64x64xf32, #tpu.memory_space<hbm>>
      %dma_start3A_144 = tpu.memref_squeeze %dma_start3A_143 : memref<1x1x4x64x64xf32, #tpu.memory_space<hbm>> -> memref<4x64x64xf32, #tpu.memory_space<hbm>>
      %dma_start3A_145 = arith.constant 12 : i32
      %dma_start3A_146 = arith.constant 0 : i32
      %dma_start3A_147 = arith.constant 0 : i32
      %dma_start3A_148 = tpu.memref_slice %arg2[%select_n3A_54, %select_n3A_70, %add3A_134, %dma_start3A_145, %dma_start3A_146, %dma_start3A_147] : memref<2x4x16x64x64x64xf32, #tpu.memory_space<hbm>> -> memref<1x1x1x4x64x64xf32, #tpu.memory_space<hbm>>
      %dma_start3A_149 = tpu.memref_squeeze %dma_start3A_148 : memref<1x1x1x4x64x64xf32, #tpu.memory_space<hbm>> -> memref<4x64x64xf32, #tpu.memory_space<hbm>>
      tpu.enqueue_dma source(%dma_start3A_149 : memref<4x64x64xf32, #tpu.memory_space<hbm>>) target(%dma_start3A_144 : memref<4x64x64xf32, #tpu.memory_space<hbm>>) target_semaphore(%arg10 : memref<!tpu.dma_semaphore, #tpu.memory_space<semaphore_mem>>)
      %add3A_150 = arith.constant 0 : i32
      %add3A_151 = arith.addi %mul3A_72, %add3A_150 : i32
      %mul3A_152 = arith.constant 16 : i32
      %mul3A_153 = arith.muli %select_n3A_70, %mul3A_152 : i32
      %add3A_154 = arith.addi %mul3A_153, %mul3A_72 : i32
      %add3A_155 = arith.constant 0 : i32
      %add3A_156 = arith.addi %add3A_154, %add3A_155 : i32
      %dma_start3A_157 = arith.constant 16 : i32
      %dma_start3A_158 = arith.constant 0 : i32
      %dma_start3A_159 = arith.constant 0 : i32
      %dma_start3A_160 = tpu.memref_slice %arg5[%select_n3A_54, %add3A_156, %dma_start3A_157, %dma_start3A_158, %dma_start3A_159] : memref<2x64x64x64x64xf32, #tpu.memory_space<hbm>> -> memref<1x1x4x64x64xf32, #tpu.memory_space<hbm>>
      %dma_start3A_161 = tpu.memref_squeeze %dma_start3A_160 : memref<1x1x4x64x64xf32, #tpu.memory_space<hbm>> -> memref<4x64x64xf32, #tpu.memory_space<hbm>>
      %dma_start3A_162 = arith.constant 16 : i32
      %dma_start3A_163 = arith.constant 0 : i32
      %dma_start3A_164 = arith.constant 0 : i32
      %dma_start3A_165 = tpu.memref_slice %arg2[%select_n3A_54, %select_n3A_70, %add3A_151, %dma_start3A_162, %dma_start3A_163, %dma_start3A_164] : memref<2x4x16x64x64x64xf32, #tpu.memory_space<hbm>> -> memref<1x1x1x4x64x64xf32, #tpu.memory_space<hbm>>
      %dma_start3A_166 = tpu.memref_squeeze %dma_start3A_165 : memref<1x1x1x4x64x64xf32, #tpu.memory_space<hbm>> -> memref<4x64x64xf32, #tpu.memory_space<hbm>>
      tpu.enqueue_dma source(%dma_start3A_166 : memref<4x64x64xf32, #tpu.memory_space<hbm>>) target(%dma_start3A_161 : memref<4x64x64xf32, #tpu.memory_space<hbm>>) target_semaphore(%arg11 : memref<!tpu.dma_semaphore, #tpu.memory_space<semaphore_mem>>)
      %add3A_167 = arith.constant 0 : i32
      %add3A_168 = arith.addi %mul3A_72, %add3A_167 : i32
      %mul3A_169 = arith.constant 16 : i32
      %mul3A_170 = arith.muli %select_n3A_70, %mul3A_169 : i32
      %add3A_171 = arith.addi %mul3A_170, %mul3A_72 : i32
      %add3A_172 = arith.constant 0 : i32
      %add3A_173 = arith.addi %add3A_171, %add3A_172 : i32
      %dma_start3A_174 = arith.constant 20 : i32
      %dma_start3A_175 = arith.constant 0 : i32
      %dma_start3A_176 = arith.constant 0 : i32
      %dma_start3A_177 = tpu.memref_slice %arg5[%select_n3A_54, %add3A_173, %dma_start3A_174, %dma_start3A_175, %dma_start3A_176] : memref<2x64x64x64x64xf32, #tpu.memory_space<hbm>> -> memref<1x1x4x64x64xf32, #tpu.memory_space<hbm>>
      %dma_start3A_178 = tpu.memref_squeeze %dma_start3A_177 : memref<1x1x4x64x64xf32, #tpu.memory_space<hbm>> -> memref<4x64x64xf32, #tpu.memory_space<hbm>>
      %dma_start3A_179 = arith.constant 20 : i32
      %dma_start3A_180 = arith.constant 0 : i32
      %dma_start3A_181 = arith.constant 0 : i32
      %dma_start3A_182 = tpu.memref_slice %arg2[%select_n3A_54, %select_n3A_70, %add3A_168, %dma_start3A_179, %dma_start3A_180, %dma_start3A_181] : memref<2x4x16x64x64x64xf32, #tpu.memory_space<hbm>> -> memref<1x1x1x4x64x64xf32, #tpu.memory_space<hbm>>
      %dma_start3A_183 = tpu.memref_squeeze %dma_start3A_182 : memref<1x1x1x4x64x64xf32, #tpu.memory_space<hbm>> -> memref<4x64x64xf32, #tpu.memory_space<hbm>>
      tpu.enqueue_dma source(%dma_start3A_183 : memref<4x64x64xf32, #tpu.memory_space<hbm>>) target(%dma_start3A_178 : memref<4x64x64xf32, #tpu.memory_space<hbm>>) target_semaphore(%arg12 : memref<!tpu.dma_semaphore, #tpu.memory_space<semaphore_mem>>)
      %add3A_184 = arith.constant 0 : i32
      %add3A_185 = arith.addi %mul3A_72, %add3A_184 : i32
      %mul3A_186 = arith.constant 16 : i32
      %mul3A_187 = arith.muli %select_n3A_70, %mul3A_186 : i32
      %add3A_188 = arith.addi %mul3A_187, %mul3A_72 : i32
      %add3A_189 = arith.constant 0 : i32
      %add3A_190 = arith.addi %add3A_188, %add3A_189 : i32
      %dma_start3A_191 = arith.constant 24 : i32
      %dma_start3A_192 = arith.constant 0 : i32
      %dma_start3A_193 = arith.constant 0 : i32
      %dma_start3A_194 = tpu.memref_slice %arg5[%select_n3A_54, %add3A_190, %dma_start3A_191, %dma_start3A_192, %dma_start3A_193] : memref<2x64x64x64x64xf32, #tpu.memory_space<hbm>> -> memref<1x1x4x64x64xf32, #tpu.memory_space<hbm>>
      %dma_start3A_195 = tpu.memref_squeeze %dma_start3A_194 : memref<1x1x4x64x64xf32, #tpu.memory_space<hbm>> -> memref<4x64x64xf32, #tpu.memory_space<hbm>>
      %dma_start3A_196 = arith.constant 24 : i32
      %dma_start3A_197 = arith.constant 0 : i32
      %dma_start3A_198 = arith.constant 0 : i32
      %dma_start3A_199 = tpu.memref_slice %arg2[%select_n3A_54, %select_n3A_70, %add3A_185, %dma_start3A_196, %dma_start3A_197, %dma_start3A_198] : memref<2x4x16x64x64x64xf32, #tpu.memory_space<hbm>> -> memref<1x1x1x4x64x64xf32, #tpu.memory_space<hbm>>
      %dma_start3A_200 = tpu.memref_squeeze %dma_start3A_199 : memref<1x1x1x4x64x64xf32, #tpu.memory_space<hbm>> -> memref<4x64x64xf32, #tpu.memory_space<hbm>>
      tpu.enqueue_dma source(%dma_start3A_200 : memref<4x64x64xf32, #tpu.memory_space<hbm>>) target(%dma_start3A_195 : memref<4x64x64xf32, #tpu.memory_space<hbm>>) target_semaphore(%arg10 : memref<!tpu.dma_semaphore, #tpu.memory_space<semaphore_mem>>)
      %add3A_201 = arith.constant 0 : i32
      %add3A_202 = arith.addi %mul3A_72, %add3A_201 : i32
      %mul3A_203 = arith.constant 16 : i32
      %mul3A_204 = arith.muli %select_n3A_70, %mul3A_203 : i32
      %add3A_205 = arith.addi %mul3A_204, %mul3A_72 : i32
      %add3A_206 = arith.constant 0 : i32
      %add3A_207 = arith.addi %add3A_205, %add3A_206 : i32
      %dma_wait3A = arith.constant 0 : i32
      %dma_wait3A_208 = arith.constant 0 : i32
      %dma_wait3A_209 = arith.constant 0 : i32
      %dma_wait3A_210 = tpu.memref_slice %arg5[%select_n3A_54, %add3A_207, %dma_wait3A, %dma_wait3A_208, %dma_wait3A_209] : memref<2x64x64x64x64xf32, #tpu.memory_space<hbm>> -> memref<1x1x4x64x64xf32, #tpu.memory_space<hbm>>
      %dma_wait3A_211 = tpu.memref_squeeze %dma_wait3A_210 : memref<1x1x4x64x64xf32, #tpu.memory_space<hbm>> -> memref<4x64x64xf32, #tpu.memory_space<hbm>>
      %dma_wait3A_212 = arith.constant 0 : i32
      %dma_wait3A_213 = arith.constant 0 : i32
      %dma_wait3A_214 = arith.constant 0 : i32
      %dma_wait3A_215 = tpu.memref_slice %arg2[%select_n3A_54, %select_n3A_70, %add3A_202, %dma_wait3A_212, %dma_wait3A_213, %dma_wait3A_214] : memref<2x4x16x64x64x64xf32, #tpu.memory_space<hbm>> -> memref<1x1x1x4x64x64xf32, #tpu.memory_space<hbm>>
      %dma_wait3A_216 = tpu.memref_squeeze %dma_wait3A_215 : memref<1x1x1x4x64x64xf32, #tpu.memory_space<hbm>> -> memref<4x64x64xf32, #tpu.memory_space<hbm>>
      tpu.wait_dma2 semaphore(%arg10 : memref<!tpu.dma_semaphore, #tpu.memory_space<semaphore_mem>>) src(%dma_wait3A_216 : memref<4x64x64xf32, #tpu.memory_space<hbm>>) dst(%dma_wait3A_211 : memref<4x64x64xf32, #tpu.memory_space<hbm>>)
      %add3A_217 = arith.constant 0 : i32
      %add3A_218 = arith.addi %mul3A_72, %add3A_217 : i32
      %mul3A_219 = arith.constant 16 : i32
      %mul3A_220 = arith.muli %select_n3A_70, %mul3A_219 : i32
      %add3A_221 = arith.addi %mul3A_220, %mul3A_72 : i32
      %add3A_222 = arith.constant 0 : i32
      %add3A_223 = arith.addi %add3A_221, %add3A_222 : i32
      %dma_start3A_224 = arith.constant 28 : i32
      %dma_start3A_225 = arith.constant 0 : i32
      %dma_start3A_226 = arith.constant 0 : i32
      %dma_start3A_227 = tpu.memref_slice %arg5[%select_n3A_54, %add3A_223, %dma_start3A_224, %dma_start3A_225, %dma_start3A_226] : memref<2x64x64x64x64xf32, #tpu.memory_space<hbm>> -> memref<1x1x4x64x64xf32, #tpu.memory_space<hbm>>
      %dma_start3A_228 = tpu.memref_squeeze %dma_start3A_227 : memref<1x1x4x64x64xf32, #tpu.memory_space<hbm>> -> memref<4x64x64xf32, #tpu.memory_space<hbm>>
      %dma_start3A_229 = arith.constant 28 : i32
      %dma_start3A_230 = arith.constant 0 : i32
      %dma_start3A_231 = arith.constant 0 : i32
      %dma_start3A_232 = tpu.memref_slice %arg2[%select_n3A_54, %select_n3A_70, %add3A_218, %dma_start3A_229, %dma_start3A_230, %dma_start3A_231] : memref<2x4x16x64x64x64xf32, #tpu.memory_space<hbm>> -> memref<1x1x1x4x64x64xf32, #tpu.memory_space<hbm>>
      %dma_start3A_233 = tpu.memref_squeeze %dma_start3A_232 : memref<1x1x1x4x64x64xf32, #tpu.memory_space<hbm>> -> memref<4x64x64xf32, #tpu.memory_space<hbm>>
      tpu.enqueue_dma source(%dma_start3A_233 : memref<4x64x64xf32, #tpu.memory_space<hbm>>) target(%dma_start3A_228 : memref<4x64x64xf32, #tpu.memory_space<hbm>>) target_semaphore(%arg11 : memref<!tpu.dma_semaphore, #tpu.memory_space<semaphore_mem>>)
      %add3A_234 = arith.constant 0 : i32
      %add3A_235 = arith.addi %mul3A_72, %add3A_234 : i32
      %mul3A_236 = arith.constant 16 : i32
      %mul3A_237 = arith.muli %select_n3A_70, %mul3A_236 : i32
      %add3A_238 = arith.addi %mul3A_237, %mul3A_72 : i32
      %add3A_239 = arith.constant 0 : i32
      %add3A_240 = arith.addi %add3A_238, %add3A_239 : i32
      %dma_wait3A_241 = arith.constant 4 : i32
      %dma_wait3A_242 = arith.constant 0 : i32
      %dma_wait3A_243 = arith.constant 0 : i32
      %dma_wait3A_244 = tpu.memref_slice %arg5[%select_n3A_54, %add3A_240, %dma_wait3A_241, %dma_wait3A_242, %dma_wait3A_243] : memref<2x64x64x64x64xf32, #tpu.memory_space<hbm>> -> memref<1x1x4x64x64xf32, #tpu.memory_space<hbm>>
      %dma_wait3A_245 = tpu.memref_squeeze %dma_wait3A_244 : memref<1x1x4x64x64xf32, #tpu.memory_space<hbm>> -> memref<4x64x64xf32, #tpu.memory_space<hbm>>
      %dma_wait3A_246 = arith.constant 4 : i32
      %dma_wait3A_247 = arith.constant 0 : i32
      %dma_wait3A_248 = arith.constant 0 : i32
      %dma_wait3A_249 = tpu.memref_slice %arg2[%select_n3A_54, %select_n3A_70, %add3A_235, %dma_wait3A_246, %dma_wait3A_247, %dma_wait3A_248] : memref<2x4x16x64x64x64xf32, #tpu.memory_space<hbm>> -> memref<1x1x1x4x64x64xf32, #tpu.memory_space<hbm>>
      %dma_wait3A_250 = tpu.memref_squeeze %dma_wait3A_249 : memref<1x1x1x4x64x64xf32, #tpu.memory_space<hbm>> -> memref<4x64x64xf32, #tpu.memory_space<hbm>>
      tpu.wait_dma2 semaphore(%arg11 : memref<!tpu.dma_semaphore, #tpu.memory_space<semaphore_mem>>) src(%dma_wait3A_250 : memref<4x64x64xf32, #tpu.memory_space<hbm>>) dst(%dma_wait3A_245 : memref<4x64x64xf32, #tpu.memory_space<hbm>>)
      %add3A_251 = arith.constant 0 : i32
      %add3A_252 = arith.addi %mul3A_72, %add3A_251 : i32
      %mul3A_253 = arith.constant 16 : i32
      %mul3A_254 = arith.muli %select_n3A_70, %mul3A_253 : i32
      %add3A_255 = arith.addi %mul3A_254, %mul3A_72 : i32
      %add3A_256 = arith.constant 0 : i32
      %add3A_257 = arith.addi %add3A_255, %add3A_256 : i32
      %dma_start3A_258 = arith.constant 32 : i32
      %dma_start3A_259 = arith.constant 0 : i32
      %dma_start3A_260 = arith.constant 0 : i32
      %dma_start3A_261 = tpu.memref_slice %arg5[%select_n3A_54, %add3A_257, %dma_start3A_258, %dma_start3A_259, %dma_start3A_260] : memref<2x64x64x64x64xf32, #tpu.memory_space<hbm>> -> memref<1x1x4x64x64xf32, #tpu.memory_space<hbm>>
      %dma_start3A_262 = tpu.memref_squeeze %dma_start3A_261 : memref<1x1x4x64x64xf32, #tpu.memory_space<hbm>> -> memref<4x64x64xf32, #tpu.memory_space<hbm>>
      %dma_start3A_263 = arith.constant 32 : i32
      %dma_start3A_264 = arith.constant 0 : i32
      %dma_start3A_265 = arith.constant 0 : i32
      %dma_start3A_266 = tpu.memref_slice %arg2[%select_n3A_54, %select_n3A_70, %add3A_252, %dma_start3A_263, %dma_start3A_264, %dma_start3A_265] : memref<2x4x16x64x64x64xf32, #tpu.memory_space<hbm>> -> memref<1x1x1x4x64x64xf32, #tpu.memory_space<hbm>>
      %dma_start3A_267 = tpu.memref_squeeze %dma_start3A_266 : memref<1x1x1x4x64x64xf32, #tpu.memory_space<hbm>> -> memref<4x64x64xf32, #tpu.memory_space<hbm>>
      tpu.enqueue_dma source(%dma_start3A_267 : memref<4x64x64xf32, #tpu.memory_space<hbm>>) target(%dma_start3A_262 : memref<4x64x64xf32, #tpu.memory_space<hbm>>) target_semaphore(%arg12 : memref<!tpu.dma_semaphore, #tpu.memory_space<semaphore_mem>>)
      %add3A_268 = arith.constant 0 : i32
      %add3A_269 = arith.addi %mul3A_72, %add3A_268 : i32
      %mul3A_270 = arith.constant 16 : i32
      %mul3A_271 = arith.muli %select_n3A_70, %mul3A_270 : i32
      %add3A_272 = arith.addi %mul3A_271, %mul3A_72 : i32
      %add3A_273 = arith.constant 0 : i32
      %add3A_274 = arith.addi %add3A_272, %add3A_273 : i32
      %dma_wait3A_275 = arith.constant 8 : i32
      %dma_wait3A_276 = arith.constant 0 : i32
      %dma_wait3A_277 = arith.constant 0 : i32
      %dma_wait3A_278 = tpu.memref_slice %arg5[%select_n3A_54, %add3A_274, %dma_wait3A_275, %dma_wait3A_276, %dma_wait3A_277] : memref<2x64x64x64x64xf32, #tpu.memory_space<hbm>> -> memref<1x1x4x64x64xf32, #tpu.memory_space<hbm>>
      %dma_wait3A_279 = tpu.memref_squeeze %dma_wait3A_278 : memref<1x1x4x64x64xf32, #tpu.memory_space<hbm>> -> memref<4x64x64xf32, #tpu.memory_space<hbm>>
      %dma_wait3A_280 = arith.constant 8 : i32
      %dma_wait3A_281 = arith.constant 0 : i32
      %dma_wait3A_282 = arith.constant 0 : i32
      %dma_wait3A_283 = tpu.memref_slice %arg2[%select_n3A_54, %select_n3A_70, %add3A_269, %dma_wait3A_280, %dma_wait3A_281, %dma_wait3A_282] : memref<2x4x16x64x64x64xf32, #tpu.memory_space<hbm>> -> memref<1x1x1x4x64x64xf32, #tpu.memory_space<hbm>>
      %dma_wait3A_284 = tpu.memref_squeeze %dma_wait3A_283 : memref<1x1x1x4x64x64xf32, #tpu.memory_space<hbm>> -> memref<4x64x64xf32, #tpu.memory_space<hbm>>
      tpu.wait_dma2 semaphore(%arg12 : memref<!tpu.dma_semaphore, #tpu.memory_space<semaphore_mem>>) src(%dma_wait3A_284 : memref<4x64x64xf32, #tpu.memory_space<hbm>>) dst(%dma_wait3A_279 : memref<4x64x64xf32, #tpu.memory_space<hbm>>)
      %add3A_285 = arith.constant 0 : i32
      %add3A_286 = arith.addi %mul3A_72, %add3A_285 : i32
      %mul3A_287 = arith.constant 16 : i32
      %mul3A_288 = arith.muli %select_n3A_70, %mul3A_287 : i32
      %add3A_289 = arith.addi %mul3A_288, %mul3A_72 : i32
      %add3A_290 = arith.constant 0 : i32
      %add3A_291 = arith.addi %add3A_289, %add3A_290 : i32
      %dma_start3A_292 = arith.constant 36 : i32
      %dma_start3A_293 = arith.constant 0 : i32
      %dma_start3A_294 = arith.constant 0 : i32
      %dma_start3A_295 = tpu.memref_slice %arg5[%select_n3A_54, %add3A_291, %dma_start3A_292, %dma_start3A_293, %dma_start3A_294] : memref<2x64x64x64x64xf32, #tpu.memory_space<hbm>> -> memref<1x1x4x64x64xf32, #tpu.memory_space<hbm>>
      %dma_start3A_296 = tpu.memref_squeeze %dma_start3A_295 : memref<1x1x4x64x64xf32, #tpu.memory_space<hbm>> -> memref<4x64x64xf32, #tpu.memory_space<hbm>>
      %dma_start3A_297 = arith.constant 36 : i32
      %dma_start3A_298 = arith.constant 0 : i32
      %dma_start3A_299 = arith.constant 0 : i32
      %dma_start3A_300 = tpu.memref_slice %arg2[%select_n3A_54, %select_n3A_70, %add3A_286, %dma_start3A_297, %dma_start3A_298, %dma_start3A_299] : memref<2x4x16x64x64x64xf32, #tpu.memory_space<hbm>> -> memref<1x1x1x4x64x64xf32, #tpu.memory_space<hbm>>
      %dma_start3A_301 = tpu.memref_squeeze %dma_start3A_300 : memref<1x1x1x4x64x64xf32, #tpu.memory_space<hbm>> -> memref<4x64x64xf32, #tpu.memory_space<hbm>>
      tpu.enqueue_dma source(%dma_start3A_301 : memref<4x64x64xf32, #tpu.memory_space<hbm>>) target(%dma_start3A_296 : memref<4x64x64xf32, #tpu.memory_space<hbm>>) target_semaphore(%arg10 : memref<!tpu.dma_semaphore, #tpu.memory_space<semaphore_mem>>)
      %add3A_302 = arith.constant 0 : i32
      %add3A_303 = arith.addi %mul3A_72, %add3A_302 : i32
      %mul3A_304 = arith.constant 16 : i32
      %mul3A_305 = arith.muli %select_n3A_70, %mul3A_304 : i32
      %add3A_306 = arith.addi %mul3A_305, %mul3A_72 : i32
      %add3A_307 = arith.constant 0 : i32
      %add3A_308 = arith.addi %add3A_306, %add3A_307 : i32
      %dma_wait3A_309 = arith.constant 12 : i32
      %dma_wait3A_310 = arith.constant 0 : i32
      %dma_wait3A_311 = arith.constant 0 : i32
      %dma_wait3A_312 = tpu.memref_slice %arg5[%select_n3A_54, %add3A_308, %dma_wait3A_309, %dma_wait3A_310, %dma_wait3A_311] : memref<2x64x64x64x64xf32, #tpu.memory_space<hbm>> -> memref<1x1x4x64x64xf32, #tpu.memory_space<hbm>>
      %dma_wait3A_313 = tpu.memref_squeeze %dma_wait3A_312 : memref<1x1x4x64x64xf32, #tpu.memory_space<hbm>> -> memref<4x64x64xf32, #tpu.memory_space<hbm>>
      %dma_wait3A_314 = arith.constant 12 : i32
      %dma_wait3A_315 = arith.constant 0 : i32
      %dma_wait3A_316 = arith.constant 0 : i32
      %dma_wait3A_317 = tpu.memref_slice %arg2[%select_n3A_54, %select_n3A_70, %add3A_303, %dma_wait3A_314, %dma_wait3A_315, %dma_wait3A_316] : memref<2x4x16x64x64x64xf32, #tpu.memory_space<hbm>> -> memref<1x1x1x4x64x64xf32, #tpu.memory_space<hbm>>
      %dma_wait3A_318 = tpu.memref_squeeze %dma_wait3A_317 : memref<1x1x1x4x64x64xf32, #tpu.memory_space<hbm>> -> memref<4x64x64xf32, #tpu.memory_space<hbm>>
      tpu.wait_dma2 semaphore(%arg10 : memref<!tpu.dma_semaphore, #tpu.memory_space<semaphore_mem>>) src(%dma_wait3A_318 : memref<4x64x64xf32, #tpu.memory_space<hbm>>) dst(%dma_wait3A_313 : memref<4x64x64xf32, #tpu.memory_space<hbm>>)
      %add3A_319 = arith.constant 0 : i32
      %add3A_320 = arith.addi %mul3A_72, %add3A_319 : i32
      %mul3A_321 = arith.constant 16 : i32
      %mul3A_322 = arith.muli %select_n3A_70, %mul3A_321 : i32
      %add3A_323 = arith.addi %mul3A_322, %mul3A_72 : i32
      %add3A_324 = arith.constant 0 : i32
      %add3A_325 = arith.addi %add3A_323, %add3A_324 : i32
      %dma_start3A_326 = arith.constant 40 : i32
      %dma_start3A_327 = arith.constant 0 : i32
      %dma_start3A_328 = arith.constant 0 : i32
      %dma_start3A_329 = tpu.memref_slice %arg5[%select_n3A_54, %add3A_325, %dma_start3A_326, %dma_start3A_327, %dma_start3A_328] : memref<2x64x64x64x64xf32, #tpu.memory_space<hbm>> -> memref<1x1x4x64x64xf32, #tpu.memory_space<hbm>>
      %dma_start3A_330 = tpu.memref_squeeze %dma_start3A_329 : memref<1x1x4x64x64xf32, #tpu.memory_space<hbm>> -> memref<4x64x64xf32, #tpu.memory_space<hbm>>
      %dma_start3A_331 = arith.constant 40 : i32
      %dma_start3A_332 = arith.constant 0 : i32
      %dma_start3A_333 = arith.constant 0 : i32
      %dma_start3A_334 = tpu.memref_slice %arg2[%select_n3A_54, %select_n3A_70, %add3A_320, %dma_start3A_331, %dma_start3A_332, %dma_start3A_333] : memref<2x4x16x64x64x64xf32, #tpu.memory_space<hbm>> -> memref<1x1x1x4x64x64xf32, #tpu.memory_space<hbm>>
      %dma_start3A_335 = tpu.memref_squeeze %dma_start3A_334 : memref<1x1x1x4x64x64xf32, #tpu.memory_space<hbm>> -> memref<4x64x64xf32, #tpu.memory_space<hbm>>
      tpu.enqueue_dma source(%dma_start3A_335 : memref<4x64x64xf32, #tpu.memory_space<hbm>>) target(%dma_start3A_330 : memref<4x64x64xf32, #tpu.memory_space<hbm>>) target_semaphore(%arg11 : memref<!tpu.dma_semaphore, #tpu.memory_space<semaphore_mem>>)
      %add3A_336 = arith.constant 0 : i32
      %add3A_337 = arith.addi %mul3A_72, %add3A_336 : i32
      %mul3A_338 = arith.constant 16 : i32
      %mul3A_339 = arith.muli %select_n3A_70, %mul3A_338 : i32
      %add3A_340 = arith.addi %mul3A_339, %mul3A_72 : i32
      %add3A_341 = arith.constant 0 : i32
      %add3A_342 = arith.addi %add3A_340, %add3A_341 : i32
      %dma_wait3A_343 = arith.constant 16 : i32
      %dma_wait3A_344 = arith.constant 0 : i32
      %dma_wait3A_345 = arith.constant 0 : i32
      %dma_wait3A_346 = tpu.memref_slice %arg5[%select_n3A_54, %add3A_342, %dma_wait3A_343, %dma_wait3A_344, %dma_wait3A_345] : memref<2x64x64x64x64xf32, #tpu.memory_space<hbm>> -> memref<1x1x4x64x64xf32, #tpu.memory_space<hbm>>
      %dma_wait3A_347 = tpu.memref_squeeze %dma_wait3A_346 : memref<1x1x4x64x64xf32, #tpu.memory_space<hbm>> -> memref<4x64x64xf32, #tpu.memory_space<hbm>>
      %dma_wait3A_348 = arith.constant 16 : i32
      %dma_wait3A_349 = arith.constant 0 : i32
      %dma_wait3A_350 = arith.constant 0 : i32
      %dma_wait3A_351 = tpu.memref_slice %arg2[%select_n3A_54, %select_n3A_70, %add3A_337, %dma_wait3A_348, %dma_wait3A_349, %dma_wait3A_350] : memref<2x4x16x64x64x64xf32, #tpu.memory_space<hbm>> -> memref<1x1x1x4x64x64xf32, #tpu.memory_space<hbm>>
      %dma_wait3A_352 = tpu.memref_squeeze %dma_wait3A_351 : memref<1x1x1x4x64x64xf32, #tpu.memory_space<hbm>> -> memref<4x64x64xf32, #tpu.memory_space<hbm>>
      tpu.wait_dma2 semaphore(%arg11 : memref<!tpu.dma_semaphore, #tpu.memory_space<semaphore_mem>>) src(%dma_wait3A_352 : memref<4x64x64xf32, #tpu.memory_space<hbm>>) dst(%dma_wait3A_347 : memref<4x64x64xf32, #tpu.memory_space<hbm>>)
      %add3A_353 = arith.constant 0 : i32
      %add3A_354 = arith.addi %mul3A_72, %add3A_353 : i32
      %mul3A_355 = arith.constant 16 : i32
      %mul3A_356 = arith.muli %select_n3A_70, %mul3A_355 : i32
      %add3A_357 = arith.addi %mul3A_356, %mul3A_72 : i32
      %add3A_358 = arith.constant 0 : i32
      %add3A_359 = arith.addi %add3A_357, %add3A_358 : i32
      %dma_start3A_360 = arith.constant 44 : i32
      %dma_start3A_361 = arith.constant 0 : i32
      %dma_start3A_362 = arith.constant 0 : i32
      %dma_start3A_363 = tpu.memref_slice %arg5[%select_n3A_54, %add3A_359, %dma_start3A_360, %dma_start3A_361, %dma_start3A_362] : memref<2x64x64x64x64xf32, #tpu.memory_space<hbm>> -> memref<1x1x4x64x64xf32, #tpu.memory_space<hbm>>
      %dma_start3A_364 = tpu.memref_squeeze %dma_start3A_363 : memref<1x1x4x64x64xf32, #tpu.memory_space<hbm>> -> memref<4x64x64xf32, #tpu.memory_space<hbm>>
      %dma_start3A_365 = arith.constant 44 : i32
      %dma_start3A_366 = arith.constant 0 : i32
      %dma_start3A_367 = arith.constant 0 : i32
      %dma_start3A_368 = tpu.memref_slice %arg2[%select_n3A_54, %select_n3A_70, %add3A_354, %dma_start3A_365, %dma_start3A_366, %dma_start3A_367] : memref<2x4x16x64x64x64xf32, #tpu.memory_space<hbm>> -> memref<1x1x1x4x64x64xf32, #tpu.memory_space<hbm>>
      %dma_start3A_369 = tpu.memref_squeeze %dma_start3A_368 : memref<1x1x1x4x64x64xf32, #tpu.memory_space<hbm>> -> memref<4x64x64xf32, #tpu.memory_space<hbm>>
      tpu.enqueue_dma source(%dma_start3A_369 : memref<4x64x64xf32, #tpu.memory_space<hbm>>) target(%dma_start3A_364 : memref<4x64x64xf32, #tpu.memory_space<hbm>>) target_semaphore(%arg12 : memref<!tpu.dma_semaphore, #tpu.memory_space<semaphore_mem>>)
      %add3A_370 = arith.constant 0 : i32
      %add3A_371 = arith.addi %mul3A_72, %add3A_370 : i32
      %mul3A_372 = arith.constant 16 : i32
      %mul3A_373 = arith.muli %select_n3A_70, %mul3A_372 : i32
      %add3A_374 = arith.addi %mul3A_373, %mul3A_72 : i32
      %add3A_375 = arith.constant 0 : i32
      %add3A_376 = arith.addi %add3A_374, %add3A_375 : i32
      %dma_wait3A_377 = arith.constant 20 : i32
      %dma_wait3A_378 = arith.constant 0 : i32
      %dma_wait3A_379 = arith.constant 0 : i32
      %dma_wait3A_380 = tpu.memref_slice %arg5[%select_n3A_54, %add3A_376, %dma_wait3A_377, %dma_wait3A_378, %dma_wait3A_379] : memref<2x64x64x64x64xf32, #tpu.memory_space<hbm>> -> memref<1x1x4x64x64xf32, #tpu.memory_space<hbm>>
      %dma_wait3A_381 = tpu.memref_squeeze %dma_wait3A_380 : memref<1x1x4x64x64xf32, #tpu.memory_space<hbm>> -> memref<4x64x64xf32, #tpu.memory_space<hbm>>
      %dma_wait3A_382 = arith.constant 20 : i32
      %dma_wait3A_383 = arith.constant 0 : i32
      %dma_wait3A_384 = arith.constant 0 : i32
      %dma_wait3A_385 = tpu.memref_slice %arg2[%select_n3A_54, %select_n3A_70, %add3A_371, %dma_wait3A_382, %dma_wait3A_383, %dma_wait3A_384] : memref<2x4x16x64x64x64xf32, #tpu.memory_space<hbm>> -> memref<1x1x1x4x64x64xf32, #tpu.memory_space<hbm>>
      %dma_wait3A_386 = tpu.memref_squeeze %dma_wait3A_385 : memref<1x1x1x4x64x64xf32, #tpu.memory_space<hbm>> -> memref<4x64x64xf32, #tpu.memory_space<hbm>>
      tpu.wait_dma2 semaphore(%arg12 : memref<!tpu.dma_semaphore, #tpu.memory_space<semaphore_mem>>) src(%dma_wait3A_386 : memref<4x64x64xf32, #tpu.memory_space<hbm>>) dst(%dma_wait3A_381 : memref<4x64x64xf32, #tpu.memory_space<hbm>>)
      %add3A_387 = arith.constant 0 : i32
      %add3A_388 = arith.addi %mul3A_72, %add3A_387 : i32
      %mul3A_389 = arith.constant 16 : i32
      %mul3A_390 = arith.muli %select_n3A_70, %mul3A_389 : i32
      %add3A_391 = arith.addi %mul3A_390, %mul3A_72 : i32
      %add3A_392 = arith.constant 0 : i32
      %add3A_393 = arith.addi %add3A_391, %add3A_392 : i32
      %dma_start3A_394 = arith.constant 48 : i32
      %dma_start3A_395 = arith.constant 0 : i32
      %dma_start3A_396 = arith.constant 0 : i32
      %dma_start3A_397 = tpu.memref_slice %arg5[%select_n3A_54, %add3A_393, %dma_start3A_394, %dma_start3A_395, %dma_start3A_396] : memref<2x64x64x64x64xf32, #tpu.memory_space<hbm>> -> memref<1x1x4x64x64xf32, #tpu.memory_space<hbm>>
      %dma_start3A_398 = tpu.memref_squeeze %dma_start3A_397 : memref<1x1x4x64x64xf32, #tpu.memory_space<hbm>> -> memref<4x64x64xf32, #tpu.memory_space<hbm>>
      %dma_start3A_399 = arith.constant 48 : i32
      %dma_start3A_400 = arith.constant 0 : i32
      %dma_start3A_401 = arith.constant 0 : i32
      %dma_start3A_402 = tpu.memref_slice %arg2[%select_n3A_54, %select_n3A_70, %add3A_388, %dma_start3A_399, %dma_start3A_400, %dma_start3A_401] : memref<2x4x16x64x64x64xf32, #tpu.memory_space<hbm>> -> memref<1x1x1x4x64x64xf32, #tpu.memory_space<hbm>>
      %dma_start3A_403 = tpu.memref_squeeze %dma_start3A_402 : memref<1x1x1x4x64x64xf32, #tpu.memory_space<hbm>> -> memref<4x64x64xf32, #tpu.memory_space<hbm>>
      tpu.enqueue_dma source(%dma_start3A_403 : memref<4x64x64xf32, #tpu.memory_space<hbm>>) target(%dma_start3A_398 : memref<4x64x64xf32, #tpu.memory_space<hbm>>) target_semaphore(%arg10 : memref<!tpu.dma_semaphore, #tpu.memory_space<semaphore_mem>>)
      %add3A_404 = arith.constant 0 : i32
      %add3A_405 = arith.addi %mul3A_72, %add3A_404 : i32
      %mul3A_406 = arith.constant 16 : i32
      %mul3A_407 = arith.muli %select_n3A_70, %mul3A_406 : i32
      %add3A_408 = arith.addi %mul3A_407, %mul3A_72 : i32
      %add3A_409 = arith.constant 0 : i32
      %add3A_410 = arith.addi %add3A_408, %add3A_409 : i32
      %dma_wait3A_411 = arith.constant 24 : i32
      %dma_wait3A_412 = arith.constant 0 : i32
      %dma_wait3A_413 = arith.constant 0 : i32
      %dma_wait3A_414 = tpu.memref_slice %arg5[%select_n3A_54, %add3A_410, %dma_wait3A_411, %dma_wait3A_412, %dma_wait3A_413] : memref<2x64x64x64x64xf32, #tpu.memory_space<hbm>> -> memref<1x1x4x64x64xf32, #tpu.memory_space<hbm>>
      %dma_wait3A_415 = tpu.memref_squeeze %dma_wait3A_414 : memref<1x1x4x64x64xf32, #tpu.memory_space<hbm>> -> memref<4x64x64xf32, #tpu.memory_space<hbm>>
      %dma_wait3A_416 = arith.constant 24 : i32
      %dma_wait3A_417 = arith.constant 0 : i32
      %dma_wait3A_418 = arith.constant 0 : i32
      %dma_wait3A_419 = tpu.memref_slice %arg2[%select_n3A_54, %select_n3A_70, %add3A_405, %dma_wait3A_416, %dma_wait3A_417, %dma_wait3A_418] : memref<2x4x16x64x64x64xf32, #tpu.memory_space<hbm>> -> memref<1x1x1x4x64x64xf32, #tpu.memory_space<hbm>>
      %dma_wait3A_420 = tpu.memref_squeeze %dma_wait3A_419 : memref<1x1x1x4x64x64xf32, #tpu.memory_space<hbm>> -> memref<4x64x64xf32, #tpu.memory_space<hbm>>
      tpu.wait_dma2 semaphore(%arg10 : memref<!tpu.dma_semaphore, #tpu.memory_space<semaphore_mem>>) src(%dma_wait3A_420 : memref<4x64x64xf32, #tpu.memory_space<hbm>>) dst(%dma_wait3A_415 : memref<4x64x64xf32, #tpu.memory_space<hbm>>)
      %add3A_421 = arith.constant 0 : i32
      %add3A_422 = arith.addi %mul3A_72, %add3A_421 : i32
      %mul3A_423 = arith.constant 16 : i32
      %mul3A_424 = arith.muli %select_n3A_70, %mul3A_423 : i32
      %add3A_425 = arith.addi %mul3A_424, %mul3A_72 : i32
      %add3A_426 = arith.constant 0 : i32
      %add3A_427 = arith.addi %add3A_425, %add3A_426 : i32
      %dma_start3A_428 = arith.constant 52 : i32
      %dma_start3A_429 = arith.constant 0 : i32
      %dma_start3A_430 = arith.constant 0 : i32
      %dma_start3A_431 = tpu.memref_slice %arg5[%select_n3A_54, %add3A_427, %dma_start3A_428, %dma_start3A_429, %dma_start3A_430] : memref<2x64x64x64x64xf32, #tpu.memory_space<hbm>> -> memref<1x1x4x64x64xf32, #tpu.memory_space<hbm>>
      %dma_start3A_432 = tpu.memref_squeeze %dma_start3A_431 : memref<1x1x4x64x64xf32, #tpu.memory_space<hbm>> -> memref<4x64x64xf32, #tpu.memory_space<hbm>>
      %dma_start3A_433 = arith.constant 52 : i32
      %dma_start3A_434 = arith.constant 0 : i32
      %dma_start3A_435 = arith.constant 0 : i32
      %dma_start3A_436 = tpu.memref_slice %arg2[%select_n3A_54, %select_n3A_70, %add3A_422, %dma_start3A_433, %dma_start3A_434, %dma_start3A_435] : memref<2x4x16x64x64x64xf32, #tpu.memory_space<hbm>> -> memref<1x1x1x4x64x64xf32, #tpu.memory_space<hbm>>
      %dma_start3A_437 = tpu.memref_squeeze %dma_start3A_436 : memref<1x1x1x4x64x64xf32, #tpu.memory_space<hbm>> -> memref<4x64x64xf32, #tpu.memory_space<hbm>>
      tpu.enqueue_dma source(%dma_start3A_437 : memref<4x64x64xf32, #tpu.memory_space<hbm>>) target(%dma_start3A_432 : memref<4x64x64xf32, #tpu.memory_space<hbm>>) target_semaphore(%arg11 : memref<!tpu.dma_semaphore, #tpu.memory_space<semaphore_mem>>)
      %add3A_438 = arith.constant 0 : i32
      %add3A_439 = arith.addi %mul3A_72, %add3A_438 : i32
      %mul3A_440 = arith.constant 16 : i32
      %mul3A_441 = arith.muli %select_n3A_70, %mul3A_440 : i32
      %add3A_442 = arith.addi %mul3A_441, %mul3A_72 : i32
      %add3A_443 = arith.constant 0 : i32
      %add3A_444 = arith.addi %add3A_442, %add3A_443 : i32
      %dma_wait3A_445 = arith.constant 28 : i32
      %dma_wait3A_446 = arith.constant 0 : i32
      %dma_wait3A_447 = arith.constant 0 : i32
      %dma_wait3A_448 = tpu.memref_slice %arg5[%select_n3A_54, %add3A_444, %dma_wait3A_445, %dma_wait3A_446, %dma_wait3A_447] : memref<2x64x64x64x64xf32, #tpu.memory_space<hbm>> -> memref<1x1x4x64x64xf32, #tpu.memory_space<hbm>>
      %dma_wait3A_449 = tpu.memref_squeeze %dma_wait3A_448 : memref<1x1x4x64x64xf32, #tpu.memory_space<hbm>> -> memref<4x64x64xf32, #tpu.memory_space<hbm>>
      %dma_wait3A_450 = arith.constant 28 : i32
      %dma_wait3A_451 = arith.constant 0 : i32
      %dma_wait3A_452 = arith.constant 0 : i32
      %dma_wait3A_453 = tpu.memref_slice %arg2[%select_n3A_54, %select_n3A_70, %add3A_439, %dma_wait3A_450, %dma_wait3A_451, %dma_wait3A_452] : memref<2x4x16x64x64x64xf32, #tpu.memory_space<hbm>> -> memref<1x1x1x4x64x64xf32, #tpu.memory_space<hbm>>
      %dma_wait3A_454 = tpu.memref_squeeze %dma_wait3A_453 : memref<1x1x1x4x64x64xf32, #tpu.memory_space<hbm>> -> memref<4x64x64xf32, #tpu.memory_space<hbm>>
      tpu.wait_dma2 semaphore(%arg11 : memref<!tpu.dma_semaphore, #tpu.memory_space<semaphore_mem>>) src(%dma_wait3A_454 : memref<4x64x64xf32, #tpu.memory_space<hbm>>) dst(%dma_wait3A_449 : memref<4x64x64xf32, #tpu.memory_space<hbm>>)
      %add3A_455 = arith.constant 0 : i32
      %add3A_456 = arith.addi %mul3A_72, %add3A_455 : i32
      %mul3A_457 = arith.constant 16 : i32
      %mul3A_458 = arith.muli %select_n3A_70, %mul3A_457 : i32
      %add3A_459 = arith.addi %mul3A_458, %mul3A_72 : i32
      %add3A_460 = arith.constant 0 : i32
      %add3A_461 = arith.addi %add3A_459, %add3A_460 : i32
      %dma_start3A_462 = arith.constant 56 : i32
      %dma_start3A_463 = arith.constant 0 : i32
      %dma_start3A_464 = arith.constant 0 : i32
      %dma_start3A_465 = tpu.memref_slice %arg5[%select_n3A_54, %add3A_461, %dma_start3A_462, %dma_start3A_463, %dma_start3A_464] : memref<2x64x64x64x64xf32, #tpu.memory_space<hbm>> -> memref<1x1x4x64x64xf32, #tpu.memory_space<hbm>>
      %dma_start3A_466 = tpu.memref_squeeze %dma_start3A_465 : memref<1x1x4x64x64xf32, #tpu.memory_space<hbm>> -> memref<4x64x64xf32, #tpu.memory_space<hbm>>
      %dma_start3A_467 = arith.constant 56 : i32
      %dma_start3A_468 = arith.constant 0 : i32
      %dma_start3A_469 = arith.constant 0 : i32
      %dma_start3A_470 = tpu.memref_slice %arg2[%select_n3A_54, %select_n3A_70, %add3A_456, %dma_start3A_467, %dma_start3A_468, %dma_start3A_469] : memref<2x4x16x64x64x64xf32, #tpu.memory_space<hbm>> -> memref<1x1x1x4x64x64xf32, #tpu.memory_space<hbm>>
      %dma_start3A_471 = tpu.memref_squeeze %dma_start3A_470 : memref<1x1x1x4x64x64xf32, #tpu.memory_space<hbm>> -> memref<4x64x64xf32, #tpu.memory_space<hbm>>
      tpu.enqueue_dma source(%dma_start3A_471 : memref<4x64x64xf32, #tpu.memory_space<hbm>>) target(%dma_start3A_466 : memref<4x64x64xf32, #tpu.memory_space<hbm>>) target_semaphore(%arg12 : memref<!tpu.dma_semaphore, #tpu.memory_space<semaphore_mem>>)
      %add3A_472 = arith.constant 0 : i32
      %add3A_473 = arith.addi %mul3A_72, %add3A_472 : i32
      %mul3A_474 = arith.constant 16 : i32
      %mul3A_475 = arith.muli %select_n3A_70, %mul3A_474 : i32
      %add3A_476 = arith.addi %mul3A_475, %mul3A_72 : i32
      %add3A_477 = arith.constant 0 : i32
      %add3A_478 = arith.addi %add3A_476, %add3A_477 : i32
      %dma_wait3A_479 = arith.constant 32 : i32
      %dma_wait3A_480 = arith.constant 0 : i32
      %dma_wait3A_481 = arith.constant 0 : i32
      %dma_wait3A_482 = tpu.memref_slice %arg5[%select_n3A_54, %add3A_478, %dma_wait3A_479, %dma_wait3A_480, %dma_wait3A_481] : memref<2x64x64x64x64xf32, #tpu.memory_space<hbm>> -> memref<1x1x4x64x64xf32, #tpu.memory_space<hbm>>
      %dma_wait3A_483 = tpu.memref_squeeze %dma_wait3A_482 : memref<1x1x4x64x64xf32, #tpu.memory_space<hbm>> -> memref<4x64x64xf32, #tpu.memory_space<hbm>>
      %dma_wait3A_484 = arith.constant 32 : i32
      %dma_wait3A_485 = arith.constant 0 : i32
      %dma_wait3A_486 = arith.constant 0 : i32
      %dma_wait3A_487 = tpu.memref_slice %arg2[%select_n3A_54, %select_n3A_70, %add3A_473, %dma_wait3A_484, %dma_wait3A_485, %dma_wait3A_486] : memref<2x4x16x64x64x64xf32, #tpu.memory_space<hbm>> -> memref<1x1x1x4x64x64xf32, #tpu.memory_space<hbm>>
      %dma_wait3A_488 = tpu.memref_squeeze %dma_wait3A_487 : memref<1x1x1x4x64x64xf32, #tpu.memory_space<hbm>> -> memref<4x64x64xf32, #tpu.memory_space<hbm>>
      tpu.wait_dma2 semaphore(%arg12 : memref<!tpu.dma_semaphore, #tpu.memory_space<semaphore_mem>>) src(%dma_wait3A_488 : memref<4x64x64xf32, #tpu.memory_space<hbm>>) dst(%dma_wait3A_483 : memref<4x64x64xf32, #tpu.memory_space<hbm>>)
      %add3A_489 = arith.constant 0 : i32
      %add3A_490 = arith.addi %mul3A_72, %add3A_489 : i32
      %mul3A_491 = arith.constant 16 : i32
      %mul3A_492 = arith.muli %select_n3A_70, %mul3A_491 : i32
      %add3A_493 = arith.addi %mul3A_492, %mul3A_72 : i32
      %add3A_494 = arith.constant 0 : i32
      %add3A_495 = arith.addi %add3A_493, %add3A_494 : i32
      %dma_start3A_496 = arith.constant 60 : i32
      %dma_start3A_497 = arith.constant 0 : i32
      %dma_start3A_498 = arith.constant 0 : i32
      %dma_start3A_499 = tpu.memref_slice %arg5[%select_n3A_54, %add3A_495, %dma_start3A_496, %dma_start3A_497, %dma_start3A_498] : memref<2x64x64x64x64xf32, #tpu.memory_space<hbm>> -> memref<1x1x4x64x64xf32, #tpu.memory_space<hbm>>
      %dma_start3A_500 = tpu.memref_squeeze %dma_start3A_499 : memref<1x1x4x64x64xf32, #tpu.memory_space<hbm>> -> memref<4x64x64xf32, #tpu.memory_space<hbm>>
      %dma_start3A_501 = arith.constant 60 : i32
      %dma_start3A_502 = arith.constant 0 : i32
      %dma_start3A_503 = arith.constant 0 : i32
      %dma_start3A_504 = tpu.memref_slice %arg2[%select_n3A_54, %select_n3A_70, %add3A_490, %dma_start3A_501, %dma_start3A_502, %dma_start3A_503] : memref<2x4x16x64x64x64xf32, #tpu.memory_space<hbm>> -> memref<1x1x1x4x64x64xf32, #tpu.memory_space<hbm>>
      %dma_start3A_505 = tpu.memref_squeeze %dma_start3A_504 : memref<1x1x1x4x64x64xf32, #tpu.memory_space<hbm>> -> memref<4x64x64xf32, #tpu.memory_space<hbm>>
      tpu.enqueue_dma source(%dma_start3A_505 : memref<4x64x64xf32, #tpu.memory_space<hbm>>) target(%dma_start3A_500 : memref<4x64x64xf32, #tpu.memory_space<hbm>>) target_semaphore(%arg10 : memref<!tpu.dma_semaphore, #tpu.memory_space<semaphore_mem>>)
      %add3A_506 = arith.constant 0 : i32
      %add3A_507 = arith.addi %mul3A_72, %add3A_506 : i32
      %mul3A_508 = arith.constant 16 : i32
      %mul3A_509 = arith.muli %select_n3A_70, %mul3A_508 : i32
      %add3A_510 = arith.addi %mul3A_509, %mul3A_72 : i32
      %add3A_511 = arith.constant 0 : i32
      %add3A_512 = arith.addi %add3A_510, %add3A_511 : i32
      %dma_wait3A_513 = arith.constant 36 : i32
      %dma_wait3A_514 = arith.constant 0 : i32
      %dma_wait3A_515 = arith.constant 0 : i32
      %dma_wait3A_516 = tpu.memref_slice %arg5[%select_n3A_54, %add3A_512, %dma_wait3A_513, %dma_wait3A_514, %dma_wait3A_515] : memref<2x64x64x64x64xf32, #tpu.memory_space<hbm>> -> memref<1x1x4x64x64xf32, #tpu.memory_space<hbm>>
      %dma_wait3A_517 = tpu.memref_squeeze %dma_wait3A_516 : memref<1x1x4x64x64xf32, #tpu.memory_space<hbm>> -> memref<4x64x64xf32, #tpu.memory_space<hbm>>
      %dma_wait3A_518 = arith.constant 36 : i32
      %dma_wait3A_519 = arith.constant 0 : i32
      %dma_wait3A_520 = arith.constant 0 : i32
      %dma_wait3A_521 = tpu.memref_slice %arg2[%select_n3A_54, %select_n3A_70, %add3A_507, %dma_wait3A_518, %dma_wait3A_519, %dma_wait3A_520] : memref<2x4x16x64x64x64xf32, #tpu.memory_space<hbm>> -> memref<1x1x1x4x64x64xf32, #tpu.memory_space<hbm>>
      %dma_wait3A_522 = tpu.memref_squeeze %dma_wait3A_521 : memref<1x1x1x4x64x64xf32, #tpu.memory_space<hbm>> -> memref<4x64x64xf32, #tpu.memory_space<hbm>>
      tpu.wait_dma2 semaphore(%arg10 : memref<!tpu.dma_semaphore, #tpu.memory_space<semaphore_mem>>) src(%dma_wait3A_522 : memref<4x64x64xf32, #tpu.memory_space<hbm>>) dst(%dma_wait3A_517 : memref<4x64x64xf32, #tpu.memory_space<hbm>>)
      %add3A_523 = arith.constant 1 : i32
      %add3A_524 = arith.addi %mul3A_72, %add3A_523 : i32
      %mul3A_525 = arith.constant 16 : i32
      %mul3A_526 = arith.muli %select_n3A_70, %mul3A_525 : i32
      %add3A_527 = arith.addi %mul3A_526, %mul3A_72 : i32
      %add3A_528 = arith.constant 1 : i32
      %add3A_529 = arith.addi %add3A_527, %add3A_528 : i32
      %dma_start3A_530 = arith.constant 0 : i32
      %dma_start3A_531 = arith.constant 0 : i32
      %dma_start3A_532 = arith.constant 0 : i32
      %dma_start3A_533 = tpu.memref_slice %arg5[%select_n3A_54, %add3A_529, %dma_start3A_530, %dma_start3A_531, %dma_start3A_532] : memref<2x64x64x64x64xf32, #tpu.memory_space<hbm>> -> memref<1x1x4x64x64xf32, #tpu.memory_space<hbm>>
      %dma_start3A_534 = tpu.memref_squeeze %dma_start3A_533 : memref<1x1x4x64x64xf32, #tpu.memory_space<hbm>> -> memref<4x64x64xf32, #tpu.memory_space<hbm>>
      %dma_start3A_535 = arith.constant 0 : i32
      %dma_start3A_536 = arith.constant 0 : i32
      %dma_start3A_537 = arith.constant 0 : i32
      %dma_start3A_538 = tpu.memref_slice %arg2[%select_n3A_54, %select_n3A_70, %add3A_524, %dma_start3A_535, %dma_start3A_536, %dma_start3A_537] : memref<2x4x16x64x64x64xf32, #tpu.memory_space<hbm>> -> memref<1x1x1x4x64x64xf32, #tpu.memory_space<hbm>>
      %dma_start3A_539 = tpu.memref_squeeze %dma_start3A_538 : memref<1x1x1x4x64x64xf32, #tpu.memory_space<hbm>> -> memref<4x64x64xf32, #tpu.memory_space<hbm>>
      tpu.enqueue_dma source(%dma_start3A_539 : memref<4x64x64xf32, #tpu.memory_space<hbm>>) target(%dma_start3A_534 : memref<4x64x64xf32, #tpu.memory_space<hbm>>) target_semaphore(%arg11 : memref<!tpu.dma_semaphore, #tpu.memory_space<semaphore_mem>>)
      %add3A_540 = arith.constant 0 : i32
      %add3A_541 = arith.addi %mul3A_72, %add3A_540 : i32
      %mul3A_542 = arith.constant 16 : i32
      %mul3A_543 = arith.muli %select_n3A_70, %mul3A_542 : i32
      %add3A_544 = arith.addi %mul3A_543, %mul3A_72 : i32
      %add3A_545 = arith.constant 0 : i32
      %add3A_546 = arith.addi %add3A_544, %add3A_545 : i32
      %dma_wait3A_547 = arith.constant 40 : i32
      %dma_wait3A_548 = arith.constant 0 : i32
      %dma_wait3A_549 = arith.constant 0 : i32
      %dma_wait3A_550 = tpu.memref_slice %arg5[%select_n3A_54, %add3A_546, %dma_wait3A_547, %dma_wait3A_548, %dma_wait3A_549] : memref<2x64x64x64x64xf32, #tpu.memory_space<hbm>> -> memref<1x1x4x64x64xf32, #tpu.memory_space<hbm>>
      %dma_wait3A_551 = tpu.memref_squeeze %dma_wait3A_550 : memref<1x1x4x64x64xf32, #tpu.memory_space<hbm>> -> memref<4x64x64xf32, #tpu.memory_space<hbm>>
      %dma_wait3A_552 = arith.constant 40 : i32
      %dma_wait3A_553 = arith.constant 0 : i32
      %dma_wait3A_554 = arith.constant 0 : i32
      %dma_wait3A_555 = tpu.memref_slice %arg2[%select_n3A_54, %select_n3A_70, %add3A_541, %dma_wait3A_552, %dma_wait3A_553, %dma_wait3A_554] : memref<2x4x16x64x64x64xf32, #tpu.memory_space<hbm>> -> memref<1x1x1x4x64x64xf32, #tpu.memory_space<hbm>>
      %dma_wait3A_556 = tpu.memref_squeeze %dma_wait3A_555 : memref<1x1x1x4x64x64xf32, #tpu.memory_space<hbm>> -> memref<4x64x64xf32, #tpu.memory_space<hbm>>
      tpu.wait_dma2 semaphore(%arg11 : memref<!tpu.dma_semaphore, #tpu.memory_space<semaphore_mem>>) src(%dma_wait3A_556 : memref<4x64x64xf32, #tpu.memory_space<hbm>>) dst(%dma_wait3A_551 : memref<4x64x64xf32, #tpu.memory_space<hbm>>)
      %add3A_557 = arith.constant 1 : i32
      %add3A_558 = arith.addi %mul3A_72, %add3A_557 : i32
      %mul3A_559 = arith.constant 16 : i32
      %mul3A_560 = arith.muli %select_n3A_70, %mul3A_559 : i32
      %add3A_561 = arith.addi %mul3A_560, %mul3A_72 : i32
      %add3A_562 = arith.constant 1 : i32
      %add3A_563 = arith.addi %add3A_561, %add3A_562 : i32
      %dma_start3A_564 = arith.constant 4 : i32
      %dma_start3A_565 = arith.constant 0 : i32
      %dma_start3A_566 = arith.constant 0 : i32
      %dma_start3A_567 = tpu.memref_slice %arg5[%select_n3A_54, %add3A_563, %dma_start3A_564, %dma_start3A_565, %dma_start3A_566] : memref<2x64x64x64x64xf32, #tpu.memory_space<hbm>> -> memref<1x1x4x64x64xf32, #tpu.memory_space<hbm>>
      %dma_start3A_568 = tpu.memref_squeeze %dma_start3A_567 : memref<1x1x4x64x64xf32, #tpu.memory_space<hbm>> -> memref<4x64x64xf32, #tpu.memory_space<hbm>>
      %dma_start3A_569 = arith.constant 4 : i32
      %dma_start3A_570 = arith.constant 0 : i32
      %dma_start3A_571 = arith.constant 0 : i32
      %dma_start3A_572 = tpu.memref_slice %arg2[%select_n3A_54, %select_n3A_70, %add3A_558, %dma_start3A_569, %dma_start3A_570, %dma_start3A_571] : memref<2x4x16x64x64x64xf32, #tpu.memory_space<hbm>> -> memref<1x1x1x4x64x64xf32, #tpu.memory_space<hbm>>
      %dma_start3A_573 = tpu.memref_squeeze %dma_start3A_572 : memref<1x1x1x4x64x64xf32, #tpu.memory_space<hbm>> -> memref<4x64x64xf32, #tpu.memory_space<hbm>>
      tpu.enqueue_dma source(%dma_start3A_573 : memref<4x64x64xf32, #tpu.memory_space<hbm>>) target(%dma_start3A_568 : memref<4x64x64xf32, #tpu.memory_space<hbm>>) target_semaphore(%arg12 : memref<!tpu.dma_semaphore, #tpu.memory_space<semaphore_mem>>)
      %add3A_574 = arith.constant 0 : i32
      %add3A_575 = arith.addi %mul3A_72, %add3A_574 : i32
      %mul3A_576 = arith.constant 16 : i32
      %mul3A_577 = arith.muli %select_n3A_70, %mul3A_576 : i32
      %add3A_578 = arith.addi %mul3A_577, %mul3A_72 : i32
      %add3A_579 = arith.constant 0 : i32
      %add3A_580 = arith.addi %add3A_578, %add3A_579 : i32
      %dma_wait3A_581 = arith.constant 44 : i32
      %dma_wait3A_582 = arith.constant 0 : i32
      %dma_wait3A_583 = arith.constant 0 : i32
      %dma_wait3A_584 = tpu.memref_slice %arg5[%select_n3A_54, %add3A_580, %dma_wait3A_581, %dma_wait3A_582, %dma_wait3A_583] : memref<2x64x64x64x64xf32, #tpu.memory_space<hbm>> -> memref<1x1x4x64x64xf32, #tpu.memory_space<hbm>>
      %dma_wait3A_585 = tpu.memref_squeeze %dma_wait3A_584 : memref<1x1x4x64x64xf32, #tpu.memory_space<hbm>> -> memref<4x64x64xf32, #tpu.memory_space<hbm>>
      %dma_wait3A_586 = arith.constant 44 : i32
      %dma_wait3A_587 = arith.constant 0 : i32
      %dma_wait3A_588 = arith.constant 0 : i32
      %dma_wait3A_589 = tpu.memref_slice %arg2[%select_n3A_54, %select_n3A_70, %add3A_575, %dma_wait3A_586, %dma_wait3A_587, %dma_wait3A_588] : memref<2x4x16x64x64x64xf32, #tpu.memory_space<hbm>> -> memref<1x1x1x4x64x64xf32, #tpu.memory_space<hbm>>
      %dma_wait3A_590 = tpu.memref_squeeze %dma_wait3A_589 : memref<1x1x1x4x64x64xf32, #tpu.memory_space<hbm>> -> memref<4x64x64xf32, #tpu.memory_space<hbm>>
      tpu.wait_dma2 semaphore(%arg12 : memref<!tpu.dma_semaphore, #tpu.memory_space<semaphore_mem>>) src(%dma_wait3A_590 : memref<4x64x64xf32, #tpu.memory_space<hbm>>) dst(%dma_wait3A_585 : memref<4x64x64xf32, #tpu.memory_space<hbm>>)
      %add3A_591 = arith.constant 1 : i32
      %add3A_592 = arith.addi %mul3A_72, %add3A_591 : i32
      %mul3A_593 = arith.constant 16 : i32
      %mul3A_594 = arith.muli %select_n3A_70, %mul3A_593 : i32
      %add3A_595 = arith.addi %mul3A_594, %mul3A_72 : i32
      %add3A_596 = arith.constant 1 : i32
      %add3A_597 = arith.addi %add3A_595, %add3A_596 : i32
      %dma_start3A_598 = arith.constant 8 : i32
      %dma_start3A_599 = arith.constant 0 : i32
      %dma_start3A_600 = arith.constant 0 : i32
      %dma_start3A_601 = tpu.memref_slice %arg5[%select_n3A_54, %add3A_597, %dma_start3A_598, %dma_start3A_599, %dma_start3A_600] : memref<2x64x64x64x64xf32, #tpu.memory_space<hbm>> -> memref<1x1x4x64x64xf32, #tpu.memory_space<hbm>>
      %dma_start3A_602 = tpu.memref_squeeze %dma_start3A_601 : memref<1x1x4x64x64xf32, #tpu.memory_space<hbm>> -> memref<4x64x64xf32, #tpu.memory_space<hbm>>
      %dma_start3A_603 = arith.constant 8 : i32
      %dma_start3A_604 = arith.constant 0 : i32
      %dma_start3A_605 = arith.constant 0 : i32
      %dma_start3A_606 = tpu.memref_slice %arg2[%select_n3A_54, %select_n3A_70, %add3A_592, %dma_start3A_603, %dma_start3A_604, %dma_start3A_605] : memref<2x4x16x64x64x64xf32, #tpu.memory_space<hbm>> -> memref<1x1x1x4x64x64xf32, #tpu.memory_space<hbm>>
      %dma_start3A_607 = tpu.memref_squeeze %dma_start3A_606 : memref<1x1x1x4x64x64xf32, #tpu.memory_space<hbm>> -> memref<4x64x64xf32, #tpu.memory_space<hbm>>
      tpu.enqueue_dma source(%dma_start3A_607 : memref<4x64x64xf32, #tpu.memory_space<hbm>>) target(%dma_start3A_602 : memref<4x64x64xf32, #tpu.memory_space<hbm>>) target_semaphore(%arg10 : memref<!tpu.dma_semaphore, #tpu.memory_space<semaphore_mem>>)
      %add3A_608 = arith.constant 0 : i32
      %add3A_609 = arith.addi %mul3A_72, %add3A_608 : i32
      %mul3A_610 = arith.constant 16 : i32
      %mul3A_611 = arith.muli %select_n3A_70, %mul3A_610 : i32
      %add3A_612 = arith.addi %mul3A_611, %mul3A_72 : i32
      %add3A_613 = arith.constant 0 : i32
      %add3A_614 = arith.addi %add3A_612, %add3A_613 : i32
      %dma_wait3A_615 = arith.constant 48 : i32
      %dma_wait3A_616 = arith.constant 0 : i32
      %dma_wait3A_617 = arith.constant 0 : i32
      %dma_wait3A_618 = tpu.memref_slice %arg5[%select_n3A_54, %add3A_614, %dma_wait3A_615, %dma_wait3A_616, %dma_wait3A_617] : memref<2x64x64x64x64xf32, #tpu.memory_space<hbm>> -> memref<1x1x4x64x64xf32, #tpu.memory_space<hbm>>
      %dma_wait3A_619 = tpu.memref_squeeze %dma_wait3A_618 : memref<1x1x4x64x64xf32, #tpu.memory_space<hbm>> -> memref<4x64x64xf32, #tpu.memory_space<hbm>>
      %dma_wait3A_620 = arith.constant 48 : i32
      %dma_wait3A_621 = arith.constant 0 : i32
      %dma_wait3A_622 = arith.constant 0 : i32
      %dma_wait3A_623 = tpu.memref_slice %arg2[%select_n3A_54, %select_n3A_70, %add3A_609, %dma_wait3A_620, %dma_wait3A_621, %dma_wait3A_622] : memref<2x4x16x64x64x64xf32, #tpu.memory_space<hbm>> -> memref<1x1x1x4x64x64xf32, #tpu.memory_space<hbm>>
      %dma_wait3A_624 = tpu.memref_squeeze %dma_wait3A_623 : memref<1x1x1x4x64x64xf32, #tpu.memory_space<hbm>> -> memref<4x64x64xf32, #tpu.memory_space<hbm>>
      tpu.wait_dma2 semaphore(%arg10 : memref<!tpu.dma_semaphore, #tpu.memory_space<semaphore_mem>>) src(%dma_wait3A_624 : memref<4x64x64xf32, #tpu.memory_space<hbm>>) dst(%dma_wait3A_619 : memref<4x64x64xf32, #tpu.memory_space<hbm>>)
      %add3A_625 = arith.constant 1 : i32
      %add3A_626 = arith.addi %mul3A_72, %add3A_625 : i32
      %mul3A_627 = arith.constant 16 : i32
      %mul3A_628 = arith.muli %select_n3A_70, %mul3A_627 : i32
      %add3A_629 = arith.addi %mul3A_628, %mul3A_72 : i32
      %add3A_630 = arith.constant 1 : i32
      %add3A_631 = arith.addi %add3A_629, %add3A_630 : i32
      %dma_start3A_632 = arith.constant 12 : i32
      %dma_start3A_633 = arith.constant 0 : i32
      %dma_start3A_634 = arith.constant 0 : i32
      %dma_start3A_635 = tpu.memref_slice %arg5[%select_n3A_54, %add3A_631, %dma_start3A_632, %dma_start3A_633, %dma_start3A_634] : memref<2x64x64x64x64xf32, #tpu.memory_space<hbm>> -> memref<1x1x4x64x64xf32, #tpu.memory_space<hbm>>
      %dma_start3A_636 = tpu.memref_squeeze %dma_start3A_635 : memref<1x1x4x64x64xf32, #tpu.memory_space<hbm>> -> memref<4x64x64xf32, #tpu.memory_space<hbm>>
      %dma_start3A_637 = arith.constant 12 : i32
      %dma_start3A_638 = arith.constant 0 : i32
      %dma_start3A_639 = arith.constant 0 : i32
      %dma_start3A_640 = tpu.memref_slice %arg2[%select_n3A_54, %select_n3A_70, %add3A_626, %dma_start3A_637, %dma_start3A_638, %dma_start3A_639] : memref<2x4x16x64x64x64xf32, #tpu.memory_space<hbm>> -> memref<1x1x1x4x64x64xf32, #tpu.memory_space<hbm>>
      %dma_start3A_641 = tpu.memref_squeeze %dma_start3A_640 : memref<1x1x1x4x64x64xf32, #tpu.memory_space<hbm>> -> memref<4x64x64xf32, #tpu.memory_space<hbm>>
      tpu.enqueue_dma source(%dma_start3A_641 : memref<4x64x64xf32, #tpu.memory_space<hbm>>) target(%dma_start3A_636 : memref<4x64x64xf32, #tpu.memory_space<hbm>>) target_semaphore(%arg11 : memref<!tpu.dma_semaphore, #tpu.memory_space<semaphore_mem>>)
      %add3A_642 = arith.constant 0 : i32
      %add3A_643 = arith.addi %mul3A_72, %add3A_642 : i32
      %mul3A_644 = arith.constant 16 : i32
      %mul3A_645 = arith.muli %select_n3A_70, %mul3A_644 : i32
      %add3A_646 = arith.addi %mul3A_645, %mul3A_72 : i32
      %add3A_647 = arith.constant 0 : i32
      %add3A_648 = arith.addi %add3A_646, %add3A_647 : i32
      %dma_wait3A_649 = arith.constant 52 : i32
      %dma_wait3A_650 = arith.constant 0 : i32
      %dma_wait3A_651 = arith.constant 0 : i32
      %dma_wait3A_652 = tpu.memref_slice %arg5[%select_n3A_54, %add3A_648, %dma_wait3A_649, %dma_wait3A_650, %dma_wait3A_651] : memref<2x64x64x64x64xf32, #tpu.memory_space<hbm>> -> memref<1x1x4x64x64xf32, #tpu.memory_space<hbm>>
      %dma_wait3A_653 = tpu.memref_squeeze %dma_wait3A_652 : memref<1x1x4x64x64xf32, #tpu.memory_space<hbm>> -> memref<4x64x64xf32, #tpu.memory_space<hbm>>
      %dma_wait3A_654 = arith.constant 52 : i32
      %dma_wait3A_655 = arith.constant 0 : i32
      %dma_wait3A_656 = arith.constant 0 : i32
      %dma_wait3A_657 = tpu.memref_slice %arg2[%select_n3A_54, %select_n3A_70, %add3A_643, %dma_wait3A_654, %dma_wait3A_655, %dma_wait3A_656] : memref<2x4x16x64x64x64xf32, #tpu.memory_space<hbm>> -> memref<1x1x1x4x64x64xf32, #tpu.memory_space<hbm>>
      %dma_wait3A_658 = tpu.memref_squeeze %dma_wait3A_657 : memref<1x1x1x4x64x64xf32, #tpu.memory_space<hbm>> -> memref<4x64x64xf32, #tpu.memory_space<hbm>>
      tpu.wait_dma2 semaphore(%arg11 : memref<!tpu.dma_semaphore, #tpu.memory_space<semaphore_mem>>) src(%dma_wait3A_658 : memref<4x64x64xf32, #tpu.memory_space<hbm>>) dst(%dma_wait3A_653 : memref<4x64x64xf32, #tpu.memory_space<hbm>>)
      %add3A_659 = arith.constant 1 : i32
      %add3A_660 = arith.addi %mul3A_72, %add3A_659 : i32
      %mul3A_661 = arith.constant 16 : i32
      %mul3A_662 = arith.muli %select_n3A_70, %mul3A_661 : i32
      %add3A_663 = arith.addi %mul3A_662, %mul3A_72 : i32
      %add3A_664 = arith.constant 1 : i32
      %add3A_665 = arith.addi %add3A_663, %add3A_664 : i32
      %dma_start3A_666 = arith.constant 16 : i32
      %dma_start3A_667 = arith.constant 0 : i32
      %dma_start3A_668 = arith.constant 0 : i32
      %dma_start3A_669 = tpu.memref_slice %arg5[%select_n3A_54, %add3A_665, %dma_start3A_666, %dma_start3A_667, %dma_start3A_668] : memref<2x64x64x64x64xf32, #tpu.memory_space<hbm>> -> memref<1x1x4x64x64xf32, #tpu.memory_space<hbm>>
      %dma_start3A_670 = tpu.memref_squeeze %dma_start3A_669 : memref<1x1x4x64x64xf32, #tpu.memory_space<hbm>> -> memref<4x64x64xf32, #tpu.memory_space<hbm>>
      %dma_start3A_671 = arith.constant 16 : i32
      %dma_start3A_672 = arith.constant 0 : i32
      %dma_start3A_673 = arith.constant 0 : i32
      %dma_start3A_674 = tpu.memref_slice %arg2[%select_n3A_54, %select_n3A_70, %add3A_660, %dma_start3A_671, %dma_start3A_672, %dma_start3A_673] : memref<2x4x16x64x64x64xf32, #tpu.memory_space<hbm>> -> memref<1x1x1x4x64x64xf32, #tpu.memory_space<hbm>>
      %dma_start3A_675 = tpu.memref_squeeze %dma_start3A_674 : memref<1x1x1x4x64x64xf32, #tpu.memory_space<hbm>> -> memref<4x64x64xf32, #tpu.memory_space<hbm>>
      tpu.enqueue_dma source(%dma_start3A_675 : memref<4x64x64xf32, #tpu.memory_space<hbm>>) target(%dma_start3A_670 : memref<4x64x64xf32, #tpu.memory_space<hbm>>) target_semaphore(%arg12 : memref<!tpu.dma_semaphore, #tpu.memory_space<semaphore_mem>>)
      %add3A_676 = arith.constant 0 : i32
      %add3A_677 = arith.addi %mul3A_72, %add3A_676 : i32
      %mul3A_678 = arith.constant 16 : i32
      %mul3A_679 = arith.muli %select_n3A_70, %mul3A_678 : i32
      %add3A_680 = arith.addi %mul3A_679, %mul3A_72 : i32
      %add3A_681 = arith.constant 0 : i32
      %add3A_682 = arith.addi %add3A_680, %add3A_681 : i32
      %dma_wait3A_683 = arith.constant 56 : i32
      %dma_wait3A_684 = arith.constant 0 : i32
      %dma_wait3A_685 = arith.constant 0 : i32
      %dma_wait3A_686 = tpu.memref_slice %arg5[%select_n3A_54, %add3A_682, %dma_wait3A_683, %dma_wait3A_684, %dma_wait3A_685] : memref<2x64x64x64x64xf32, #tpu.memory_space<hbm>> -> memref<1x1x4x64x64xf32, #tpu.memory_space<hbm>>
      %dma_wait3A_687 = tpu.memref_squeeze %dma_wait3A_686 : memref<1x1x4x64x64xf32, #tpu.memory_space<hbm>> -> memref<4x64x64xf32, #tpu.memory_space<hbm>>
      %dma_wait3A_688 = arith.constant 56 : i32
      %dma_wait3A_689 = arith.constant 0 : i32
      %dma_wait3A_690 = arith.constant 0 : i32
      %dma_wait3A_691 = tpu.memref_slice %arg2[%select_n3A_54, %select_n3A_70, %add3A_677, %dma_wait3A_688, %dma_wait3A_689, %dma_wait3A_690] : memref<2x4x16x64x64x64xf32, #tpu.memory_space<hbm>> -> memref<1x1x1x4x64x64xf32, #tpu.memory_space<hbm>>
      %dma_wait3A_692 = tpu.memref_squeeze %dma_wait3A_691 : memref<1x1x1x4x64x64xf32, #tpu.memory_space<hbm>> -> memref<4x64x64xf32, #tpu.memory_space<hbm>>
      tpu.wait_dma2 semaphore(%arg12 : memref<!tpu.dma_semaphore, #tpu.memory_space<semaphore_mem>>) src(%dma_wait3A_692 : memref<4x64x64xf32, #tpu.memory_space<hbm>>) dst(%dma_wait3A_687 : memref<4x64x64xf32, #tpu.memory_space<hbm>>)
      %add3A_693 = arith.constant 1 : i32
      %add3A_694 = arith.addi %mul3A_72, %add3A_693 : i32
      %mul3A_695 = arith.constant 16 : i32
      %mul3A_696 = arith.muli %select_n3A_70, %mul3A_695 : i32
      %add3A_697 = arith.addi %mul3A_696, %mul3A_72 : i32
      %add3A_698 = arith.constant 1 : i32
      %add3A_699 = arith.addi %add3A_697, %add3A_698 : i32
      %dma_start3A_700 = arith.constant 20 : i32
      %dma_start3A_701 = arith.constant 0 : i32
      %dma_start3A_702 = arith.constant 0 : i32
      %dma_start3A_703 = tpu.memref_slice %arg5[%select_n3A_54, %add3A_699, %dma_start3A_700, %dma_start3A_701, %dma_start3A_702] : memref<2x64x64x64x64xf32, #tpu.memory_space<hbm>> -> memref<1x1x4x64x64xf32, #tpu.memory_space<hbm>>
      %dma_start3A_704 = tpu.memref_squeeze %dma_start3A_703 : memref<1x1x4x64x64xf32, #tpu.memory_space<hbm>> -> memref<4x64x64xf32, #tpu.memory_space<hbm>>
      %dma_start3A_705 = arith.constant 20 : i32
      %dma_start3A_706 = arith.constant 0 : i32
      %dma_start3A_707 = arith.constant 0 : i32
      %dma_start3A_708 = tpu.memref_slice %arg2[%select_n3A_54, %select_n3A_70, %add3A_694, %dma_start3A_705, %dma_start3A_706, %dma_start3A_707] : memref<2x4x16x64x64x64xf32, #tpu.memory_space<hbm>> -> memref<1x1x1x4x64x64xf32, #tpu.memory_space<hbm>>
      %dma_start3A_709 = tpu.memref_squeeze %dma_start3A_708 : memref<1x1x1x4x64x64xf32, #tpu.memory_space<hbm>> -> memref<4x64x64xf32, #tpu.memory_space<hbm>>
      tpu.enqueue_dma source(%dma_start3A_709 : memref<4x64x64xf32, #tpu.memory_space<hbm>>) target(%dma_start3A_704 : memref<4x64x64xf32, #tpu.memory_space<hbm>>) target_semaphore(%arg10 : memref<!tpu.dma_semaphore, #tpu.memory_space<semaphore_mem>>)
      %add3A_710 = arith.constant 0 : i32
      %add3A_711 = arith.addi %mul3A_72, %add3A_710 : i32
      %mul3A_712 = arith.constant 16 : i32
      %mul3A_713 = arith.muli %select_n3A_70, %mul3A_712 : i32
      %add3A_714 = arith.addi %mul3A_713, %mul3A_72 : i32
      %add3A_715 = arith.constant 0 : i32
      %add3A_716 = arith.addi %add3A_714, %add3A_715 : i32
      %dma_wait3A_717 = arith.constant 60 : i32
      %dma_wait3A_718 = arith.constant 0 : i32
      %dma_wait3A_719 = arith.constant 0 : i32
      %dma_wait3A_720 = tpu.memref_slice %arg5[%select_n3A_54, %add3A_716, %dma_wait3A_717, %dma_wait3A_718, %dma_wait3A_719] : memref<2x64x64x64x64xf32, #tpu.memory_space<hbm>> -> memref<1x1x4x64x64xf32, #tpu.memory_space<hbm>>
      %dma_wait3A_721 = tpu.memref_squeeze %dma_wait3A_720 : memref<1x1x4x64x64xf32, #tpu.memory_space<hbm>> -> memref<4x64x64xf32, #tpu.memory_space<hbm>>
      %dma_wait3A_722 = arith.constant 60 : i32
      %dma_wait3A_723 = arith.constant 0 : i32
      %dma_wait3A_724 = arith.constant 0 : i32
      %dma_wait3A_725 = tpu.memref_slice %arg2[%select_n3A_54, %select_n3A_70, %add3A_711, %dma_wait3A_722, %dma_wait3A_723, %dma_wait3A_724] : memref<2x4x16x64x64x64xf32, #tpu.memory_space<hbm>> -> memref<1x1x1x4x64x64xf32, #tpu.memory_space<hbm>>
      %dma_wait3A_726 = tpu.memref_squeeze %dma_wait3A_725 : memref<1x1x1x4x64x64xf32, #tpu.memory_space<hbm>> -> memref<4x64x64xf32, #tpu.memory_space<hbm>>
      tpu.wait_dma2 semaphore(%arg10 : memref<!tpu.dma_semaphore, #tpu.memory_space<semaphore_mem>>) src(%dma_wait3A_726 : memref<4x64x64xf32, #tpu.memory_space<hbm>>) dst(%dma_wait3A_721 : memref<4x64x64xf32, #tpu.memory_space<hbm>>)
      %add3A_727 = arith.constant 1 : i32
      %add3A_728 = arith.addi %mul3A_72, %add3A_727 : i32
      %mul3A_729 = arith.constant 16 : i32
      %mul3A_730 = arith.muli %select_n3A_70, %mul3A_729 : i32
      %add3A_731 = arith.addi %mul3A_730, %mul3A_72 : i32
      %add3A_732 = arith.constant 1 : i32
      %add3A_733 = arith.addi %add3A_731, %add3A_732 : i32
      %dma_start3A_734 = arith.constant 24 : i32
      %dma_start3A_735 = arith.constant 0 : i32
      %dma_start3A_736 = arith.constant 0 : i32
      %dma_start3A_737 = tpu.memref_slice %arg5[%select_n3A_54, %add3A_733, %dma_start3A_734, %dma_start3A_735, %dma_start3A_736] : memref<2x64x64x64x64xf32, #tpu.memory_space<hbm>> -> memref<1x1x4x64x64xf32, #tpu.memory_space<hbm>>
      %dma_start3A_738 = tpu.memref_squeeze %dma_start3A_737 : memref<1x1x4x64x64xf32, #tpu.memory_space<hbm>> -> memref<4x64x64xf32, #tpu.memory_space<hbm>>
      %dma_start3A_739 = arith.constant 24 : i32
      %dma_start3A_740 = arith.constant 0 : i32
      %dma_start3A_741 = arith.constant 0 : i32
      %dma_start3A_742 = tpu.memref_slice %arg2[%select_n3A_54, %select_n3A_70, %add3A_728, %dma_start3A_739, %dma_start3A_740, %dma_start3A_741] : memref<2x4x16x64x64x64xf32, #tpu.memory_space<hbm>> -> memref<1x1x1x4x64x64xf32, #tpu.memory_space<hbm>>
      %dma_start3A_743 = tpu.memref_squeeze %dma_start3A_742 : memref<1x1x1x4x64x64xf32, #tpu.memory_space<hbm>> -> memref<4x64x64xf32, #tpu.memory_space<hbm>>
      tpu.enqueue_dma source(%dma_start3A_743 : memref<4x64x64xf32, #tpu.memory_space<hbm>>) target(%dma_start3A_738 : memref<4x64x64xf32, #tpu.memory_space<hbm>>) target_semaphore(%arg11 : memref<!tpu.dma_semaphore, #tpu.memory_space<semaphore_mem>>)
      %add3A_744 = arith.constant 1 : i32
      %add3A_745 = arith.addi %mul3A_72, %add3A_744 : i32
      %mul3A_746 = arith.constant 16 : i32
      %mul3A_747 = arith.muli %select_n3A_70, %mul3A_746 : i32
      %add3A_748 = arith.addi %mul3A_747, %mul3A_72 : i32
      %add3A_749 = arith.constant 1 : i32
      %add3A_750 = arith.addi %add3A_748, %add3A_749 : i32
      %dma_wait3A_751 = arith.constant 0 : i32
      %dma_wait3A_752 = arith.constant 0 : i32
      %dma_wait3A_753 = arith.constant 0 : i32
      %dma_wait3A_754 = tpu.memref_slice %arg5[%select_n3A_54, %add3A_750, %dma_wait3A_751, %dma_wait3A_752, %dma_wait3A_753] : memref<2x64x64x64x64xf32, #tpu.memory_space<hbm>> -> memref<1x1x4x64x64xf32, #tpu.memory_space<hbm>>
      %dma_wait3A_755 = tpu.memref_squeeze %dma_wait3A_754 : memref<1x1x4x64x64xf32, #tpu.memory_space<hbm>> -> memref<4x64x64xf32, #tpu.memory_space<hbm>>
      %dma_wait3A_756 = arith.constant 0 : i32
      %dma_wait3A_757 = arith.constant 0 : i32
      %dma_wait3A_758 = arith.constant 0 : i32
      %dma_wait3A_759 = tpu.memref_slice %arg2[%select_n3A_54, %select_n3A_70, %add3A_745, %dma_wait3A_756, %dma_wait3A_757, %dma_wait3A_758] : memref<2x4x16x64x64x64xf32, #tpu.memory_space<hbm>> -> memref<1x1x1x4x64x64xf32, #tpu.memory_space<hbm>>
      %dma_wait3A_760 = tpu.memref_squeeze %dma_wait3A_759 : memref<1x1x1x4x64x64xf32, #tpu.memory_space<hbm>> -> memref<4x64x64xf32, #tpu.memory_space<hbm>>
      tpu.wait_dma2 semaphore(%arg11 : memref<!tpu.dma_semaphore, #tpu.memory_space<semaphore_mem>>) src(%dma_wait3A_760 : memref<4x64x64xf32, #tpu.memory_space<hbm>>) dst(%dma_wait3A_755 : memref<4x64x64xf32, #tpu.memory_space<hbm>>)
      %add3A_761 = arith.constant 1 : i32
      %add3A_762 = arith.addi %mul3A_72, %add3A_761 : i32
      %mul3A_763 = arith.constant 16 : i32
      %mul3A_764 = arith.muli %select_n3A_70, %mul3A_763 : i32
      %add3A_765 = arith.addi %mul3A_764, %mul3A_72 : i32
      %add3A_766 = arith.constant 1 : i32
      %add3A_767 = arith.addi %add3A_765, %add3A_766 : i32
      %dma_start3A_768 = arith.constant 28 : i32
      %dma_start3A_769 = arith.constant 0 : i32
      %dma_start3A_770 = arith.constant 0 : i32
      %dma_start3A_771 = tpu.memref_slice %arg5[%select_n3A_54, %add3A_767, %dma_start3A_768, %dma_start3A_769, %dma_start3A_770] : memref<2x64x64x64x64xf32, #tpu.memory_space<hbm>> -> memref<1x1x4x64x64xf32, #tpu.memory_space<hbm>>
      %dma_start3A_772 = tpu.memref_squeeze %dma_start3A_771 : memref<1x1x4x64x64xf32, #tpu.memory_space<hbm>> -> memref<4x64x64xf32, #tpu.memory_space<hbm>>
      %dma_start3A_773 = arith.constant 28 : i32
      %dma_start3A_774 = arith.constant 0 : i32
      %dma_start3A_775 = arith.constant 0 : i32
      %dma_start3A_776 = tpu.memref_slice %arg2[%select_n3A_54, %select_n3A_70, %add3A_762, %dma_start3A_773, %dma_start3A_774, %dma_start3A_775] : memref<2x4x16x64x64x64xf32, #tpu.memory_space<hbm>> -> memref<1x1x1x4x64x64xf32, #tpu.memory_space<hbm>>
      %dma_start3A_777 = tpu.memref_squeeze %dma_start3A_776 : memref<1x1x1x4x64x64xf32, #tpu.memory_space<hbm>> -> memref<4x64x64xf32, #tpu.memory_space<hbm>>
      tpu.enqueue_dma source(%dma_start3A_777 : memref<4x64x64xf32, #tpu.memory_space<hbm>>) target(%dma_start3A_772 : memref<4x64x64xf32, #tpu.memory_space<hbm>>) target_semaphore(%arg12 : memref<!tpu.dma_semaphore, #tpu.memory_space<semaphore_mem>>)
      %add3A_778 = arith.constant 1 : i32
      %add3A_779 = arith.addi %mul3A_72, %add3A_778 : i32
      %mul3A_780 = arith.constant 16 : i32
      %mul3A_781 = arith.muli %select_n3A_70, %mul3A_780 : i32
      %add3A_782 = arith.addi %mul3A_781, %mul3A_72 : i32
      %add3A_783 = arith.constant 1 : i32
      %add3A_784 = arith.addi %add3A_782, %add3A_783 : i32
      %dma_wait3A_785 = arith.constant 4 : i32
      %dma_wait3A_786 = arith.constant 0 : i32
      %dma_wait3A_787 = arith.constant 0 : i32
      %dma_wait3A_788 = tpu.memref_slice %arg5[%select_n3A_54, %add3A_784, %dma_wait3A_785, %dma_wait3A_786, %dma_wait3A_787] : memref<2x64x64x64x64xf32, #tpu.memory_space<hbm>> -> memref<1x1x4x64x64xf32, #tpu.memory_space<hbm>>
      %dma_wait3A_789 = tpu.memref_squeeze %dma_wait3A_788 : memref<1x1x4x64x64xf32, #tpu.memory_space<hbm>> -> memref<4x64x64xf32, #tpu.memory_space<hbm>>
      %dma_wait3A_790 = arith.constant 4 : i32
      %dma_wait3A_791 = arith.constant 0 : i32
      %dma_wait3A_792 = arith.constant 0 : i32
      %dma_wait3A_793 = tpu.memref_slice %arg2[%select_n3A_54, %select_n3A_70, %add3A_779, %dma_wait3A_790, %dma_wait3A_791, %dma_wait3A_792] : memref<2x4x16x64x64x64xf32, #tpu.memory_space<hbm>> -> memref<1x1x1x4x64x64xf32, #tpu.memory_space<hbm>>
      %dma_wait3A_794 = tpu.memref_squeeze %dma_wait3A_793 : memref<1x1x1x4x64x64xf32, #tpu.memory_space<hbm>> -> memref<4x64x64xf32, #tpu.memory_space<hbm>>
      tpu.wait_dma2 semaphore(%arg12 : memref<!tpu.dma_semaphore, #tpu.memory_space<semaphore_mem>>) src(%dma_wait3A_794 : memref<4x64x64xf32, #tpu.memory_space<hbm>>) dst(%dma_wait3A_789 : memref<4x64x64xf32, #tpu.memory_space<hbm>>)
      %add3A_795 = arith.constant 1 : i32
      %add3A_796 = arith.addi %mul3A_72, %add3A_795 : i32
      %mul3A_797 = arith.constant 16 : i32
      %mul3A_798 = arith.muli %select_n3A_70, %mul3A_797 : i32
      %add3A_799 = arith.addi %mul3A_798, %mul3A_72 : i32
      %add3A_800 = arith.constant 1 : i32
      %add3A_801 = arith.addi %add3A_799, %add3A_800 : i32
      %dma_start3A_802 = arith.constant 32 : i32
      %dma_start3A_803 = arith.constant 0 : i32
      %dma_start3A_804 = arith.constant 0 : i32
      %dma_start3A_805 = tpu.memref_slice %arg5[%select_n3A_54, %add3A_801, %dma_start3A_802, %dma_start3A_803, %dma_start3A_804] : memref<2x64x64x64x64xf32, #tpu.memory_space<hbm>> -> memref<1x1x4x64x64xf32, #tpu.memory_space<hbm>>
      %dma_start3A_806 = tpu.memref_squeeze %dma_start3A_805 : memref<1x1x4x64x64xf32, #tpu.memory_space<hbm>> -> memref<4x64x64xf32, #tpu.memory_space<hbm>>
      %dma_start3A_807 = arith.constant 32 : i32
      %dma_start3A_808 = arith.constant 0 : i32
      %dma_start3A_809 = arith.constant 0 : i32
      %dma_start3A_810 = tpu.memref_slice %arg2[%select_n3A_54, %select_n3A_70, %add3A_796, %dma_start3A_807, %dma_start3A_808, %dma_start3A_809] : memref<2x4x16x64x64x64xf32, #tpu.memory_space<hbm>> -> memref<1x1x1x4x64x64xf32, #tpu.memory_space<hbm>>
      %dma_start3A_811 = tpu.memref_squeeze %dma_start3A_810 : memref<1x1x1x4x64x64xf32, #tpu.memory_space<hbm>> -> memref<4x64x64xf32, #tpu.memory_space<hbm>>
      tpu.enqueue_dma source(%dma_start3A_811 : memref<4x64x64xf32, #tpu.memory_space<hbm>>) target(%dma_start3A_806 : memref<4x64x64xf32, #tpu.memory_space<hbm>>) target_semaphore(%arg10 : memref<!tpu.dma_semaphore, #tpu.memory_space<semaphore_mem>>)
      %add3A_812 = arith.constant 1 : i32
      %add3A_813 = arith.addi %mul3A_72, %add3A_812 : i32
      %mul3A_814 = arith.constant 16 : i32
      %mul3A_815 = arith.muli %select_n3A_70, %mul3A_814 : i32
      %add3A_816 = arith.addi %mul3A_815, %mul3A_72 : i32
      %add3A_817 = arith.constant 1 : i32
      %add3A_818 = arith.addi %add3A_816, %add3A_817 : i32
      %dma_wait3A_819 = arith.constant 8 : i32
      %dma_wait3A_820 = arith.constant 0 : i32
      %dma_wait3A_821 = arith.constant 0 : i32
      %dma_wait3A_822 = tpu.memref_slice %arg5[%select_n3A_54, %add3A_818, %dma_wait3A_819, %dma_wait3A_820, %dma_wait3A_821] : memref<2x64x64x64x64xf32, #tpu.memory_space<hbm>> -> memref<1x1x4x64x64xf32, #tpu.memory_space<hbm>>
      %dma_wait3A_823 = tpu.memref_squeeze %dma_wait3A_822 : memref<1x1x4x64x64xf32, #tpu.memory_space<hbm>> -> memref<4x64x64xf32, #tpu.memory_space<hbm>>
      %dma_wait3A_824 = arith.constant 8 : i32
      %dma_wait3A_825 = arith.constant 0 : i32
      %dma_wait3A_826 = arith.constant 0 : i32
      %dma_wait3A_827 = tpu.memref_slice %arg2[%select_n3A_54, %select_n3A_70, %add3A_813, %dma_wait3A_824, %dma_wait3A_825, %dma_wait3A_826] : memref<2x4x16x64x64x64xf32, #tpu.memory_space<hbm>> -> memref<1x1x1x4x64x64xf32, #tpu.memory_space<hbm>>
      %dma_wait3A_828 = tpu.memref_squeeze %dma_wait3A_827 : memref<1x1x1x4x64x64xf32, #tpu.memory_space<hbm>> -> memref<4x64x64xf32, #tpu.memory_space<hbm>>
      tpu.wait_dma2 semaphore(%arg10 : memref<!tpu.dma_semaphore, #tpu.memory_space<semaphore_mem>>) src(%dma_wait3A_828 : memref<4x64x64xf32, #tpu.memory_space<hbm>>) dst(%dma_wait3A_823 : memref<4x64x64xf32, #tpu.memory_space<hbm>>)
      %add3A_829 = arith.constant 1 : i32
      %add3A_830 = arith.addi %mul3A_72, %add3A_829 : i32
      %mul3A_831 = arith.constant 16 : i32
      %mul3A_832 = arith.muli %select_n3A_70, %mul3A_831 : i32
      %add3A_833 = arith.addi %mul3A_832, %mul3A_72 : i32
      %add3A_834 = arith.constant 1 : i32
      %add3A_835 = arith.addi %add3A_833, %add3A_834 : i32
      %dma_start3A_836 = arith.constant 36 : i32
      %dma_start3A_837 = arith.constant 0 : i32
      %dma_start3A_838 = arith.constant 0 : i32
      %dma_start3A_839 = tpu.memref_slice %arg5[%select_n3A_54, %add3A_835, %dma_start3A_836, %dma_start3A_837, %dma_start3A_838] : memref<2x64x64x64x64xf32, #tpu.memory_space<hbm>> -> memref<1x1x4x64x64xf32, #tpu.memory_space<hbm>>
      %dma_start3A_840 = tpu.memref_squeeze %dma_start3A_839 : memref<1x1x4x64x64xf32, #tpu.memory_space<hbm>> -> memref<4x64x64xf32, #tpu.memory_space<hbm>>
      %dma_start3A_841 = arith.constant 36 : i32
      %dma_start3A_842 = arith.constant 0 : i32
      %dma_start3A_843 = arith.constant 0 : i32
      %dma_start3A_844 = tpu.memref_slice %arg2[%select_n3A_54, %select_n3A_70, %add3A_830, %dma_start3A_841, %dma_start3A_842, %dma_start3A_843] : memref<2x4x16x64x64x64xf32, #tpu.memory_space<hbm>> -> memref<1x1x1x4x64x64xf32, #tpu.memory_space<hbm>>
      %dma_start3A_845 = tpu.memref_squeeze %dma_start3A_844 : memref<1x1x1x4x64x64xf32, #tpu.memory_space<hbm>> -> memref<4x64x64xf32, #tpu.memory_space<hbm>>
      tpu.enqueue_dma source(%dma_start3A_845 : memref<4x64x64xf32, #tpu.memory_space<hbm>>) target(%dma_start3A_840 : memref<4x64x64xf32, #tpu.memory_space<hbm>>) target_semaphore(%arg11 : memref<!tpu.dma_semaphore, #tpu.memory_space<semaphore_mem>>)
      %add3A_846 = arith.constant 1 : i32
      %add3A_847 = arith.addi %mul3A_72, %add3A_846 : i32
      %mul3A_848 = arith.constant 16 : i32
      %mul3A_849 = arith.muli %select_n3A_70, %mul3A_848 : i32
      %add3A_850 = arith.addi %mul3A_849, %mul3A_72 : i32
      %add3A_851 = arith.constant 1 : i32
      %add3A_852 = arith.addi %add3A_850, %add3A_851 : i32
      %dma_wait3A_853 = arith.constant 12 : i32
      %dma_wait3A_854 = arith.constant 0 : i32
      %dma_wait3A_855 = arith.constant 0 : i32
      %dma_wait3A_856 = tpu.memref_slice %arg5[%select_n3A_54, %add3A_852, %dma_wait3A_853, %dma_wait3A_854, %dma_wait3A_855] : memref<2x64x64x64x64xf32, #tpu.memory_space<hbm>> -> memref<1x1x4x64x64xf32, #tpu.memory_space<hbm>>
      %dma_wait3A_857 = tpu.memref_squeeze %dma_wait3A_856 : memref<1x1x4x64x64xf32, #tpu.memory_space<hbm>> -> memref<4x64x64xf32, #tpu.memory_space<hbm>>
      %dma_wait3A_858 = arith.constant 12 : i32
      %dma_wait3A_859 = arith.constant 0 : i32
      %dma_wait3A_860 = arith.constant 0 : i32
      %dma_wait3A_861 = tpu.memref_slice %arg2[%select_n3A_54, %select_n3A_70, %add3A_847, %dma_wait3A_858, %dma_wait3A_859, %dma_wait3A_860] : memref<2x4x16x64x64x64xf32, #tpu.memory_space<hbm>> -> memref<1x1x1x4x64x64xf32, #tpu.memory_space<hbm>>
      %dma_wait3A_862 = tpu.memref_squeeze %dma_wait3A_861 : memref<1x1x1x4x64x64xf32, #tpu.memory_space<hbm>> -> memref<4x64x64xf32, #tpu.memory_space<hbm>>
      tpu.wait_dma2 semaphore(%arg11 : memref<!tpu.dma_semaphore, #tpu.memory_space<semaphore_mem>>) src(%dma_wait3A_862 : memref<4x64x64xf32, #tpu.memory_space<hbm>>) dst(%dma_wait3A_857 : memref<4x64x64xf32, #tpu.memory_space<hbm>>)
      %add3A_863 = arith.constant 1 : i32
      %add3A_864 = arith.addi %mul3A_72, %add3A_863 : i32
      %mul3A_865 = arith.constant 16 : i32
      %mul3A_866 = arith.muli %select_n3A_70, %mul3A_865 : i32
      %add3A_867 = arith.addi %mul3A_866, %mul3A_72 : i32
      %add3A_868 = arith.constant 1 : i32
      %add3A_869 = arith.addi %add3A_867, %add3A_868 : i32
      %dma_start3A_870 = arith.constant 40 : i32
      %dma_start3A_871 = arith.constant 0 : i32
      %dma_start3A_872 = arith.constant 0 : i32
      %dma_start3A_873 = tpu.memref_slice %arg5[%select_n3A_54, %add3A_869, %dma_start3A_870, %dma_start3A_871, %dma_start3A_872] : memref<2x64x64x64x64xf32, #tpu.memory_space<hbm>> -> memref<1x1x4x64x64xf32, #tpu.memory_space<hbm>>
      %dma_start3A_874 = tpu.memref_squeeze %dma_start3A_873 : memref<1x1x4x64x64xf32, #tpu.memory_space<hbm>> -> memref<4x64x64xf32, #tpu.memory_space<hbm>>
      %dma_start3A_875 = arith.constant 40 : i32
      %dma_start3A_876 = arith.constant 0 : i32
      %dma_start3A_877 = arith.constant 0 : i32
      %dma_start3A_878 = tpu.memref_slice %arg2[%select_n3A_54, %select_n3A_70, %add3A_864, %dma_start3A_875, %dma_start3A_876, %dma_start3A_877] : memref<2x4x16x64x64x64xf32, #tpu.memory_space<hbm>> -> memref<1x1x1x4x64x64xf32, #tpu.memory_space<hbm>>
      %dma_start3A_879 = tpu.memref_squeeze %dma_start3A_878 : memref<1x1x1x4x64x64xf32, #tpu.memory_space<hbm>> -> memref<4x64x64xf32, #tpu.memory_space<hbm>>
      tpu.enqueue_dma source(%dma_start3A_879 : memref<4x64x64xf32, #tpu.memory_space<hbm>>) target(%dma_start3A_874 : memref<4x64x64xf32, #tpu.memory_space<hbm>>) target_semaphore(%arg12 : memref<!tpu.dma_semaphore, #tpu.memory_space<semaphore_mem>>)
      %add3A_880 = arith.constant 1 : i32
      %add3A_881 = arith.addi %mul3A_72, %add3A_880 : i32
      %mul3A_882 = arith.constant 16 : i32
      %mul3A_883 = arith.muli %select_n3A_70, %mul3A_882 : i32
      %add3A_884 = arith.addi %mul3A_883, %mul3A_72 : i32
      %add3A_885 = arith.constant 1 : i32
      %add3A_886 = arith.addi %add3A_884, %add3A_885 : i32
      %dma_wait3A_887 = arith.constant 16 : i32
      %dma_wait3A_888 = arith.constant 0 : i32
      %dma_wait3A_889 = arith.constant 0 : i32
      %dma_wait3A_890 = tpu.memref_slice %arg5[%select_n3A_54, %add3A_886, %dma_wait3A_887, %dma_wait3A_888, %dma_wait3A_889] : memref<2x64x64x64x64xf32, #tpu.memory_space<hbm>> -> memref<1x1x4x64x64xf32, #tpu.memory_space<hbm>>
      %dma_wait3A_891 = tpu.memref_squeeze %dma_wait3A_890 : memref<1x1x4x64x64xf32, #tpu.memory_space<hbm>> -> memref<4x64x64xf32, #tpu.memory_space<hbm>>
      %dma_wait3A_892 = arith.constant 16 : i32
      %dma_wait3A_893 = arith.constant 0 : i32
      %dma_wait3A_894 = arith.constant 0 : i32
      %dma_wait3A_895 = tpu.memref_slice %arg2[%select_n3A_54, %select_n3A_70, %add3A_881, %dma_wait3A_892, %dma_wait3A_893, %dma_wait3A_894] : memref<2x4x16x64x64x64xf32, #tpu.memory_space<hbm>> -> memref<1x1x1x4x64x64xf32, #tpu.memory_space<hbm>>
      %dma_wait3A_896 = tpu.memref_squeeze %dma_wait3A_895 : memref<1x1x1x4x64x64xf32, #tpu.memory_space<hbm>> -> memref<4x64x64xf32, #tpu.memory_space<hbm>>
      tpu.wait_dma2 semaphore(%arg12 : memref<!tpu.dma_semaphore, #tpu.memory_space<semaphore_mem>>) src(%dma_wait3A_896 : memref<4x64x64xf32, #tpu.memory_space<hbm>>) dst(%dma_wait3A_891 : memref<4x64x64xf32, #tpu.memory_space<hbm>>)
      %add3A_897 = arith.constant 1 : i32
      %add3A_898 = arith.addi %mul3A_72, %add3A_897 : i32
      %mul3A_899 = arith.constant 16 : i32
      %mul3A_900 = arith.muli %select_n3A_70, %mul3A_899 : i32
      %add3A_901 = arith.addi %mul3A_900, %mul3A_72 : i32
      %add3A_902 = arith.constant 1 : i32
      %add3A_903 = arith.addi %add3A_901, %add3A_902 : i32
      %dma_start3A_904 = arith.constant 44 : i32
      %dma_start3A_905 = arith.constant 0 : i32
      %dma_start3A_906 = arith.constant 0 : i32
      %dma_start3A_907 = tpu.memref_slice %arg5[%select_n3A_54, %add3A_903, %dma_start3A_904, %dma_start3A_905, %dma_start3A_906] : memref<2x64x64x64x64xf32, #tpu.memory_space<hbm>> -> memref<1x1x4x64x64xf32, #tpu.memory_space<hbm>>
      %dma_start3A_908 = tpu.memref_squeeze %dma_start3A_907 : memref<1x1x4x64x64xf32, #tpu.memory_space<hbm>> -> memref<4x64x64xf32, #tpu.memory_space<hbm>>
      %dma_start3A_909 = arith.constant 44 : i32
      %dma_start3A_910 = arith.constant 0 : i32
      %dma_start3A_911 = arith.constant 0 : i32
      %dma_start3A_912 = tpu.memref_slice %arg2[%select_n3A_54, %select_n3A_70, %add3A_898, %dma_start3A_909, %dma_start3A_910, %dma_start3A_911] : memref<2x4x16x64x64x64xf32, #tpu.memory_space<hbm>> -> memref<1x1x1x4x64x64xf32, #tpu.memory_space<hbm>>
      %dma_start3A_913 = tpu.memref_squeeze %dma_start3A_912 : memref<1x1x1x4x64x64xf32, #tpu.memory_space<hbm>> -> memref<4x64x64xf32, #tpu.memory_space<hbm>>
      tpu.enqueue_dma source(%dma_start3A_913 : memref<4x64x64xf32, #tpu.memory_space<hbm>>) target(%dma_start3A_908 : memref<4x64x64xf32, #tpu.memory_space<hbm>>) target_semaphore(%arg10 : memref<!tpu.dma_semaphore, #tpu.memory_space<semaphore_mem>>)
      %add3A_914 = arith.constant 1 : i32
      %add3A_915 = arith.addi %mul3A_72, %add3A_914 : i32
      %mul3A_916 = arith.constant 16 : i32
      %mul3A_917 = arith.muli %select_n3A_70, %mul3A_916 : i32
      %add3A_918 = arith.addi %mul3A_917, %mul3A_72 : i32
      %add3A_919 = arith.constant 1 : i32
      %add3A_920 = arith.addi %add3A_918, %add3A_919 : i32
      %dma_wait3A_921 = arith.constant 20 : i32
      %dma_wait3A_922 = arith.constant 0 : i32
      %dma_wait3A_923 = arith.constant 0 : i32
      %dma_wait3A_924 = tpu.memref_slice %arg5[%select_n3A_54, %add3A_920, %dma_wait3A_921, %dma_wait3A_922, %dma_wait3A_923] : memref<2x64x64x64x64xf32, #tpu.memory_space<hbm>> -> memref<1x1x4x64x64xf32, #tpu.memory_space<hbm>>
      %dma_wait3A_925 = tpu.memref_squeeze %dma_wait3A_924 : memref<1x1x4x64x64xf32, #tpu.memory_space<hbm>> -> memref<4x64x64xf32, #tpu.memory_space<hbm>>
      %dma_wait3A_926 = arith.constant 20 : i32
      %dma_wait3A_927 = arith.constant 0 : i32
      %dma_wait3A_928 = arith.constant 0 : i32
      %dma_wait3A_929 = tpu.memref_slice %arg2[%select_n3A_54, %select_n3A_70, %add3A_915, %dma_wait3A_926, %dma_wait3A_927, %dma_wait3A_928] : memref<2x4x16x64x64x64xf32, #tpu.memory_space<hbm>> -> memref<1x1x1x4x64x64xf32, #tpu.memory_space<hbm>>
      %dma_wait3A_930 = tpu.memref_squeeze %dma_wait3A_929 : memref<1x1x1x4x64x64xf32, #tpu.memory_space<hbm>> -> memref<4x64x64xf32, #tpu.memory_space<hbm>>
      tpu.wait_dma2 semaphore(%arg10 : memref<!tpu.dma_semaphore, #tpu.memory_space<semaphore_mem>>) src(%dma_wait3A_930 : memref<4x64x64xf32, #tpu.memory_space<hbm>>) dst(%dma_wait3A_925 : memref<4x64x64xf32, #tpu.memory_space<hbm>>)
      %add3A_931 = arith.constant 1 : i32
      %add3A_932 = arith.addi %mul3A_72, %add3A_931 : i32
      %mul3A_933 = arith.constant 16 : i32
      %mul3A_934 = arith.muli %select_n3A_70, %mul3A_933 : i32
      %add3A_935 = arith.addi %mul3A_934, %mul3A_72 : i32
      %add3A_936 = arith.constant 1 : i32
      %add3A_937 = arith.addi %add3A_935, %add3A_936 : i32
      %dma_start3A_938 = arith.constant 48 : i32
      %dma_start3A_939 = arith.constant 0 : i32
      %dma_start3A_940 = arith.constant 0 : i32
      %dma_start3A_941 = tpu.memref_slice %arg5[%select_n3A_54, %add3A_937, %dma_start3A_938, %dma_start3A_939, %dma_start3A_940] : memref<2x64x64x64x64xf32, #tpu.memory_space<hbm>> -> memref<1x1x4x64x64xf32, #tpu.memory_space<hbm>>
      %dma_start3A_942 = tpu.memref_squeeze %dma_start3A_941 : memref<1x1x4x64x64xf32, #tpu.memory_space<hbm>> -> memref<4x64x64xf32, #tpu.memory_space<hbm>>
      %dma_start3A_943 = arith.constant 48 : i32
      %dma_start3A_944 = arith.constant 0 : i32
      %dma_start3A_945 = arith.constant 0 : i32
      %dma_start3A_946 = tpu.memref_slice %arg2[%select_n3A_54, %select_n3A_70, %add3A_932, %dma_start3A_943, %dma_start3A_944, %dma_start3A_945] : memref<2x4x16x64x64x64xf32, #tpu.memory_space<hbm>> -> memref<1x1x1x4x64x64xf32, #tpu.memory_space<hbm>>
      %dma_start3A_947 = tpu.memref_squeeze %dma_start3A_946 : memref<1x1x1x4x64x64xf32, #tpu.memory_space<hbm>> -> memref<4x64x64xf32, #tpu.memory_space<hbm>>
      tpu.enqueue_dma source(%dma_start3A_947 : memref<4x64x64xf32, #tpu.memory_space<hbm>>) target(%dma_start3A_942 : memref<4x64x64xf32, #tpu.memory_space<hbm>>) target_semaphore(%arg11 : memref<!tpu.dma_semaphore, #tpu.memory_space<semaphore_mem>>)
      %add3A_948 = arith.constant 1 : i32
      %add3A_949 = arith.addi %mul3A_72, %add3A_948 : i32
      %mul3A_950 = arith.constant 16 : i32
      %mul3A_951 = arith.muli %select_n3A_70, %mul3A_950 : i32
      %add3A_952 = arith.addi %mul3A_951, %mul3A_72 : i32
      %add3A_953 = arith.constant 1 : i32
      %add3A_954 = arith.addi %add3A_952, %add3A_953 : i32
      %dma_wait3A_955 = arith.constant 24 : i32
      %dma_wait3A_956 = arith.constant 0 : i32
      %dma_wait3A_957 = arith.constant 0 : i32
      %dma_wait3A_958 = tpu.memref_slice %arg5[%select_n3A_54, %add3A_954, %dma_wait3A_955, %dma_wait3A_956, %dma_wait3A_957] : memref<2x64x64x64x64xf32, #tpu.memory_space<hbm>> -> memref<1x1x4x64x64xf32, #tpu.memory_space<hbm>>
      %dma_wait3A_959 = tpu.memref_squeeze %dma_wait3A_958 : memref<1x1x4x64x64xf32, #tpu.memory_space<hbm>> -> memref<4x64x64xf32, #tpu.memory_space<hbm>>
      %dma_wait3A_960 = arith.constant 24 : i32
      %dma_wait3A_961 = arith.constant 0 : i32
      %dma_wait3A_962 = arith.constant 0 : i32
      %dma_wait3A_963 = tpu.memref_slice %arg2[%select_n3A_54, %select_n3A_70, %add3A_949, %dma_wait3A_960, %dma_wait3A_961, %dma_wait3A_962] : memref<2x4x16x64x64x64xf32, #tpu.memory_space<hbm>> -> memref<1x1x1x4x64x64xf32, #tpu.memory_space<hbm>>
      %dma_wait3A_964 = tpu.memref_squeeze %dma_wait3A_963 : memref<1x1x1x4x64x64xf32, #tpu.memory_space<hbm>> -> memref<4x64x64xf32, #tpu.memory_space<hbm>>
      tpu.wait_dma2 semaphore(%arg11 : memref<!tpu.dma_semaphore, #tpu.memory_space<semaphore_mem>>) src(%dma_wait3A_964 : memref<4x64x64xf32, #tpu.memory_space<hbm>>) dst(%dma_wait3A_959 : memref<4x64x64xf32, #tpu.memory_space<hbm>>)
      %add3A_965 = arith.constant 1 : i32
      %add3A_966 = arith.addi %mul3A_72, %add3A_965 : i32
      %mul3A_967 = arith.constant 16 : i32
      %mul3A_968 = arith.muli %select_n3A_70, %mul3A_967 : i32
      %add3A_969 = arith.addi %mul3A_968, %mul3A_72 : i32
      %add3A_970 = arith.constant 1 : i32
      %add3A_971 = arith.addi %add3A_969, %add3A_970 : i32
      %dma_start3A_972 = arith.constant 52 : i32
      %dma_start3A_973 = arith.constant 0 : i32
      %dma_start3A_974 = arith.constant 0 : i32
      %dma_start3A_975 = tpu.memref_slice %arg5[%select_n3A_54, %add3A_971, %dma_start3A_972, %dma_start3A_973, %dma_start3A_974] : memref<2x64x64x64x64xf32, #tpu.memory_space<hbm>> -> memref<1x1x4x64x64xf32, #tpu.memory_space<hbm>>
      %dma_start3A_976 = tpu.memref_squeeze %dma_start3A_975 : memref<1x1x4x64x64xf32, #tpu.memory_space<hbm>> -> memref<4x64x64xf32, #tpu.memory_space<hbm>>
      %dma_start3A_977 = arith.constant 52 : i32
      %dma_start3A_978 = arith.constant 0 : i32
      %dma_start3A_979 = arith.constant 0 : i32
      %dma_start3A_980 = tpu.memref_slice %arg2[%select_n3A_54, %select_n3A_70, %add3A_966, %dma_start3A_977, %dma_start3A_978, %dma_start3A_979] : memref<2x4x16x64x64x64xf32, #tpu.memory_space<hbm>> -> memref<1x1x1x4x64x64xf32, #tpu.memory_space<hbm>>
      %dma_start3A_981 = tpu.memref_squeeze %dma_start3A_980 : memref<1x1x1x4x64x64xf32, #tpu.memory_space<hbm>> -> memref<4x64x64xf32, #tpu.memory_space<hbm>>
      tpu.enqueue_dma source(%dma_start3A_981 : memref<4x64x64xf32, #tpu.memory_space<hbm>>) target(%dma_start3A_976 : memref<4x64x64xf32, #tpu.memory_space<hbm>>) target_semaphore(%arg12 : memref<!tpu.dma_semaphore, #tpu.memory_space<semaphore_mem>>)
      %add3A_982 = arith.constant 1 : i32
      %add3A_983 = arith.addi %mul3A_72, %add3A_982 : i32
      %mul3A_984 = arith.constant 16 : i32
      %mul3A_985 = arith.muli %select_n3A_70, %mul3A_984 : i32
      %add3A_986 = arith.addi %mul3A_985, %mul3A_72 : i32
      %add3A_987 = arith.constant 1 : i32
      %add3A_988 = arith.addi %add3A_986, %add3A_987 : i32
      %dma_wait3A_989 = arith.constant 28 : i32
      %dma_wait3A_990 = arith.constant 0 : i32
      %dma_wait3A_991 = arith.constant 0 : i32
      %dma_wait3A_992 = tpu.memref_slice %arg5[%select_n3A_54, %add3A_988, %dma_wait3A_989, %dma_wait3A_990, %dma_wait3A_991] : memref<2x64x64x64x64xf32, #tpu.memory_space<hbm>> -> memref<1x1x4x64x64xf32, #tpu.memory_space<hbm>>
      %dma_wait3A_993 = tpu.memref_squeeze %dma_wait3A_992 : memref<1x1x4x64x64xf32, #tpu.memory_space<hbm>> -> memref<4x64x64xf32, #tpu.memory_space<hbm>>
      %dma_wait3A_994 = arith.constant 28 : i32
      %dma_wait3A_995 = arith.constant 0 : i32
      %dma_wait3A_996 = arith.constant 0 : i32
      %dma_wait3A_997 = tpu.memref_slice %arg2[%select_n3A_54, %select_n3A_70, %add3A_983, %dma_wait3A_994, %dma_wait3A_995, %dma_wait3A_996] : memref<2x4x16x64x64x64xf32, #tpu.memory_space<hbm>> -> memref<1x1x1x4x64x64xf32, #tpu.memory_space<hbm>>
      %dma_wait3A_998 = tpu.memref_squeeze %dma_wait3A_997 : memref<1x1x1x4x64x64xf32, #tpu.memory_space<hbm>> -> memref<4x64x64xf32, #tpu.memory_space<hbm>>
      tpu.wait_dma2 semaphore(%arg12 : memref<!tpu.dma_semaphore, #tpu.memory_space<semaphore_mem>>) src(%dma_wait3A_998 : memref<4x64x64xf32, #tpu.memory_space<hbm>>) dst(%dma_wait3A_993 : memref<4x64x64xf32, #tpu.memory_space<hbm>>)
      %add3A_999 = arith.constant 1 : i32
      %add3A_1000 = arith.addi %mul3A_72, %add3A_999 : i32
      %mul3A_1001 = arith.constant 16 : i32
      %mul3A_1002 = arith.muli %select_n3A_70, %mul3A_1001 : i32
      %add3A_1003 = arith.addi %mul3A_1002, %mul3A_72 : i32
      %add3A_1004 = arith.constant 1 : i32
      %add3A_1005 = arith.addi %add3A_1003, %add3A_1004 : i32
      %dma_start3A_1006 = arith.constant 56 : i32
      %dma_start3A_1007 = arith.constant 0 : i32
      %dma_start3A_1008 = arith.constant 0 : i32
      %dma_start3A_1009 = tpu.memref_slice %arg5[%select_n3A_54, %add3A_1005, %dma_start3A_1006, %dma_start3A_1007, %dma_start3A_1008] : memref<2x64x64x64x64xf32, #tpu.memory_space<hbm>> -> memref<1x1x4x64x64xf32, #tpu.memory_space<hbm>>
      %dma_start3A_1010 = tpu.memref_squeeze %dma_start3A_1009 : memref<1x1x4x64x64xf32, #tpu.memory_space<hbm>> -> memref<4x64x64xf32, #tpu.memory_space<hbm>>
      %dma_start3A_1011 = arith.constant 56 : i32
      %dma_start3A_1012 = arith.constant 0 : i32
      %dma_start3A_1013 = arith.constant 0 : i32
      %dma_start3A_1014 = tpu.memref_slice %arg2[%select_n3A_54, %select_n3A_70, %add3A_1000, %dma_start3A_1011, %dma_start3A_1012, %dma_start3A_1013] : memref<2x4x16x64x64x64xf32, #tpu.memory_space<hbm>> -> memref<1x1x1x4x64x64xf32, #tpu.memory_space<hbm>>
      %dma_start3A_1015 = tpu.memref_squeeze %dma_start3A_1014 : memref<1x1x1x4x64x64xf32, #tpu.memory_space<hbm>> -> memref<4x64x64xf32, #tpu.memory_space<hbm>>
      tpu.enqueue_dma source(%dma_start3A_1015 : memref<4x64x64xf32, #tpu.memory_space<hbm>>) target(%dma_start3A_1010 : memref<4x64x64xf32, #tpu.memory_space<hbm>>) target_semaphore(%arg10 : memref<!tpu.dma_semaphore, #tpu.memory_space<semaphore_mem>>)
      %add3A_1016 = arith.constant 1 : i32
      %add3A_1017 = arith.addi %mul3A_72, %add3A_1016 : i32
      %mul3A_1018 = arith.constant 16 : i32
      %mul3A_1019 = arith.muli %select_n3A_70, %mul3A_1018 : i32
      %add3A_1020 = arith.addi %mul3A_1019, %mul3A_72 : i32
      %add3A_1021 = arith.constant 1 : i32
      %add3A_1022 = arith.addi %add3A_1020, %add3A_1021 : i32
      %dma_wait3A_1023 = arith.constant 32 : i32
      %dma_wait3A_1024 = arith.constant 0 : i32
      %dma_wait3A_1025 = arith.constant 0 : i32
      %dma_wait3A_1026 = tpu.memref_slice %arg5[%select_n3A_54, %add3A_1022, %dma_wait3A_1023, %dma_wait3A_1024, %dma_wait3A_1025] : memref<2x64x64x64x64xf32, #tpu.memory_space<hbm>> -> memref<1x1x4x64x64xf32, #tpu.memory_space<hbm>>
      %dma_wait3A_1027 = tpu.memref_squeeze %dma_wait3A_1026 : memref<1x1x4x64x64xf32, #tpu.memory_space<hbm>> -> memref<4x64x64xf32, #tpu.memory_space<hbm>>
      %dma_wait3A_1028 = arith.constant 32 : i32
      %dma_wait3A_1029 = arith.constant 0 : i32
      %dma_wait3A_1030 = arith.constant 0 : i32
      %dma_wait3A_1031 = tpu.memref_slice %arg2[%select_n3A_54, %select_n3A_70, %add3A_1017, %dma_wait3A_1028, %dma_wait3A_1029, %dma_wait3A_1030] : memref<2x4x16x64x64x64xf32, #tpu.memory_space<hbm>> -> memref<1x1x1x4x64x64xf32, #tpu.memory_space<hbm>>
      %dma_wait3A_1032 = tpu.memref_squeeze %dma_wait3A_1031 : memref<1x1x1x4x64x64xf32, #tpu.memory_space<hbm>> -> memref<4x64x64xf32, #tpu.memory_space<hbm>>
      tpu.wait_dma2 semaphore(%arg10 : memref<!tpu.dma_semaphore, #tpu.memory_space<semaphore_mem>>) src(%dma_wait3A_1032 : memref<4x64x64xf32, #tpu.memory_space<hbm>>) dst(%dma_wait3A_1027 : memref<4x64x64xf32, #tpu.memory_space<hbm>>)
      %add3A_1033 = arith.constant 1 : i32
      %add3A_1034 = arith.addi %mul3A_72, %add3A_1033 : i32
      %mul3A_1035 = arith.constant 16 : i32
      %mul3A_1036 = arith.muli %select_n3A_70, %mul3A_1035 : i32
      %add3A_1037 = arith.addi %mul3A_1036, %mul3A_72 : i32
      %add3A_1038 = arith.constant 1 : i32
      %add3A_1039 = arith.addi %add3A_1037, %add3A_1038 : i32
      %dma_start3A_1040 = arith.constant 60 : i32
      %dma_start3A_1041 = arith.constant 0 : i32
      %dma_start3A_1042 = arith.constant 0 : i32
      %dma_start3A_1043 = tpu.memref_slice %arg5[%select_n3A_54, %add3A_1039, %dma_start3A_1040, %dma_start3A_1041, %dma_start3A_1042] : memref<2x64x64x64x64xf32, #tpu.memory_space<hbm>> -> memref<1x1x4x64x64xf32, #tpu.memory_space<hbm>>
      %dma_start3A_1044 = tpu.memref_squeeze %dma_start3A_1043 : memref<1x1x4x64x64xf32, #tpu.memory_space<hbm>> -> memref<4x64x64xf32, #tpu.memory_space<hbm>>
      %dma_start3A_1045 = arith.constant 60 : i32
      %dma_start3A_1046 = arith.constant 0 : i32
      %dma_start3A_1047 = arith.constant 0 : i32
      %dma_start3A_1048 = tpu.memref_slice %arg2[%select_n3A_54, %select_n3A_70, %add3A_1034, %dma_start3A_1045, %dma_start3A_1046, %dma_start3A_1047] : memref<2x4x16x64x64x64xf32, #tpu.memory_space<hbm>> -> memref<1x1x1x4x64x64xf32, #tpu.memory_space<hbm>>
      %dma_start3A_1049 = tpu.memref_squeeze %dma_start3A_1048 : memref<1x1x1x4x64x64xf32, #tpu.memory_space<hbm>> -> memref<4x64x64xf32, #tpu.memory_space<hbm>>
      tpu.enqueue_dma source(%dma_start3A_1049 : memref<4x64x64xf32, #tpu.memory_space<hbm>>) target(%dma_start3A_1044 : memref<4x64x64xf32, #tpu.memory_space<hbm>>) target_semaphore(%arg11 : memref<!tpu.dma_semaphore, #tpu.memory_space<semaphore_mem>>)
      %add3A_1050 = arith.constant 1 : i32
      %add3A_1051 = arith.addi %mul3A_72, %add3A_1050 : i32
      %mul3A_1052 = arith.constant 16 : i32
      %mul3A_1053 = arith.muli %select_n3A_70, %mul3A_1052 : i32
      %add3A_1054 = arith.addi %mul3A_1053, %mul3A_72 : i32
      %add3A_1055 = arith.constant 1 : i32
      %add3A_1056 = arith.addi %add3A_1054, %add3A_1055 : i32
      %dma_wait3A_1057 = arith.constant 36 : i32
      %dma_wait3A_1058 = arith.constant 0 : i32
      %dma_wait3A_1059 = arith.constant 0 : i32
      %dma_wait3A_1060 = tpu.memref_slice %arg5[%select_n3A_54, %add3A_1056, %dma_wait3A_1057, %dma_wait3A_1058, %dma_wait3A_1059] : memref<2x64x64x64x64xf32, #tpu.memory_space<hbm>> -> memref<1x1x4x64x64xf32, #tpu.memory_space<hbm>>
      %dma_wait3A_1061 = tpu.memref_squeeze %dma_wait3A_1060 : memref<1x1x4x64x64xf32, #tpu.memory_space<hbm>> -> memref<4x64x64xf32, #tpu.memory_space<hbm>>
      %dma_wait3A_1062 = arith.constant 36 : i32
      %dma_wait3A_1063 = arith.constant 0 : i32
      %dma_wait3A_1064 = arith.constant 0 : i32
      %dma_wait3A_1065 = tpu.memref_slice %arg2[%select_n3A_54, %select_n3A_70, %add3A_1051, %dma_wait3A_1062, %dma_wait3A_1063, %dma_wait3A_1064] : memref<2x4x16x64x64x64xf32, #tpu.memory_space<hbm>> -> memref<1x1x1x4x64x64xf32, #tpu.memory_space<hbm>>
      %dma_wait3A_1066 = tpu.memref_squeeze %dma_wait3A_1065 : memref<1x1x1x4x64x64xf32, #tpu.memory_space<hbm>> -> memref<4x64x64xf32, #tpu.memory_space<hbm>>
      tpu.wait_dma2 semaphore(%arg11 : memref<!tpu.dma_semaphore, #tpu.memory_space<semaphore_mem>>) src(%dma_wait3A_1066 : memref<4x64x64xf32, #tpu.memory_space<hbm>>) dst(%dma_wait3A_1061 : memref<4x64x64xf32, #tpu.memory_space<hbm>>)
      %add3A_1067 = arith.constant 2 : i32
      %add3A_1068 = arith.addi %mul3A_72, %add3A_1067 : i32
      %mul3A_1069 = arith.constant 16 : i32
      %mul3A_1070 = arith.muli %select_n3A_70, %mul3A_1069 : i32
      %add3A_1071 = arith.addi %mul3A_1070, %mul3A_72 : i32
      %add3A_1072 = arith.constant 2 : i32
      %add3A_1073 = arith.addi %add3A_1071, %add3A_1072 : i32
      %dma_start3A_1074 = arith.constant 0 : i32
      %dma_start3A_1075 = arith.constant 0 : i32
      %dma_start3A_1076 = arith.constant 0 : i32
      %dma_start3A_1077 = tpu.memref_slice %arg5[%select_n3A_54, %add3A_1073, %dma_start3A_1074, %dma_start3A_1075, %dma_start3A_1076] : memref<2x64x64x64x64xf32, #tpu.memory_space<hbm>> -> memref<1x1x4x64x64xf32, #tpu.memory_space<hbm>>
      %dma_start3A_1078 = tpu.memref_squeeze %dma_start3A_1077 : memref<1x1x4x64x64xf32, #tpu.memory_space<hbm>> -> memref<4x64x64xf32, #tpu.memory_space<hbm>>
      %dma_start3A_1079 = arith.constant 0 : i32
      %dma_start3A_1080 = arith.constant 0 : i32
      %dma_start3A_1081 = arith.constant 0 : i32
      %dma_start3A_1082 = tpu.memref_slice %arg2[%select_n3A_54, %select_n3A_70, %add3A_1068, %dma_start3A_1079, %dma_start3A_1080, %dma_start3A_1081] : memref<2x4x16x64x64x64xf32, #tpu.memory_space<hbm>> -> memref<1x1x1x4x64x64xf32, #tpu.memory_space<hbm>>
      %dma_start3A_1083 = tpu.memref_squeeze %dma_start3A_1082 : memref<1x1x1x4x64x64xf32, #tpu.memory_space<hbm>> -> memref<4x64x64xf32, #tpu.memory_space<hbm>>
      tpu.enqueue_dma source(%dma_start3A_1083 : memref<4x64x64xf32, #tpu.memory_space<hbm>>) target(%dma_start3A_1078 : memref<4x64x64xf32, #tpu.memory_space<hbm>>) target_semaphore(%arg12 : memref<!tpu.dma_semaphore, #tpu.memory_space<semaphore_mem>>)
      %add3A_1084 = arith.constant 1 : i32
      %add3A_1085 = arith.addi %mul3A_72, %add3A_1084 : i32
      %mul3A_1086 = arith.constant 16 : i32
      %mul3A_1087 = arith.muli %select_n3A_70, %mul3A_1086 : i32
      %add3A_1088 = arith.addi %mul3A_1087, %mul3A_72 : i32
      %add3A_1089 = arith.constant 1 : i32
      %add3A_1090 = arith.addi %add3A_1088, %add3A_1089 : i32
      %dma_wait3A_1091 = arith.constant 40 : i32
      %dma_wait3A_1092 = arith.constant 0 : i32
      %dma_wait3A_1093 = arith.constant 0 : i32
      %dma_wait3A_1094 = tpu.memref_slice %arg5[%select_n3A_54, %add3A_1090, %dma_wait3A_1091, %dma_wait3A_1092, %dma_wait3A_1093] : memref<2x64x64x64x64xf32, #tpu.memory_space<hbm>> -> memref<1x1x4x64x64xf32, #tpu.memory_space<hbm>>
      %dma_wait3A_1095 = tpu.memref_squeeze %dma_wait3A_1094 : memref<1x1x4x64x64xf32, #tpu.memory_space<hbm>> -> memref<4x64x64xf32, #tpu.memory_space<hbm>>
      %dma_wait3A_1096 = arith.constant 40 : i32
      %dma_wait3A_1097 = arith.constant 0 : i32
      %dma_wait3A_1098 = arith.constant 0 : i32
      %dma_wait3A_1099 = tpu.memref_slice %arg2[%select_n3A_54, %select_n3A_70, %add3A_1085, %dma_wait3A_1096, %dma_wait3A_1097, %dma_wait3A_1098] : memref<2x4x16x64x64x64xf32, #tpu.memory_space<hbm>> -> memref<1x1x1x4x64x64xf32, #tpu.memory_space<hbm>>
      %dma_wait3A_1100 = tpu.memref_squeeze %dma_wait3A_1099 : memref<1x1x1x4x64x64xf32, #tpu.memory_space<hbm>> -> memref<4x64x64xf32, #tpu.memory_space<hbm>>
      tpu.wait_dma2 semaphore(%arg12 : memref<!tpu.dma_semaphore, #tpu.memory_space<semaphore_mem>>) src(%dma_wait3A_1100 : memref<4x64x64xf32, #tpu.memory_space<hbm>>) dst(%dma_wait3A_1095 : memref<4x64x64xf32, #tpu.memory_space<hbm>>)
      %add3A_1101 = arith.constant 2 : i32
      %add3A_1102 = arith.addi %mul3A_72, %add3A_1101 : i32
      %mul3A_1103 = arith.constant 16 : i32
      %mul3A_1104 = arith.muli %select_n3A_70, %mul3A_1103 : i32
      %add3A_1105 = arith.addi %mul3A_1104, %mul3A_72 : i32
      %add3A_1106 = arith.constant 2 : i32
      %add3A_1107 = arith.addi %add3A_1105, %add3A_1106 : i32
      %dma_start3A_1108 = arith.constant 4 : i32
      %dma_start3A_1109 = arith.constant 0 : i32
      %dma_start3A_1110 = arith.constant 0 : i32
      %dma_start3A_1111 = tpu.memref_slice %arg5[%select_n3A_54, %add3A_1107, %dma_start3A_1108, %dma_start3A_1109, %dma_start3A_1110] : memref<2x64x64x64x64xf32, #tpu.memory_space<hbm>> -> memref<1x1x4x64x64xf32, #tpu.memory_space<hbm>>
      %dma_start3A_1112 = tpu.memref_squeeze %dma_start3A_1111 : memref<1x1x4x64x64xf32, #tpu.memory_space<hbm>> -> memref<4x64x64xf32, #tpu.memory_space<hbm>>
      %dma_start3A_1113 = arith.constant 4 : i32
      %dma_start3A_1114 = arith.constant 0 : i32
      %dma_start3A_1115 = arith.constant 0 : i32
      %dma_start3A_1116 = tpu.memref_slice %arg2[%select_n3A_54, %select_n3A_70, %add3A_1102, %dma_start3A_1113, %dma_start3A_1114, %dma_start3A_1115] : memref<2x4x16x64x64x64xf32, #tpu.memory_space<hbm>> -> memref<1x1x1x4x64x64xf32, #tpu.memory_space<hbm>>
      %dma_start3A_1117 = tpu.memref_squeeze %dma_start3A_1116 : memref<1x1x1x4x64x64xf32, #tpu.memory_space<hbm>> -> memref<4x64x64xf32, #tpu.memory_space<hbm>>
      tpu.enqueue_dma source(%dma_start3A_1117 : memref<4x64x64xf32, #tpu.memory_space<hbm>>) target(%dma_start3A_1112 : memref<4x64x64xf32, #tpu.memory_space<hbm>>) target_semaphore(%arg10 : memref<!tpu.dma_semaphore, #tpu.memory_space<semaphore_mem>>)
      %add3A_1118 = arith.constant 1 : i32
      %add3A_1119 = arith.addi %mul3A_72, %add3A_1118 : i32
      %mul3A_1120 = arith.constant 16 : i32
      %mul3A_1121 = arith.muli %select_n3A_70, %mul3A_1120 : i32
      %add3A_1122 = arith.addi %mul3A_1121, %mul3A_72 : i32
      %add3A_1123 = arith.constant 1 : i32
      %add3A_1124 = arith.addi %add3A_1122, %add3A_1123 : i32
      %dma_wait3A_1125 = arith.constant 44 : i32
      %dma_wait3A_1126 = arith.constant 0 : i32
      %dma_wait3A_1127 = arith.constant 0 : i32
      %dma_wait3A_1128 = tpu.memref_slice %arg5[%select_n3A_54, %add3A_1124, %dma_wait3A_1125, %dma_wait3A_1126, %dma_wait3A_1127] : memref<2x64x64x64x64xf32, #tpu.memory_space<hbm>> -> memref<1x1x4x64x64xf32, #tpu.memory_space<hbm>>
      %dma_wait3A_1129 = tpu.memref_squeeze %dma_wait3A_1128 : memref<1x1x4x64x64xf32, #tpu.memory_space<hbm>> -> memref<4x64x64xf32, #tpu.memory_space<hbm>>
      %dma_wait3A_1130 = arith.constant 44 : i32
      %dma_wait3A_1131 = arith.constant 0 : i32
      %dma_wait3A_1132 = arith.constant 0 : i32
      %dma_wait3A_1133 = tpu.memref_slice %arg2[%select_n3A_54, %select_n3A_70, %add3A_1119, %dma_wait3A_1130, %dma_wait3A_1131, %dma_wait3A_1132] : memref<2x4x16x64x64x64xf32, #tpu.memory_space<hbm>> -> memref<1x1x1x4x64x64xf32, #tpu.memory_space<hbm>>
      %dma_wait3A_1134 = tpu.memref_squeeze %dma_wait3A_1133 : memref<1x1x1x4x64x64xf32, #tpu.memory_space<hbm>> -> memref<4x64x64xf32, #tpu.memory_space<hbm>>
      tpu.wait_dma2 semaphore(%arg10 : memref<!tpu.dma_semaphore, #tpu.memory_space<semaphore_mem>>) src(%dma_wait3A_1134 : memref<4x64x64xf32, #tpu.memory_space<hbm>>) dst(%dma_wait3A_1129 : memref<4x64x64xf32, #tpu.memory_space<hbm>>)
      %add3A_1135 = arith.constant 2 : i32
      %add3A_1136 = arith.addi %mul3A_72, %add3A_1135 : i32
      %mul3A_1137 = arith.constant 16 : i32
      %mul3A_1138 = arith.muli %select_n3A_70, %mul3A_1137 : i32
      %add3A_1139 = arith.addi %mul3A_1138, %mul3A_72 : i32
      %add3A_1140 = arith.constant 2 : i32
      %add3A_1141 = arith.addi %add3A_1139, %add3A_1140 : i32
      %dma_start3A_1142 = arith.constant 8 : i32
      %dma_start3A_1143 = arith.constant 0 : i32
      %dma_start3A_1144 = arith.constant 0 : i32
      %dma_start3A_1145 = tpu.memref_slice %arg5[%select_n3A_54, %add3A_1141, %dma_start3A_1142, %dma_start3A_1143, %dma_start3A_1144] : memref<2x64x64x64x64xf32, #tpu.memory_space<hbm>> -> memref<1x1x4x64x64xf32, #tpu.memory_space<hbm>>
      %dma_start3A_1146 = tpu.memref_squeeze %dma_start3A_1145 : memref<1x1x4x64x64xf32, #tpu.memory_space<hbm>> -> memref<4x64x64xf32, #tpu.memory_space<hbm>>
      %dma_start3A_1147 = arith.constant 8 : i32
      %dma_start3A_1148 = arith.constant 0 : i32
      %dma_start3A_1149 = arith.constant 0 : i32
      %dma_start3A_1150 = tpu.memref_slice %arg2[%select_n3A_54, %select_n3A_70, %add3A_1136, %dma_start3A_1147, %dma_start3A_1148, %dma_start3A_1149] : memref<2x4x16x64x64x64xf32, #tpu.memory_space<hbm>> -> memref<1x1x1x4x64x64xf32, #tpu.memory_space<hbm>>
      %dma_start3A_1151 = tpu.memref_squeeze %dma_start3A_1150 : memref<1x1x1x4x64x64xf32, #tpu.memory_space<hbm>> -> memref<4x64x64xf32, #tpu.memory_space<hbm>>
      tpu.enqueue_dma source(%dma_start3A_1151 : memref<4x64x64xf32, #tpu.memory_space<hbm>>) target(%dma_start3A_1146 : memref<4x64x64xf32, #tpu.memory_space<hbm>>) target_semaphore(%arg11 : memref<!tpu.dma_semaphore, #tpu.memory_space<semaphore_mem>>)
      %add3A_1152 = arith.constant 1 : i32
      %add3A_1153 = arith.addi %mul3A_72, %add3A_1152 : i32
      %mul3A_1154 = arith.constant 16 : i32
      %mul3A_1155 = arith.muli %select_n3A_70, %mul3A_1154 : i32
      %add3A_1156 = arith.addi %mul3A_1155, %mul3A_72 : i32
      %add3A_1157 = arith.constant 1 : i32
      %add3A_1158 = arith.addi %add3A_1156, %add3A_1157 : i32
      %dma_wait3A_1159 = arith.constant 48 : i32
      %dma_wait3A_1160 = arith.constant 0 : i32
      %dma_wait3A_1161 = arith.constant 0 : i32
      %dma_wait3A_1162 = tpu.memref_slice %arg5[%select_n3A_54, %add3A_1158, %dma_wait3A_1159, %dma_wait3A_1160, %dma_wait3A_1161] : memref<2x64x64x64x64xf32, #tpu.memory_space<hbm>> -> memref<1x1x4x64x64xf32, #tpu.memory_space<hbm>>
      %dma_wait3A_1163 = tpu.memref_squeeze %dma_wait3A_1162 : memref<1x1x4x64x64xf32, #tpu.memory_space<hbm>> -> memref<4x64x64xf32, #tpu.memory_space<hbm>>
      %dma_wait3A_1164 = arith.constant 48 : i32
      %dma_wait3A_1165 = arith.constant 0 : i32
      %dma_wait3A_1166 = arith.constant 0 : i32
      %dma_wait3A_1167 = tpu.memref_slice %arg2[%select_n3A_54, %select_n3A_70, %add3A_1153, %dma_wait3A_1164, %dma_wait3A_1165, %dma_wait3A_1166] : memref<2x4x16x64x64x64xf32, #tpu.memory_space<hbm>> -> memref<1x1x1x4x64x64xf32, #tpu.memory_space<hbm>>
      %dma_wait3A_1168 = tpu.memref_squeeze %dma_wait3A_1167 : memref<1x1x1x4x64x64xf32, #tpu.memory_space<hbm>> -> memref<4x64x64xf32, #tpu.memory_space<hbm>>
      tpu.wait_dma2 semaphore(%arg11 : memref<!tpu.dma_semaphore, #tpu.memory_space<semaphore_mem>>) src(%dma_wait3A_1168 : memref<4x64x64xf32, #tpu.memory_space<hbm>>) dst(%dma_wait3A_1163 : memref<4x64x64xf32, #tpu.memory_space<hbm>>)
      %add3A_1169 = arith.constant 2 : i32
      %add3A_1170 = arith.addi %mul3A_72, %add3A_1169 : i32
      %mul3A_1171 = arith.constant 16 : i32
      %mul3A_1172 = arith.muli %select_n3A_70, %mul3A_1171 : i32
      %add3A_1173 = arith.addi %mul3A_1172, %mul3A_72 : i32
      %add3A_1174 = arith.constant 2 : i32
      %add3A_1175 = arith.addi %add3A_1173, %add3A_1174 : i32
      %dma_start3A_1176 = arith.constant 12 : i32
      %dma_start3A_1177 = arith.constant 0 : i32
      %dma_start3A_1178 = arith.constant 0 : i32
      %dma_start3A_1179 = tpu.memref_slice %arg5[%select_n3A_54, %add3A_1175, %dma_start3A_1176, %dma_start3A_1177, %dma_start3A_1178] : memref<2x64x64x64x64xf32, #tpu.memory_space<hbm>> -> memref<1x1x4x64x64xf32, #tpu.memory_space<hbm>>
      %dma_start3A_1180 = tpu.memref_squeeze %dma_start3A_1179 : memref<1x1x4x64x64xf32, #tpu.memory_space<hbm>> -> memref<4x64x64xf32, #tpu.memory_space<hbm>>
      %dma_start3A_1181 = arith.constant 12 : i32
      %dma_start3A_1182 = arith.constant 0 : i32
      %dma_start3A_1183 = arith.constant 0 : i32
      %dma_start3A_1184 = tpu.memref_slice %arg2[%select_n3A_54, %select_n3A_70, %add3A_1170, %dma_start3A_1181, %dma_start3A_1182, %dma_start3A_1183] : memref<2x4x16x64x64x64xf32, #tpu.memory_space<hbm>> -> memref<1x1x1x4x64x64xf32, #tpu.memory_space<hbm>>
      %dma_start3A_1185 = tpu.memref_squeeze %dma_start3A_1184 : memref<1x1x1x4x64x64xf32, #tpu.memory_space<hbm>> -> memref<4x64x64xf32, #tpu.memory_space<hbm>>
      tpu.enqueue_dma source(%dma_start3A_1185 : memref<4x64x64xf32, #tpu.memory_space<hbm>>) target(%dma_start3A_1180 : memref<4x64x64xf32, #tpu.memory_space<hbm>>) target_semaphore(%arg12 : memref<!tpu.dma_semaphore, #tpu.memory_space<semaphore_mem>>)
      %add3A_1186 = arith.constant 1 : i32
      %add3A_1187 = arith.addi %mul3A_72, %add3A_1186 : i32
      %mul3A_1188 = arith.constant 16 : i32
      %mul3A_1189 = arith.muli %select_n3A_70, %mul3A_1188 : i32
      %add3A_1190 = arith.addi %mul3A_1189, %mul3A_72 : i32
      %add3A_1191 = arith.constant 1 : i32
      %add3A_1192 = arith.addi %add3A_1190, %add3A_1191 : i32
      %dma_wait3A_1193 = arith.constant 52 : i32
      %dma_wait3A_1194 = arith.constant 0 : i32
      %dma_wait3A_1195 = arith.constant 0 : i32
      %dma_wait3A_1196 = tpu.memref_slice %arg5[%select_n3A_54, %add3A_1192, %dma_wait3A_1193, %dma_wait3A_1194, %dma_wait3A_1195] : memref<2x64x64x64x64xf32, #tpu.memory_space<hbm>> -> memref<1x1x4x64x64xf32, #tpu.memory_space<hbm>>
      %dma_wait3A_1197 = tpu.memref_squeeze %dma_wait3A_1196 : memref<1x1x4x64x64xf32, #tpu.memory_space<hbm>> -> memref<4x64x64xf32, #tpu.memory_space<hbm>>
      %dma_wait3A_1198 = arith.constant 52 : i32
      %dma_wait3A_1199 = arith.constant 0 : i32
      %dma_wait3A_1200 = arith.constant 0 : i32
      %dma_wait3A_1201 = tpu.memref_slice %arg2[%select_n3A_54, %select_n3A_70, %add3A_1187, %dma_wait3A_1198, %dma_wait3A_1199, %dma_wait3A_1200] : memref<2x4x16x64x64x64xf32, #tpu.memory_space<hbm>> -> memref<1x1x1x4x64x64xf32, #tpu.memory_space<hbm>>
      %dma_wait3A_1202 = tpu.memref_squeeze %dma_wait3A_1201 : memref<1x1x1x4x64x64xf32, #tpu.memory_space<hbm>> -> memref<4x64x64xf32, #tpu.memory_space<hbm>>
      tpu.wait_dma2 semaphore(%arg12 : memref<!tpu.dma_semaphore, #tpu.memory_space<semaphore_mem>>) src(%dma_wait3A_1202 : memref<4x64x64xf32, #tpu.memory_space<hbm>>) dst(%dma_wait3A_1197 : memref<4x64x64xf32, #tpu.memory_space<hbm>>)
      %add3A_1203 = arith.constant 2 : i32
      %add3A_1204 = arith.addi %mul3A_72, %add3A_1203 : i32
      %mul3A_1205 = arith.constant 16 : i32
      %mul3A_1206 = arith.muli %select_n3A_70, %mul3A_1205 : i32
      %add3A_1207 = arith.addi %mul3A_1206, %mul3A_72 : i32
      %add3A_1208 = arith.constant 2 : i32
      %add3A_1209 = arith.addi %add3A_1207, %add3A_1208 : i32
      %dma_start3A_1210 = arith.constant 16 : i32
      %dma_start3A_1211 = arith.constant 0 : i32
      %dma_start3A_1212 = arith.constant 0 : i32
      %dma_start3A_1213 = tpu.memref_slice %arg5[%select_n3A_54, %add3A_1209, %dma_start3A_1210, %dma_start3A_1211, %dma_start3A_1212] : memref<2x64x64x64x64xf32, #tpu.memory_space<hbm>> -> memref<1x1x4x64x64xf32, #tpu.memory_space<hbm>>
      %dma_start3A_1214 = tpu.memref_squeeze %dma_start3A_1213 : memref<1x1x4x64x64xf32, #tpu.memory_space<hbm>> -> memref<4x64x64xf32, #tpu.memory_space<hbm>>
      %dma_start3A_1215 = arith.constant 16 : i32
      %dma_start3A_1216 = arith.constant 0 : i32
      %dma_start3A_1217 = arith.constant 0 : i32
      %dma_start3A_1218 = tpu.memref_slice %arg2[%select_n3A_54, %select_n3A_70, %add3A_1204, %dma_start3A_1215, %dma_start3A_1216, %dma_start3A_1217] : memref<2x4x16x64x64x64xf32, #tpu.memory_space<hbm>> -> memref<1x1x1x4x64x64xf32, #tpu.memory_space<hbm>>
      %dma_start3A_1219 = tpu.memref_squeeze %dma_start3A_1218 : memref<1x1x1x4x64x64xf32, #tpu.memory_space<hbm>> -> memref<4x64x64xf32, #tpu.memory_space<hbm>>
      tpu.enqueue_dma source(%dma_start3A_1219 : memref<4x64x64xf32, #tpu.memory_space<hbm>>) target(%dma_start3A_1214 : memref<4x64x64xf32, #tpu.memory_space<hbm>>) target_semaphore(%arg10 : memref<!tpu.dma_semaphore, #tpu.memory_space<semaphore_mem>>)
      %add3A_1220 = arith.constant 1 : i32
      %add3A_1221 = arith.addi %mul3A_72, %add3A_1220 : i32
      %mul3A_1222 = arith.constant 16 : i32
      %mul3A_1223 = arith.muli %select_n3A_70, %mul3A_1222 : i32
      %add3A_1224 = arith.addi %mul3A_1223, %mul3A_72 : i32
      %add3A_1225 = arith.constant 1 : i32
      %add3A_1226 = arith.addi %add3A_1224, %add3A_1225 : i32
      %dma_wait3A_1227 = arith.constant 56 : i32
      %dma_wait3A_1228 = arith.constant 0 : i32
      %dma_wait3A_1229 = arith.constant 0 : i32
      %dma_wait3A_1230 = tpu.memref_slice %arg5[%select_n3A_54, %add3A_1226, %dma_wait3A_1227, %dma_wait3A_1228, %dma_wait3A_1229] : memref<2x64x64x64x64xf32, #tpu.memory_space<hbm>> -> memref<1x1x4x64x64xf32, #tpu.memory_space<hbm>>
      %dma_wait3A_1231 = tpu.memref_squeeze %dma_wait3A_1230 : memref<1x1x4x64x64xf32, #tpu.memory_space<hbm>> -> memref<4x64x64xf32, #tpu.memory_space<hbm>>
      %dma_wait3A_1232 = arith.constant 56 : i32
      %dma_wait3A_1233 = arith.constant 0 : i32
      %dma_wait3A_1234 = arith.constant 0 : i32
      %dma_wait3A_1235 = tpu.memref_slice %arg2[%select_n3A_54, %select_n3A_70, %add3A_1221, %dma_wait3A_1232, %dma_wait3A_1233, %dma_wait3A_1234] : memref<2x4x16x64x64x64xf32, #tpu.memory_space<hbm>> -> memref<1x1x1x4x64x64xf32, #tpu.memory_space<hbm>>
      %dma_wait3A_1236 = tpu.memref_squeeze %dma_wait3A_1235 : memref<1x1x1x4x64x64xf32, #tpu.memory_space<hbm>> -> memref<4x64x64xf32, #tpu.memory_space<hbm>>
      tpu.wait_dma2 semaphore(%arg10 : memref<!tpu.dma_semaphore, #tpu.memory_space<semaphore_mem>>) src(%dma_wait3A_1236 : memref<4x64x64xf32, #tpu.memory_space<hbm>>) dst(%dma_wait3A_1231 : memref<4x64x64xf32, #tpu.memory_space<hbm>>)
      %add3A_1237 = arith.constant 2 : i32
      %add3A_1238 = arith.addi %mul3A_72, %add3A_1237 : i32
      %mul3A_1239 = arith.constant 16 : i32
      %mul3A_1240 = arith.muli %select_n3A_70, %mul3A_1239 : i32
      %add3A_1241 = arith.addi %mul3A_1240, %mul3A_72 : i32
      %add3A_1242 = arith.constant 2 : i32
      %add3A_1243 = arith.addi %add3A_1241, %add3A_1242 : i32
      %dma_start3A_1244 = arith.constant 20 : i32
      %dma_start3A_1245 = arith.constant 0 : i32
      %dma_start3A_1246 = arith.constant 0 : i32
      %dma_start3A_1247 = tpu.memref_slice %arg5[%select_n3A_54, %add3A_1243, %dma_start3A_1244, %dma_start3A_1245, %dma_start3A_1246] : memref<2x64x64x64x64xf32, #tpu.memory_space<hbm>> -> memref<1x1x4x64x64xf32, #tpu.memory_space<hbm>>
      %dma_start3A_1248 = tpu.memref_squeeze %dma_start3A_1247 : memref<1x1x4x64x64xf32, #tpu.memory_space<hbm>> -> memref<4x64x64xf32, #tpu.memory_space<hbm>>
      %dma_start3A_1249 = arith.constant 20 : i32
      %dma_start3A_1250 = arith.constant 0 : i32
      %dma_start3A_1251 = arith.constant 0 : i32
      %dma_start3A_1252 = tpu.memref_slice %arg2[%select_n3A_54, %select_n3A_70, %add3A_1238, %dma_start3A_1249, %dma_start3A_1250, %dma_start3A_1251] : memref<2x4x16x64x64x64xf32, #tpu.memory_space<hbm>> -> memref<1x1x1x4x64x64xf32, #tpu.memory_space<hbm>>
      %dma_start3A_1253 = tpu.memref_squeeze %dma_start3A_1252 : memref<1x1x1x4x64x64xf32, #tpu.memory_space<hbm>> -> memref<4x64x64xf32, #tpu.memory_space<hbm>>
      tpu.enqueue_dma source(%dma_start3A_1253 : memref<4x64x64xf32, #tpu.memory_space<hbm>>) target(%dma_start3A_1248 : memref<4x64x64xf32, #tpu.memory_space<hbm>>) target_semaphore(%arg11 : memref<!tpu.dma_semaphore, #tpu.memory_space<semaphore_mem>>)
      %add3A_1254 = arith.constant 1 : i32
      %add3A_1255 = arith.addi %mul3A_72, %add3A_1254 : i32
      %mul3A_1256 = arith.constant 16 : i32
      %mul3A_1257 = arith.muli %select_n3A_70, %mul3A_1256 : i32
      %add3A_1258 = arith.addi %mul3A_1257, %mul3A_72 : i32
      %add3A_1259 = arith.constant 1 : i32
      %add3A_1260 = arith.addi %add3A_1258, %add3A_1259 : i32
      %dma_wait3A_1261 = arith.constant 60 : i32
      %dma_wait3A_1262 = arith.constant 0 : i32
      %dma_wait3A_1263 = arith.constant 0 : i32
      %dma_wait3A_1264 = tpu.memref_slice %arg5[%select_n3A_54, %add3A_1260, %dma_wait3A_1261, %dma_wait3A_1262, %dma_wait3A_1263] : memref<2x64x64x64x64xf32, #tpu.memory_space<hbm>> -> memref<1x1x4x64x64xf32, #tpu.memory_space<hbm>>
      %dma_wait3A_1265 = tpu.memref_squeeze %dma_wait3A_1264 : memref<1x1x4x64x64xf32, #tpu.memory_space<hbm>> -> memref<4x64x64xf32, #tpu.memory_space<hbm>>
      %dma_wait3A_1266 = arith.constant 60 : i32
      %dma_wait3A_1267 = arith.constant 0 : i32
      %dma_wait3A_1268 = arith.constant 0 : i32
      %dma_wait3A_1269 = tpu.memref_slice %arg2[%select_n3A_54, %select_n3A_70, %add3A_1255, %dma_wait3A_1266, %dma_wait3A_1267, %dma_wait3A_1268] : memref<2x4x16x64x64x64xf32, #tpu.memory_space<hbm>> -> memref<1x1x1x4x64x64xf32, #tpu.memory_space<hbm>>
      %dma_wait3A_1270 = tpu.memref_squeeze %dma_wait3A_1269 : memref<1x1x1x4x64x64xf32, #tpu.memory_space<hbm>> -> memref<4x64x64xf32, #tpu.memory_space<hbm>>
      tpu.wait_dma2 semaphore(%arg11 : memref<!tpu.dma_semaphore, #tpu.memory_space<semaphore_mem>>) src(%dma_wait3A_1270 : memref<4x64x64xf32, #tpu.memory_space<hbm>>) dst(%dma_wait3A_1265 : memref<4x64x64xf32, #tpu.memory_space<hbm>>)
      %add3A_1271 = arith.constant 2 : i32
      %add3A_1272 = arith.addi %mul3A_72, %add3A_1271 : i32
      %mul3A_1273 = arith.constant 16 : i32
      %mul3A_1274 = arith.muli %select_n3A_70, %mul3A_1273 : i32
      %add3A_1275 = arith.addi %mul3A_1274, %mul3A_72 : i32
      %add3A_1276 = arith.constant 2 : i32
      %add3A_1277 = arith.addi %add3A_1275, %add3A_1276 : i32
      %dma_start3A_1278 = arith.constant 24 : i32
      %dma_start3A_1279 = arith.constant 0 : i32
      %dma_start3A_1280 = arith.constant 0 : i32
      %dma_start3A_1281 = tpu.memref_slice %arg5[%select_n3A_54, %add3A_1277, %dma_start3A_1278, %dma_start3A_1279, %dma_start3A_1280] : memref<2x64x64x64x64xf32, #tpu.memory_space<hbm>> -> memref<1x1x4x64x64xf32, #tpu.memory_space<hbm>>
      %dma_start3A_1282 = tpu.memref_squeeze %dma_start3A_1281 : memref<1x1x4x64x64xf32, #tpu.memory_space<hbm>> -> memref<4x64x64xf32, #tpu.memory_space<hbm>>
      %dma_start3A_1283 = arith.constant 24 : i32
      %dma_start3A_1284 = arith.constant 0 : i32
      %dma_start3A_1285 = arith.constant 0 : i32
      %dma_start3A_1286 = tpu.memref_slice %arg2[%select_n3A_54, %select_n3A_70, %add3A_1272, %dma_start3A_1283, %dma_start3A_1284, %dma_start3A_1285] : memref<2x4x16x64x64x64xf32, #tpu.memory_space<hbm>> -> memref<1x1x1x4x64x64xf32, #tpu.memory_space<hbm>>
      %dma_start3A_1287 = tpu.memref_squeeze %dma_start3A_1286 : memref<1x1x1x4x64x64xf32, #tpu.memory_space<hbm>> -> memref<4x64x64xf32, #tpu.memory_space<hbm>>
      tpu.enqueue_dma source(%dma_start3A_1287 : memref<4x64x64xf32, #tpu.memory_space<hbm>>) target(%dma_start3A_1282 : memref<4x64x64xf32, #tpu.memory_space<hbm>>) target_semaphore(%arg12 : memref<!tpu.dma_semaphore, #tpu.memory_space<semaphore_mem>>)
      %add3A_1288 = arith.constant 2 : i32
      %add3A_1289 = arith.addi %mul3A_72, %add3A_1288 : i32
      %mul3A_1290 = arith.constant 16 : i32
      %mul3A_1291 = arith.muli %select_n3A_70, %mul3A_1290 : i32
      %add3A_1292 = arith.addi %mul3A_1291, %mul3A_72 : i32
      %add3A_1293 = arith.constant 2 : i32
      %add3A_1294 = arith.addi %add3A_1292, %add3A_1293 : i32
      %dma_wait3A_1295 = arith.constant 0 : i32
      %dma_wait3A_1296 = arith.constant 0 : i32
      %dma_wait3A_1297 = arith.constant 0 : i32
      %dma_wait3A_1298 = tpu.memref_slice %arg5[%select_n3A_54, %add3A_1294, %dma_wait3A_1295, %dma_wait3A_1296, %dma_wait3A_1297] : memref<2x64x64x64x64xf32, #tpu.memory_space<hbm>> -> memref<1x1x4x64x64xf32, #tpu.memory_space<hbm>>
      %dma_wait3A_1299 = tpu.memref_squeeze %dma_wait3A_1298 : memref<1x1x4x64x64xf32, #tpu.memory_space<hbm>> -> memref<4x64x64xf32, #tpu.memory_space<hbm>>
      %dma_wait3A_1300 = arith.constant 0 : i32
      %dma_wait3A_1301 = arith.constant 0 : i32
      %dma_wait3A_1302 = arith.constant 0 : i32
      %dma_wait3A_1303 = tpu.memref_slice %arg2[%select_n3A_54, %select_n3A_70, %add3A_1289, %dma_wait3A_1300, %dma_wait3A_1301, %dma_wait3A_1302] : memref<2x4x16x64x64x64xf32, #tpu.memory_space<hbm>> -> memref<1x1x1x4x64x64xf32, #tpu.memory_space<hbm>>
      %dma_wait3A_1304 = tpu.memref_squeeze %dma_wait3A_1303 : memref<1x1x1x4x64x64xf32, #tpu.memory_space<hbm>> -> memref<4x64x64xf32, #tpu.memory_space<hbm>>
      tpu.wait_dma2 semaphore(%arg12 : memref<!tpu.dma_semaphore, #tpu.memory_space<semaphore_mem>>) src(%dma_wait3A_1304 : memref<4x64x64xf32, #tpu.memory_space<hbm>>) dst(%dma_wait3A_1299 : memref<4x64x64xf32, #tpu.memory_space<hbm>>)
      %add3A_1305 = arith.constant 2 : i32
      %add3A_1306 = arith.addi %mul3A_72, %add3A_1305 : i32
      %mul3A_1307 = arith.constant 16 : i32
      %mul3A_1308 = arith.muli %select_n3A_70, %mul3A_1307 : i32
      %add3A_1309 = arith.addi %mul3A_1308, %mul3A_72 : i32
      %add3A_1310 = arith.constant 2 : i32
      %add3A_1311 = arith.addi %add3A_1309, %add3A_1310 : i32
      %dma_start3A_1312 = arith.constant 28 : i32
      %dma_start3A_1313 = arith.constant 0 : i32
      %dma_start3A_1314 = arith.constant 0 : i32
      %dma_start3A_1315 = tpu.memref_slice %arg5[%select_n3A_54, %add3A_1311, %dma_start3A_1312, %dma_start3A_1313, %dma_start3A_1314] : memref<2x64x64x64x64xf32, #tpu.memory_space<hbm>> -> memref<1x1x4x64x64xf32, #tpu.memory_space<hbm>>
      %dma_start3A_1316 = tpu.memref_squeeze %dma_start3A_1315 : memref<1x1x4x64x64xf32, #tpu.memory_space<hbm>> -> memref<4x64x64xf32, #tpu.memory_space<hbm>>
      %dma_start3A_1317 = arith.constant 28 : i32
      %dma_start3A_1318 = arith.constant 0 : i32
      %dma_start3A_1319 = arith.constant 0 : i32
      %dma_start3A_1320 = tpu.memref_slice %arg2[%select_n3A_54, %select_n3A_70, %add3A_1306, %dma_start3A_1317, %dma_start3A_1318, %dma_start3A_1319] : memref<2x4x16x64x64x64xf32, #tpu.memory_space<hbm>> -> memref<1x1x1x4x64x64xf32, #tpu.memory_space<hbm>>
      %dma_start3A_1321 = tpu.memref_squeeze %dma_start3A_1320 : memref<1x1x1x4x64x64xf32, #tpu.memory_space<hbm>> -> memref<4x64x64xf32, #tpu.memory_space<hbm>>
      tpu.enqueue_dma source(%dma_start3A_1321 : memref<4x64x64xf32, #tpu.memory_space<hbm>>) target(%dma_start3A_1316 : memref<4x64x64xf32, #tpu.memory_space<hbm>>) target_semaphore(%arg10 : memref<!tpu.dma_semaphore, #tpu.memory_space<semaphore_mem>>)
      %add3A_1322 = arith.constant 2 : i32
      %add3A_1323 = arith.addi %mul3A_72, %add3A_1322 : i32
      %mul3A_1324 = arith.constant 16 : i32
      %mul3A_1325 = arith.muli %select_n3A_70, %mul3A_1324 : i32
      %add3A_1326 = arith.addi %mul3A_1325, %mul3A_72 : i32
      %add3A_1327 = arith.constant 2 : i32
      %add3A_1328 = arith.addi %add3A_1326, %add3A_1327 : i32
      %dma_wait3A_1329 = arith.constant 4 : i32
      %dma_wait3A_1330 = arith.constant 0 : i32
      %dma_wait3A_1331 = arith.constant 0 : i32
      %dma_wait3A_1332 = tpu.memref_slice %arg5[%select_n3A_54, %add3A_1328, %dma_wait3A_1329, %dma_wait3A_1330, %dma_wait3A_1331] : memref<2x64x64x64x64xf32, #tpu.memory_space<hbm>> -> memref<1x1x4x64x64xf32, #tpu.memory_space<hbm>>
      %dma_wait3A_1333 = tpu.memref_squeeze %dma_wait3A_1332 : memref<1x1x4x64x64xf32, #tpu.memory_space<hbm>> -> memref<4x64x64xf32, #tpu.memory_space<hbm>>
      %dma_wait3A_1334 = arith.constant 4 : i32
      %dma_wait3A_1335 = arith.constant 0 : i32
      %dma_wait3A_1336 = arith.constant 0 : i32
      %dma_wait3A_1337 = tpu.memref_slice %arg2[%select_n3A_54, %select_n3A_70, %add3A_1323, %dma_wait3A_1334, %dma_wait3A_1335, %dma_wait3A_1336] : memref<2x4x16x64x64x64xf32, #tpu.memory_space<hbm>> -> memref<1x1x1x4x64x64xf32, #tpu.memory_space<hbm>>
      %dma_wait3A_1338 = tpu.memref_squeeze %dma_wait3A_1337 : memref<1x1x1x4x64x64xf32, #tpu.memory_space<hbm>> -> memref<4x64x64xf32, #tpu.memory_space<hbm>>
      tpu.wait_dma2 semaphore(%arg10 : memref<!tpu.dma_semaphore, #tpu.memory_space<semaphore_mem>>) src(%dma_wait3A_1338 : memref<4x64x64xf32, #tpu.memory_space<hbm>>) dst(%dma_wait3A_1333 : memref<4x64x64xf32, #tpu.memory_space<hbm>>)
      %add3A_1339 = arith.constant 2 : i32
      %add3A_1340 = arith.addi %mul3A_72, %add3A_1339 : i32
      %mul3A_1341 = arith.constant 16 : i32
      %mul3A_1342 = arith.muli %select_n3A_70, %mul3A_1341 : i32
      %add3A_1343 = arith.addi %mul3A_1342, %mul3A_72 : i32
      %add3A_1344 = arith.constant 2 : i32
      %add3A_1345 = arith.addi %add3A_1343, %add3A_1344 : i32
      %dma_start3A_1346 = arith.constant 32 : i32
      %dma_start3A_1347 = arith.constant 0 : i32
      %dma_start3A_1348 = arith.constant 0 : i32
      %dma_start3A_1349 = tpu.memref_slice %arg5[%select_n3A_54, %add3A_1345, %dma_start3A_1346, %dma_start3A_1347, %dma_start3A_1348] : memref<2x64x64x64x64xf32, #tpu.memory_space<hbm>> -> memref<1x1x4x64x64xf32, #tpu.memory_space<hbm>>
      %dma_start3A_1350 = tpu.memref_squeeze %dma_start3A_1349 : memref<1x1x4x64x64xf32, #tpu.memory_space<hbm>> -> memref<4x64x64xf32, #tpu.memory_space<hbm>>
      %dma_start3A_1351 = arith.constant 32 : i32
      %dma_start3A_1352 = arith.constant 0 : i32
      %dma_start3A_1353 = arith.constant 0 : i32
      %dma_start3A_1354 = tpu.memref_slice %arg2[%select_n3A_54, %select_n3A_70, %add3A_1340, %dma_start3A_1351, %dma_start3A_1352, %dma_start3A_1353] : memref<2x4x16x64x64x64xf32, #tpu.memory_space<hbm>> -> memref<1x1x1x4x64x64xf32, #tpu.memory_space<hbm>>
      %dma_start3A_1355 = tpu.memref_squeeze %dma_start3A_1354 : memref<1x1x1x4x64x64xf32, #tpu.memory_space<hbm>> -> memref<4x64x64xf32, #tpu.memory_space<hbm>>
      tpu.enqueue_dma source(%dma_start3A_1355 : memref<4x64x64xf32, #tpu.memory_space<hbm>>) target(%dma_start3A_1350 : memref<4x64x64xf32, #tpu.memory_space<hbm>>) target_semaphore(%arg11 : memref<!tpu.dma_semaphore, #tpu.memory_space<semaphore_mem>>)
      %add3A_1356 = arith.constant 2 : i32
      %add3A_1357 = arith.addi %mul3A_72, %add3A_1356 : i32
      %mul3A_1358 = arith.constant 16 : i32
      %mul3A_1359 = arith.muli %select_n3A_70, %mul3A_1358 : i32
      %add3A_1360 = arith.addi %mul3A_1359, %mul3A_72 : i32
      %add3A_1361 = arith.constant 2 : i32
      %add3A_1362 = arith.addi %add3A_1360, %add3A_1361 : i32
      %dma_wait3A_1363 = arith.constant 8 : i32
      %dma_wait3A_1364 = arith.constant 0 : i32
      %dma_wait3A_1365 = arith.constant 0 : i32
      %dma_wait3A_1366 = tpu.memref_slice %arg5[%select_n3A_54, %add3A_1362, %dma_wait3A_1363, %dma_wait3A_1364, %dma_wait3A_1365] : memref<2x64x64x64x64xf32, #tpu.memory_space<hbm>> -> memref<1x1x4x64x64xf32, #tpu.memory_space<hbm>>
      %dma_wait3A_1367 = tpu.memref_squeeze %dma_wait3A_1366 : memref<1x1x4x64x64xf32, #tpu.memory_space<hbm>> -> memref<4x64x64xf32, #tpu.memory_space<hbm>>
      %dma_wait3A_1368 = arith.constant 8 : i32
      %dma_wait3A_1369 = arith.constant 0 : i32
      %dma_wait3A_1370 = arith.constant 0 : i32
      %dma_wait3A_1371 = tpu.memref_slice %arg2[%select_n3A_54, %select_n3A_70, %add3A_1357, %dma_wait3A_1368, %dma_wait3A_1369, %dma_wait3A_1370] : memref<2x4x16x64x64x64xf32, #tpu.memory_space<hbm>> -> memref<1x1x1x4x64x64xf32, #tpu.memory_space<hbm>>
      %dma_wait3A_1372 = tpu.memref_squeeze %dma_wait3A_1371 : memref<1x1x1x4x64x64xf32, #tpu.memory_space<hbm>> -> memref<4x64x64xf32, #tpu.memory_space<hbm>>
      tpu.wait_dma2 semaphore(%arg11 : memref<!tpu.dma_semaphore, #tpu.memory_space<semaphore_mem>>) src(%dma_wait3A_1372 : memref<4x64x64xf32, #tpu.memory_space<hbm>>) dst(%dma_wait3A_1367 : memref<4x64x64xf32, #tpu.memory_space<hbm>>)
      %add3A_1373 = arith.constant 2 : i32
      %add3A_1374 = arith.addi %mul3A_72, %add3A_1373 : i32
      %mul3A_1375 = arith.constant 16 : i32
      %mul3A_1376 = arith.muli %select_n3A_70, %mul3A_1375 : i32
      %add3A_1377 = arith.addi %mul3A_1376, %mul3A_72 : i32
      %add3A_1378 = arith.constant 2 : i32
      %add3A_1379 = arith.addi %add3A_1377, %add3A_1378 : i32
      %dma_start3A_1380 = arith.constant 36 : i32
      %dma_start3A_1381 = arith.constant 0 : i32
      %dma_start3A_1382 = arith.constant 0 : i32
      %dma_start3A_1383 = tpu.memref_slice %arg5[%select_n3A_54, %add3A_1379, %dma_start3A_1380, %dma_start3A_1381, %dma_start3A_1382] : memref<2x64x64x64x64xf32, #tpu.memory_space<hbm>> -> memref<1x1x4x64x64xf32, #tpu.memory_space<hbm>>
      %dma_start3A_1384 = tpu.memref_squeeze %dma_start3A_1383 : memref<1x1x4x64x64xf32, #tpu.memory_space<hbm>> -> memref<4x64x64xf32, #tpu.memory_space<hbm>>
      %dma_start3A_1385 = arith.constant 36 : i32
      %dma_start3A_1386 = arith.constant 0 : i32
      %dma_start3A_1387 = arith.constant 0 : i32
      %dma_start3A_1388 = tpu.memref_slice %arg2[%select_n3A_54, %select_n3A_70, %add3A_1374, %dma_start3A_1385, %dma_start3A_1386, %dma_start3A_1387] : memref<2x4x16x64x64x64xf32, #tpu.memory_space<hbm>> -> memref<1x1x1x4x64x64xf32, #tpu.memory_space<hbm>>
      %dma_start3A_1389 = tpu.memref_squeeze %dma_start3A_1388 : memref<1x1x1x4x64x64xf32, #tpu.memory_space<hbm>> -> memref<4x64x64xf32, #tpu.memory_space<hbm>>
      tpu.enqueue_dma source(%dma_start3A_1389 : memref<4x64x64xf32, #tpu.memory_space<hbm>>) target(%dma_start3A_1384 : memref<4x64x64xf32, #tpu.memory_space<hbm>>) target_semaphore(%arg12 : memref<!tpu.dma_semaphore, #tpu.memory_space<semaphore_mem>>)
      %add3A_1390 = arith.constant 2 : i32
      %add3A_1391 = arith.addi %mul3A_72, %add3A_1390 : i32
      %mul3A_1392 = arith.constant 16 : i32
      %mul3A_1393 = arith.muli %select_n3A_70, %mul3A_1392 : i32
      %add3A_1394 = arith.addi %mul3A_1393, %mul3A_72 : i32
      %add3A_1395 = arith.constant 2 : i32
      %add3A_1396 = arith.addi %add3A_1394, %add3A_1395 : i32
      %dma_wait3A_1397 = arith.constant 12 : i32
      %dma_wait3A_1398 = arith.constant 0 : i32
      %dma_wait3A_1399 = arith.constant 0 : i32
      %dma_wait3A_1400 = tpu.memref_slice %arg5[%select_n3A_54, %add3A_1396, %dma_wait3A_1397, %dma_wait3A_1398, %dma_wait3A_1399] : memref<2x64x64x64x64xf32, #tpu.memory_space<hbm>> -> memref<1x1x4x64x64xf32, #tpu.memory_space<hbm>>
      %dma_wait3A_1401 = tpu.memref_squeeze %dma_wait3A_1400 : memref<1x1x4x64x64xf32, #tpu.memory_space<hbm>> -> memref<4x64x64xf32, #tpu.memory_space<hbm>>
      %dma_wait3A_1402 = arith.constant 12 : i32
      %dma_wait3A_1403 = arith.constant 0 : i32
      %dma_wait3A_1404 = arith.constant 0 : i32
      %dma_wait3A_1405 = tpu.memref_slice %arg2[%select_n3A_54, %select_n3A_70, %add3A_1391, %dma_wait3A_1402, %dma_wait3A_1403, %dma_wait3A_1404] : memref<2x4x16x64x64x64xf32, #tpu.memory_space<hbm>> -> memref<1x1x1x4x64x64xf32, #tpu.memory_space<hbm>>
      %dma_wait3A_1406 = tpu.memref_squeeze %dma_wait3A_1405 : memref<1x1x1x4x64x64xf32, #tpu.memory_space<hbm>> -> memref<4x64x64xf32, #tpu.memory_space<hbm>>
      tpu.wait_dma2 semaphore(%arg12 : memref<!tpu.dma_semaphore, #tpu.memory_space<semaphore_mem>>) src(%dma_wait3A_1406 : memref<4x64x64xf32, #tpu.memory_space<hbm>>) dst(%dma_wait3A_1401 : memref<4x64x64xf32, #tpu.memory_space<hbm>>)
      %add3A_1407 = arith.constant 2 : i32
      %add3A_1408 = arith.addi %mul3A_72, %add3A_1407 : i32
      %mul3A_1409 = arith.constant 16 : i32
      %mul3A_1410 = arith.muli %select_n3A_70, %mul3A_1409 : i32
      %add3A_1411 = arith.addi %mul3A_1410, %mul3A_72 : i32
      %add3A_1412 = arith.constant 2 : i32
      %add3A_1413 = arith.addi %add3A_1411, %add3A_1412 : i32
      %dma_start3A_1414 = arith.constant 40 : i32
      %dma_start3A_1415 = arith.constant 0 : i32
      %dma_start3A_1416 = arith.constant 0 : i32
      %dma_start3A_1417 = tpu.memref_slice %arg5[%select_n3A_54, %add3A_1413, %dma_start3A_1414, %dma_start3A_1415, %dma_start3A_1416] : memref<2x64x64x64x64xf32, #tpu.memory_space<hbm>> -> memref<1x1x4x64x64xf32, #tpu.memory_space<hbm>>
      %dma_start3A_1418 = tpu.memref_squeeze %dma_start3A_1417 : memref<1x1x4x64x64xf32, #tpu.memory_space<hbm>> -> memref<4x64x64xf32, #tpu.memory_space<hbm>>
      %dma_start3A_1419 = arith.constant 40 : i32
      %dma_start3A_1420 = arith.constant 0 : i32
      %dma_start3A_1421 = arith.constant 0 : i32
      %dma_start3A_1422 = tpu.memref_slice %arg2[%select_n3A_54, %select_n3A_70, %add3A_1408, %dma_start3A_1419, %dma_start3A_1420, %dma_start3A_1421] : memref<2x4x16x64x64x64xf32, #tpu.memory_space<hbm>> -> memref<1x1x1x4x64x64xf32, #tpu.memory_space<hbm>>
      %dma_start3A_1423 = tpu.memref_squeeze %dma_start3A_1422 : memref<1x1x1x4x64x64xf32, #tpu.memory_space<hbm>> -> memref<4x64x64xf32, #tpu.memory_space<hbm>>
      tpu.enqueue_dma source(%dma_start3A_1423 : memref<4x64x64xf32, #tpu.memory_space<hbm>>) target(%dma_start3A_1418 : memref<4x64x64xf32, #tpu.memory_space<hbm>>) target_semaphore(%arg10 : memref<!tpu.dma_semaphore, #tpu.memory_space<semaphore_mem>>)
      %add3A_1424 = arith.constant 2 : i32
      %add3A_1425 = arith.addi %mul3A_72, %add3A_1424 : i32
      %mul3A_1426 = arith.constant 16 : i32
      %mul3A_1427 = arith.muli %select_n3A_70, %mul3A_1426 : i32
      %add3A_1428 = arith.addi %mul3A_1427, %mul3A_72 : i32
      %add3A_1429 = arith.constant 2 : i32
      %add3A_1430 = arith.addi %add3A_1428, %add3A_1429 : i32
      %dma_wait3A_1431 = arith.constant 16 : i32
      %dma_wait3A_1432 = arith.constant 0 : i32
      %dma_wait3A_1433 = arith.constant 0 : i32
      %dma_wait3A_1434 = tpu.memref_slice %arg5[%select_n3A_54, %add3A_1430, %dma_wait3A_1431, %dma_wait3A_1432, %dma_wait3A_1433] : memref<2x64x64x64x64xf32, #tpu.memory_space<hbm>> -> memref<1x1x4x64x64xf32, #tpu.memory_space<hbm>>
      %dma_wait3A_1435 = tpu.memref_squeeze %dma_wait3A_1434 : memref<1x1x4x64x64xf32, #tpu.memory_space<hbm>> -> memref<4x64x64xf32, #tpu.memory_space<hbm>>
      %dma_wait3A_1436 = arith.constant 16 : i32
      %dma_wait3A_1437 = arith.constant 0 : i32
      %dma_wait3A_1438 = arith.constant 0 : i32
      %dma_wait3A_1439 = tpu.memref_slice %arg2[%select_n3A_54, %select_n3A_70, %add3A_1425, %dma_wait3A_1436, %dma_wait3A_1437, %dma_wait3A_1438] : memref<2x4x16x64x64x64xf32, #tpu.memory_space<hbm>> -> memref<1x1x1x4x64x64xf32, #tpu.memory_space<hbm>>
      %dma_wait3A_1440 = tpu.memref_squeeze %dma_wait3A_1439 : memref<1x1x1x4x64x64xf32, #tpu.memory_space<hbm>> -> memref<4x64x64xf32, #tpu.memory_space<hbm>>
      tpu.wait_dma2 semaphore(%arg10 : memref<!tpu.dma_semaphore, #tpu.memory_space<semaphore_mem>>) src(%dma_wait3A_1440 : memref<4x64x64xf32, #tpu.memory_space<hbm>>) dst(%dma_wait3A_1435 : memref<4x64x64xf32, #tpu.memory_space<hbm>>)
      %add3A_1441 = arith.constant 2 : i32
      %add3A_1442 = arith.addi %mul3A_72, %add3A_1441 : i32
      %mul3A_1443 = arith.constant 16 : i32
      %mul3A_1444 = arith.muli %select_n3A_70, %mul3A_1443 : i32
      %add3A_1445 = arith.addi %mul3A_1444, %mul3A_72 : i32
      %add3A_1446 = arith.constant 2 : i32
      %add3A_1447 = arith.addi %add3A_1445, %add3A_1446 : i32
      %dma_start3A_1448 = arith.constant 44 : i32
      %dma_start3A_1449 = arith.constant 0 : i32
      %dma_start3A_1450 = arith.constant 0 : i32
      %dma_start3A_1451 = tpu.memref_slice %arg5[%select_n3A_54, %add3A_1447, %dma_start3A_1448, %dma_start3A_1449, %dma_start3A_1450] : memref<2x64x64x64x64xf32, #tpu.memory_space<hbm>> -> memref<1x1x4x64x64xf32, #tpu.memory_space<hbm>>
      %dma_start3A_1452 = tpu.memref_squeeze %dma_start3A_1451 : memref<1x1x4x64x64xf32, #tpu.memory_space<hbm>> -> memref<4x64x64xf32, #tpu.memory_space<hbm>>
      %dma_start3A_1453 = arith.constant 44 : i32
      %dma_start3A_1454 = arith.constant 0 : i32
      %dma_start3A_1455 = arith.constant 0 : i32
      %dma_start3A_1456 = tpu.memref_slice %arg2[%select_n3A_54, %select_n3A_70, %add3A_1442, %dma_start3A_1453, %dma_start3A_1454, %dma_start3A_1455] : memref<2x4x16x64x64x64xf32, #tpu.memory_space<hbm>> -> memref<1x1x1x4x64x64xf32, #tpu.memory_space<hbm>>
      %dma_start3A_1457 = tpu.memref_squeeze %dma_start3A_1456 : memref<1x1x1x4x64x64xf32, #tpu.memory_space<hbm>> -> memref<4x64x64xf32, #tpu.memory_space<hbm>>
      tpu.enqueue_dma source(%dma_start3A_1457 : memref<4x64x64xf32, #tpu.memory_space<hbm>>) target(%dma_start3A_1452 : memref<4x64x64xf32, #tpu.memory_space<hbm>>) target_semaphore(%arg11 : memref<!tpu.dma_semaphore, #tpu.memory_space<semaphore_mem>>)
      %add3A_1458 = arith.constant 2 : i32
      %add3A_1459 = arith.addi %mul3A_72, %add3A_1458 : i32
      %mul3A_1460 = arith.constant 16 : i32
      %mul3A_1461 = arith.muli %select_n3A_70, %mul3A_1460 : i32
      %add3A_1462 = arith.addi %mul3A_1461, %mul3A_72 : i32
      %add3A_1463 = arith.constant 2 : i32
      %add3A_1464 = arith.addi %add3A_1462, %add3A_1463 : i32
      %dma_wait3A_1465 = arith.constant 20 : i32
      %dma_wait3A_1466 = arith.constant 0 : i32
      %dma_wait3A_1467 = arith.constant 0 : i32
      %dma_wait3A_1468 = tpu.memref_slice %arg5[%select_n3A_54, %add3A_1464, %dma_wait3A_1465, %dma_wait3A_1466, %dma_wait3A_1467] : memref<2x64x64x64x64xf32, #tpu.memory_space<hbm>> -> memref<1x1x4x64x64xf32, #tpu.memory_space<hbm>>
      %dma_wait3A_1469 = tpu.memref_squeeze %dma_wait3A_1468 : memref<1x1x4x64x64xf32, #tpu.memory_space<hbm>> -> memref<4x64x64xf32, #tpu.memory_space<hbm>>
      %dma_wait3A_1470 = arith.constant 20 : i32
      %dma_wait3A_1471 = arith.constant 0 : i32
      %dma_wait3A_1472 = arith.constant 0 : i32
      %dma_wait3A_1473 = tpu.memref_slice %arg2[%select_n3A_54, %select_n3A_70, %add3A_1459, %dma_wait3A_1470, %dma_wait3A_1471, %dma_wait3A_1472] : memref<2x4x16x64x64x64xf32, #tpu.memory_space<hbm>> -> memref<1x1x1x4x64x64xf32, #tpu.memory_space<hbm>>
      %dma_wait3A_1474 = tpu.memref_squeeze %dma_wait3A_1473 : memref<1x1x1x4x64x64xf32, #tpu.memory_space<hbm>> -> memref<4x64x64xf32, #tpu.memory_space<hbm>>
      tpu.wait_dma2 semaphore(%arg11 : memref<!tpu.dma_semaphore, #tpu.memory_space<semaphore_mem>>) src(%dma_wait3A_1474 : memref<4x64x64xf32, #tpu.memory_space<hbm>>) dst(%dma_wait3A_1469 : memref<4x64x64xf32, #tpu.memory_space<hbm>>)
      %add3A_1475 = arith.constant 2 : i32
      %add3A_1476 = arith.addi %mul3A_72, %add3A_1475 : i32
      %mul3A_1477 = arith.constant 16 : i32
      %mul3A_1478 = arith.muli %select_n3A_70, %mul3A_1477 : i32
      %add3A_1479 = arith.addi %mul3A_1478, %mul3A_72 : i32
      %add3A_1480 = arith.constant 2 : i32
      %add3A_1481 = arith.addi %add3A_1479, %add3A_1480 : i32
      %dma_start3A_1482 = arith.constant 48 : i32
      %dma_start3A_1483 = arith.constant 0 : i32
      %dma_start3A_1484 = arith.constant 0 : i32
      %dma_start3A_1485 = tpu.memref_slice %arg5[%select_n3A_54, %add3A_1481, %dma_start3A_1482, %dma_start3A_1483, %dma_start3A_1484] : memref<2x64x64x64x64xf32, #tpu.memory_space<hbm>> -> memref<1x1x4x64x64xf32, #tpu.memory_space<hbm>>
      %dma_start3A_1486 = tpu.memref_squeeze %dma_start3A_1485 : memref<1x1x4x64x64xf32, #tpu.memory_space<hbm>> -> memref<4x64x64xf32, #tpu.memory_space<hbm>>
      %dma_start3A_1487 = arith.constant 48 : i32
      %dma_start3A_1488 = arith.constant 0 : i32
      %dma_start3A_1489 = arith.constant 0 : i32
      %dma_start3A_1490 = tpu.memref_slice %arg2[%select_n3A_54, %select_n3A_70, %add3A_1476, %dma_start3A_1487, %dma_start3A_1488, %dma_start3A_1489] : memref<2x4x16x64x64x64xf32, #tpu.memory_space<hbm>> -> memref<1x1x1x4x64x64xf32, #tpu.memory_space<hbm>>
      %dma_start3A_1491 = tpu.memref_squeeze %dma_start3A_1490 : memref<1x1x1x4x64x64xf32, #tpu.memory_space<hbm>> -> memref<4x64x64xf32, #tpu.memory_space<hbm>>
      tpu.enqueue_dma source(%dma_start3A_1491 : memref<4x64x64xf32, #tpu.memory_space<hbm>>) target(%dma_start3A_1486 : memref<4x64x64xf32, #tpu.memory_space<hbm>>) target_semaphore(%arg12 : memref<!tpu.dma_semaphore, #tpu.memory_space<semaphore_mem>>)
      %add3A_1492 = arith.constant 2 : i32
      %add3A_1493 = arith.addi %mul3A_72, %add3A_1492 : i32
      %mul3A_1494 = arith.constant 16 : i32
      %mul3A_1495 = arith.muli %select_n3A_70, %mul3A_1494 : i32
      %add3A_1496 = arith.addi %mul3A_1495, %mul3A_72 : i32
      %add3A_1497 = arith.constant 2 : i32
      %add3A_1498 = arith.addi %add3A_1496, %add3A_1497 : i32
      %dma_wait3A_1499 = arith.constant 24 : i32
      %dma_wait3A_1500 = arith.constant 0 : i32
      %dma_wait3A_1501 = arith.constant 0 : i32
      %dma_wait3A_1502 = tpu.memref_slice %arg5[%select_n3A_54, %add3A_1498, %dma_wait3A_1499, %dma_wait3A_1500, %dma_wait3A_1501] : memref<2x64x64x64x64xf32, #tpu.memory_space<hbm>> -> memref<1x1x4x64x64xf32, #tpu.memory_space<hbm>>
      %dma_wait3A_1503 = tpu.memref_squeeze %dma_wait3A_1502 : memref<1x1x4x64x64xf32, #tpu.memory_space<hbm>> -> memref<4x64x64xf32, #tpu.memory_space<hbm>>
      %dma_wait3A_1504 = arith.constant 24 : i32
      %dma_wait3A_1505 = arith.constant 0 : i32
      %dma_wait3A_1506 = arith.constant 0 : i32
      %dma_wait3A_1507 = tpu.memref_slice %arg2[%select_n3A_54, %select_n3A_70, %add3A_1493, %dma_wait3A_1504, %dma_wait3A_1505, %dma_wait3A_1506] : memref<2x4x16x64x64x64xf32, #tpu.memory_space<hbm>> -> memref<1x1x1x4x64x64xf32, #tpu.memory_space<hbm>>
      %dma_wait3A_1508 = tpu.memref_squeeze %dma_wait3A_1507 : memref<1x1x1x4x64x64xf32, #tpu.memory_space<hbm>> -> memref<4x64x64xf32, #tpu.memory_space<hbm>>
      tpu.wait_dma2 semaphore(%arg12 : memref<!tpu.dma_semaphore, #tpu.memory_space<semaphore_mem>>) src(%dma_wait3A_1508 : memref<4x64x64xf32, #tpu.memory_space<hbm>>) dst(%dma_wait3A_1503 : memref<4x64x64xf32, #tpu.memory_space<hbm>>)
      %add3A_1509 = arith.constant 2 : i32
      %add3A_1510 = arith.addi %mul3A_72, %add3A_1509 : i32
      %mul3A_1511 = arith.constant 16 : i32
      %mul3A_1512 = arith.muli %select_n3A_70, %mul3A_1511 : i32
      %add3A_1513 = arith.addi %mul3A_1512, %mul3A_72 : i32
      %add3A_1514 = arith.constant 2 : i32
      %add3A_1515 = arith.addi %add3A_1513, %add3A_1514 : i32
      %dma_start3A_1516 = arith.constant 52 : i32
      %dma_start3A_1517 = arith.constant 0 : i32
      %dma_start3A_1518 = arith.constant 0 : i32
      %dma_start3A_1519 = tpu.memref_slice %arg5[%select_n3A_54, %add3A_1515, %dma_start3A_1516, %dma_start3A_1517, %dma_start3A_1518] : memref<2x64x64x64x64xf32, #tpu.memory_space<hbm>> -> memref<1x1x4x64x64xf32, #tpu.memory_space<hbm>>
      %dma_start3A_1520 = tpu.memref_squeeze %dma_start3A_1519 : memref<1x1x4x64x64xf32, #tpu.memory_space<hbm>> -> memref<4x64x64xf32, #tpu.memory_space<hbm>>
      %dma_start3A_1521 = arith.constant 52 : i32
      %dma_start3A_1522 = arith.constant 0 : i32
      %dma_start3A_1523 = arith.constant 0 : i32
      %dma_start3A_1524 = tpu.memref_slice %arg2[%select_n3A_54, %select_n3A_70, %add3A_1510, %dma_start3A_1521, %dma_start3A_1522, %dma_start3A_1523] : memref<2x4x16x64x64x64xf32, #tpu.memory_space<hbm>> -> memref<1x1x1x4x64x64xf32, #tpu.memory_space<hbm>>
      %dma_start3A_1525 = tpu.memref_squeeze %dma_start3A_1524 : memref<1x1x1x4x64x64xf32, #tpu.memory_space<hbm>> -> memref<4x64x64xf32, #tpu.memory_space<hbm>>
      tpu.enqueue_dma source(%dma_start3A_1525 : memref<4x64x64xf32, #tpu.memory_space<hbm>>) target(%dma_start3A_1520 : memref<4x64x64xf32, #tpu.memory_space<hbm>>) target_semaphore(%arg10 : memref<!tpu.dma_semaphore, #tpu.memory_space<semaphore_mem>>)
      %add3A_1526 = arith.constant 2 : i32
      %add3A_1527 = arith.addi %mul3A_72, %add3A_1526 : i32
      %mul3A_1528 = arith.constant 16 : i32
      %mul3A_1529 = arith.muli %select_n3A_70, %mul3A_1528 : i32
      %add3A_1530 = arith.addi %mul3A_1529, %mul3A_72 : i32
      %add3A_1531 = arith.constant 2 : i32
      %add3A_1532 = arith.addi %add3A_1530, %add3A_1531 : i32
      %dma_wait3A_1533 = arith.constant 28 : i32
      %dma_wait3A_1534 = arith.constant 0 : i32
      %dma_wait3A_1535 = arith.constant 0 : i32
      %dma_wait3A_1536 = tpu.memref_slice %arg5[%select_n3A_54, %add3A_1532, %dma_wait3A_1533, %dma_wait3A_1534, %dma_wait3A_1535] : memref<2x64x64x64x64xf32, #tpu.memory_space<hbm>> -> memref<1x1x4x64x64xf32, #tpu.memory_space<hbm>>
      %dma_wait3A_1537 = tpu.memref_squeeze %dma_wait3A_1536 : memref<1x1x4x64x64xf32, #tpu.memory_space<hbm>> -> memref<4x64x64xf32, #tpu.memory_space<hbm>>
      %dma_wait3A_1538 = arith.constant 28 : i32
      %dma_wait3A_1539 = arith.constant 0 : i32
      %dma_wait3A_1540 = arith.constant 0 : i32
      %dma_wait3A_1541 = tpu.memref_slice %arg2[%select_n3A_54, %select_n3A_70, %add3A_1527, %dma_wait3A_1538, %dma_wait3A_1539, %dma_wait3A_1540] : memref<2x4x16x64x64x64xf32, #tpu.memory_space<hbm>> -> memref<1x1x1x4x64x64xf32, #tpu.memory_space<hbm>>
      %dma_wait3A_1542 = tpu.memref_squeeze %dma_wait3A_1541 : memref<1x1x1x4x64x64xf32, #tpu.memory_space<hbm>> -> memref<4x64x64xf32, #tpu.memory_space<hbm>>
      tpu.wait_dma2 semaphore(%arg10 : memref<!tpu.dma_semaphore, #tpu.memory_space<semaphore_mem>>) src(%dma_wait3A_1542 : memref<4x64x64xf32, #tpu.memory_space<hbm>>) dst(%dma_wait3A_1537 : memref<4x64x64xf32, #tpu.memory_space<hbm>>)
      %add3A_1543 = arith.constant 2 : i32
      %add3A_1544 = arith.addi %mul3A_72, %add3A_1543 : i32
      %mul3A_1545 = arith.constant 16 : i32
      %mul3A_1546 = arith.muli %select_n3A_70, %mul3A_1545 : i32
      %add3A_1547 = arith.addi %mul3A_1546, %mul3A_72 : i32
      %add3A_1548 = arith.constant 2 : i32
      %add3A_1549 = arith.addi %add3A_1547, %add3A_1548 : i32
      %dma_start3A_1550 = arith.constant 56 : i32
      %dma_start3A_1551 = arith.constant 0 : i32
      %dma_start3A_1552 = arith.constant 0 : i32
      %dma_start3A_1553 = tpu.memref_slice %arg5[%select_n3A_54, %add3A_1549, %dma_start3A_1550, %dma_start3A_1551, %dma_start3A_1552] : memref<2x64x64x64x64xf32, #tpu.memory_space<hbm>> -> memref<1x1x4x64x64xf32, #tpu.memory_space<hbm>>
      %dma_start3A_1554 = tpu.memref_squeeze %dma_start3A_1553 : memref<1x1x4x64x64xf32, #tpu.memory_space<hbm>> -> memref<4x64x64xf32, #tpu.memory_space<hbm>>
      %dma_start3A_1555 = arith.constant 56 : i32
      %dma_start3A_1556 = arith.constant 0 : i32
      %dma_start3A_1557 = arith.constant 0 : i32
      %dma_start3A_1558 = tpu.memref_slice %arg2[%select_n3A_54, %select_n3A_70, %add3A_1544, %dma_start3A_1555, %dma_start3A_1556, %dma_start3A_1557] : memref<2x4x16x64x64x64xf32, #tpu.memory_space<hbm>> -> memref<1x1x1x4x64x64xf32, #tpu.memory_space<hbm>>
      %dma_start3A_1559 = tpu.memref_squeeze %dma_start3A_1558 : memref<1x1x1x4x64x64xf32, #tpu.memory_space<hbm>> -> memref<4x64x64xf32, #tpu.memory_space<hbm>>
      tpu.enqueue_dma source(%dma_start3A_1559 : memref<4x64x64xf32, #tpu.memory_space<hbm>>) target(%dma_start3A_1554 : memref<4x64x64xf32, #tpu.memory_space<hbm>>) target_semaphore(%arg11 : memref<!tpu.dma_semaphore, #tpu.memory_space<semaphore_mem>>)
      %add3A_1560 = arith.constant 2 : i32
      %add3A_1561 = arith.addi %mul3A_72, %add3A_1560 : i32
      %mul3A_1562 = arith.constant 16 : i32
      %mul3A_1563 = arith.muli %select_n3A_70, %mul3A_1562 : i32
      %add3A_1564 = arith.addi %mul3A_1563, %mul3A_72 : i32
      %add3A_1565 = arith.constant 2 : i32
      %add3A_1566 = arith.addi %add3A_1564, %add3A_1565 : i32
      %dma_wait3A_1567 = arith.constant 32 : i32
      %dma_wait3A_1568 = arith.constant 0 : i32
      %dma_wait3A_1569 = arith.constant 0 : i32
      %dma_wait3A_1570 = tpu.memref_slice %arg5[%select_n3A_54, %add3A_1566, %dma_wait3A_1567, %dma_wait3A_1568, %dma_wait3A_1569] : memref<2x64x64x64x64xf32, #tpu.memory_space<hbm>> -> memref<1x1x4x64x64xf32, #tpu.memory_space<hbm>>
      %dma_wait3A_1571 = tpu.memref_squeeze %dma_wait3A_1570 : memref<1x1x4x64x64xf32, #tpu.memory_space<hbm>> -> memref<4x64x64xf32, #tpu.memory_space<hbm>>
      %dma_wait3A_1572 = arith.constant 32 : i32
      %dma_wait3A_1573 = arith.constant 0 : i32
      %dma_wait3A_1574 = arith.constant 0 : i32
      %dma_wait3A_1575 = tpu.memref_slice %arg2[%select_n3A_54, %select_n3A_70, %add3A_1561, %dma_wait3A_1572, %dma_wait3A_1573, %dma_wait3A_1574] : memref<2x4x16x64x64x64xf32, #tpu.memory_space<hbm>> -> memref<1x1x1x4x64x64xf32, #tpu.memory_space<hbm>>
      %dma_wait3A_1576 = tpu.memref_squeeze %dma_wait3A_1575 : memref<1x1x1x4x64x64xf32, #tpu.memory_space<hbm>> -> memref<4x64x64xf32, #tpu.memory_space<hbm>>
      tpu.wait_dma2 semaphore(%arg11 : memref<!tpu.dma_semaphore, #tpu.memory_space<semaphore_mem>>) src(%dma_wait3A_1576 : memref<4x64x64xf32, #tpu.memory_space<hbm>>) dst(%dma_wait3A_1571 : memref<4x64x64xf32, #tpu.memory_space<hbm>>)
      %add3A_1577 = arith.constant 2 : i32
      %add3A_1578 = arith.addi %mul3A_72, %add3A_1577 : i32
      %mul3A_1579 = arith.constant 16 : i32
      %mul3A_1580 = arith.muli %select_n3A_70, %mul3A_1579 : i32
      %add3A_1581 = arith.addi %mul3A_1580, %mul3A_72 : i32
      %add3A_1582 = arith.constant 2 : i32
      %add3A_1583 = arith.addi %add3A_1581, %add3A_1582 : i32
      %dma_start3A_1584 = arith.constant 60 : i32
      %dma_start3A_1585 = arith.constant 0 : i32
      %dma_start3A_1586 = arith.constant 0 : i32
      %dma_start3A_1587 = tpu.memref_slice %arg5[%select_n3A_54, %add3A_1583, %dma_start3A_1584, %dma_start3A_1585, %dma_start3A_1586] : memref<2x64x64x64x64xf32, #tpu.memory_space<hbm>> -> memref<1x1x4x64x64xf32, #tpu.memory_space<hbm>>
      %dma_start3A_1588 = tpu.memref_squeeze %dma_start3A_1587 : memref<1x1x4x64x64xf32, #tpu.memory_space<hbm>> -> memref<4x64x64xf32, #tpu.memory_space<hbm>>
      %dma_start3A_1589 = arith.constant 60 : i32
      %dma_start3A_1590 = arith.constant 0 : i32
      %dma_start3A_1591 = arith.constant 0 : i32
      %dma_start3A_1592 = tpu.memref_slice %arg2[%select_n3A_54, %select_n3A_70, %add3A_1578, %dma_start3A_1589, %dma_start3A_1590, %dma_start3A_1591] : memref<2x4x16x64x64x64xf32, #tpu.memory_space<hbm>> -> memref<1x1x1x4x64x64xf32, #tpu.memory_space<hbm>>
      %dma_start3A_1593 = tpu.memref_squeeze %dma_start3A_1592 : memref<1x1x1x4x64x64xf32, #tpu.memory_space<hbm>> -> memref<4x64x64xf32, #tpu.memory_space<hbm>>
      tpu.enqueue_dma source(%dma_start3A_1593 : memref<4x64x64xf32, #tpu.memory_space<hbm>>) target(%dma_start3A_1588 : memref<4x64x64xf32, #tpu.memory_space<hbm>>) target_semaphore(%arg12 : memref<!tpu.dma_semaphore, #tpu.memory_space<semaphore_mem>>)
      %add3A_1594 = arith.constant 2 : i32
      %add3A_1595 = arith.addi %mul3A_72, %add3A_1594 : i32
      %mul3A_1596 = arith.constant 16 : i32
      %mul3A_1597 = arith.muli %select_n3A_70, %mul3A_1596 : i32
      %add3A_1598 = arith.addi %mul3A_1597, %mul3A_72 : i32
      %add3A_1599 = arith.constant 2 : i32
      %add3A_1600 = arith.addi %add3A_1598, %add3A_1599 : i32
      %dma_wait3A_1601 = arith.constant 36 : i32
      %dma_wait3A_1602 = arith.constant 0 : i32
      %dma_wait3A_1603 = arith.constant 0 : i32
      %dma_wait3A_1604 = tpu.memref_slice %arg5[%select_n3A_54, %add3A_1600, %dma_wait3A_1601, %dma_wait3A_1602, %dma_wait3A_1603] : memref<2x64x64x64x64xf32, #tpu.memory_space<hbm>> -> memref<1x1x4x64x64xf32, #tpu.memory_space<hbm>>
      %dma_wait3A_1605 = tpu.memref_squeeze %dma_wait3A_1604 : memref<1x1x4x64x64xf32, #tpu.memory_space<hbm>> -> memref<4x64x64xf32, #tpu.memory_space<hbm>>
      %dma_wait3A_1606 = arith.constant 36 : i32
      %dma_wait3A_1607 = arith.constant 0 : i32
      %dma_wait3A_1608 = arith.constant 0 : i32
      %dma_wait3A_1609 = tpu.memref_slice %arg2[%select_n3A_54, %select_n3A_70, %add3A_1595, %dma_wait3A_1606, %dma_wait3A_1607, %dma_wait3A_1608] : memref<2x4x16x64x64x64xf32, #tpu.memory_space<hbm>> -> memref<1x1x1x4x64x64xf32, #tpu.memory_space<hbm>>
      %dma_wait3A_1610 = tpu.memref_squeeze %dma_wait3A_1609 : memref<1x1x1x4x64x64xf32, #tpu.memory_space<hbm>> -> memref<4x64x64xf32, #tpu.memory_space<hbm>>
      tpu.wait_dma2 semaphore(%arg12 : memref<!tpu.dma_semaphore, #tpu.memory_space<semaphore_mem>>) src(%dma_wait3A_1610 : memref<4x64x64xf32, #tpu.memory_space<hbm>>) dst(%dma_wait3A_1605 : memref<4x64x64xf32, #tpu.memory_space<hbm>>)
      %add3A_1611 = arith.constant 3 : i32
      %add3A_1612 = arith.addi %mul3A_72, %add3A_1611 : i32
      %mul3A_1613 = arith.constant 16 : i32
      %mul3A_1614 = arith.muli %select_n3A_70, %mul3A_1613 : i32
      %add3A_1615 = arith.addi %mul3A_1614, %mul3A_72 : i32
      %add3A_1616 = arith.constant 3 : i32
      %add3A_1617 = arith.addi %add3A_1615, %add3A_1616 : i32
      %dma_start3A_1618 = arith.constant 0 : i32
      %dma_start3A_1619 = arith.constant 0 : i32
      %dma_start3A_1620 = arith.constant 0 : i32
      %dma_start3A_1621 = tpu.memref_slice %arg5[%select_n3A_54, %add3A_1617, %dma_start3A_1618, %dma_start3A_1619, %dma_start3A_1620] : memref<2x64x64x64x64xf32, #tpu.memory_space<hbm>> -> memref<1x1x4x64x64xf32, #tpu.memory_space<hbm>>
      %dma_start3A_1622 = tpu.memref_squeeze %dma_start3A_1621 : memref<1x1x4x64x64xf32, #tpu.memory_space<hbm>> -> memref<4x64x64xf32, #tpu.memory_space<hbm>>
      %dma_start3A_1623 = arith.constant 0 : i32
      %dma_start3A_1624 = arith.constant 0 : i32
      %dma_start3A_1625 = arith.constant 0 : i32
      %dma_start3A_1626 = tpu.memref_slice %arg2[%select_n3A_54, %select_n3A_70, %add3A_1612, %dma_start3A_1623, %dma_start3A_1624, %dma_start3A_1625] : memref<2x4x16x64x64x64xf32, #tpu.memory_space<hbm>> -> memref<1x1x1x4x64x64xf32, #tpu.memory_space<hbm>>
      %dma_start3A_1627 = tpu.memref_squeeze %dma_start3A_1626 : memref<1x1x1x4x64x64xf32, #tpu.memory_space<hbm>> -> memref<4x64x64xf32, #tpu.memory_space<hbm>>
      tpu.enqueue_dma source(%dma_start3A_1627 : memref<4x64x64xf32, #tpu.memory_space<hbm>>) target(%dma_start3A_1622 : memref<4x64x64xf32, #tpu.memory_space<hbm>>) target_semaphore(%arg10 : memref<!tpu.dma_semaphore, #tpu.memory_space<semaphore_mem>>)
      %add3A_1628 = arith.constant 2 : i32
      %add3A_1629 = arith.addi %mul3A_72, %add3A_1628 : i32
      %mul3A_1630 = arith.constant 16 : i32
      %mul3A_1631 = arith.muli %select_n3A_70, %mul3A_1630 : i32
      %add3A_1632 = arith.addi %mul3A_1631, %mul3A_72 : i32
      %add3A_1633 = arith.constant 2 : i32
      %add3A_1634 = arith.addi %add3A_1632, %add3A_1633 : i32
      %dma_wait3A_1635 = arith.constant 40 : i32
      %dma_wait3A_1636 = arith.constant 0 : i32
      %dma_wait3A_1637 = arith.constant 0 : i32
      %dma_wait3A_1638 = tpu.memref_slice %arg5[%select_n3A_54, %add3A_1634, %dma_wait3A_1635, %dma_wait3A_1636, %dma_wait3A_1637] : memref<2x64x64x64x64xf32, #tpu.memory_space<hbm>> -> memref<1x1x4x64x64xf32, #tpu.memory_space<hbm>>
      %dma_wait3A_1639 = tpu.memref_squeeze %dma_wait3A_1638 : memref<1x1x4x64x64xf32, #tpu.memory_space<hbm>> -> memref<4x64x64xf32, #tpu.memory_space<hbm>>
      %dma_wait3A_1640 = arith.constant 40 : i32
      %dma_wait3A_1641 = arith.constant 0 : i32
      %dma_wait3A_1642 = arith.constant 0 : i32
      %dma_wait3A_1643 = tpu.memref_slice %arg2[%select_n3A_54, %select_n3A_70, %add3A_1629, %dma_wait3A_1640, %dma_wait3A_1641, %dma_wait3A_1642] : memref<2x4x16x64x64x64xf32, #tpu.memory_space<hbm>> -> memref<1x1x1x4x64x64xf32, #tpu.memory_space<hbm>>
      %dma_wait3A_1644 = tpu.memref_squeeze %dma_wait3A_1643 : memref<1x1x1x4x64x64xf32, #tpu.memory_space<hbm>> -> memref<4x64x64xf32, #tpu.memory_space<hbm>>
      tpu.wait_dma2 semaphore(%arg10 : memref<!tpu.dma_semaphore, #tpu.memory_space<semaphore_mem>>) src(%dma_wait3A_1644 : memref<4x64x64xf32, #tpu.memory_space<hbm>>) dst(%dma_wait3A_1639 : memref<4x64x64xf32, #tpu.memory_space<hbm>>)
      %add3A_1645 = arith.constant 3 : i32
      %add3A_1646 = arith.addi %mul3A_72, %add3A_1645 : i32
      %mul3A_1647 = arith.constant 16 : i32
      %mul3A_1648 = arith.muli %select_n3A_70, %mul3A_1647 : i32
      %add3A_1649 = arith.addi %mul3A_1648, %mul3A_72 : i32
      %add3A_1650 = arith.constant 3 : i32
      %add3A_1651 = arith.addi %add3A_1649, %add3A_1650 : i32
      %dma_start3A_1652 = arith.constant 4 : i32
      %dma_start3A_1653 = arith.constant 0 : i32
      %dma_start3A_1654 = arith.constant 0 : i32
      %dma_start3A_1655 = tpu.memref_slice %arg5[%select_n3A_54, %add3A_1651, %dma_start3A_1652, %dma_start3A_1653, %dma_start3A_1654] : memref<2x64x64x64x64xf32, #tpu.memory_space<hbm>> -> memref<1x1x4x64x64xf32, #tpu.memory_space<hbm>>
      %dma_start3A_1656 = tpu.memref_squeeze %dma_start3A_1655 : memref<1x1x4x64x64xf32, #tpu.memory_space<hbm>> -> memref<4x64x64xf32, #tpu.memory_space<hbm>>
      %dma_start3A_1657 = arith.constant 4 : i32
      %dma_start3A_1658 = arith.constant 0 : i32
      %dma_start3A_1659 = arith.constant 0 : i32
      %dma_start3A_1660 = tpu.memref_slice %arg2[%select_n3A_54, %select_n3A_70, %add3A_1646, %dma_start3A_1657, %dma_start3A_1658, %dma_start3A_1659] : memref<2x4x16x64x64x64xf32, #tpu.memory_space<hbm>> -> memref<1x1x1x4x64x64xf32, #tpu.memory_space<hbm>>
      %dma_start3A_1661 = tpu.memref_squeeze %dma_start3A_1660 : memref<1x1x1x4x64x64xf32, #tpu.memory_space<hbm>> -> memref<4x64x64xf32, #tpu.memory_space<hbm>>
      tpu.enqueue_dma source(%dma_start3A_1661 : memref<4x64x64xf32, #tpu.memory_space<hbm>>) target(%dma_start3A_1656 : memref<4x64x64xf32, #tpu.memory_space<hbm>>) target_semaphore(%arg11 : memref<!tpu.dma_semaphore, #tpu.memory_space<semaphore_mem>>)
      %add3A_1662 = arith.constant 2 : i32
      %add3A_1663 = arith.addi %mul3A_72, %add3A_1662 : i32
      %mul3A_1664 = arith.constant 16 : i32
      %mul3A_1665 = arith.muli %select_n3A_70, %mul3A_1664 : i32
      %add3A_1666 = arith.addi %mul3A_1665, %mul3A_72 : i32
      %add3A_1667 = arith.constant 2 : i32
      %add3A_1668 = arith.addi %add3A_1666, %add3A_1667 : i32
      %dma_wait3A_1669 = arith.constant 44 : i32
      %dma_wait3A_1670 = arith.constant 0 : i32
      %dma_wait3A_1671 = arith.constant 0 : i32
      %dma_wait3A_1672 = tpu.memref_slice %arg5[%select_n3A_54, %add3A_1668, %dma_wait3A_1669, %dma_wait3A_1670, %dma_wait3A_1671] : memref<2x64x64x64x64xf32, #tpu.memory_space<hbm>> -> memref<1x1x4x64x64xf32, #tpu.memory_space<hbm>>
      %dma_wait3A_1673 = tpu.memref_squeeze %dma_wait3A_1672 : memref<1x1x4x64x64xf32, #tpu.memory_space<hbm>> -> memref<4x64x64xf32, #tpu.memory_space<hbm>>
      %dma_wait3A_1674 = arith.constant 44 : i32
      %dma_wait3A_1675 = arith.constant 0 : i32
      %dma_wait3A_1676 = arith.constant 0 : i32
      %dma_wait3A_1677 = tpu.memref_slice %arg2[%select_n3A_54, %select_n3A_70, %add3A_1663, %dma_wait3A_1674, %dma_wait3A_1675, %dma_wait3A_1676] : memref<2x4x16x64x64x64xf32, #tpu.memory_space<hbm>> -> memref<1x1x1x4x64x64xf32, #tpu.memory_space<hbm>>
      %dma_wait3A_1678 = tpu.memref_squeeze %dma_wait3A_1677 : memref<1x1x1x4x64x64xf32, #tpu.memory_space<hbm>> -> memref<4x64x64xf32, #tpu.memory_space<hbm>>
      tpu.wait_dma2 semaphore(%arg11 : memref<!tpu.dma_semaphore, #tpu.memory_space<semaphore_mem>>) src(%dma_wait3A_1678 : memref<4x64x64xf32, #tpu.memory_space<hbm>>) dst(%dma_wait3A_1673 : memref<4x64x64xf32, #tpu.memory_space<hbm>>)
      %add3A_1679 = arith.constant 3 : i32
      %add3A_1680 = arith.addi %mul3A_72, %add3A_1679 : i32
      %mul3A_1681 = arith.constant 16 : i32
      %mul3A_1682 = arith.muli %select_n3A_70, %mul3A_1681 : i32
      %add3A_1683 = arith.addi %mul3A_1682, %mul3A_72 : i32
      %add3A_1684 = arith.constant 3 : i32
      %add3A_1685 = arith.addi %add3A_1683, %add3A_1684 : i32
      %dma_start3A_1686 = arith.constant 8 : i32
      %dma_start3A_1687 = arith.constant 0 : i32
      %dma_start3A_1688 = arith.constant 0 : i32
      %dma_start3A_1689 = tpu.memref_slice %arg5[%select_n3A_54, %add3A_1685, %dma_start3A_1686, %dma_start3A_1687, %dma_start3A_1688] : memref<2x64x64x64x64xf32, #tpu.memory_space<hbm>> -> memref<1x1x4x64x64xf32, #tpu.memory_space<hbm>>
      %dma_start3A_1690 = tpu.memref_squeeze %dma_start3A_1689 : memref<1x1x4x64x64xf32, #tpu.memory_space<hbm>> -> memref<4x64x64xf32, #tpu.memory_space<hbm>>
      %dma_start3A_1691 = arith.constant 8 : i32
      %dma_start3A_1692 = arith.constant 0 : i32
      %dma_start3A_1693 = arith.constant 0 : i32
      %dma_start3A_1694 = tpu.memref_slice %arg2[%select_n3A_54, %select_n3A_70, %add3A_1680, %dma_start3A_1691, %dma_start3A_1692, %dma_start3A_1693] : memref<2x4x16x64x64x64xf32, #tpu.memory_space<hbm>> -> memref<1x1x1x4x64x64xf32, #tpu.memory_space<hbm>>
      %dma_start3A_1695 = tpu.memref_squeeze %dma_start3A_1694 : memref<1x1x1x4x64x64xf32, #tpu.memory_space<hbm>> -> memref<4x64x64xf32, #tpu.memory_space<hbm>>
      tpu.enqueue_dma source(%dma_start3A_1695 : memref<4x64x64xf32, #tpu.memory_space<hbm>>) target(%dma_start3A_1690 : memref<4x64x64xf32, #tpu.memory_space<hbm>>) target_semaphore(%arg12 : memref<!tpu.dma_semaphore, #tpu.memory_space<semaphore_mem>>)
      %add3A_1696 = arith.constant 2 : i32
      %add3A_1697 = arith.addi %mul3A_72, %add3A_1696 : i32
      %mul3A_1698 = arith.constant 16 : i32
      %mul3A_1699 = arith.muli %select_n3A_70, %mul3A_1698 : i32
      %add3A_1700 = arith.addi %mul3A_1699, %mul3A_72 : i32
      %add3A_1701 = arith.constant 2 : i32
      %add3A_1702 = arith.addi %add3A_1700, %add3A_1701 : i32
      %dma_wait3A_1703 = arith.constant 48 : i32
      %dma_wait3A_1704 = arith.constant 0 : i32
      %dma_wait3A_1705 = arith.constant 0 : i32
      %dma_wait3A_1706 = tpu.memref_slice %arg5[%select_n3A_54, %add3A_1702, %dma_wait3A_1703, %dma_wait3A_1704, %dma_wait3A_1705] : memref<2x64x64x64x64xf32, #tpu.memory_space<hbm>> -> memref<1x1x4x64x64xf32, #tpu.memory_space<hbm>>
      %dma_wait3A_1707 = tpu.memref_squeeze %dma_wait3A_1706 : memref<1x1x4x64x64xf32, #tpu.memory_space<hbm>> -> memref<4x64x64xf32, #tpu.memory_space<hbm>>
      %dma_wait3A_1708 = arith.constant 48 : i32
      %dma_wait3A_1709 = arith.constant 0 : i32
      %dma_wait3A_1710 = arith.constant 0 : i32
      %dma_wait3A_1711 = tpu.memref_slice %arg2[%select_n3A_54, %select_n3A_70, %add3A_1697, %dma_wait3A_1708, %dma_wait3A_1709, %dma_wait3A_1710] : memref<2x4x16x64x64x64xf32, #tpu.memory_space<hbm>> -> memref<1x1x1x4x64x64xf32, #tpu.memory_space<hbm>>
      %dma_wait3A_1712 = tpu.memref_squeeze %dma_wait3A_1711 : memref<1x1x1x4x64x64xf32, #tpu.memory_space<hbm>> -> memref<4x64x64xf32, #tpu.memory_space<hbm>>
      tpu.wait_dma2 semaphore(%arg12 : memref<!tpu.dma_semaphore, #tpu.memory_space<semaphore_mem>>) src(%dma_wait3A_1712 : memref<4x64x64xf32, #tpu.memory_space<hbm>>) dst(%dma_wait3A_1707 : memref<4x64x64xf32, #tpu.memory_space<hbm>>)
      %add3A_1713 = arith.constant 3 : i32
      %add3A_1714 = arith.addi %mul3A_72, %add3A_1713 : i32
      %mul3A_1715 = arith.constant 16 : i32
      %mul3A_1716 = arith.muli %select_n3A_70, %mul3A_1715 : i32
      %add3A_1717 = arith.addi %mul3A_1716, %mul3A_72 : i32
      %add3A_1718 = arith.constant 3 : i32
      %add3A_1719 = arith.addi %add3A_1717, %add3A_1718 : i32
      %dma_start3A_1720 = arith.constant 12 : i32
      %dma_start3A_1721 = arith.constant 0 : i32
      %dma_start3A_1722 = arith.constant 0 : i32
      %dma_start3A_1723 = tpu.memref_slice %arg5[%select_n3A_54, %add3A_1719, %dma_start3A_1720, %dma_start3A_1721, %dma_start3A_1722] : memref<2x64x64x64x64xf32, #tpu.memory_space<hbm>> -> memref<1x1x4x64x64xf32, #tpu.memory_space<hbm>>
      %dma_start3A_1724 = tpu.memref_squeeze %dma_start3A_1723 : memref<1x1x4x64x64xf32, #tpu.memory_space<hbm>> -> memref<4x64x64xf32, #tpu.memory_space<hbm>>
      %dma_start3A_1725 = arith.constant 12 : i32
      %dma_start3A_1726 = arith.constant 0 : i32
      %dma_start3A_1727 = arith.constant 0 : i32
      %dma_start3A_1728 = tpu.memref_slice %arg2[%select_n3A_54, %select_n3A_70, %add3A_1714, %dma_start3A_1725, %dma_start3A_1726, %dma_start3A_1727] : memref<2x4x16x64x64x64xf32, #tpu.memory_space<hbm>> -> memref<1x1x1x4x64x64xf32, #tpu.memory_space<hbm>>
      %dma_start3A_1729 = tpu.memref_squeeze %dma_start3A_1728 : memref<1x1x1x4x64x64xf32, #tpu.memory_space<hbm>> -> memref<4x64x64xf32, #tpu.memory_space<hbm>>
      tpu.enqueue_dma source(%dma_start3A_1729 : memref<4x64x64xf32, #tpu.memory_space<hbm>>) target(%dma_start3A_1724 : memref<4x64x64xf32, #tpu.memory_space<hbm>>) target_semaphore(%arg10 : memref<!tpu.dma_semaphore, #tpu.memory_space<semaphore_mem>>)
      %add3A_1730 = arith.constant 2 : i32
      %add3A_1731 = arith.addi %mul3A_72, %add3A_1730 : i32
      %mul3A_1732 = arith.constant 16 : i32
      %mul3A_1733 = arith.muli %select_n3A_70, %mul3A_1732 : i32
      %add3A_1734 = arith.addi %mul3A_1733, %mul3A_72 : i32
      %add3A_1735 = arith.constant 2 : i32
      %add3A_1736 = arith.addi %add3A_1734, %add3A_1735 : i32
      %dma_wait3A_1737 = arith.constant 52 : i32
      %dma_wait3A_1738 = arith.constant 0 : i32
      %dma_wait3A_1739 = arith.constant 0 : i32
      %dma_wait3A_1740 = tpu.memref_slice %arg5[%select_n3A_54, %add3A_1736, %dma_wait3A_1737, %dma_wait3A_1738, %dma_wait3A_1739] : memref<2x64x64x64x64xf32, #tpu.memory_space<hbm>> -> memref<1x1x4x64x64xf32, #tpu.memory_space<hbm>>
      %dma_wait3A_1741 = tpu.memref_squeeze %dma_wait3A_1740 : memref<1x1x4x64x64xf32, #tpu.memory_space<hbm>> -> memref<4x64x64xf32, #tpu.memory_space<hbm>>
      %dma_wait3A_1742 = arith.constant 52 : i32
      %dma_wait3A_1743 = arith.constant 0 : i32
      %dma_wait3A_1744 = arith.constant 0 : i32
      %dma_wait3A_1745 = tpu.memref_slice %arg2[%select_n3A_54, %select_n3A_70, %add3A_1731, %dma_wait3A_1742, %dma_wait3A_1743, %dma_wait3A_1744] : memref<2x4x16x64x64x64xf32, #tpu.memory_space<hbm>> -> memref<1x1x1x4x64x64xf32, #tpu.memory_space<hbm>>
      %dma_wait3A_1746 = tpu.memref_squeeze %dma_wait3A_1745 : memref<1x1x1x4x64x64xf32, #tpu.memory_space<hbm>> -> memref<4x64x64xf32, #tpu.memory_space<hbm>>
      tpu.wait_dma2 semaphore(%arg10 : memref<!tpu.dma_semaphore, #tpu.memory_space<semaphore_mem>>) src(%dma_wait3A_1746 : memref<4x64x64xf32, #tpu.memory_space<hbm>>) dst(%dma_wait3A_1741 : memref<4x64x64xf32, #tpu.memory_space<hbm>>)
      %add3A_1747 = arith.constant 3 : i32
      %add3A_1748 = arith.addi %mul3A_72, %add3A_1747 : i32
      %mul3A_1749 = arith.constant 16 : i32
      %mul3A_1750 = arith.muli %select_n3A_70, %mul3A_1749 : i32
      %add3A_1751 = arith.addi %mul3A_1750, %mul3A_72 : i32
      %add3A_1752 = arith.constant 3 : i32
      %add3A_1753 = arith.addi %add3A_1751, %add3A_1752 : i32
      %dma_start3A_1754 = arith.constant 16 : i32
      %dma_start3A_1755 = arith.constant 0 : i32
      %dma_start3A_1756 = arith.constant 0 : i32
      %dma_start3A_1757 = tpu.memref_slice %arg5[%select_n3A_54, %add3A_1753, %dma_start3A_1754, %dma_start3A_1755, %dma_start3A_1756] : memref<2x64x64x64x64xf32, #tpu.memory_space<hbm>> -> memref<1x1x4x64x64xf32, #tpu.memory_space<hbm>>
      %dma_start3A_1758 = tpu.memref_squeeze %dma_start3A_1757 : memref<1x1x4x64x64xf32, #tpu.memory_space<hbm>> -> memref<4x64x64xf32, #tpu.memory_space<hbm>>
      %dma_start3A_1759 = arith.constant 16 : i32
      %dma_start3A_1760 = arith.constant 0 : i32
      %dma_start3A_1761 = arith.constant 0 : i32
      %dma_start3A_1762 = tpu.memref_slice %arg2[%select_n3A_54, %select_n3A_70, %add3A_1748, %dma_start3A_1759, %dma_start3A_1760, %dma_start3A_1761] : memref<2x4x16x64x64x64xf32, #tpu.memory_space<hbm>> -> memref<1x1x1x4x64x64xf32, #tpu.memory_space<hbm>>
      %dma_start3A_1763 = tpu.memref_squeeze %dma_start3A_1762 : memref<1x1x1x4x64x64xf32, #tpu.memory_space<hbm>> -> memref<4x64x64xf32, #tpu.memory_space<hbm>>
      tpu.enqueue_dma source(%dma_start3A_1763 : memref<4x64x64xf32, #tpu.memory_space<hbm>>) target(%dma_start3A_1758 : memref<4x64x64xf32, #tpu.memory_space<hbm>>) target_semaphore(%arg11 : memref<!tpu.dma_semaphore, #tpu.memory_space<semaphore_mem>>)
      %add3A_1764 = arith.constant 2 : i32
      %add3A_1765 = arith.addi %mul3A_72, %add3A_1764 : i32
      %mul3A_1766 = arith.constant 16 : i32
      %mul3A_1767 = arith.muli %select_n3A_70, %mul3A_1766 : i32
      %add3A_1768 = arith.addi %mul3A_1767, %mul3A_72 : i32
      %add3A_1769 = arith.constant 2 : i32
      %add3A_1770 = arith.addi %add3A_1768, %add3A_1769 : i32
      %dma_wait3A_1771 = arith.constant 56 : i32
      %dma_wait3A_1772 = arith.constant 0 : i32
      %dma_wait3A_1773 = arith.constant 0 : i32
      %dma_wait3A_1774 = tpu.memref_slice %arg5[%select_n3A_54, %add3A_1770, %dma_wait3A_1771, %dma_wait3A_1772, %dma_wait3A_1773] : memref<2x64x64x64x64xf32, #tpu.memory_space<hbm>> -> memref<1x1x4x64x64xf32, #tpu.memory_space<hbm>>
      %dma_wait3A_1775 = tpu.memref_squeeze %dma_wait3A_1774 : memref<1x1x4x64x64xf32, #tpu.memory_space<hbm>> -> memref<4x64x64xf32, #tpu.memory_space<hbm>>
      %dma_wait3A_1776 = arith.constant 56 : i32
      %dma_wait3A_1777 = arith.constant 0 : i32
      %dma_wait3A_1778 = arith.constant 0 : i32
      %dma_wait3A_1779 = tpu.memref_slice %arg2[%select_n3A_54, %select_n3A_70, %add3A_1765, %dma_wait3A_1776, %dma_wait3A_1777, %dma_wait3A_1778] : memref<2x4x16x64x64x64xf32, #tpu.memory_space<hbm>> -> memref<1x1x1x4x64x64xf32, #tpu.memory_space<hbm>>
      %dma_wait3A_1780 = tpu.memref_squeeze %dma_wait3A_1779 : memref<1x1x1x4x64x64xf32, #tpu.memory_space<hbm>> -> memref<4x64x64xf32, #tpu.memory_space<hbm>>
      tpu.wait_dma2 semaphore(%arg11 : memref<!tpu.dma_semaphore, #tpu.memory_space<semaphore_mem>>) src(%dma_wait3A_1780 : memref<4x64x64xf32, #tpu.memory_space<hbm>>) dst(%dma_wait3A_1775 : memref<4x64x64xf32, #tpu.memory_space<hbm>>)
      %add3A_1781 = arith.constant 3 : i32
      %add3A_1782 = arith.addi %mul3A_72, %add3A_1781 : i32
      %mul3A_1783 = arith.constant 16 : i32
      %mul3A_1784 = arith.muli %select_n3A_70, %mul3A_1783 : i32
      %add3A_1785 = arith.addi %mul3A_1784, %mul3A_72 : i32
      %add3A_1786 = arith.constant 3 : i32
      %add3A_1787 = arith.addi %add3A_1785, %add3A_1786 : i32
      %dma_start3A_1788 = arith.constant 20 : i32
      %dma_start3A_1789 = arith.constant 0 : i32
      %dma_start3A_1790 = arith.constant 0 : i32
      %dma_start3A_1791 = tpu.memref_slice %arg5[%select_n3A_54, %add3A_1787, %dma_start3A_1788, %dma_start3A_1789, %dma_start3A_1790] : memref<2x64x64x64x64xf32, #tpu.memory_space<hbm>> -> memref<1x1x4x64x64xf32, #tpu.memory_space<hbm>>
      %dma_start3A_1792 = tpu.memref_squeeze %dma_start3A_1791 : memref<1x1x4x64x64xf32, #tpu.memory_space<hbm>> -> memref<4x64x64xf32, #tpu.memory_space<hbm>>
      %dma_start3A_1793 = arith.constant 20 : i32
      %dma_start3A_1794 = arith.constant 0 : i32
      %dma_start3A_1795 = arith.constant 0 : i32
      %dma_start3A_1796 = tpu.memref_slice %arg2[%select_n3A_54, %select_n3A_70, %add3A_1782, %dma_start3A_1793, %dma_start3A_1794, %dma_start3A_1795] : memref<2x4x16x64x64x64xf32, #tpu.memory_space<hbm>> -> memref<1x1x1x4x64x64xf32, #tpu.memory_space<hbm>>
      %dma_start3A_1797 = tpu.memref_squeeze %dma_start3A_1796 : memref<1x1x1x4x64x64xf32, #tpu.memory_space<hbm>> -> memref<4x64x64xf32, #tpu.memory_space<hbm>>
      tpu.enqueue_dma source(%dma_start3A_1797 : memref<4x64x64xf32, #tpu.memory_space<hbm>>) target(%dma_start3A_1792 : memref<4x64x64xf32, #tpu.memory_space<hbm>>) target_semaphore(%arg12 : memref<!tpu.dma_semaphore, #tpu.memory_space<semaphore_mem>>)
      %add3A_1798 = arith.constant 2 : i32
      %add3A_1799 = arith.addi %mul3A_72, %add3A_1798 : i32
      %mul3A_1800 = arith.constant 16 : i32
      %mul3A_1801 = arith.muli %select_n3A_70, %mul3A_1800 : i32
      %add3A_1802 = arith.addi %mul3A_1801, %mul3A_72 : i32
      %add3A_1803 = arith.constant 2 : i32
      %add3A_1804 = arith.addi %add3A_1802, %add3A_1803 : i32
      %dma_wait3A_1805 = arith.constant 60 : i32
      %dma_wait3A_1806 = arith.constant 0 : i32
      %dma_wait3A_1807 = arith.constant 0 : i32
      %dma_wait3A_1808 = tpu.memref_slice %arg5[%select_n3A_54, %add3A_1804, %dma_wait3A_1805, %dma_wait3A_1806, %dma_wait3A_1807] : memref<2x64x64x64x64xf32, #tpu.memory_space<hbm>> -> memref<1x1x4x64x64xf32, #tpu.memory_space<hbm>>
      %dma_wait3A_1809 = tpu.memref_squeeze %dma_wait3A_1808 : memref<1x1x4x64x64xf32, #tpu.memory_space<hbm>> -> memref<4x64x64xf32, #tpu.memory_space<hbm>>
      %dma_wait3A_1810 = arith.constant 60 : i32
      %dma_wait3A_1811 = arith.constant 0 : i32
      %dma_wait3A_1812 = arith.constant 0 : i32
      %dma_wait3A_1813 = tpu.memref_slice %arg2[%select_n3A_54, %select_n3A_70, %add3A_1799, %dma_wait3A_1810, %dma_wait3A_1811, %dma_wait3A_1812] : memref<2x4x16x64x64x64xf32, #tpu.memory_space<hbm>> -> memref<1x1x1x4x64x64xf32, #tpu.memory_space<hbm>>
      %dma_wait3A_1814 = tpu.memref_squeeze %dma_wait3A_1813 : memref<1x1x1x4x64x64xf32, #tpu.memory_space<hbm>> -> memref<4x64x64xf32, #tpu.memory_space<hbm>>
      tpu.wait_dma2 semaphore(%arg12 : memref<!tpu.dma_semaphore, #tpu.memory_space<semaphore_mem>>) src(%dma_wait3A_1814 : memref<4x64x64xf32, #tpu.memory_space<hbm>>) dst(%dma_wait3A_1809 : memref<4x64x64xf32, #tpu.memory_space<hbm>>)
      %add3A_1815 = arith.constant 3 : i32
      %add3A_1816 = arith.addi %mul3A_72, %add3A_1815 : i32
      %mul3A_1817 = arith.constant 16 : i32
      %mul3A_1818 = arith.muli %select_n3A_70, %mul3A_1817 : i32
      %add3A_1819 = arith.addi %mul3A_1818, %mul3A_72 : i32
      %add3A_1820 = arith.constant 3 : i32
      %add3A_1821 = arith.addi %add3A_1819, %add3A_1820 : i32
      %dma_start3A_1822 = arith.constant 24 : i32
      %dma_start3A_1823 = arith.constant 0 : i32
      %dma_start3A_1824 = arith.constant 0 : i32
      %dma_start3A_1825 = tpu.memref_slice %arg5[%select_n3A_54, %add3A_1821, %dma_start3A_1822, %dma_start3A_1823, %dma_start3A_1824] : memref<2x64x64x64x64xf32, #tpu.memory_space<hbm>> -> memref<1x1x4x64x64xf32, #tpu.memory_space<hbm>>
      %dma_start3A_1826 = tpu.memref_squeeze %dma_start3A_1825 : memref<1x1x4x64x64xf32, #tpu.memory_space<hbm>> -> memref<4x64x64xf32, #tpu.memory_space<hbm>>
      %dma_start3A_1827 = arith.constant 24 : i32
      %dma_start3A_1828 = arith.constant 0 : i32
      %dma_start3A_1829 = arith.constant 0 : i32
      %dma_start3A_1830 = tpu.memref_slice %arg2[%select_n3A_54, %select_n3A_70, %add3A_1816, %dma_start3A_1827, %dma_start3A_1828, %dma_start3A_1829] : memref<2x4x16x64x64x64xf32, #tpu.memory_space<hbm>> -> memref<1x1x1x4x64x64xf32, #tpu.memory_space<hbm>>
      %dma_start3A_1831 = tpu.memref_squeeze %dma_start3A_1830 : memref<1x1x1x4x64x64xf32, #tpu.memory_space<hbm>> -> memref<4x64x64xf32, #tpu.memory_space<hbm>>
      tpu.enqueue_dma source(%dma_start3A_1831 : memref<4x64x64xf32, #tpu.memory_space<hbm>>) target(%dma_start3A_1826 : memref<4x64x64xf32, #tpu.memory_space<hbm>>) target_semaphore(%arg10 : memref<!tpu.dma_semaphore, #tpu.memory_space<semaphore_mem>>)
      %add3A_1832 = arith.constant 3 : i32
      %add3A_1833 = arith.addi %mul3A_72, %add3A_1832 : i32
      %mul3A_1834 = arith.constant 16 : i32
      %mul3A_1835 = arith.muli %select_n3A_70, %mul3A_1834 : i32
      %add3A_1836 = arith.addi %mul3A_1835, %mul3A_72 : i32
      %add3A_1837 = arith.constant 3 : i32
      %add3A_1838 = arith.addi %add3A_1836, %add3A_1837 : i32
      %dma_wait3A_1839 = arith.constant 0 : i32
      %dma_wait3A_1840 = arith.constant 0 : i32
      %dma_wait3A_1841 = arith.constant 0 : i32
      %dma_wait3A_1842 = tpu.memref_slice %arg5[%select_n3A_54, %add3A_1838, %dma_wait3A_1839, %dma_wait3A_1840, %dma_wait3A_1841] : memref<2x64x64x64x64xf32, #tpu.memory_space<hbm>> -> memref<1x1x4x64x64xf32, #tpu.memory_space<hbm>>
      %dma_wait3A_1843 = tpu.memref_squeeze %dma_wait3A_1842 : memref<1x1x4x64x64xf32, #tpu.memory_space<hbm>> -> memref<4x64x64xf32, #tpu.memory_space<hbm>>
      %dma_wait3A_1844 = arith.constant 0 : i32
      %dma_wait3A_1845 = arith.constant 0 : i32
      %dma_wait3A_1846 = arith.constant 0 : i32
      %dma_wait3A_1847 = tpu.memref_slice %arg2[%select_n3A_54, %select_n3A_70, %add3A_1833, %dma_wait3A_1844, %dma_wait3A_1845, %dma_wait3A_1846] : memref<2x4x16x64x64x64xf32, #tpu.memory_space<hbm>> -> memref<1x1x1x4x64x64xf32, #tpu.memory_space<hbm>>
      %dma_wait3A_1848 = tpu.memref_squeeze %dma_wait3A_1847 : memref<1x1x1x4x64x64xf32, #tpu.memory_space<hbm>> -> memref<4x64x64xf32, #tpu.memory_space<hbm>>
      tpu.wait_dma2 semaphore(%arg10 : memref<!tpu.dma_semaphore, #tpu.memory_space<semaphore_mem>>) src(%dma_wait3A_1848 : memref<4x64x64xf32, #tpu.memory_space<hbm>>) dst(%dma_wait3A_1843 : memref<4x64x64xf32, #tpu.memory_space<hbm>>)
      %add3A_1849 = arith.constant 3 : i32
      %add3A_1850 = arith.addi %mul3A_72, %add3A_1849 : i32
      %mul3A_1851 = arith.constant 16 : i32
      %mul3A_1852 = arith.muli %select_n3A_70, %mul3A_1851 : i32
      %add3A_1853 = arith.addi %mul3A_1852, %mul3A_72 : i32
      %add3A_1854 = arith.constant 3 : i32
      %add3A_1855 = arith.addi %add3A_1853, %add3A_1854 : i32
      %dma_start3A_1856 = arith.constant 28 : i32
      %dma_start3A_1857 = arith.constant 0 : i32
      %dma_start3A_1858 = arith.constant 0 : i32
      %dma_start3A_1859 = tpu.memref_slice %arg5[%select_n3A_54, %add3A_1855, %dma_start3A_1856, %dma_start3A_1857, %dma_start3A_1858] : memref<2x64x64x64x64xf32, #tpu.memory_space<hbm>> -> memref<1x1x4x64x64xf32, #tpu.memory_space<hbm>>
      %dma_start3A_1860 = tpu.memref_squeeze %dma_start3A_1859 : memref<1x1x4x64x64xf32, #tpu.memory_space<hbm>> -> memref<4x64x64xf32, #tpu.memory_space<hbm>>
      %dma_start3A_1861 = arith.constant 28 : i32
      %dma_start3A_1862 = arith.constant 0 : i32
      %dma_start3A_1863 = arith.constant 0 : i32
      %dma_start3A_1864 = tpu.memref_slice %arg2[%select_n3A_54, %select_n3A_70, %add3A_1850, %dma_start3A_1861, %dma_start3A_1862, %dma_start3A_1863] : memref<2x4x16x64x64x64xf32, #tpu.memory_space<hbm>> -> memref<1x1x1x4x64x64xf32, #tpu.memory_space<hbm>>
      %dma_start3A_1865 = tpu.memref_squeeze %dma_start3A_1864 : memref<1x1x1x4x64x64xf32, #tpu.memory_space<hbm>> -> memref<4x64x64xf32, #tpu.memory_space<hbm>>
      tpu.enqueue_dma source(%dma_start3A_1865 : memref<4x64x64xf32, #tpu.memory_space<hbm>>) target(%dma_start3A_1860 : memref<4x64x64xf32, #tpu.memory_space<hbm>>) target_semaphore(%arg11 : memref<!tpu.dma_semaphore, #tpu.memory_space<semaphore_mem>>)
      %add3A_1866 = arith.constant 3 : i32
      %add3A_1867 = arith.addi %mul3A_72, %add3A_1866 : i32
      %mul3A_1868 = arith.constant 16 : i32
      %mul3A_1869 = arith.muli %select_n3A_70, %mul3A_1868 : i32
      %add3A_1870 = arith.addi %mul3A_1869, %mul3A_72 : i32
      %add3A_1871 = arith.constant 3 : i32
      %add3A_1872 = arith.addi %add3A_1870, %add3A_1871 : i32
      %dma_wait3A_1873 = arith.constant 4 : i32
      %dma_wait3A_1874 = arith.constant 0 : i32
      %dma_wait3A_1875 = arith.constant 0 : i32
      %dma_wait3A_1876 = tpu.memref_slice %arg5[%select_n3A_54, %add3A_1872, %dma_wait3A_1873, %dma_wait3A_1874, %dma_wait3A_1875] : memref<2x64x64x64x64xf32, #tpu.memory_space<hbm>> -> memref<1x1x4x64x64xf32, #tpu.memory_space<hbm>>
      %dma_wait3A_1877 = tpu.memref_squeeze %dma_wait3A_1876 : memref<1x1x4x64x64xf32, #tpu.memory_space<hbm>> -> memref<4x64x64xf32, #tpu.memory_space<hbm>>
      %dma_wait3A_1878 = arith.constant 4 : i32
      %dma_wait3A_1879 = arith.constant 0 : i32
      %dma_wait3A_1880 = arith.constant 0 : i32
      %dma_wait3A_1881 = tpu.memref_slice %arg2[%select_n3A_54, %select_n3A_70, %add3A_1867, %dma_wait3A_1878, %dma_wait3A_1879, %dma_wait3A_1880] : memref<2x4x16x64x64x64xf32, #tpu.memory_space<hbm>> -> memref<1x1x1x4x64x64xf32, #tpu.memory_space<hbm>>
      %dma_wait3A_1882 = tpu.memref_squeeze %dma_wait3A_1881 : memref<1x1x1x4x64x64xf32, #tpu.memory_space<hbm>> -> memref<4x64x64xf32, #tpu.memory_space<hbm>>
      tpu.wait_dma2 semaphore(%arg11 : memref<!tpu.dma_semaphore, #tpu.memory_space<semaphore_mem>>) src(%dma_wait3A_1882 : memref<4x64x64xf32, #tpu.memory_space<hbm>>) dst(%dma_wait3A_1877 : memref<4x64x64xf32, #tpu.memory_space<hbm>>)
      %add3A_1883 = arith.constant 3 : i32
      %add3A_1884 = arith.addi %mul3A_72, %add3A_1883 : i32
      %mul3A_1885 = arith.constant 16 : i32
      %mul3A_1886 = arith.muli %select_n3A_70, %mul3A_1885 : i32
      %add3A_1887 = arith.addi %mul3A_1886, %mul3A_72 : i32
      %add3A_1888 = arith.constant 3 : i32
      %add3A_1889 = arith.addi %add3A_1887, %add3A_1888 : i32
      %dma_start3A_1890 = arith.constant 32 : i32
      %dma_start3A_1891 = arith.constant 0 : i32
      %dma_start3A_1892 = arith.constant 0 : i32
      %dma_start3A_1893 = tpu.memref_slice %arg5[%select_n3A_54, %add3A_1889, %dma_start3A_1890, %dma_start3A_1891, %dma_start3A_1892] : memref<2x64x64x64x64xf32, #tpu.memory_space<hbm>> -> memref<1x1x4x64x64xf32, #tpu.memory_space<hbm>>
      %dma_start3A_1894 = tpu.memref_squeeze %dma_start3A_1893 : memref<1x1x4x64x64xf32, #tpu.memory_space<hbm>> -> memref<4x64x64xf32, #tpu.memory_space<hbm>>
      %dma_start3A_1895 = arith.constant 32 : i32
      %dma_start3A_1896 = arith.constant 0 : i32
      %dma_start3A_1897 = arith.constant 0 : i32
      %dma_start3A_1898 = tpu.memref_slice %arg2[%select_n3A_54, %select_n3A_70, %add3A_1884, %dma_start3A_1895, %dma_start3A_1896, %dma_start3A_1897] : memref<2x4x16x64x64x64xf32, #tpu.memory_space<hbm>> -> memref<1x1x1x4x64x64xf32, #tpu.memory_space<hbm>>
      %dma_start3A_1899 = tpu.memref_squeeze %dma_start3A_1898 : memref<1x1x1x4x64x64xf32, #tpu.memory_space<hbm>> -> memref<4x64x64xf32, #tpu.memory_space<hbm>>
      tpu.enqueue_dma source(%dma_start3A_1899 : memref<4x64x64xf32, #tpu.memory_space<hbm>>) target(%dma_start3A_1894 : memref<4x64x64xf32, #tpu.memory_space<hbm>>) target_semaphore(%arg12 : memref<!tpu.dma_semaphore, #tpu.memory_space<semaphore_mem>>)
      %add3A_1900 = arith.constant 3 : i32
      %add3A_1901 = arith.addi %mul3A_72, %add3A_1900 : i32
      %mul3A_1902 = arith.constant 16 : i32
      %mul3A_1903 = arith.muli %select_n3A_70, %mul3A_1902 : i32
      %add3A_1904 = arith.addi %mul3A_1903, %mul3A_72 : i32
      %add3A_1905 = arith.constant 3 : i32
      %add3A_1906 = arith.addi %add3A_1904, %add3A_1905 : i32
      %dma_wait3A_1907 = arith.constant 8 : i32
      %dma_wait3A_1908 = arith.constant 0 : i32
      %dma_wait3A_1909 = arith.constant 0 : i32
      %dma_wait3A_1910 = tpu.memref_slice %arg5[%select_n3A_54, %add3A_1906, %dma_wait3A_1907, %dma_wait3A_1908, %dma_wait3A_1909] : memref<2x64x64x64x64xf32, #tpu.memory_space<hbm>> -> memref<1x1x4x64x64xf32, #tpu.memory_space<hbm>>
      %dma_wait3A_1911 = tpu.memref_squeeze %dma_wait3A_1910 : memref<1x1x4x64x64xf32, #tpu.memory_space<hbm>> -> memref<4x64x64xf32, #tpu.memory_space<hbm>>
      %dma_wait3A_1912 = arith.constant 8 : i32
      %dma_wait3A_1913 = arith.constant 0 : i32
      %dma_wait3A_1914 = arith.constant 0 : i32
      %dma_wait3A_1915 = tpu.memref_slice %arg2[%select_n3A_54, %select_n3A_70, %add3A_1901, %dma_wait3A_1912, %dma_wait3A_1913, %dma_wait3A_1914] : memref<2x4x16x64x64x64xf32, #tpu.memory_space<hbm>> -> memref<1x1x1x4x64x64xf32, #tpu.memory_space<hbm>>
      %dma_wait3A_1916 = tpu.memref_squeeze %dma_wait3A_1915 : memref<1x1x1x4x64x64xf32, #tpu.memory_space<hbm>> -> memref<4x64x64xf32, #tpu.memory_space<hbm>>
      tpu.wait_dma2 semaphore(%arg12 : memref<!tpu.dma_semaphore, #tpu.memory_space<semaphore_mem>>) src(%dma_wait3A_1916 : memref<4x64x64xf32, #tpu.memory_space<hbm>>) dst(%dma_wait3A_1911 : memref<4x64x64xf32, #tpu.memory_space<hbm>>)
      %add3A_1917 = arith.constant 3 : i32
      %add3A_1918 = arith.addi %mul3A_72, %add3A_1917 : i32
      %mul3A_1919 = arith.constant 16 : i32
      %mul3A_1920 = arith.muli %select_n3A_70, %mul3A_1919 : i32
      %add3A_1921 = arith.addi %mul3A_1920, %mul3A_72 : i32
      %add3A_1922 = arith.constant 3 : i32
      %add3A_1923 = arith.addi %add3A_1921, %add3A_1922 : i32
      %dma_start3A_1924 = arith.constant 36 : i32
      %dma_start3A_1925 = arith.constant 0 : i32
      %dma_start3A_1926 = arith.constant 0 : i32
      %dma_start3A_1927 = tpu.memref_slice %arg5[%select_n3A_54, %add3A_1923, %dma_start3A_1924, %dma_start3A_1925, %dma_start3A_1926] : memref<2x64x64x64x64xf32, #tpu.memory_space<hbm>> -> memref<1x1x4x64x64xf32, #tpu.memory_space<hbm>>
      %dma_start3A_1928 = tpu.memref_squeeze %dma_start3A_1927 : memref<1x1x4x64x64xf32, #tpu.memory_space<hbm>> -> memref<4x64x64xf32, #tpu.memory_space<hbm>>
      %dma_start3A_1929 = arith.constant 36 : i32
      %dma_start3A_1930 = arith.constant 0 : i32
      %dma_start3A_1931 = arith.constant 0 : i32
      %dma_start3A_1932 = tpu.memref_slice %arg2[%select_n3A_54, %select_n3A_70, %add3A_1918, %dma_start3A_1929, %dma_start3A_1930, %dma_start3A_1931] : memref<2x4x16x64x64x64xf32, #tpu.memory_space<hbm>> -> memref<1x1x1x4x64x64xf32, #tpu.memory_space<hbm>>
      %dma_start3A_1933 = tpu.memref_squeeze %dma_start3A_1932 : memref<1x1x1x4x64x64xf32, #tpu.memory_space<hbm>> -> memref<4x64x64xf32, #tpu.memory_space<hbm>>
      tpu.enqueue_dma source(%dma_start3A_1933 : memref<4x64x64xf32, #tpu.memory_space<hbm>>) target(%dma_start3A_1928 : memref<4x64x64xf32, #tpu.memory_space<hbm>>) target_semaphore(%arg10 : memref<!tpu.dma_semaphore, #tpu.memory_space<semaphore_mem>>)
      %add3A_1934 = arith.constant 3 : i32
      %add3A_1935 = arith.addi %mul3A_72, %add3A_1934 : i32
      %mul3A_1936 = arith.constant 16 : i32
      %mul3A_1937 = arith.muli %select_n3A_70, %mul3A_1936 : i32
      %add3A_1938 = arith.addi %mul3A_1937, %mul3A_72 : i32
      %add3A_1939 = arith.constant 3 : i32
      %add3A_1940 = arith.addi %add3A_1938, %add3A_1939 : i32
      %dma_wait3A_1941 = arith.constant 12 : i32
      %dma_wait3A_1942 = arith.constant 0 : i32
      %dma_wait3A_1943 = arith.constant 0 : i32
      %dma_wait3A_1944 = tpu.memref_slice %arg5[%select_n3A_54, %add3A_1940, %dma_wait3A_1941, %dma_wait3A_1942, %dma_wait3A_1943] : memref<2x64x64x64x64xf32, #tpu.memory_space<hbm>> -> memref<1x1x4x64x64xf32, #tpu.memory_space<hbm>>
      %dma_wait3A_1945 = tpu.memref_squeeze %dma_wait3A_1944 : memref<1x1x4x64x64xf32, #tpu.memory_space<hbm>> -> memref<4x64x64xf32, #tpu.memory_space<hbm>>
      %dma_wait3A_1946 = arith.constant 12 : i32
      %dma_wait3A_1947 = arith.constant 0 : i32
      %dma_wait3A_1948 = arith.constant 0 : i32
      %dma_wait3A_1949 = tpu.memref_slice %arg2[%select_n3A_54, %select_n3A_70, %add3A_1935, %dma_wait3A_1946, %dma_wait3A_1947, %dma_wait3A_1948] : memref<2x4x16x64x64x64xf32, #tpu.memory_space<hbm>> -> memref<1x1x1x4x64x64xf32, #tpu.memory_space<hbm>>
      %dma_wait3A_1950 = tpu.memref_squeeze %dma_wait3A_1949 : memref<1x1x1x4x64x64xf32, #tpu.memory_space<hbm>> -> memref<4x64x64xf32, #tpu.memory_space<hbm>>
      tpu.wait_dma2 semaphore(%arg10 : memref<!tpu.dma_semaphore, #tpu.memory_space<semaphore_mem>>) src(%dma_wait3A_1950 : memref<4x64x64xf32, #tpu.memory_space<hbm>>) dst(%dma_wait3A_1945 : memref<4x64x64xf32, #tpu.memory_space<hbm>>)
      %add3A_1951 = arith.constant 3 : i32
      %add3A_1952 = arith.addi %mul3A_72, %add3A_1951 : i32
      %mul3A_1953 = arith.constant 16 : i32
      %mul3A_1954 = arith.muli %select_n3A_70, %mul3A_1953 : i32
      %add3A_1955 = arith.addi %mul3A_1954, %mul3A_72 : i32
      %add3A_1956 = arith.constant 3 : i32
      %add3A_1957 = arith.addi %add3A_1955, %add3A_1956 : i32
      %dma_start3A_1958 = arith.constant 40 : i32
      %dma_start3A_1959 = arith.constant 0 : i32
      %dma_start3A_1960 = arith.constant 0 : i32
      %dma_start3A_1961 = tpu.memref_slice %arg5[%select_n3A_54, %add3A_1957, %dma_start3A_1958, %dma_start3A_1959, %dma_start3A_1960] : memref<2x64x64x64x64xf32, #tpu.memory_space<hbm>> -> memref<1x1x4x64x64xf32, #tpu.memory_space<hbm>>
      %dma_start3A_1962 = tpu.memref_squeeze %dma_start3A_1961 : memref<1x1x4x64x64xf32, #tpu.memory_space<hbm>> -> memref<4x64x64xf32, #tpu.memory_space<hbm>>
      %dma_start3A_1963 = arith.constant 40 : i32
      %dma_start3A_1964 = arith.constant 0 : i32
      %dma_start3A_1965 = arith.constant 0 : i32
      %dma_start3A_1966 = tpu.memref_slice %arg2[%select_n3A_54, %select_n3A_70, %add3A_1952, %dma_start3A_1963, %dma_start3A_1964, %dma_start3A_1965] : memref<2x4x16x64x64x64xf32, #tpu.memory_space<hbm>> -> memref<1x1x1x4x64x64xf32, #tpu.memory_space<hbm>>
      %dma_start3A_1967 = tpu.memref_squeeze %dma_start3A_1966 : memref<1x1x1x4x64x64xf32, #tpu.memory_space<hbm>> -> memref<4x64x64xf32, #tpu.memory_space<hbm>>
      tpu.enqueue_dma source(%dma_start3A_1967 : memref<4x64x64xf32, #tpu.memory_space<hbm>>) target(%dma_start3A_1962 : memref<4x64x64xf32, #tpu.memory_space<hbm>>) target_semaphore(%arg11 : memref<!tpu.dma_semaphore, #tpu.memory_space<semaphore_mem>>)
      %add3A_1968 = arith.constant 3 : i32
      %add3A_1969 = arith.addi %mul3A_72, %add3A_1968 : i32
      %mul3A_1970 = arith.constant 16 : i32
      %mul3A_1971 = arith.muli %select_n3A_70, %mul3A_1970 : i32
      %add3A_1972 = arith.addi %mul3A_1971, %mul3A_72 : i32
      %add3A_1973 = arith.constant 3 : i32
      %add3A_1974 = arith.addi %add3A_1972, %add3A_1973 : i32
      %dma_wait3A_1975 = arith.constant 16 : i32
      %dma_wait3A_1976 = arith.constant 0 : i32
      %dma_wait3A_1977 = arith.constant 0 : i32
      %dma_wait3A_1978 = tpu.memref_slice %arg5[%select_n3A_54, %add3A_1974, %dma_wait3A_1975, %dma_wait3A_1976, %dma_wait3A_1977] : memref<2x64x64x64x64xf32, #tpu.memory_space<hbm>> -> memref<1x1x4x64x64xf32, #tpu.memory_space<hbm>>
      %dma_wait3A_1979 = tpu.memref_squeeze %dma_wait3A_1978 : memref<1x1x4x64x64xf32, #tpu.memory_space<hbm>> -> memref<4x64x64xf32, #tpu.memory_space<hbm>>
      %dma_wait3A_1980 = arith.constant 16 : i32
      %dma_wait3A_1981 = arith.constant 0 : i32
      %dma_wait3A_1982 = arith.constant 0 : i32
      %dma_wait3A_1983 = tpu.memref_slice %arg2[%select_n3A_54, %select_n3A_70, %add3A_1969, %dma_wait3A_1980, %dma_wait3A_1981, %dma_wait3A_1982] : memref<2x4x16x64x64x64xf32, #tpu.memory_space<hbm>> -> memref<1x1x1x4x64x64xf32, #tpu.memory_space<hbm>>
      %dma_wait3A_1984 = tpu.memref_squeeze %dma_wait3A_1983 : memref<1x1x1x4x64x64xf32, #tpu.memory_space<hbm>> -> memref<4x64x64xf32, #tpu.memory_space<hbm>>
      tpu.wait_dma2 semaphore(%arg11 : memref<!tpu.dma_semaphore, #tpu.memory_space<semaphore_mem>>) src(%dma_wait3A_1984 : memref<4x64x64xf32, #tpu.memory_space<hbm>>) dst(%dma_wait3A_1979 : memref<4x64x64xf32, #tpu.memory_space<hbm>>)
      %add3A_1985 = arith.constant 3 : i32
      %add3A_1986 = arith.addi %mul3A_72, %add3A_1985 : i32
      %mul3A_1987 = arith.constant 16 : i32
      %mul3A_1988 = arith.muli %select_n3A_70, %mul3A_1987 : i32
      %add3A_1989 = arith.addi %mul3A_1988, %mul3A_72 : i32
      %add3A_1990 = arith.constant 3 : i32
      %add3A_1991 = arith.addi %add3A_1989, %add3A_1990 : i32
      %dma_start3A_1992 = arith.constant 44 : i32
      %dma_start3A_1993 = arith.constant 0 : i32
      %dma_start3A_1994 = arith.constant 0 : i32
      %dma_start3A_1995 = tpu.memref_slice %arg5[%select_n3A_54, %add3A_1991, %dma_start3A_1992, %dma_start3A_1993, %dma_start3A_1994] : memref<2x64x64x64x64xf32, #tpu.memory_space<hbm>> -> memref<1x1x4x64x64xf32, #tpu.memory_space<hbm>>
      %dma_start3A_1996 = tpu.memref_squeeze %dma_start3A_1995 : memref<1x1x4x64x64xf32, #tpu.memory_space<hbm>> -> memref<4x64x64xf32, #tpu.memory_space<hbm>>
      %dma_start3A_1997 = arith.constant 44 : i32
      %dma_start3A_1998 = arith.constant 0 : i32
      %dma_start3A_1999 = arith.constant 0 : i32
      %dma_start3A_2000 = tpu.memref_slice %arg2[%select_n3A_54, %select_n3A_70, %add3A_1986, %dma_start3A_1997, %dma_start3A_1998, %dma_start3A_1999] : memref<2x4x16x64x64x64xf32, #tpu.memory_space<hbm>> -> memref<1x1x1x4x64x64xf32, #tpu.memory_space<hbm>>
      %dma_start3A_2001 = tpu.memref_squeeze %dma_start3A_2000 : memref<1x1x1x4x64x64xf32, #tpu.memory_space<hbm>> -> memref<4x64x64xf32, #tpu.memory_space<hbm>>
      tpu.enqueue_dma source(%dma_start3A_2001 : memref<4x64x64xf32, #tpu.memory_space<hbm>>) target(%dma_start3A_1996 : memref<4x64x64xf32, #tpu.memory_space<hbm>>) target_semaphore(%arg12 : memref<!tpu.dma_semaphore, #tpu.memory_space<semaphore_mem>>)
      %add3A_2002 = arith.constant 3 : i32
      %add3A_2003 = arith.addi %mul3A_72, %add3A_2002 : i32
      %mul3A_2004 = arith.constant 16 : i32
      %mul3A_2005 = arith.muli %select_n3A_70, %mul3A_2004 : i32
      %add3A_2006 = arith.addi %mul3A_2005, %mul3A_72 : i32
      %add3A_2007 = arith.constant 3 : i32
      %add3A_2008 = arith.addi %add3A_2006, %add3A_2007 : i32
      %dma_wait3A_2009 = arith.constant 20 : i32
      %dma_wait3A_2010 = arith.constant 0 : i32
      %dma_wait3A_2011 = arith.constant 0 : i32
      %dma_wait3A_2012 = tpu.memref_slice %arg5[%select_n3A_54, %add3A_2008, %dma_wait3A_2009, %dma_wait3A_2010, %dma_wait3A_2011] : memref<2x64x64x64x64xf32, #tpu.memory_space<hbm>> -> memref<1x1x4x64x64xf32, #tpu.memory_space<hbm>>
      %dma_wait3A_2013 = tpu.memref_squeeze %dma_wait3A_2012 : memref<1x1x4x64x64xf32, #tpu.memory_space<hbm>> -> memref<4x64x64xf32, #tpu.memory_space<hbm>>
      %dma_wait3A_2014 = arith.constant 20 : i32
      %dma_wait3A_2015 = arith.constant 0 : i32
      %dma_wait3A_2016 = arith.constant 0 : i32
      %dma_wait3A_2017 = tpu.memref_slice %arg2[%select_n3A_54, %select_n3A_70, %add3A_2003, %dma_wait3A_2014, %dma_wait3A_2015, %dma_wait3A_2016] : memref<2x4x16x64x64x64xf32, #tpu.memory_space<hbm>> -> memref<1x1x1x4x64x64xf32, #tpu.memory_space<hbm>>
      %dma_wait3A_2018 = tpu.memref_squeeze %dma_wait3A_2017 : memref<1x1x1x4x64x64xf32, #tpu.memory_space<hbm>> -> memref<4x64x64xf32, #tpu.memory_space<hbm>>
      tpu.wait_dma2 semaphore(%arg12 : memref<!tpu.dma_semaphore, #tpu.memory_space<semaphore_mem>>) src(%dma_wait3A_2018 : memref<4x64x64xf32, #tpu.memory_space<hbm>>) dst(%dma_wait3A_2013 : memref<4x64x64xf32, #tpu.memory_space<hbm>>)
      %add3A_2019 = arith.constant 3 : i32
      %add3A_2020 = arith.addi %mul3A_72, %add3A_2019 : i32
      %mul3A_2021 = arith.constant 16 : i32
      %mul3A_2022 = arith.muli %select_n3A_70, %mul3A_2021 : i32
      %add3A_2023 = arith.addi %mul3A_2022, %mul3A_72 : i32
      %add3A_2024 = arith.constant 3 : i32
      %add3A_2025 = arith.addi %add3A_2023, %add3A_2024 : i32
      %dma_start3A_2026 = arith.constant 48 : i32
      %dma_start3A_2027 = arith.constant 0 : i32
      %dma_start3A_2028 = arith.constant 0 : i32
      %dma_start3A_2029 = tpu.memref_slice %arg5[%select_n3A_54, %add3A_2025, %dma_start3A_2026, %dma_start3A_2027, %dma_start3A_2028] : memref<2x64x64x64x64xf32, #tpu.memory_space<hbm>> -> memref<1x1x4x64x64xf32, #tpu.memory_space<hbm>>
      %dma_start3A_2030 = tpu.memref_squeeze %dma_start3A_2029 : memref<1x1x4x64x64xf32, #tpu.memory_space<hbm>> -> memref<4x64x64xf32, #tpu.memory_space<hbm>>
      %dma_start3A_2031 = arith.constant 48 : i32
      %dma_start3A_2032 = arith.constant 0 : i32
      %dma_start3A_2033 = arith.constant 0 : i32
      %dma_start3A_2034 = tpu.memref_slice %arg2[%select_n3A_54, %select_n3A_70, %add3A_2020, %dma_start3A_2031, %dma_start3A_2032, %dma_start3A_2033] : memref<2x4x16x64x64x64xf32, #tpu.memory_space<hbm>> -> memref<1x1x1x4x64x64xf32, #tpu.memory_space<hbm>>
      %dma_start3A_2035 = tpu.memref_squeeze %dma_start3A_2034 : memref<1x1x1x4x64x64xf32, #tpu.memory_space<hbm>> -> memref<4x64x64xf32, #tpu.memory_space<hbm>>
      tpu.enqueue_dma source(%dma_start3A_2035 : memref<4x64x64xf32, #tpu.memory_space<hbm>>) target(%dma_start3A_2030 : memref<4x64x64xf32, #tpu.memory_space<hbm>>) target_semaphore(%arg10 : memref<!tpu.dma_semaphore, #tpu.memory_space<semaphore_mem>>)
      %add3A_2036 = arith.constant 3 : i32
      %add3A_2037 = arith.addi %mul3A_72, %add3A_2036 : i32
      %mul3A_2038 = arith.constant 16 : i32
      %mul3A_2039 = arith.muli %select_n3A_70, %mul3A_2038 : i32
      %add3A_2040 = arith.addi %mul3A_2039, %mul3A_72 : i32
      %add3A_2041 = arith.constant 3 : i32
      %add3A_2042 = arith.addi %add3A_2040, %add3A_2041 : i32
      %dma_wait3A_2043 = arith.constant 24 : i32
      %dma_wait3A_2044 = arith.constant 0 : i32
      %dma_wait3A_2045 = arith.constant 0 : i32
      %dma_wait3A_2046 = tpu.memref_slice %arg5[%select_n3A_54, %add3A_2042, %dma_wait3A_2043, %dma_wait3A_2044, %dma_wait3A_2045] : memref<2x64x64x64x64xf32, #tpu.memory_space<hbm>> -> memref<1x1x4x64x64xf32, #tpu.memory_space<hbm>>
      %dma_wait3A_2047 = tpu.memref_squeeze %dma_wait3A_2046 : memref<1x1x4x64x64xf32, #tpu.memory_space<hbm>> -> memref<4x64x64xf32, #tpu.memory_space<hbm>>
      %dma_wait3A_2048 = arith.constant 24 : i32
      %dma_wait3A_2049 = arith.constant 0 : i32
      %dma_wait3A_2050 = arith.constant 0 : i32
      %dma_wait3A_2051 = tpu.memref_slice %arg2[%select_n3A_54, %select_n3A_70, %add3A_2037, %dma_wait3A_2048, %dma_wait3A_2049, %dma_wait3A_2050] : memref<2x4x16x64x64x64xf32, #tpu.memory_space<hbm>> -> memref<1x1x1x4x64x64xf32, #tpu.memory_space<hbm>>
      %dma_wait3A_2052 = tpu.memref_squeeze %dma_wait3A_2051 : memref<1x1x1x4x64x64xf32, #tpu.memory_space<hbm>> -> memref<4x64x64xf32, #tpu.memory_space<hbm>>
      tpu.wait_dma2 semaphore(%arg10 : memref<!tpu.dma_semaphore, #tpu.memory_space<semaphore_mem>>) src(%dma_wait3A_2052 : memref<4x64x64xf32, #tpu.memory_space<hbm>>) dst(%dma_wait3A_2047 : memref<4x64x64xf32, #tpu.memory_space<hbm>>)
      %add3A_2053 = arith.constant 3 : i32
      %add3A_2054 = arith.addi %mul3A_72, %add3A_2053 : i32
      %mul3A_2055 = arith.constant 16 : i32
      %mul3A_2056 = arith.muli %select_n3A_70, %mul3A_2055 : i32
      %add3A_2057 = arith.addi %mul3A_2056, %mul3A_72 : i32
      %add3A_2058 = arith.constant 3 : i32
      %add3A_2059 = arith.addi %add3A_2057, %add3A_2058 : i32
      %dma_start3A_2060 = arith.constant 52 : i32
      %dma_start3A_2061 = arith.constant 0 : i32
      %dma_start3A_2062 = arith.constant 0 : i32
      %dma_start3A_2063 = tpu.memref_slice %arg5[%select_n3A_54, %add3A_2059, %dma_start3A_2060, %dma_start3A_2061, %dma_start3A_2062] : memref<2x64x64x64x64xf32, #tpu.memory_space<hbm>> -> memref<1x1x4x64x64xf32, #tpu.memory_space<hbm>>
      %dma_start3A_2064 = tpu.memref_squeeze %dma_start3A_2063 : memref<1x1x4x64x64xf32, #tpu.memory_space<hbm>> -> memref<4x64x64xf32, #tpu.memory_space<hbm>>
      %dma_start3A_2065 = arith.constant 52 : i32
      %dma_start3A_2066 = arith.constant 0 : i32
      %dma_start3A_2067 = arith.constant 0 : i32
      %dma_start3A_2068 = tpu.memref_slice %arg2[%select_n3A_54, %select_n3A_70, %add3A_2054, %dma_start3A_2065, %dma_start3A_2066, %dma_start3A_2067] : memref<2x4x16x64x64x64xf32, #tpu.memory_space<hbm>> -> memref<1x1x1x4x64x64xf32, #tpu.memory_space<hbm>>
      %dma_start3A_2069 = tpu.memref_squeeze %dma_start3A_2068 : memref<1x1x1x4x64x64xf32, #tpu.memory_space<hbm>> -> memref<4x64x64xf32, #tpu.memory_space<hbm>>
      tpu.enqueue_dma source(%dma_start3A_2069 : memref<4x64x64xf32, #tpu.memory_space<hbm>>) target(%dma_start3A_2064 : memref<4x64x64xf32, #tpu.memory_space<hbm>>) target_semaphore(%arg11 : memref<!tpu.dma_semaphore, #tpu.memory_space<semaphore_mem>>)
      %add3A_2070 = arith.constant 3 : i32
      %add3A_2071 = arith.addi %mul3A_72, %add3A_2070 : i32
      %mul3A_2072 = arith.constant 16 : i32
      %mul3A_2073 = arith.muli %select_n3A_70, %mul3A_2072 : i32
      %add3A_2074 = arith.addi %mul3A_2073, %mul3A_72 : i32
      %add3A_2075 = arith.constant 3 : i32
      %add3A_2076 = arith.addi %add3A_2074, %add3A_2075 : i32
      %dma_wait3A_2077 = arith.constant 28 : i32
      %dma_wait3A_2078 = arith.constant 0 : i32
      %dma_wait3A_2079 = arith.constant 0 : i32
      %dma_wait3A_2080 = tpu.memref_slice %arg5[%select_n3A_54, %add3A_2076, %dma_wait3A_2077, %dma_wait3A_2078, %dma_wait3A_2079] : memref<2x64x64x64x64xf32, #tpu.memory_space<hbm>> -> memref<1x1x4x64x64xf32, #tpu.memory_space<hbm>>
      %dma_wait3A_2081 = tpu.memref_squeeze %dma_wait3A_2080 : memref<1x1x4x64x64xf32, #tpu.memory_space<hbm>> -> memref<4x64x64xf32, #tpu.memory_space<hbm>>
      %dma_wait3A_2082 = arith.constant 28 : i32
      %dma_wait3A_2083 = arith.constant 0 : i32
      %dma_wait3A_2084 = arith.constant 0 : i32
      %dma_wait3A_2085 = tpu.memref_slice %arg2[%select_n3A_54, %select_n3A_70, %add3A_2071, %dma_wait3A_2082, %dma_wait3A_2083, %dma_wait3A_2084] : memref<2x4x16x64x64x64xf32, #tpu.memory_space<hbm>> -> memref<1x1x1x4x64x64xf32, #tpu.memory_space<hbm>>
      %dma_wait3A_2086 = tpu.memref_squeeze %dma_wait3A_2085 : memref<1x1x1x4x64x64xf32, #tpu.memory_space<hbm>> -> memref<4x64x64xf32, #tpu.memory_space<hbm>>
      tpu.wait_dma2 semaphore(%arg11 : memref<!tpu.dma_semaphore, #tpu.memory_space<semaphore_mem>>) src(%dma_wait3A_2086 : memref<4x64x64xf32, #tpu.memory_space<hbm>>) dst(%dma_wait3A_2081 : memref<4x64x64xf32, #tpu.memory_space<hbm>>)
      %add3A_2087 = arith.constant 3 : i32
      %add3A_2088 = arith.addi %mul3A_72, %add3A_2087 : i32
      %mul3A_2089 = arith.constant 16 : i32
      %mul3A_2090 = arith.muli %select_n3A_70, %mul3A_2089 : i32
      %add3A_2091 = arith.addi %mul3A_2090, %mul3A_72 : i32
      %add3A_2092 = arith.constant 3 : i32
      %add3A_2093 = arith.addi %add3A_2091, %add3A_2092 : i32
      %dma_start3A_2094 = arith.constant 56 : i32
      %dma_start3A_2095 = arith.constant 0 : i32
      %dma_start3A_2096 = arith.constant 0 : i32
      %dma_start3A_2097 = tpu.memref_slice %arg5[%select_n3A_54, %add3A_2093, %dma_start3A_2094, %dma_start3A_2095, %dma_start3A_2096] : memref<2x64x64x64x64xf32, #tpu.memory_space<hbm>> -> memref<1x1x4x64x64xf32, #tpu.memory_space<hbm>>
      %dma_start3A_2098 = tpu.memref_squeeze %dma_start3A_2097 : memref<1x1x4x64x64xf32, #tpu.memory_space<hbm>> -> memref<4x64x64xf32, #tpu.memory_space<hbm>>
      %dma_start3A_2099 = arith.constant 56 : i32
      %dma_start3A_2100 = arith.constant 0 : i32
      %dma_start3A_2101 = arith.constant 0 : i32
      %dma_start3A_2102 = tpu.memref_slice %arg2[%select_n3A_54, %select_n3A_70, %add3A_2088, %dma_start3A_2099, %dma_start3A_2100, %dma_start3A_2101] : memref<2x4x16x64x64x64xf32, #tpu.memory_space<hbm>> -> memref<1x1x1x4x64x64xf32, #tpu.memory_space<hbm>>
      %dma_start3A_2103 = tpu.memref_squeeze %dma_start3A_2102 : memref<1x1x1x4x64x64xf32, #tpu.memory_space<hbm>> -> memref<4x64x64xf32, #tpu.memory_space<hbm>>
      tpu.enqueue_dma source(%dma_start3A_2103 : memref<4x64x64xf32, #tpu.memory_space<hbm>>) target(%dma_start3A_2098 : memref<4x64x64xf32, #tpu.memory_space<hbm>>) target_semaphore(%arg12 : memref<!tpu.dma_semaphore, #tpu.memory_space<semaphore_mem>>)
      %add3A_2104 = arith.constant 3 : i32
      %add3A_2105 = arith.addi %mul3A_72, %add3A_2104 : i32
      %mul3A_2106 = arith.constant 16 : i32
      %mul3A_2107 = arith.muli %select_n3A_70, %mul3A_2106 : i32
      %add3A_2108 = arith.addi %mul3A_2107, %mul3A_72 : i32
      %add3A_2109 = arith.constant 3 : i32
      %add3A_2110 = arith.addi %add3A_2108, %add3A_2109 : i32
      %dma_wait3A_2111 = arith.constant 32 : i32
      %dma_wait3A_2112 = arith.constant 0 : i32
      %dma_wait3A_2113 = arith.constant 0 : i32
      %dma_wait3A_2114 = tpu.memref_slice %arg5[%select_n3A_54, %add3A_2110, %dma_wait3A_2111, %dma_wait3A_2112, %dma_wait3A_2113] : memref<2x64x64x64x64xf32, #tpu.memory_space<hbm>> -> memref<1x1x4x64x64xf32, #tpu.memory_space<hbm>>
      %dma_wait3A_2115 = tpu.memref_squeeze %dma_wait3A_2114 : memref<1x1x4x64x64xf32, #tpu.memory_space<hbm>> -> memref<4x64x64xf32, #tpu.memory_space<hbm>>
      %dma_wait3A_2116 = arith.constant 32 : i32
      %dma_wait3A_2117 = arith.constant 0 : i32
      %dma_wait3A_2118 = arith.constant 0 : i32
      %dma_wait3A_2119 = tpu.memref_slice %arg2[%select_n3A_54, %select_n3A_70, %add3A_2105, %dma_wait3A_2116, %dma_wait3A_2117, %dma_wait3A_2118] : memref<2x4x16x64x64x64xf32, #tpu.memory_space<hbm>> -> memref<1x1x1x4x64x64xf32, #tpu.memory_space<hbm>>
      %dma_wait3A_2120 = tpu.memref_squeeze %dma_wait3A_2119 : memref<1x1x1x4x64x64xf32, #tpu.memory_space<hbm>> -> memref<4x64x64xf32, #tpu.memory_space<hbm>>
      tpu.wait_dma2 semaphore(%arg12 : memref<!tpu.dma_semaphore, #tpu.memory_space<semaphore_mem>>) src(%dma_wait3A_2120 : memref<4x64x64xf32, #tpu.memory_space<hbm>>) dst(%dma_wait3A_2115 : memref<4x64x64xf32, #tpu.memory_space<hbm>>)
      %add3A_2121 = arith.constant 3 : i32
      %add3A_2122 = arith.addi %mul3A_72, %add3A_2121 : i32
      %mul3A_2123 = arith.constant 16 : i32
      %mul3A_2124 = arith.muli %select_n3A_70, %mul3A_2123 : i32
      %add3A_2125 = arith.addi %mul3A_2124, %mul3A_72 : i32
      %add3A_2126 = arith.constant 3 : i32
      %add3A_2127 = arith.addi %add3A_2125, %add3A_2126 : i32
      %dma_start3A_2128 = arith.constant 60 : i32
      %dma_start3A_2129 = arith.constant 0 : i32
      %dma_start3A_2130 = arith.constant 0 : i32
      %dma_start3A_2131 = tpu.memref_slice %arg5[%select_n3A_54, %add3A_2127, %dma_start3A_2128, %dma_start3A_2129, %dma_start3A_2130] : memref<2x64x64x64x64xf32, #tpu.memory_space<hbm>> -> memref<1x1x4x64x64xf32, #tpu.memory_space<hbm>>
      %dma_start3A_2132 = tpu.memref_squeeze %dma_start3A_2131 : memref<1x1x4x64x64xf32, #tpu.memory_space<hbm>> -> memref<4x64x64xf32, #tpu.memory_space<hbm>>
      %dma_start3A_2133 = arith.constant 60 : i32
      %dma_start3A_2134 = arith.constant 0 : i32
      %dma_start3A_2135 = arith.constant 0 : i32
      %dma_start3A_2136 = tpu.memref_slice %arg2[%select_n3A_54, %select_n3A_70, %add3A_2122, %dma_start3A_2133, %dma_start3A_2134, %dma_start3A_2135] : memref<2x4x16x64x64x64xf32, #tpu.memory_space<hbm>> -> memref<1x1x1x4x64x64xf32, #tpu.memory_space<hbm>>
      %dma_start3A_2137 = tpu.memref_squeeze %dma_start3A_2136 : memref<1x1x1x4x64x64xf32, #tpu.memory_space<hbm>> -> memref<4x64x64xf32, #tpu.memory_space<hbm>>
      tpu.enqueue_dma source(%dma_start3A_2137 : memref<4x64x64xf32, #tpu.memory_space<hbm>>) target(%dma_start3A_2132 : memref<4x64x64xf32, #tpu.memory_space<hbm>>) target_semaphore(%arg10 : memref<!tpu.dma_semaphore, #tpu.memory_space<semaphore_mem>>)
      %add3A_2138 = arith.constant 3 : i32
      %add3A_2139 = arith.addi %mul3A_72, %add3A_2138 : i32
      %mul3A_2140 = arith.constant 16 : i32
      %mul3A_2141 = arith.muli %select_n3A_70, %mul3A_2140 : i32
      %add3A_2142 = arith.addi %mul3A_2141, %mul3A_72 : i32
      %add3A_2143 = arith.constant 3 : i32
      %add3A_2144 = arith.addi %add3A_2142, %add3A_2143 : i32
      %dma_wait3A_2145 = arith.constant 36 : i32
      %dma_wait3A_2146 = arith.constant 0 : i32
      %dma_wait3A_2147 = arith.constant 0 : i32
      %dma_wait3A_2148 = tpu.memref_slice %arg5[%select_n3A_54, %add3A_2144, %dma_wait3A_2145, %dma_wait3A_2146, %dma_wait3A_2147] : memref<2x64x64x64x64xf32, #tpu.memory_space<hbm>> -> memref<1x1x4x64x64xf32, #tpu.memory_space<hbm>>
      %dma_wait3A_2149 = tpu.memref_squeeze %dma_wait3A_2148 : memref<1x1x4x64x64xf32, #tpu.memory_space<hbm>> -> memref<4x64x64xf32, #tpu.memory_space<hbm>>
      %dma_wait3A_2150 = arith.constant 36 : i32
      %dma_wait3A_2151 = arith.constant 0 : i32
      %dma_wait3A_2152 = arith.constant 0 : i32
      %dma_wait3A_2153 = tpu.memref_slice %arg2[%select_n3A_54, %select_n3A_70, %add3A_2139, %dma_wait3A_2150, %dma_wait3A_2151, %dma_wait3A_2152] : memref<2x4x16x64x64x64xf32, #tpu.memory_space<hbm>> -> memref<1x1x1x4x64x64xf32, #tpu.memory_space<hbm>>
      %dma_wait3A_2154 = tpu.memref_squeeze %dma_wait3A_2153 : memref<1x1x1x4x64x64xf32, #tpu.memory_space<hbm>> -> memref<4x64x64xf32, #tpu.memory_space<hbm>>
      tpu.wait_dma2 semaphore(%arg10 : memref<!tpu.dma_semaphore, #tpu.memory_space<semaphore_mem>>) src(%dma_wait3A_2154 : memref<4x64x64xf32, #tpu.memory_space<hbm>>) dst(%dma_wait3A_2149 : memref<4x64x64xf32, #tpu.memory_space<hbm>>)
      %add3A_2155 = arith.constant 3 : i32
      %add3A_2156 = arith.addi %mul3A_72, %add3A_2155 : i32
      %mul3A_2157 = arith.constant 16 : i32
      %mul3A_2158 = arith.muli %select_n3A_70, %mul3A_2157 : i32
      %add3A_2159 = arith.addi %mul3A_2158, %mul3A_72 : i32
      %add3A_2160 = arith.constant 3 : i32
      %add3A_2161 = arith.addi %add3A_2159, %add3A_2160 : i32
      %dma_wait3A_2162 = arith.constant 40 : i32
      %dma_wait3A_2163 = arith.constant 0 : i32
      %dma_wait3A_2164 = arith.constant 0 : i32
      %dma_wait3A_2165 = tpu.memref_slice %arg5[%select_n3A_54, %add3A_2161, %dma_wait3A_2162, %dma_wait3A_2163, %dma_wait3A_2164] : memref<2x64x64x64x64xf32, #tpu.memory_space<hbm>> -> memref<1x1x4x64x64xf32, #tpu.memory_space<hbm>>
      %dma_wait3A_2166 = tpu.memref_squeeze %dma_wait3A_2165 : memref<1x1x4x64x64xf32, #tpu.memory_space<hbm>> -> memref<4x64x64xf32, #tpu.memory_space<hbm>>
      %dma_wait3A_2167 = arith.constant 40 : i32
      %dma_wait3A_2168 = arith.constant 0 : i32
      %dma_wait3A_2169 = arith.constant 0 : i32
      %dma_wait3A_2170 = tpu.memref_slice %arg2[%select_n3A_54, %select_n3A_70, %add3A_2156, %dma_wait3A_2167, %dma_wait3A_2168, %dma_wait3A_2169] : memref<2x4x16x64x64x64xf32, #tpu.memory_space<hbm>> -> memref<1x1x1x4x64x64xf32, #tpu.memory_space<hbm>>
      %dma_wait3A_2171 = tpu.memref_squeeze %dma_wait3A_2170 : memref<1x1x1x4x64x64xf32, #tpu.memory_space<hbm>> -> memref<4x64x64xf32, #tpu.memory_space<hbm>>
      tpu.wait_dma2 semaphore(%arg11 : memref<!tpu.dma_semaphore, #tpu.memory_space<semaphore_mem>>) src(%dma_wait3A_2171 : memref<4x64x64xf32, #tpu.memory_space<hbm>>) dst(%dma_wait3A_2166 : memref<4x64x64xf32, #tpu.memory_space<hbm>>)
      %add3A_2172 = arith.constant 3 : i32
      %add3A_2173 = arith.addi %mul3A_72, %add3A_2172 : i32
      %mul3A_2174 = arith.constant 16 : i32
      %mul3A_2175 = arith.muli %select_n3A_70, %mul3A_2174 : i32
      %add3A_2176 = arith.addi %mul3A_2175, %mul3A_72 : i32
      %add3A_2177 = arith.constant 3 : i32
      %add3A_2178 = arith.addi %add3A_2176, %add3A_2177 : i32
      %dma_wait3A_2179 = arith.constant 44 : i32
      %dma_wait3A_2180 = arith.constant 0 : i32
      %dma_wait3A_2181 = arith.constant 0 : i32
      %dma_wait3A_2182 = tpu.memref_slice %arg5[%select_n3A_54, %add3A_2178, %dma_wait3A_2179, %dma_wait3A_2180, %dma_wait3A_2181] : memref<2x64x64x64x64xf32, #tpu.memory_space<hbm>> -> memref<1x1x4x64x64xf32, #tpu.memory_space<hbm>>
      %dma_wait3A_2183 = tpu.memref_squeeze %dma_wait3A_2182 : memref<1x1x4x64x64xf32, #tpu.memory_space<hbm>> -> memref<4x64x64xf32, #tpu.memory_space<hbm>>
      %dma_wait3A_2184 = arith.constant 44 : i32
      %dma_wait3A_2185 = arith.constant 0 : i32
      %dma_wait3A_2186 = arith.constant 0 : i32
      %dma_wait3A_2187 = tpu.memref_slice %arg2[%select_n3A_54, %select_n3A_70, %add3A_2173, %dma_wait3A_2184, %dma_wait3A_2185, %dma_wait3A_2186] : memref<2x4x16x64x64x64xf32, #tpu.memory_space<hbm>> -> memref<1x1x1x4x64x64xf32, #tpu.memory_space<hbm>>
      %dma_wait3A_2188 = tpu.memref_squeeze %dma_wait3A_2187 : memref<1x1x1x4x64x64xf32, #tpu.memory_space<hbm>> -> memref<4x64x64xf32, #tpu.memory_space<hbm>>
      tpu.wait_dma2 semaphore(%arg12 : memref<!tpu.dma_semaphore, #tpu.memory_space<semaphore_mem>>) src(%dma_wait3A_2188 : memref<4x64x64xf32, #tpu.memory_space<hbm>>) dst(%dma_wait3A_2183 : memref<4x64x64xf32, #tpu.memory_space<hbm>>)
      %add3A_2189 = arith.constant 3 : i32
      %add3A_2190 = arith.addi %mul3A_72, %add3A_2189 : i32
      %mul3A_2191 = arith.constant 16 : i32
      %mul3A_2192 = arith.muli %select_n3A_70, %mul3A_2191 : i32
      %add3A_2193 = arith.addi %mul3A_2192, %mul3A_72 : i32
      %add3A_2194 = arith.constant 3 : i32
      %add3A_2195 = arith.addi %add3A_2193, %add3A_2194 : i32
      %dma_wait3A_2196 = arith.constant 48 : i32
      %dma_wait3A_2197 = arith.constant 0 : i32
      %dma_wait3A_2198 = arith.constant 0 : i32
      %dma_wait3A_2199 = tpu.memref_slice %arg5[%select_n3A_54, %add3A_2195, %dma_wait3A_2196, %dma_wait3A_2197, %dma_wait3A_2198] : memref<2x64x64x64x64xf32, #tpu.memory_space<hbm>> -> memref<1x1x4x64x64xf32, #tpu.memory_space<hbm>>
      %dma_wait3A_2200 = tpu.memref_squeeze %dma_wait3A_2199 : memref<1x1x4x64x64xf32, #tpu.memory_space<hbm>> -> memref<4x64x64xf32, #tpu.memory_space<hbm>>
      %dma_wait3A_2201 = arith.constant 48 : i32
      %dma_wait3A_2202 = arith.constant 0 : i32
      %dma_wait3A_2203 = arith.constant 0 : i32
      %dma_wait3A_2204 = tpu.memref_slice %arg2[%select_n3A_54, %select_n3A_70, %add3A_2190, %dma_wait3A_2201, %dma_wait3A_2202, %dma_wait3A_2203] : memref<2x4x16x64x64x64xf32, #tpu.memory_space<hbm>> -> memref<1x1x1x4x64x64xf32, #tpu.memory_space<hbm>>
      %dma_wait3A_2205 = tpu.memref_squeeze %dma_wait3A_2204 : memref<1x1x1x4x64x64xf32, #tpu.memory_space<hbm>> -> memref<4x64x64xf32, #tpu.memory_space<hbm>>
      tpu.wait_dma2 semaphore(%arg10 : memref<!tpu.dma_semaphore, #tpu.memory_space<semaphore_mem>>) src(%dma_wait3A_2205 : memref<4x64x64xf32, #tpu.memory_space<hbm>>) dst(%dma_wait3A_2200 : memref<4x64x64xf32, #tpu.memory_space<hbm>>)
      %add3A_2206 = arith.constant 3 : i32
      %add3A_2207 = arith.addi %mul3A_72, %add3A_2206 : i32
      %mul3A_2208 = arith.constant 16 : i32
      %mul3A_2209 = arith.muli %select_n3A_70, %mul3A_2208 : i32
      %add3A_2210 = arith.addi %mul3A_2209, %mul3A_72 : i32
      %add3A_2211 = arith.constant 3 : i32
      %add3A_2212 = arith.addi %add3A_2210, %add3A_2211 : i32
      %dma_wait3A_2213 = arith.constant 52 : i32
      %dma_wait3A_2214 = arith.constant 0 : i32
      %dma_wait3A_2215 = arith.constant 0 : i32
      %dma_wait3A_2216 = tpu.memref_slice %arg5[%select_n3A_54, %add3A_2212, %dma_wait3A_2213, %dma_wait3A_2214, %dma_wait3A_2215] : memref<2x64x64x64x64xf32, #tpu.memory_space<hbm>> -> memref<1x1x4x64x64xf32, #tpu.memory_space<hbm>>
      %dma_wait3A_2217 = tpu.memref_squeeze %dma_wait3A_2216 : memref<1x1x4x64x64xf32, #tpu.memory_space<hbm>> -> memref<4x64x64xf32, #tpu.memory_space<hbm>>
      %dma_wait3A_2218 = arith.constant 52 : i32
      %dma_wait3A_2219 = arith.constant 0 : i32
      %dma_wait3A_2220 = arith.constant 0 : i32
      %dma_wait3A_2221 = tpu.memref_slice %arg2[%select_n3A_54, %select_n3A_70, %add3A_2207, %dma_wait3A_2218, %dma_wait3A_2219, %dma_wait3A_2220] : memref<2x4x16x64x64x64xf32, #tpu.memory_space<hbm>> -> memref<1x1x1x4x64x64xf32, #tpu.memory_space<hbm>>
      %dma_wait3A_2222 = tpu.memref_squeeze %dma_wait3A_2221 : memref<1x1x1x4x64x64xf32, #tpu.memory_space<hbm>> -> memref<4x64x64xf32, #tpu.memory_space<hbm>>
      tpu.wait_dma2 semaphore(%arg11 : memref<!tpu.dma_semaphore, #tpu.memory_space<semaphore_mem>>) src(%dma_wait3A_2222 : memref<4x64x64xf32, #tpu.memory_space<hbm>>) dst(%dma_wait3A_2217 : memref<4x64x64xf32, #tpu.memory_space<hbm>>)
      %add3A_2223 = arith.constant 3 : i32
      %add3A_2224 = arith.addi %mul3A_72, %add3A_2223 : i32
      %mul3A_2225 = arith.constant 16 : i32
      %mul3A_2226 = arith.muli %select_n3A_70, %mul3A_2225 : i32
      %add3A_2227 = arith.addi %mul3A_2226, %mul3A_72 : i32
      %add3A_2228 = arith.constant 3 : i32
      %add3A_2229 = arith.addi %add3A_2227, %add3A_2228 : i32
      %dma_wait3A_2230 = arith.constant 56 : i32
      %dma_wait3A_2231 = arith.constant 0 : i32
      %dma_wait3A_2232 = arith.constant 0 : i32
      %dma_wait3A_2233 = tpu.memref_slice %arg5[%select_n3A_54, %add3A_2229, %dma_wait3A_2230, %dma_wait3A_2231, %dma_wait3A_2232] : memref<2x64x64x64x64xf32, #tpu.memory_space<hbm>> -> memref<1x1x4x64x64xf32, #tpu.memory_space<hbm>>
      %dma_wait3A_2234 = tpu.memref_squeeze %dma_wait3A_2233 : memref<1x1x4x64x64xf32, #tpu.memory_space<hbm>> -> memref<4x64x64xf32, #tpu.memory_space<hbm>>
      %dma_wait3A_2235 = arith.constant 56 : i32
      %dma_wait3A_2236 = arith.constant 0 : i32
      %dma_wait3A_2237 = arith.constant 0 : i32
      %dma_wait3A_2238 = tpu.memref_slice %arg2[%select_n3A_54, %select_n3A_70, %add3A_2224, %dma_wait3A_2235, %dma_wait3A_2236, %dma_wait3A_2237] : memref<2x4x16x64x64x64xf32, #tpu.memory_space<hbm>> -> memref<1x1x1x4x64x64xf32, #tpu.memory_space<hbm>>
      %dma_wait3A_2239 = tpu.memref_squeeze %dma_wait3A_2238 : memref<1x1x1x4x64x64xf32, #tpu.memory_space<hbm>> -> memref<4x64x64xf32, #tpu.memory_space<hbm>>
      tpu.wait_dma2 semaphore(%arg12 : memref<!tpu.dma_semaphore, #tpu.memory_space<semaphore_mem>>) src(%dma_wait3A_2239 : memref<4x64x64xf32, #tpu.memory_space<hbm>>) dst(%dma_wait3A_2234 : memref<4x64x64xf32, #tpu.memory_space<hbm>>)
      %add3A_2240 = arith.constant 3 : i32
      %add3A_2241 = arith.addi %mul3A_72, %add3A_2240 : i32
      %mul3A_2242 = arith.constant 16 : i32
      %mul3A_2243 = arith.muli %select_n3A_70, %mul3A_2242 : i32
      %add3A_2244 = arith.addi %mul3A_2243, %mul3A_72 : i32
      %add3A_2245 = arith.constant 3 : i32
      %add3A_2246 = arith.addi %add3A_2244, %add3A_2245 : i32
      %dma_wait3A_2247 = arith.constant 60 : i32
      %dma_wait3A_2248 = arith.constant 0 : i32
      %dma_wait3A_2249 = arith.constant 0 : i32
      %dma_wait3A_2250 = tpu.memref_slice %arg5[%select_n3A_54, %add3A_2246, %dma_wait3A_2247, %dma_wait3A_2248, %dma_wait3A_2249] : memref<2x64x64x64x64xf32, #tpu.memory_space<hbm>> -> memref<1x1x4x64x64xf32, #tpu.memory_space<hbm>>
      %dma_wait3A_2251 = tpu.memref_squeeze %dma_wait3A_2250 : memref<1x1x4x64x64xf32, #tpu.memory_space<hbm>> -> memref<4x64x64xf32, #tpu.memory_space<hbm>>
      %dma_wait3A_2252 = arith.constant 60 : i32
      %dma_wait3A_2253 = arith.constant 0 : i32
      %dma_wait3A_2254 = arith.constant 0 : i32
      %dma_wait3A_2255 = tpu.memref_slice %arg2[%select_n3A_54, %select_n3A_70, %add3A_2241, %dma_wait3A_2252, %dma_wait3A_2253, %dma_wait3A_2254] : memref<2x4x16x64x64x64xf32, #tpu.memory_space<hbm>> -> memref<1x1x1x4x64x64xf32, #tpu.memory_space<hbm>>
      %dma_wait3A_2256 = tpu.memref_squeeze %dma_wait3A_2255 : memref<1x1x1x4x64x64xf32, #tpu.memory_space<hbm>> -> memref<4x64x64xf32, #tpu.memory_space<hbm>>
      tpu.wait_dma2 semaphore(%arg10 : memref<!tpu.dma_semaphore, #tpu.memory_space<semaphore_mem>>) src(%dma_wait3A_2256 : memref<4x64x64xf32, #tpu.memory_space<hbm>>) dst(%dma_wait3A_2251 : memref<4x64x64xf32, #tpu.memory_space<hbm>>)
    } else {
    }
    %eq3A_78 = arith.constant 0 : i32
    %eq3A_79 = arith.cmpi eq, %squeeze3A, %eq3A_78 : i32
    %convert_element_type3A_80 = arith.extui %eq3A_79 : i1 to i32
    %cond3A_81 = arith.constant 0 : i32
    %cond3A_82 = arith.cmpi ne, %convert_element_type3A_80, %cond3A_81 : i32
    scf.if %cond3A_82 {
      "tpu.region"() ({
        %run_scoped3A = tpu.sem_alloc : memref<!tpu.dma_semaphore, #tpu.memory_space<semaphore_mem>>
        tpu.enqueue_dma source(%arg4 : memref<4x64x64xf32, #tpu.memory_space<hbm>>) target(%arg7 : memref<4x64x64xf32, #tpu.memory_space<vmem>>) target_semaphore(%run_scoped3A : memref<!tpu.dma_semaphore, #tpu.memory_space<semaphore_mem>>)
        tpu.wait_dma2 semaphore(%run_scoped3A : memref<!tpu.dma_semaphore, #tpu.memory_space<semaphore_mem>>) src(%arg4 : memref<4x64x64xf32, #tpu.memory_space<hbm>>) dst(%arg7 : memref<4x64x64xf32, #tpu.memory_space<vmem>>)
        tpu.yield
      }) : () -> ()
      %mul3A_83 = arith.constant 16 : i32
      %mul3A_84 = arith.muli %select_n3A_70, %mul3A_83 : i32
      %add3A_85 = arith.addi %mul3A_84, %mul3A_72 : i32
      %add3A_86 = arith.constant 0 : i32
      %add3A_87 = arith.addi %add3A_85, %add3A_86 : i32
      %dma_start3A = arith.constant 0 : i32
      %dma_start3A_88 = arith.constant 0 : i32
      %dma_start3A_89 = arith.constant 0 : i32
      %dma_start3A_90 = tpu.memref_slice %arg5[%select_n3A_54, %add3A_87, %dma_start3A, %dma_start3A_88, %dma_start3A_89] : memref<2x64x64x64x64xf32, #tpu.memory_space<hbm>> -> memref<1x1x4x64x64xf32, #tpu.memory_space<hbm>>
      %dma_start3A_91 = tpu.memref_squeeze %dma_start3A_90 : memref<1x1x4x64x64xf32, #tpu.memory_space<hbm>> -> memref<4x64x64xf32, #tpu.memory_space<hbm>>
      %dma_start3A_92 = arith.constant 0 : i32
      %dma_start3A_93 = arith.constant 0 : i32
      %dma_start3A_94 = arith.constant 0 : i32
      %dma_start3A_95 = tpu.memref_slice %arg5[%select_n3A_54, %add3A_87, %dma_start3A_92, %dma_start3A_93, %dma_start3A_94] : memref<2x64x64x64x64xf32, #tpu.memory_space<hbm>> -> memref<1x1x4x64x64xf32, #tpu.memory_space<hbm>>
      %dma_start3A_96 = tpu.memref_squeeze %dma_start3A_95 : memref<1x1x4x64x64xf32, #tpu.memory_space<hbm>> -> memref<4x64x64xf32, #tpu.memory_space<hbm>>
      tpu.enqueue_dma source(%arg7 : memref<4x64x64xf32, #tpu.memory_space<vmem>>) target(%dma_start3A_96 : memref<4x64x64xf32, #tpu.memory_space<hbm>>) target_semaphore(%arg13 : memref<!tpu.dma_semaphore, #tpu.memory_space<semaphore_mem>>)
      %mul3A_97 = arith.constant 16 : i32
      %mul3A_98 = arith.muli %select_n3A_70, %mul3A_97 : i32
      %add3A_99 = arith.addi %mul3A_98, %mul3A_72 : i32
      %add3A_100 = arith.constant 0 : i32
      %add3A_101 = arith.addi %add3A_99, %add3A_100 : i32
      %dma_start3A_102 = arith.constant 4 : i32
      %dma_start3A_103 = arith.constant 0 : i32
      %dma_start3A_104 = arith.constant 0 : i32
      %dma_start3A_105 = tpu.memref_slice %arg5[%select_n3A_54, %add3A_101, %dma_start3A_102, %dma_start3A_103, %dma_start3A_104] : memref<2x64x64x64x64xf32, #tpu.memory_space<hbm>> -> memref<1x1x4x64x64xf32, #tpu.memory_space<hbm>>
      %dma_start3A_106 = tpu.memref_squeeze %dma_start3A_105 : memref<1x1x4x64x64xf32, #tpu.memory_space<hbm>> -> memref<4x64x64xf32, #tpu.memory_space<hbm>>
      %dma_start3A_107 = arith.constant 4 : i32
      %dma_start3A_108 = arith.constant 0 : i32
      %dma_start3A_109 = arith.constant 0 : i32
      %dma_start3A_110 = tpu.memref_slice %arg5[%select_n3A_54, %add3A_101, %dma_start3A_107, %dma_start3A_108, %dma_start3A_109] : memref<2x64x64x64x64xf32, #tpu.memory_space<hbm>> -> memref<1x1x4x64x64xf32, #tpu.memory_space<hbm>>
      %dma_start3A_111 = tpu.memref_squeeze %dma_start3A_110 : memref<1x1x4x64x64xf32, #tpu.memory_space<hbm>> -> memref<4x64x64xf32, #tpu.memory_space<hbm>>
      tpu.enqueue_dma source(%arg7 : memref<4x64x64xf32, #tpu.memory_space<vmem>>) target(%dma_start3A_111 : memref<4x64x64xf32, #tpu.memory_space<hbm>>) target_semaphore(%arg13 : memref<!tpu.dma_semaphore, #tpu.memory_space<semaphore_mem>>)
      %mul3A_112 = arith.constant 16 : i32
      %mul3A_113 = arith.muli %select_n3A_70, %mul3A_112 : i32
      %add3A_114 = arith.addi %mul3A_113, %mul3A_72 : i32
      %add3A_115 = arith.constant 0 : i32
      %add3A_116 = arith.addi %add3A_114, %add3A_115 : i32
      %dma_start3A_117 = arith.constant 8 : i32
      %dma_start3A_118 = arith.constant 0 : i32
      %dma_start3A_119 = arith.constant 0 : i32
      %dma_start3A_120 = tpu.memref_slice %arg5[%select_n3A_54, %add3A_116, %dma_start3A_117, %dma_start3A_118, %dma_start3A_119] : memref<2x64x64x64x64xf32, #tpu.memory_space<hbm>> -> memref<1x1x4x64x64xf32, #tpu.memory_space<hbm>>
      %dma_start3A_121 = tpu.memref_squeeze %dma_start3A_120 : memref<1x1x4x64x64xf32, #tpu.memory_space<hbm>> -> memref<4x64x64xf32, #tpu.memory_space<hbm>>
      %dma_start3A_122 = arith.constant 8 : i32
      %dma_start3A_123 = arith.constant 0 : i32
      %dma_start3A_124 = arith.constant 0 : i32
      %dma_start3A_125 = tpu.memref_slice %arg5[%select_n3A_54, %add3A_116, %dma_start3A_122, %dma_start3A_123, %dma_start3A_124] : memref<2x64x64x64x64xf32, #tpu.memory_space<hbm>> -> memref<1x1x4x64x64xf32, #tpu.memory_space<hbm>>
      %dma_start3A_126 = tpu.memref_squeeze %dma_start3A_125 : memref<1x1x4x64x64xf32, #tpu.memory_space<hbm>> -> memref<4x64x64xf32, #tpu.memory_space<hbm>>
      tpu.enqueue_dma source(%arg7 : memref<4x64x64xf32, #tpu.memory_space<vmem>>) target(%dma_start3A_126 : memref<4x64x64xf32, #tpu.memory_space<hbm>>) target_semaphore(%arg13 : memref<!tpu.dma_semaphore, #tpu.memory_space<semaphore_mem>>)
      %mul3A_127 = arith.constant 16 : i32
      %mul3A_128 = arith.muli %select_n3A_70, %mul3A_127 : i32
      %add3A_129 = arith.addi %mul3A_128, %mul3A_72 : i32
      %add3A_130 = arith.constant 0 : i32
      %add3A_131 = arith.addi %add3A_129, %add3A_130 : i32
      %dma_start3A_132 = arith.constant 12 : i32
      %dma_start3A_133 = arith.constant 0 : i32
      %dma_start3A_134 = arith.constant 0 : i32
      %dma_start3A_135 = tpu.memref_slice %arg5[%select_n3A_54, %add3A_131, %dma_start3A_132, %dma_start3A_133, %dma_start3A_134] : memref<2x64x64x64x64xf32, #tpu.memory_space<hbm>> -> memref<1x1x4x64x64xf32, #tpu.memory_space<hbm>>
      %dma_start3A_136 = tpu.memref_squeeze %dma_start3A_135 : memref<1x1x4x64x64xf32, #tpu.memory_space<hbm>> -> memref<4x64x64xf32, #tpu.memory_space<hbm>>
      %dma_start3A_137 = arith.constant 12 : i32
      %dma_start3A_138 = arith.constant 0 : i32
      %dma_start3A_139 = arith.constant 0 : i32
      %dma_start3A_140 = tpu.memref_slice %arg5[%select_n3A_54, %add3A_131, %dma_start3A_137, %dma_start3A_138, %dma_start3A_139] : memref<2x64x64x64x64xf32, #tpu.memory_space<hbm>> -> memref<1x1x4x64x64xf32, #tpu.memory_space<hbm>>
      %dma_start3A_141 = tpu.memref_squeeze %dma_start3A_140 : memref<1x1x4x64x64xf32, #tpu.memory_space<hbm>> -> memref<4x64x64xf32, #tpu.memory_space<hbm>>
      tpu.enqueue_dma source(%arg7 : memref<4x64x64xf32, #tpu.memory_space<vmem>>) target(%dma_start3A_141 : memref<4x64x64xf32, #tpu.memory_space<hbm>>) target_semaphore(%arg13 : memref<!tpu.dma_semaphore, #tpu.memory_space<semaphore_mem>>)
      %mul3A_142 = arith.constant 16 : i32
      %mul3A_143 = arith.muli %select_n3A_70, %mul3A_142 : i32
      %add3A_144 = arith.addi %mul3A_143, %mul3A_72 : i32
      %add3A_145 = arith.constant 0 : i32
      %add3A_146 = arith.addi %add3A_144, %add3A_145 : i32
      %dma_start3A_147 = arith.constant 16 : i32
      %dma_start3A_148 = arith.constant 0 : i32
      %dma_start3A_149 = arith.constant 0 : i32
      %dma_start3A_150 = tpu.memref_slice %arg5[%select_n3A_54, %add3A_146, %dma_start3A_147, %dma_start3A_148, %dma_start3A_149] : memref<2x64x64x64x64xf32, #tpu.memory_space<hbm>> -> memref<1x1x4x64x64xf32, #tpu.memory_space<hbm>>
      %dma_start3A_151 = tpu.memref_squeeze %dma_start3A_150 : memref<1x1x4x64x64xf32, #tpu.memory_space<hbm>> -> memref<4x64x64xf32, #tpu.memory_space<hbm>>
      %dma_start3A_152 = arith.constant 16 : i32
      %dma_start3A_153 = arith.constant 0 : i32
      %dma_start3A_154 = arith.constant 0 : i32
      %dma_start3A_155 = tpu.memref_slice %arg5[%select_n3A_54, %add3A_146, %dma_start3A_152, %dma_start3A_153, %dma_start3A_154] : memref<2x64x64x64x64xf32, #tpu.memory_space<hbm>> -> memref<1x1x4x64x64xf32, #tpu.memory_space<hbm>>
      %dma_start3A_156 = tpu.memref_squeeze %dma_start3A_155 : memref<1x1x4x64x64xf32, #tpu.memory_space<hbm>> -> memref<4x64x64xf32, #tpu.memory_space<hbm>>
      tpu.enqueue_dma source(%arg7 : memref<4x64x64xf32, #tpu.memory_space<vmem>>) target(%dma_start3A_156 : memref<4x64x64xf32, #tpu.memory_space<hbm>>) target_semaphore(%arg13 : memref<!tpu.dma_semaphore, #tpu.memory_space<semaphore_mem>>)
      %mul3A_157 = arith.constant 16 : i32
      %mul3A_158 = arith.muli %select_n3A_70, %mul3A_157 : i32
      %add3A_159 = arith.addi %mul3A_158, %mul3A_72 : i32
      %add3A_160 = arith.constant 0 : i32
      %add3A_161 = arith.addi %add3A_159, %add3A_160 : i32
      %dma_start3A_162 = arith.constant 20 : i32
      %dma_start3A_163 = arith.constant 0 : i32
      %dma_start3A_164 = arith.constant 0 : i32
      %dma_start3A_165 = tpu.memref_slice %arg5[%select_n3A_54, %add3A_161, %dma_start3A_162, %dma_start3A_163, %dma_start3A_164] : memref<2x64x64x64x64xf32, #tpu.memory_space<hbm>> -> memref<1x1x4x64x64xf32, #tpu.memory_space<hbm>>
      %dma_start3A_166 = tpu.memref_squeeze %dma_start3A_165 : memref<1x1x4x64x64xf32, #tpu.memory_space<hbm>> -> memref<4x64x64xf32, #tpu.memory_space<hbm>>
      %dma_start3A_167 = arith.constant 20 : i32
      %dma_start3A_168 = arith.constant 0 : i32
      %dma_start3A_169 = arith.constant 0 : i32
      %dma_start3A_170 = tpu.memref_slice %arg5[%select_n3A_54, %add3A_161, %dma_start3A_167, %dma_start3A_168, %dma_start3A_169] : memref<2x64x64x64x64xf32, #tpu.memory_space<hbm>> -> memref<1x1x4x64x64xf32, #tpu.memory_space<hbm>>
      %dma_start3A_171 = tpu.memref_squeeze %dma_start3A_170 : memref<1x1x4x64x64xf32, #tpu.memory_space<hbm>> -> memref<4x64x64xf32, #tpu.memory_space<hbm>>
      tpu.enqueue_dma source(%arg7 : memref<4x64x64xf32, #tpu.memory_space<vmem>>) target(%dma_start3A_171 : memref<4x64x64xf32, #tpu.memory_space<hbm>>) target_semaphore(%arg13 : memref<!tpu.dma_semaphore, #tpu.memory_space<semaphore_mem>>)
      %mul3A_172 = arith.constant 16 : i32
      %mul3A_173 = arith.muli %select_n3A_70, %mul3A_172 : i32
      %add3A_174 = arith.addi %mul3A_173, %mul3A_72 : i32
      %add3A_175 = arith.constant 0 : i32
      %add3A_176 = arith.addi %add3A_174, %add3A_175 : i32
      %dma_start3A_177 = arith.constant 24 : i32
      %dma_start3A_178 = arith.constant 0 : i32
      %dma_start3A_179 = arith.constant 0 : i32
      %dma_start3A_180 = tpu.memref_slice %arg5[%select_n3A_54, %add3A_176, %dma_start3A_177, %dma_start3A_178, %dma_start3A_179] : memref<2x64x64x64x64xf32, #tpu.memory_space<hbm>> -> memref<1x1x4x64x64xf32, #tpu.memory_space<hbm>>
      %dma_start3A_181 = tpu.memref_squeeze %dma_start3A_180 : memref<1x1x4x64x64xf32, #tpu.memory_space<hbm>> -> memref<4x64x64xf32, #tpu.memory_space<hbm>>
      %dma_start3A_182 = arith.constant 24 : i32
      %dma_start3A_183 = arith.constant 0 : i32
      %dma_start3A_184 = arith.constant 0 : i32
      %dma_start3A_185 = tpu.memref_slice %arg5[%select_n3A_54, %add3A_176, %dma_start3A_182, %dma_start3A_183, %dma_start3A_184] : memref<2x64x64x64x64xf32, #tpu.memory_space<hbm>> -> memref<1x1x4x64x64xf32, #tpu.memory_space<hbm>>
      %dma_start3A_186 = tpu.memref_squeeze %dma_start3A_185 : memref<1x1x4x64x64xf32, #tpu.memory_space<hbm>> -> memref<4x64x64xf32, #tpu.memory_space<hbm>>
      tpu.enqueue_dma source(%arg7 : memref<4x64x64xf32, #tpu.memory_space<vmem>>) target(%dma_start3A_186 : memref<4x64x64xf32, #tpu.memory_space<hbm>>) target_semaphore(%arg13 : memref<!tpu.dma_semaphore, #tpu.memory_space<semaphore_mem>>)
      %mul3A_187 = arith.constant 16 : i32
      %mul3A_188 = arith.muli %select_n3A_70, %mul3A_187 : i32
      %add3A_189 = arith.addi %mul3A_188, %mul3A_72 : i32
      %add3A_190 = arith.constant 0 : i32
      %add3A_191 = arith.addi %add3A_189, %add3A_190 : i32
      %dma_start3A_192 = arith.constant 28 : i32
      %dma_start3A_193 = arith.constant 0 : i32
      %dma_start3A_194 = arith.constant 0 : i32
      %dma_start3A_195 = tpu.memref_slice %arg5[%select_n3A_54, %add3A_191, %dma_start3A_192, %dma_start3A_193, %dma_start3A_194] : memref<2x64x64x64x64xf32, #tpu.memory_space<hbm>> -> memref<1x1x4x64x64xf32, #tpu.memory_space<hbm>>
      %dma_start3A_196 = tpu.memref_squeeze %dma_start3A_195 : memref<1x1x4x64x64xf32, #tpu.memory_space<hbm>> -> memref<4x64x64xf32, #tpu.memory_space<hbm>>
      %dma_start3A_197 = arith.constant 28 : i32
      %dma_start3A_198 = arith.constant 0 : i32
      %dma_start3A_199 = arith.constant 0 : i32
      %dma_start3A_200 = tpu.memref_slice %arg5[%select_n3A_54, %add3A_191, %dma_start3A_197, %dma_start3A_198, %dma_start3A_199] : memref<2x64x64x64x64xf32, #tpu.memory_space<hbm>> -> memref<1x1x4x64x64xf32, #tpu.memory_space<hbm>>
      %dma_start3A_201 = tpu.memref_squeeze %dma_start3A_200 : memref<1x1x4x64x64xf32, #tpu.memory_space<hbm>> -> memref<4x64x64xf32, #tpu.memory_space<hbm>>
      tpu.enqueue_dma source(%arg7 : memref<4x64x64xf32, #tpu.memory_space<vmem>>) target(%dma_start3A_201 : memref<4x64x64xf32, #tpu.memory_space<hbm>>) target_semaphore(%arg13 : memref<!tpu.dma_semaphore, #tpu.memory_space<semaphore_mem>>)
      %mul3A_202 = arith.constant 16 : i32
      %mul3A_203 = arith.muli %select_n3A_70, %mul3A_202 : i32
      %add3A_204 = arith.addi %mul3A_203, %mul3A_72 : i32
      %add3A_205 = arith.constant 0 : i32
      %add3A_206 = arith.addi %add3A_204, %add3A_205 : i32
      %dma_start3A_207 = arith.constant 32 : i32
      %dma_start3A_208 = arith.constant 0 : i32
      %dma_start3A_209 = arith.constant 0 : i32
      %dma_start3A_210 = tpu.memref_slice %arg5[%select_n3A_54, %add3A_206, %dma_start3A_207, %dma_start3A_208, %dma_start3A_209] : memref<2x64x64x64x64xf32, #tpu.memory_space<hbm>> -> memref<1x1x4x64x64xf32, #tpu.memory_space<hbm>>
      %dma_start3A_211 = tpu.memref_squeeze %dma_start3A_210 : memref<1x1x4x64x64xf32, #tpu.memory_space<hbm>> -> memref<4x64x64xf32, #tpu.memory_space<hbm>>
      %dma_start3A_212 = arith.constant 32 : i32
      %dma_start3A_213 = arith.constant 0 : i32
      %dma_start3A_214 = arith.constant 0 : i32
      %dma_start3A_215 = tpu.memref_slice %arg5[%select_n3A_54, %add3A_206, %dma_start3A_212, %dma_start3A_213, %dma_start3A_214] : memref<2x64x64x64x64xf32, #tpu.memory_space<hbm>> -> memref<1x1x4x64x64xf32, #tpu.memory_space<hbm>>
      %dma_start3A_216 = tpu.memref_squeeze %dma_start3A_215 : memref<1x1x4x64x64xf32, #tpu.memory_space<hbm>> -> memref<4x64x64xf32, #tpu.memory_space<hbm>>
      tpu.enqueue_dma source(%arg7 : memref<4x64x64xf32, #tpu.memory_space<vmem>>) target(%dma_start3A_216 : memref<4x64x64xf32, #tpu.memory_space<hbm>>) target_semaphore(%arg13 : memref<!tpu.dma_semaphore, #tpu.memory_space<semaphore_mem>>)
      %mul3A_217 = arith.constant 16 : i32
      %mul3A_218 = arith.muli %select_n3A_70, %mul3A_217 : i32
      %add3A_219 = arith.addi %mul3A_218, %mul3A_72 : i32
      %add3A_220 = arith.constant 0 : i32
      %add3A_221 = arith.addi %add3A_219, %add3A_220 : i32
      %dma_start3A_222 = arith.constant 36 : i32
      %dma_start3A_223 = arith.constant 0 : i32
      %dma_start3A_224 = arith.constant 0 : i32
      %dma_start3A_225 = tpu.memref_slice %arg5[%select_n3A_54, %add3A_221, %dma_start3A_222, %dma_start3A_223, %dma_start3A_224] : memref<2x64x64x64x64xf32, #tpu.memory_space<hbm>> -> memref<1x1x4x64x64xf32, #tpu.memory_space<hbm>>
      %dma_start3A_226 = tpu.memref_squeeze %dma_start3A_225 : memref<1x1x4x64x64xf32, #tpu.memory_space<hbm>> -> memref<4x64x64xf32, #tpu.memory_space<hbm>>
      %dma_start3A_227 = arith.constant 36 : i32
      %dma_start3A_228 = arith.constant 0 : i32
      %dma_start3A_229 = arith.constant 0 : i32
      %dma_start3A_230 = tpu.memref_slice %arg5[%select_n3A_54, %add3A_221, %dma_start3A_227, %dma_start3A_228, %dma_start3A_229] : memref<2x64x64x64x64xf32, #tpu.memory_space<hbm>> -> memref<1x1x4x64x64xf32, #tpu.memory_space<hbm>>
      %dma_start3A_231 = tpu.memref_squeeze %dma_start3A_230 : memref<1x1x4x64x64xf32, #tpu.memory_space<hbm>> -> memref<4x64x64xf32, #tpu.memory_space<hbm>>
      tpu.enqueue_dma source(%arg7 : memref<4x64x64xf32, #tpu.memory_space<vmem>>) target(%dma_start3A_231 : memref<4x64x64xf32, #tpu.memory_space<hbm>>) target_semaphore(%arg13 : memref<!tpu.dma_semaphore, #tpu.memory_space<semaphore_mem>>)
      %mul3A_232 = arith.constant 16 : i32
      %mul3A_233 = arith.muli %select_n3A_70, %mul3A_232 : i32
      %add3A_234 = arith.addi %mul3A_233, %mul3A_72 : i32
      %add3A_235 = arith.constant 0 : i32
      %add3A_236 = arith.addi %add3A_234, %add3A_235 : i32
      %dma_start3A_237 = arith.constant 40 : i32
      %dma_start3A_238 = arith.constant 0 : i32
      %dma_start3A_239 = arith.constant 0 : i32
      %dma_start3A_240 = tpu.memref_slice %arg5[%select_n3A_54, %add3A_236, %dma_start3A_237, %dma_start3A_238, %dma_start3A_239] : memref<2x64x64x64x64xf32, #tpu.memory_space<hbm>> -> memref<1x1x4x64x64xf32, #tpu.memory_space<hbm>>
      %dma_start3A_241 = tpu.memref_squeeze %dma_start3A_240 : memref<1x1x4x64x64xf32, #tpu.memory_space<hbm>> -> memref<4x64x64xf32, #tpu.memory_space<hbm>>
      %dma_start3A_242 = arith.constant 40 : i32
      %dma_start3A_243 = arith.constant 0 : i32
      %dma_start3A_244 = arith.constant 0 : i32
      %dma_start3A_245 = tpu.memref_slice %arg5[%select_n3A_54, %add3A_236, %dma_start3A_242, %dma_start3A_243, %dma_start3A_244] : memref<2x64x64x64x64xf32, #tpu.memory_space<hbm>> -> memref<1x1x4x64x64xf32, #tpu.memory_space<hbm>>
      %dma_start3A_246 = tpu.memref_squeeze %dma_start3A_245 : memref<1x1x4x64x64xf32, #tpu.memory_space<hbm>> -> memref<4x64x64xf32, #tpu.memory_space<hbm>>
      tpu.enqueue_dma source(%arg7 : memref<4x64x64xf32, #tpu.memory_space<vmem>>) target(%dma_start3A_246 : memref<4x64x64xf32, #tpu.memory_space<hbm>>) target_semaphore(%arg13 : memref<!tpu.dma_semaphore, #tpu.memory_space<semaphore_mem>>)
      %mul3A_247 = arith.constant 16 : i32
      %mul3A_248 = arith.muli %select_n3A_70, %mul3A_247 : i32
      %add3A_249 = arith.addi %mul3A_248, %mul3A_72 : i32
      %add3A_250 = arith.constant 0 : i32
      %add3A_251 = arith.addi %add3A_249, %add3A_250 : i32
      %dma_start3A_252 = arith.constant 44 : i32
      %dma_start3A_253 = arith.constant 0 : i32
      %dma_start3A_254 = arith.constant 0 : i32
      %dma_start3A_255 = tpu.memref_slice %arg5[%select_n3A_54, %add3A_251, %dma_start3A_252, %dma_start3A_253, %dma_start3A_254] : memref<2x64x64x64x64xf32, #tpu.memory_space<hbm>> -> memref<1x1x4x64x64xf32, #tpu.memory_space<hbm>>
      %dma_start3A_256 = tpu.memref_squeeze %dma_start3A_255 : memref<1x1x4x64x64xf32, #tpu.memory_space<hbm>> -> memref<4x64x64xf32, #tpu.memory_space<hbm>>
      %dma_start3A_257 = arith.constant 44 : i32
      %dma_start3A_258 = arith.constant 0 : i32
      %dma_start3A_259 = arith.constant 0 : i32
      %dma_start3A_260 = tpu.memref_slice %arg5[%select_n3A_54, %add3A_251, %dma_start3A_257, %dma_start3A_258, %dma_start3A_259] : memref<2x64x64x64x64xf32, #tpu.memory_space<hbm>> -> memref<1x1x4x64x64xf32, #tpu.memory_space<hbm>>
      %dma_start3A_261 = tpu.memref_squeeze %dma_start3A_260 : memref<1x1x4x64x64xf32, #tpu.memory_space<hbm>> -> memref<4x64x64xf32, #tpu.memory_space<hbm>>
      tpu.enqueue_dma source(%arg7 : memref<4x64x64xf32, #tpu.memory_space<vmem>>) target(%dma_start3A_261 : memref<4x64x64xf32, #tpu.memory_space<hbm>>) target_semaphore(%arg13 : memref<!tpu.dma_semaphore, #tpu.memory_space<semaphore_mem>>)
      %mul3A_262 = arith.constant 16 : i32
      %mul3A_263 = arith.muli %select_n3A_70, %mul3A_262 : i32
      %add3A_264 = arith.addi %mul3A_263, %mul3A_72 : i32
      %add3A_265 = arith.constant 0 : i32
      %add3A_266 = arith.addi %add3A_264, %add3A_265 : i32
      %dma_start3A_267 = arith.constant 48 : i32
      %dma_start3A_268 = arith.constant 0 : i32
      %dma_start3A_269 = arith.constant 0 : i32
      %dma_start3A_270 = tpu.memref_slice %arg5[%select_n3A_54, %add3A_266, %dma_start3A_267, %dma_start3A_268, %dma_start3A_269] : memref<2x64x64x64x64xf32, #tpu.memory_space<hbm>> -> memref<1x1x4x64x64xf32, #tpu.memory_space<hbm>>
      %dma_start3A_271 = tpu.memref_squeeze %dma_start3A_270 : memref<1x1x4x64x64xf32, #tpu.memory_space<hbm>> -> memref<4x64x64xf32, #tpu.memory_space<hbm>>
      %dma_start3A_272 = arith.constant 48 : i32
      %dma_start3A_273 = arith.constant 0 : i32
      %dma_start3A_274 = arith.constant 0 : i32
      %dma_start3A_275 = tpu.memref_slice %arg5[%select_n3A_54, %add3A_266, %dma_start3A_272, %dma_start3A_273, %dma_start3A_274] : memref<2x64x64x64x64xf32, #tpu.memory_space<hbm>> -> memref<1x1x4x64x64xf32, #tpu.memory_space<hbm>>
      %dma_start3A_276 = tpu.memref_squeeze %dma_start3A_275 : memref<1x1x4x64x64xf32, #tpu.memory_space<hbm>> -> memref<4x64x64xf32, #tpu.memory_space<hbm>>
      tpu.enqueue_dma source(%arg7 : memref<4x64x64xf32, #tpu.memory_space<vmem>>) target(%dma_start3A_276 : memref<4x64x64xf32, #tpu.memory_space<hbm>>) target_semaphore(%arg13 : memref<!tpu.dma_semaphore, #tpu.memory_space<semaphore_mem>>)
      %mul3A_277 = arith.constant 16 : i32
      %mul3A_278 = arith.muli %select_n3A_70, %mul3A_277 : i32
      %add3A_279 = arith.addi %mul3A_278, %mul3A_72 : i32
      %add3A_280 = arith.constant 0 : i32
      %add3A_281 = arith.addi %add3A_279, %add3A_280 : i32
      %dma_start3A_282 = arith.constant 52 : i32
      %dma_start3A_283 = arith.constant 0 : i32
      %dma_start3A_284 = arith.constant 0 : i32
      %dma_start3A_285 = tpu.memref_slice %arg5[%select_n3A_54, %add3A_281, %dma_start3A_282, %dma_start3A_283, %dma_start3A_284] : memref<2x64x64x64x64xf32, #tpu.memory_space<hbm>> -> memref<1x1x4x64x64xf32, #tpu.memory_space<hbm>>
      %dma_start3A_286 = tpu.memref_squeeze %dma_start3A_285 : memref<1x1x4x64x64xf32, #tpu.memory_space<hbm>> -> memref<4x64x64xf32, #tpu.memory_space<hbm>>
      %dma_start3A_287 = arith.constant 52 : i32
      %dma_start3A_288 = arith.constant 0 : i32
      %dma_start3A_289 = arith.constant 0 : i32
      %dma_start3A_290 = tpu.memref_slice %arg5[%select_n3A_54, %add3A_281, %dma_start3A_287, %dma_start3A_288, %dma_start3A_289] : memref<2x64x64x64x64xf32, #tpu.memory_space<hbm>> -> memref<1x1x4x64x64xf32, #tpu.memory_space<hbm>>
      %dma_start3A_291 = tpu.memref_squeeze %dma_start3A_290 : memref<1x1x4x64x64xf32, #tpu.memory_space<hbm>> -> memref<4x64x64xf32, #tpu.memory_space<hbm>>
      tpu.enqueue_dma source(%arg7 : memref<4x64x64xf32, #tpu.memory_space<vmem>>) target(%dma_start3A_291 : memref<4x64x64xf32, #tpu.memory_space<hbm>>) target_semaphore(%arg13 : memref<!tpu.dma_semaphore, #tpu.memory_space<semaphore_mem>>)
      %mul3A_292 = arith.constant 16 : i32
      %mul3A_293 = arith.muli %select_n3A_70, %mul3A_292 : i32
      %add3A_294 = arith.addi %mul3A_293, %mul3A_72 : i32
      %add3A_295 = arith.constant 0 : i32
      %add3A_296 = arith.addi %add3A_294, %add3A_295 : i32
      %dma_start3A_297 = arith.constant 56 : i32
      %dma_start3A_298 = arith.constant 0 : i32
      %dma_start3A_299 = arith.constant 0 : i32
      %dma_start3A_300 = tpu.memref_slice %arg5[%select_n3A_54, %add3A_296, %dma_start3A_297, %dma_start3A_298, %dma_start3A_299] : memref<2x64x64x64x64xf32, #tpu.memory_space<hbm>> -> memref<1x1x4x64x64xf32, #tpu.memory_space<hbm>>
      %dma_start3A_301 = tpu.memref_squeeze %dma_start3A_300 : memref<1x1x4x64x64xf32, #tpu.memory_space<hbm>> -> memref<4x64x64xf32, #tpu.memory_space<hbm>>
      %dma_start3A_302 = arith.constant 56 : i32
      %dma_start3A_303 = arith.constant 0 : i32
      %dma_start3A_304 = arith.constant 0 : i32
      %dma_start3A_305 = tpu.memref_slice %arg5[%select_n3A_54, %add3A_296, %dma_start3A_302, %dma_start3A_303, %dma_start3A_304] : memref<2x64x64x64x64xf32, #tpu.memory_space<hbm>> -> memref<1x1x4x64x64xf32, #tpu.memory_space<hbm>>
      %dma_start3A_306 = tpu.memref_squeeze %dma_start3A_305 : memref<1x1x4x64x64xf32, #tpu.memory_space<hbm>> -> memref<4x64x64xf32, #tpu.memory_space<hbm>>
      tpu.enqueue_dma source(%arg7 : memref<4x64x64xf32, #tpu.memory_space<vmem>>) target(%dma_start3A_306 : memref<4x64x64xf32, #tpu.memory_space<hbm>>) target_semaphore(%arg13 : memref<!tpu.dma_semaphore, #tpu.memory_space<semaphore_mem>>)
      %mul3A_307 = arith.constant 16 : i32
      %mul3A_308 = arith.muli %select_n3A_70, %mul3A_307 : i32
      %add3A_309 = arith.addi %mul3A_308, %mul3A_72 : i32
      %add3A_310 = arith.constant 0 : i32
      %add3A_311 = arith.addi %add3A_309, %add3A_310 : i32
      %dma_start3A_312 = arith.constant 60 : i32
      %dma_start3A_313 = arith.constant 0 : i32
      %dma_start3A_314 = arith.constant 0 : i32
      %dma_start3A_315 = tpu.memref_slice %arg5[%select_n3A_54, %add3A_311, %dma_start3A_312, %dma_start3A_313, %dma_start3A_314] : memref<2x64x64x64x64xf32, #tpu.memory_space<hbm>> -> memref<1x1x4x64x64xf32, #tpu.memory_space<hbm>>
      %dma_start3A_316 = tpu.memref_squeeze %dma_start3A_315 : memref<1x1x4x64x64xf32, #tpu.memory_space<hbm>> -> memref<4x64x64xf32, #tpu.memory_space<hbm>>
      %dma_start3A_317 = arith.constant 60 : i32
      %dma_start3A_318 = arith.constant 0 : i32
      %dma_start3A_319 = arith.constant 0 : i32
      %dma_start3A_320 = tpu.memref_slice %arg5[%select_n3A_54, %add3A_311, %dma_start3A_317, %dma_start3A_318, %dma_start3A_319] : memref<2x64x64x64x64xf32, #tpu.memory_space<hbm>> -> memref<1x1x4x64x64xf32, #tpu.memory_space<hbm>>
      %dma_start3A_321 = tpu.memref_squeeze %dma_start3A_320 : memref<1x1x4x64x64xf32, #tpu.memory_space<hbm>> -> memref<4x64x64xf32, #tpu.memory_space<hbm>>
      tpu.enqueue_dma source(%arg7 : memref<4x64x64xf32, #tpu.memory_space<vmem>>) target(%dma_start3A_321 : memref<4x64x64xf32, #tpu.memory_space<hbm>>) target_semaphore(%arg13 : memref<!tpu.dma_semaphore, #tpu.memory_space<semaphore_mem>>)
      %mul3A_322 = arith.constant 16 : i32
      %mul3A_323 = arith.muli %select_n3A_70, %mul3A_322 : i32
      %add3A_324 = arith.addi %mul3A_323, %mul3A_72 : i32
      %add3A_325 = arith.constant 1 : i32
      %add3A_326 = arith.addi %add3A_324, %add3A_325 : i32
      %dma_start3A_327 = arith.constant 0 : i32
      %dma_start3A_328 = arith.constant 0 : i32
      %dma_start3A_329 = arith.constant 0 : i32
      %dma_start3A_330 = tpu.memref_slice %arg5[%select_n3A_54, %add3A_326, %dma_start3A_327, %dma_start3A_328, %dma_start3A_329] : memref<2x64x64x64x64xf32, #tpu.memory_space<hbm>> -> memref<1x1x4x64x64xf32, #tpu.memory_space<hbm>>
      %dma_start3A_331 = tpu.memref_squeeze %dma_start3A_330 : memref<1x1x4x64x64xf32, #tpu.memory_space<hbm>> -> memref<4x64x64xf32, #tpu.memory_space<hbm>>
      %dma_start3A_332 = arith.constant 0 : i32
      %dma_start3A_333 = arith.constant 0 : i32
      %dma_start3A_334 = arith.constant 0 : i32
      %dma_start3A_335 = tpu.memref_slice %arg5[%select_n3A_54, %add3A_326, %dma_start3A_332, %dma_start3A_333, %dma_start3A_334] : memref<2x64x64x64x64xf32, #tpu.memory_space<hbm>> -> memref<1x1x4x64x64xf32, #tpu.memory_space<hbm>>
      %dma_start3A_336 = tpu.memref_squeeze %dma_start3A_335 : memref<1x1x4x64x64xf32, #tpu.memory_space<hbm>> -> memref<4x64x64xf32, #tpu.memory_space<hbm>>
      tpu.enqueue_dma source(%arg7 : memref<4x64x64xf32, #tpu.memory_space<vmem>>) target(%dma_start3A_336 : memref<4x64x64xf32, #tpu.memory_space<hbm>>) target_semaphore(%arg13 : memref<!tpu.dma_semaphore, #tpu.memory_space<semaphore_mem>>)
      %mul3A_337 = arith.constant 16 : i32
      %mul3A_338 = arith.muli %select_n3A_70, %mul3A_337 : i32
      %add3A_339 = arith.addi %mul3A_338, %mul3A_72 : i32
      %add3A_340 = arith.constant 1 : i32
      %add3A_341 = arith.addi %add3A_339, %add3A_340 : i32
      %dma_start3A_342 = arith.constant 4 : i32
      %dma_start3A_343 = arith.constant 0 : i32
      %dma_start3A_344 = arith.constant 0 : i32
      %dma_start3A_345 = tpu.memref_slice %arg5[%select_n3A_54, %add3A_341, %dma_start3A_342, %dma_start3A_343, %dma_start3A_344] : memref<2x64x64x64x64xf32, #tpu.memory_space<hbm>> -> memref<1x1x4x64x64xf32, #tpu.memory_space<hbm>>
      %dma_start3A_346 = tpu.memref_squeeze %dma_start3A_345 : memref<1x1x4x64x64xf32, #tpu.memory_space<hbm>> -> memref<4x64x64xf32, #tpu.memory_space<hbm>>
      %dma_start3A_347 = arith.constant 4 : i32
      %dma_start3A_348 = arith.constant 0 : i32
      %dma_start3A_349 = arith.constant 0 : i32
      %dma_start3A_350 = tpu.memref_slice %arg5[%select_n3A_54, %add3A_341, %dma_start3A_347, %dma_start3A_348, %dma_start3A_349] : memref<2x64x64x64x64xf32, #tpu.memory_space<hbm>> -> memref<1x1x4x64x64xf32, #tpu.memory_space<hbm>>
      %dma_start3A_351 = tpu.memref_squeeze %dma_start3A_350 : memref<1x1x4x64x64xf32, #tpu.memory_space<hbm>> -> memref<4x64x64xf32, #tpu.memory_space<hbm>>
      tpu.enqueue_dma source(%arg7 : memref<4x64x64xf32, #tpu.memory_space<vmem>>) target(%dma_start3A_351 : memref<4x64x64xf32, #tpu.memory_space<hbm>>) target_semaphore(%arg13 : memref<!tpu.dma_semaphore, #tpu.memory_space<semaphore_mem>>)
      %mul3A_352 = arith.constant 16 : i32
      %mul3A_353 = arith.muli %select_n3A_70, %mul3A_352 : i32
      %add3A_354 = arith.addi %mul3A_353, %mul3A_72 : i32
      %add3A_355 = arith.constant 1 : i32
      %add3A_356 = arith.addi %add3A_354, %add3A_355 : i32
      %dma_start3A_357 = arith.constant 8 : i32
      %dma_start3A_358 = arith.constant 0 : i32
      %dma_start3A_359 = arith.constant 0 : i32
      %dma_start3A_360 = tpu.memref_slice %arg5[%select_n3A_54, %add3A_356, %dma_start3A_357, %dma_start3A_358, %dma_start3A_359] : memref<2x64x64x64x64xf32, #tpu.memory_space<hbm>> -> memref<1x1x4x64x64xf32, #tpu.memory_space<hbm>>
      %dma_start3A_361 = tpu.memref_squeeze %dma_start3A_360 : memref<1x1x4x64x64xf32, #tpu.memory_space<hbm>> -> memref<4x64x64xf32, #tpu.memory_space<hbm>>
      %dma_start3A_362 = arith.constant 8 : i32
      %dma_start3A_363 = arith.constant 0 : i32
      %dma_start3A_364 = arith.constant 0 : i32
      %dma_start3A_365 = tpu.memref_slice %arg5[%select_n3A_54, %add3A_356, %dma_start3A_362, %dma_start3A_363, %dma_start3A_364] : memref<2x64x64x64x64xf32, #tpu.memory_space<hbm>> -> memref<1x1x4x64x64xf32, #tpu.memory_space<hbm>>
      %dma_start3A_366 = tpu.memref_squeeze %dma_start3A_365 : memref<1x1x4x64x64xf32, #tpu.memory_space<hbm>> -> memref<4x64x64xf32, #tpu.memory_space<hbm>>
      tpu.enqueue_dma source(%arg7 : memref<4x64x64xf32, #tpu.memory_space<vmem>>) target(%dma_start3A_366 : memref<4x64x64xf32, #tpu.memory_space<hbm>>) target_semaphore(%arg13 : memref<!tpu.dma_semaphore, #tpu.memory_space<semaphore_mem>>)
      %mul3A_367 = arith.constant 16 : i32
      %mul3A_368 = arith.muli %select_n3A_70, %mul3A_367 : i32
      %add3A_369 = arith.addi %mul3A_368, %mul3A_72 : i32
      %add3A_370 = arith.constant 1 : i32
      %add3A_371 = arith.addi %add3A_369, %add3A_370 : i32
      %dma_start3A_372 = arith.constant 12 : i32
      %dma_start3A_373 = arith.constant 0 : i32
      %dma_start3A_374 = arith.constant 0 : i32
      %dma_start3A_375 = tpu.memref_slice %arg5[%select_n3A_54, %add3A_371, %dma_start3A_372, %dma_start3A_373, %dma_start3A_374] : memref<2x64x64x64x64xf32, #tpu.memory_space<hbm>> -> memref<1x1x4x64x64xf32, #tpu.memory_space<hbm>>
      %dma_start3A_376 = tpu.memref_squeeze %dma_start3A_375 : memref<1x1x4x64x64xf32, #tpu.memory_space<hbm>> -> memref<4x64x64xf32, #tpu.memory_space<hbm>>
      %dma_start3A_377 = arith.constant 12 : i32
      %dma_start3A_378 = arith.constant 0 : i32
      %dma_start3A_379 = arith.constant 0 : i32
      %dma_start3A_380 = tpu.memref_slice %arg5[%select_n3A_54, %add3A_371, %dma_start3A_377, %dma_start3A_378, %dma_start3A_379] : memref<2x64x64x64x64xf32, #tpu.memory_space<hbm>> -> memref<1x1x4x64x64xf32, #tpu.memory_space<hbm>>
      %dma_start3A_381 = tpu.memref_squeeze %dma_start3A_380 : memref<1x1x4x64x64xf32, #tpu.memory_space<hbm>> -> memref<4x64x64xf32, #tpu.memory_space<hbm>>
      tpu.enqueue_dma source(%arg7 : memref<4x64x64xf32, #tpu.memory_space<vmem>>) target(%dma_start3A_381 : memref<4x64x64xf32, #tpu.memory_space<hbm>>) target_semaphore(%arg13 : memref<!tpu.dma_semaphore, #tpu.memory_space<semaphore_mem>>)
      %mul3A_382 = arith.constant 16 : i32
      %mul3A_383 = arith.muli %select_n3A_70, %mul3A_382 : i32
      %add3A_384 = arith.addi %mul3A_383, %mul3A_72 : i32
      %add3A_385 = arith.constant 1 : i32
      %add3A_386 = arith.addi %add3A_384, %add3A_385 : i32
      %dma_start3A_387 = arith.constant 16 : i32
      %dma_start3A_388 = arith.constant 0 : i32
      %dma_start3A_389 = arith.constant 0 : i32
      %dma_start3A_390 = tpu.memref_slice %arg5[%select_n3A_54, %add3A_386, %dma_start3A_387, %dma_start3A_388, %dma_start3A_389] : memref<2x64x64x64x64xf32, #tpu.memory_space<hbm>> -> memref<1x1x4x64x64xf32, #tpu.memory_space<hbm>>
      %dma_start3A_391 = tpu.memref_squeeze %dma_start3A_390 : memref<1x1x4x64x64xf32, #tpu.memory_space<hbm>> -> memref<4x64x64xf32, #tpu.memory_space<hbm>>
      %dma_start3A_392 = arith.constant 16 : i32
      %dma_start3A_393 = arith.constant 0 : i32
      %dma_start3A_394 = arith.constant 0 : i32
      %dma_start3A_395 = tpu.memref_slice %arg5[%select_n3A_54, %add3A_386, %dma_start3A_392, %dma_start3A_393, %dma_start3A_394] : memref<2x64x64x64x64xf32, #tpu.memory_space<hbm>> -> memref<1x1x4x64x64xf32, #tpu.memory_space<hbm>>
      %dma_start3A_396 = tpu.memref_squeeze %dma_start3A_395 : memref<1x1x4x64x64xf32, #tpu.memory_space<hbm>> -> memref<4x64x64xf32, #tpu.memory_space<hbm>>
      tpu.enqueue_dma source(%arg7 : memref<4x64x64xf32, #tpu.memory_space<vmem>>) target(%dma_start3A_396 : memref<4x64x64xf32, #tpu.memory_space<hbm>>) target_semaphore(%arg13 : memref<!tpu.dma_semaphore, #tpu.memory_space<semaphore_mem>>)
      %mul3A_397 = arith.constant 16 : i32
      %mul3A_398 = arith.muli %select_n3A_70, %mul3A_397 : i32
      %add3A_399 = arith.addi %mul3A_398, %mul3A_72 : i32
      %add3A_400 = arith.constant 1 : i32
      %add3A_401 = arith.addi %add3A_399, %add3A_400 : i32
      %dma_start3A_402 = arith.constant 20 : i32
      %dma_start3A_403 = arith.constant 0 : i32
      %dma_start3A_404 = arith.constant 0 : i32
      %dma_start3A_405 = tpu.memref_slice %arg5[%select_n3A_54, %add3A_401, %dma_start3A_402, %dma_start3A_403, %dma_start3A_404] : memref<2x64x64x64x64xf32, #tpu.memory_space<hbm>> -> memref<1x1x4x64x64xf32, #tpu.memory_space<hbm>>
      %dma_start3A_406 = tpu.memref_squeeze %dma_start3A_405 : memref<1x1x4x64x64xf32, #tpu.memory_space<hbm>> -> memref<4x64x64xf32, #tpu.memory_space<hbm>>
      %dma_start3A_407 = arith.constant 20 : i32
      %dma_start3A_408 = arith.constant 0 : i32
      %dma_start3A_409 = arith.constant 0 : i32
      %dma_start3A_410 = tpu.memref_slice %arg5[%select_n3A_54, %add3A_401, %dma_start3A_407, %dma_start3A_408, %dma_start3A_409] : memref<2x64x64x64x64xf32, #tpu.memory_space<hbm>> -> memref<1x1x4x64x64xf32, #tpu.memory_space<hbm>>
      %dma_start3A_411 = tpu.memref_squeeze %dma_start3A_410 : memref<1x1x4x64x64xf32, #tpu.memory_space<hbm>> -> memref<4x64x64xf32, #tpu.memory_space<hbm>>
      tpu.enqueue_dma source(%arg7 : memref<4x64x64xf32, #tpu.memory_space<vmem>>) target(%dma_start3A_411 : memref<4x64x64xf32, #tpu.memory_space<hbm>>) target_semaphore(%arg13 : memref<!tpu.dma_semaphore, #tpu.memory_space<semaphore_mem>>)
      %mul3A_412 = arith.constant 16 : i32
      %mul3A_413 = arith.muli %select_n3A_70, %mul3A_412 : i32
      %add3A_414 = arith.addi %mul3A_413, %mul3A_72 : i32
      %add3A_415 = arith.constant 1 : i32
      %add3A_416 = arith.addi %add3A_414, %add3A_415 : i32
      %dma_start3A_417 = arith.constant 24 : i32
      %dma_start3A_418 = arith.constant 0 : i32
      %dma_start3A_419 = arith.constant 0 : i32
      %dma_start3A_420 = tpu.memref_slice %arg5[%select_n3A_54, %add3A_416, %dma_start3A_417, %dma_start3A_418, %dma_start3A_419] : memref<2x64x64x64x64xf32, #tpu.memory_space<hbm>> -> memref<1x1x4x64x64xf32, #tpu.memory_space<hbm>>
      %dma_start3A_421 = tpu.memref_squeeze %dma_start3A_420 : memref<1x1x4x64x64xf32, #tpu.memory_space<hbm>> -> memref<4x64x64xf32, #tpu.memory_space<hbm>>
      %dma_start3A_422 = arith.constant 24 : i32
      %dma_start3A_423 = arith.constant 0 : i32
      %dma_start3A_424 = arith.constant 0 : i32
      %dma_start3A_425 = tpu.memref_slice %arg5[%select_n3A_54, %add3A_416, %dma_start3A_422, %dma_start3A_423, %dma_start3A_424] : memref<2x64x64x64x64xf32, #tpu.memory_space<hbm>> -> memref<1x1x4x64x64xf32, #tpu.memory_space<hbm>>
      %dma_start3A_426 = tpu.memref_squeeze %dma_start3A_425 : memref<1x1x4x64x64xf32, #tpu.memory_space<hbm>> -> memref<4x64x64xf32, #tpu.memory_space<hbm>>
      tpu.enqueue_dma source(%arg7 : memref<4x64x64xf32, #tpu.memory_space<vmem>>) target(%dma_start3A_426 : memref<4x64x64xf32, #tpu.memory_space<hbm>>) target_semaphore(%arg13 : memref<!tpu.dma_semaphore, #tpu.memory_space<semaphore_mem>>)
      %mul3A_427 = arith.constant 16 : i32
      %mul3A_428 = arith.muli %select_n3A_70, %mul3A_427 : i32
      %add3A_429 = arith.addi %mul3A_428, %mul3A_72 : i32
      %add3A_430 = arith.constant 1 : i32
      %add3A_431 = arith.addi %add3A_429, %add3A_430 : i32
      %dma_start3A_432 = arith.constant 28 : i32
      %dma_start3A_433 = arith.constant 0 : i32
      %dma_start3A_434 = arith.constant 0 : i32
      %dma_start3A_435 = tpu.memref_slice %arg5[%select_n3A_54, %add3A_431, %dma_start3A_432, %dma_start3A_433, %dma_start3A_434] : memref<2x64x64x64x64xf32, #tpu.memory_space<hbm>> -> memref<1x1x4x64x64xf32, #tpu.memory_space<hbm>>
      %dma_start3A_436 = tpu.memref_squeeze %dma_start3A_435 : memref<1x1x4x64x64xf32, #tpu.memory_space<hbm>> -> memref<4x64x64xf32, #tpu.memory_space<hbm>>
      %dma_start3A_437 = arith.constant 28 : i32
      %dma_start3A_438 = arith.constant 0 : i32
      %dma_start3A_439 = arith.constant 0 : i32
      %dma_start3A_440 = tpu.memref_slice %arg5[%select_n3A_54, %add3A_431, %dma_start3A_437, %dma_start3A_438, %dma_start3A_439] : memref<2x64x64x64x64xf32, #tpu.memory_space<hbm>> -> memref<1x1x4x64x64xf32, #tpu.memory_space<hbm>>
      %dma_start3A_441 = tpu.memref_squeeze %dma_start3A_440 : memref<1x1x4x64x64xf32, #tpu.memory_space<hbm>> -> memref<4x64x64xf32, #tpu.memory_space<hbm>>
      tpu.enqueue_dma source(%arg7 : memref<4x64x64xf32, #tpu.memory_space<vmem>>) target(%dma_start3A_441 : memref<4x64x64xf32, #tpu.memory_space<hbm>>) target_semaphore(%arg13 : memref<!tpu.dma_semaphore, #tpu.memory_space<semaphore_mem>>)
      %mul3A_442 = arith.constant 16 : i32
      %mul3A_443 = arith.muli %select_n3A_70, %mul3A_442 : i32
      %add3A_444 = arith.addi %mul3A_443, %mul3A_72 : i32
      %add3A_445 = arith.constant 1 : i32
      %add3A_446 = arith.addi %add3A_444, %add3A_445 : i32
      %dma_start3A_447 = arith.constant 32 : i32
      %dma_start3A_448 = arith.constant 0 : i32
      %dma_start3A_449 = arith.constant 0 : i32
      %dma_start3A_450 = tpu.memref_slice %arg5[%select_n3A_54, %add3A_446, %dma_start3A_447, %dma_start3A_448, %dma_start3A_449] : memref<2x64x64x64x64xf32, #tpu.memory_space<hbm>> -> memref<1x1x4x64x64xf32, #tpu.memory_space<hbm>>
      %dma_start3A_451 = tpu.memref_squeeze %dma_start3A_450 : memref<1x1x4x64x64xf32, #tpu.memory_space<hbm>> -> memref<4x64x64xf32, #tpu.memory_space<hbm>>
      %dma_start3A_452 = arith.constant 32 : i32
      %dma_start3A_453 = arith.constant 0 : i32
      %dma_start3A_454 = arith.constant 0 : i32
      %dma_start3A_455 = tpu.memref_slice %arg5[%select_n3A_54, %add3A_446, %dma_start3A_452, %dma_start3A_453, %dma_start3A_454] : memref<2x64x64x64x64xf32, #tpu.memory_space<hbm>> -> memref<1x1x4x64x64xf32, #tpu.memory_space<hbm>>
      %dma_start3A_456 = tpu.memref_squeeze %dma_start3A_455 : memref<1x1x4x64x64xf32, #tpu.memory_space<hbm>> -> memref<4x64x64xf32, #tpu.memory_space<hbm>>
      tpu.enqueue_dma source(%arg7 : memref<4x64x64xf32, #tpu.memory_space<vmem>>) target(%dma_start3A_456 : memref<4x64x64xf32, #tpu.memory_space<hbm>>) target_semaphore(%arg13 : memref<!tpu.dma_semaphore, #tpu.memory_space<semaphore_mem>>)
      %mul3A_457 = arith.constant 16 : i32
      %mul3A_458 = arith.muli %select_n3A_70, %mul3A_457 : i32
      %add3A_459 = arith.addi %mul3A_458, %mul3A_72 : i32
      %add3A_460 = arith.constant 1 : i32
      %add3A_461 = arith.addi %add3A_459, %add3A_460 : i32
      %dma_start3A_462 = arith.constant 36 : i32
      %dma_start3A_463 = arith.constant 0 : i32
      %dma_start3A_464 = arith.constant 0 : i32
      %dma_start3A_465 = tpu.memref_slice %arg5[%select_n3A_54, %add3A_461, %dma_start3A_462, %dma_start3A_463, %dma_start3A_464] : memref<2x64x64x64x64xf32, #tpu.memory_space<hbm>> -> memref<1x1x4x64x64xf32, #tpu.memory_space<hbm>>
      %dma_start3A_466 = tpu.memref_squeeze %dma_start3A_465 : memref<1x1x4x64x64xf32, #tpu.memory_space<hbm>> -> memref<4x64x64xf32, #tpu.memory_space<hbm>>
      %dma_start3A_467 = arith.constant 36 : i32
      %dma_start3A_468 = arith.constant 0 : i32
      %dma_start3A_469 = arith.constant 0 : i32
      %dma_start3A_470 = tpu.memref_slice %arg5[%select_n3A_54, %add3A_461, %dma_start3A_467, %dma_start3A_468, %dma_start3A_469] : memref<2x64x64x64x64xf32, #tpu.memory_space<hbm>> -> memref<1x1x4x64x64xf32, #tpu.memory_space<hbm>>
      %dma_start3A_471 = tpu.memref_squeeze %dma_start3A_470 : memref<1x1x4x64x64xf32, #tpu.memory_space<hbm>> -> memref<4x64x64xf32, #tpu.memory_space<hbm>>
      tpu.enqueue_dma source(%arg7 : memref<4x64x64xf32, #tpu.memory_space<vmem>>) target(%dma_start3A_471 : memref<4x64x64xf32, #tpu.memory_space<hbm>>) target_semaphore(%arg13 : memref<!tpu.dma_semaphore, #tpu.memory_space<semaphore_mem>>)
      %mul3A_472 = arith.constant 16 : i32
      %mul3A_473 = arith.muli %select_n3A_70, %mul3A_472 : i32
      %add3A_474 = arith.addi %mul3A_473, %mul3A_72 : i32
      %add3A_475 = arith.constant 1 : i32
      %add3A_476 = arith.addi %add3A_474, %add3A_475 : i32
      %dma_start3A_477 = arith.constant 40 : i32
      %dma_start3A_478 = arith.constant 0 : i32
      %dma_start3A_479 = arith.constant 0 : i32
      %dma_start3A_480 = tpu.memref_slice %arg5[%select_n3A_54, %add3A_476, %dma_start3A_477, %dma_start3A_478, %dma_start3A_479] : memref<2x64x64x64x64xf32, #tpu.memory_space<hbm>> -> memref<1x1x4x64x64xf32, #tpu.memory_space<hbm>>
      %dma_start3A_481 = tpu.memref_squeeze %dma_start3A_480 : memref<1x1x4x64x64xf32, #tpu.memory_space<hbm>> -> memref<4x64x64xf32, #tpu.memory_space<hbm>>
      %dma_start3A_482 = arith.constant 40 : i32
      %dma_start3A_483 = arith.constant 0 : i32
      %dma_start3A_484 = arith.constant 0 : i32
      %dma_start3A_485 = tpu.memref_slice %arg5[%select_n3A_54, %add3A_476, %dma_start3A_482, %dma_start3A_483, %dma_start3A_484] : memref<2x64x64x64x64xf32, #tpu.memory_space<hbm>> -> memref<1x1x4x64x64xf32, #tpu.memory_space<hbm>>
      %dma_start3A_486 = tpu.memref_squeeze %dma_start3A_485 : memref<1x1x4x64x64xf32, #tpu.memory_space<hbm>> -> memref<4x64x64xf32, #tpu.memory_space<hbm>>
      tpu.enqueue_dma source(%arg7 : memref<4x64x64xf32, #tpu.memory_space<vmem>>) target(%dma_start3A_486 : memref<4x64x64xf32, #tpu.memory_space<hbm>>) target_semaphore(%arg13 : memref<!tpu.dma_semaphore, #tpu.memory_space<semaphore_mem>>)
      %mul3A_487 = arith.constant 16 : i32
      %mul3A_488 = arith.muli %select_n3A_70, %mul3A_487 : i32
      %add3A_489 = arith.addi %mul3A_488, %mul3A_72 : i32
      %add3A_490 = arith.constant 1 : i32
      %add3A_491 = arith.addi %add3A_489, %add3A_490 : i32
      %dma_start3A_492 = arith.constant 44 : i32
      %dma_start3A_493 = arith.constant 0 : i32
      %dma_start3A_494 = arith.constant 0 : i32
      %dma_start3A_495 = tpu.memref_slice %arg5[%select_n3A_54, %add3A_491, %dma_start3A_492, %dma_start3A_493, %dma_start3A_494] : memref<2x64x64x64x64xf32, #tpu.memory_space<hbm>> -> memref<1x1x4x64x64xf32, #tpu.memory_space<hbm>>
      %dma_start3A_496 = tpu.memref_squeeze %dma_start3A_495 : memref<1x1x4x64x64xf32, #tpu.memory_space<hbm>> -> memref<4x64x64xf32, #tpu.memory_space<hbm>>
      %dma_start3A_497 = arith.constant 44 : i32
      %dma_start3A_498 = arith.constant 0 : i32
      %dma_start3A_499 = arith.constant 0 : i32
      %dma_start3A_500 = tpu.memref_slice %arg5[%select_n3A_54, %add3A_491, %dma_start3A_497, %dma_start3A_498, %dma_start3A_499] : memref<2x64x64x64x64xf32, #tpu.memory_space<hbm>> -> memref<1x1x4x64x64xf32, #tpu.memory_space<hbm>>
      %dma_start3A_501 = tpu.memref_squeeze %dma_start3A_500 : memref<1x1x4x64x64xf32, #tpu.memory_space<hbm>> -> memref<4x64x64xf32, #tpu.memory_space<hbm>>
      tpu.enqueue_dma source(%arg7 : memref<4x64x64xf32, #tpu.memory_space<vmem>>) target(%dma_start3A_501 : memref<4x64x64xf32, #tpu.memory_space<hbm>>) target_semaphore(%arg13 : memref<!tpu.dma_semaphore, #tpu.memory_space<semaphore_mem>>)
      %mul3A_502 = arith.constant 16 : i32
      %mul3A_503 = arith.muli %select_n3A_70, %mul3A_502 : i32
      %add3A_504 = arith.addi %mul3A_503, %mul3A_72 : i32
      %add3A_505 = arith.constant 1 : i32
      %add3A_506 = arith.addi %add3A_504, %add3A_505 : i32
      %dma_start3A_507 = arith.constant 48 : i32
      %dma_start3A_508 = arith.constant 0 : i32
      %dma_start3A_509 = arith.constant 0 : i32
      %dma_start3A_510 = tpu.memref_slice %arg5[%select_n3A_54, %add3A_506, %dma_start3A_507, %dma_start3A_508, %dma_start3A_509] : memref<2x64x64x64x64xf32, #tpu.memory_space<hbm>> -> memref<1x1x4x64x64xf32, #tpu.memory_space<hbm>>
      %dma_start3A_511 = tpu.memref_squeeze %dma_start3A_510 : memref<1x1x4x64x64xf32, #tpu.memory_space<hbm>> -> memref<4x64x64xf32, #tpu.memory_space<hbm>>
      %dma_start3A_512 = arith.constant 48 : i32
      %dma_start3A_513 = arith.constant 0 : i32
      %dma_start3A_514 = arith.constant 0 : i32
      %dma_start3A_515 = tpu.memref_slice %arg5[%select_n3A_54, %add3A_506, %dma_start3A_512, %dma_start3A_513, %dma_start3A_514] : memref<2x64x64x64x64xf32, #tpu.memory_space<hbm>> -> memref<1x1x4x64x64xf32, #tpu.memory_space<hbm>>
      %dma_start3A_516 = tpu.memref_squeeze %dma_start3A_515 : memref<1x1x4x64x64xf32, #tpu.memory_space<hbm>> -> memref<4x64x64xf32, #tpu.memory_space<hbm>>
      tpu.enqueue_dma source(%arg7 : memref<4x64x64xf32, #tpu.memory_space<vmem>>) target(%dma_start3A_516 : memref<4x64x64xf32, #tpu.memory_space<hbm>>) target_semaphore(%arg13 : memref<!tpu.dma_semaphore, #tpu.memory_space<semaphore_mem>>)
      %mul3A_517 = arith.constant 16 : i32
      %mul3A_518 = arith.muli %select_n3A_70, %mul3A_517 : i32
      %add3A_519 = arith.addi %mul3A_518, %mul3A_72 : i32
      %add3A_520 = arith.constant 1 : i32
      %add3A_521 = arith.addi %add3A_519, %add3A_520 : i32
      %dma_start3A_522 = arith.constant 52 : i32
      %dma_start3A_523 = arith.constant 0 : i32
      %dma_start3A_524 = arith.constant 0 : i32
      %dma_start3A_525 = tpu.memref_slice %arg5[%select_n3A_54, %add3A_521, %dma_start3A_522, %dma_start3A_523, %dma_start3A_524] : memref<2x64x64x64x64xf32, #tpu.memory_space<hbm>> -> memref<1x1x4x64x64xf32, #tpu.memory_space<hbm>>
      %dma_start3A_526 = tpu.memref_squeeze %dma_start3A_525 : memref<1x1x4x64x64xf32, #tpu.memory_space<hbm>> -> memref<4x64x64xf32, #tpu.memory_space<hbm>>
      %dma_start3A_527 = arith.constant 52 : i32
      %dma_start3A_528 = arith.constant 0 : i32
      %dma_start3A_529 = arith.constant 0 : i32
      %dma_start3A_530 = tpu.memref_slice %arg5[%select_n3A_54, %add3A_521, %dma_start3A_527, %dma_start3A_528, %dma_start3A_529] : memref<2x64x64x64x64xf32, #tpu.memory_space<hbm>> -> memref<1x1x4x64x64xf32, #tpu.memory_space<hbm>>
      %dma_start3A_531 = tpu.memref_squeeze %dma_start3A_530 : memref<1x1x4x64x64xf32, #tpu.memory_space<hbm>> -> memref<4x64x64xf32, #tpu.memory_space<hbm>>
      tpu.enqueue_dma source(%arg7 : memref<4x64x64xf32, #tpu.memory_space<vmem>>) target(%dma_start3A_531 : memref<4x64x64xf32, #tpu.memory_space<hbm>>) target_semaphore(%arg13 : memref<!tpu.dma_semaphore, #tpu.memory_space<semaphore_mem>>)
      %mul3A_532 = arith.constant 16 : i32
      %mul3A_533 = arith.muli %select_n3A_70, %mul3A_532 : i32
      %add3A_534 = arith.addi %mul3A_533, %mul3A_72 : i32
      %add3A_535 = arith.constant 1 : i32
      %add3A_536 = arith.addi %add3A_534, %add3A_535 : i32
      %dma_start3A_537 = arith.constant 56 : i32
      %dma_start3A_538 = arith.constant 0 : i32
      %dma_start3A_539 = arith.constant 0 : i32
      %dma_start3A_540 = tpu.memref_slice %arg5[%select_n3A_54, %add3A_536, %dma_start3A_537, %dma_start3A_538, %dma_start3A_539] : memref<2x64x64x64x64xf32, #tpu.memory_space<hbm>> -> memref<1x1x4x64x64xf32, #tpu.memory_space<hbm>>
      %dma_start3A_541 = tpu.memref_squeeze %dma_start3A_540 : memref<1x1x4x64x64xf32, #tpu.memory_space<hbm>> -> memref<4x64x64xf32, #tpu.memory_space<hbm>>
      %dma_start3A_542 = arith.constant 56 : i32
      %dma_start3A_543 = arith.constant 0 : i32
      %dma_start3A_544 = arith.constant 0 : i32
      %dma_start3A_545 = tpu.memref_slice %arg5[%select_n3A_54, %add3A_536, %dma_start3A_542, %dma_start3A_543, %dma_start3A_544] : memref<2x64x64x64x64xf32, #tpu.memory_space<hbm>> -> memref<1x1x4x64x64xf32, #tpu.memory_space<hbm>>
      %dma_start3A_546 = tpu.memref_squeeze %dma_start3A_545 : memref<1x1x4x64x64xf32, #tpu.memory_space<hbm>> -> memref<4x64x64xf32, #tpu.memory_space<hbm>>
      tpu.enqueue_dma source(%arg7 : memref<4x64x64xf32, #tpu.memory_space<vmem>>) target(%dma_start3A_546 : memref<4x64x64xf32, #tpu.memory_space<hbm>>) target_semaphore(%arg13 : memref<!tpu.dma_semaphore, #tpu.memory_space<semaphore_mem>>)
      %mul3A_547 = arith.constant 16 : i32
      %mul3A_548 = arith.muli %select_n3A_70, %mul3A_547 : i32
      %add3A_549 = arith.addi %mul3A_548, %mul3A_72 : i32
      %add3A_550 = arith.constant 1 : i32
      %add3A_551 = arith.addi %add3A_549, %add3A_550 : i32
      %dma_start3A_552 = arith.constant 60 : i32
      %dma_start3A_553 = arith.constant 0 : i32
      %dma_start3A_554 = arith.constant 0 : i32
      %dma_start3A_555 = tpu.memref_slice %arg5[%select_n3A_54, %add3A_551, %dma_start3A_552, %dma_start3A_553, %dma_start3A_554] : memref<2x64x64x64x64xf32, #tpu.memory_space<hbm>> -> memref<1x1x4x64x64xf32, #tpu.memory_space<hbm>>
      %dma_start3A_556 = tpu.memref_squeeze %dma_start3A_555 : memref<1x1x4x64x64xf32, #tpu.memory_space<hbm>> -> memref<4x64x64xf32, #tpu.memory_space<hbm>>
      %dma_start3A_557 = arith.constant 60 : i32
      %dma_start3A_558 = arith.constant 0 : i32
      %dma_start3A_559 = arith.constant 0 : i32
      %dma_start3A_560 = tpu.memref_slice %arg5[%select_n3A_54, %add3A_551, %dma_start3A_557, %dma_start3A_558, %dma_start3A_559] : memref<2x64x64x64x64xf32, #tpu.memory_space<hbm>> -> memref<1x1x4x64x64xf32, #tpu.memory_space<hbm>>
      %dma_start3A_561 = tpu.memref_squeeze %dma_start3A_560 : memref<1x1x4x64x64xf32, #tpu.memory_space<hbm>> -> memref<4x64x64xf32, #tpu.memory_space<hbm>>
      tpu.enqueue_dma source(%arg7 : memref<4x64x64xf32, #tpu.memory_space<vmem>>) target(%dma_start3A_561 : memref<4x64x64xf32, #tpu.memory_space<hbm>>) target_semaphore(%arg13 : memref<!tpu.dma_semaphore, #tpu.memory_space<semaphore_mem>>)
      %mul3A_562 = arith.constant 16 : i32
      %mul3A_563 = arith.muli %select_n3A_70, %mul3A_562 : i32
      %add3A_564 = arith.addi %mul3A_563, %mul3A_72 : i32
      %add3A_565 = arith.constant 2 : i32
      %add3A_566 = arith.addi %add3A_564, %add3A_565 : i32
      %dma_start3A_567 = arith.constant 0 : i32
      %dma_start3A_568 = arith.constant 0 : i32
      %dma_start3A_569 = arith.constant 0 : i32
      %dma_start3A_570 = tpu.memref_slice %arg5[%select_n3A_54, %add3A_566, %dma_start3A_567, %dma_start3A_568, %dma_start3A_569] : memref<2x64x64x64x64xf32, #tpu.memory_space<hbm>> -> memref<1x1x4x64x64xf32, #tpu.memory_space<hbm>>
      %dma_start3A_571 = tpu.memref_squeeze %dma_start3A_570 : memref<1x1x4x64x64xf32, #tpu.memory_space<hbm>> -> memref<4x64x64xf32, #tpu.memory_space<hbm>>
      %dma_start3A_572 = arith.constant 0 : i32
      %dma_start3A_573 = arith.constant 0 : i32
      %dma_start3A_574 = arith.constant 0 : i32
      %dma_start3A_575 = tpu.memref_slice %arg5[%select_n3A_54, %add3A_566, %dma_start3A_572, %dma_start3A_573, %dma_start3A_574] : memref<2x64x64x64x64xf32, #tpu.memory_space<hbm>> -> memref<1x1x4x64x64xf32, #tpu.memory_space<hbm>>
      %dma_start3A_576 = tpu.memref_squeeze %dma_start3A_575 : memref<1x1x4x64x64xf32, #tpu.memory_space<hbm>> -> memref<4x64x64xf32, #tpu.memory_space<hbm>>
      tpu.enqueue_dma source(%arg7 : memref<4x64x64xf32, #tpu.memory_space<vmem>>) target(%dma_start3A_576 : memref<4x64x64xf32, #tpu.memory_space<hbm>>) target_semaphore(%arg13 : memref<!tpu.dma_semaphore, #tpu.memory_space<semaphore_mem>>)
      %mul3A_577 = arith.constant 16 : i32
      %mul3A_578 = arith.muli %select_n3A_70, %mul3A_577 : i32
      %add3A_579 = arith.addi %mul3A_578, %mul3A_72 : i32
      %add3A_580 = arith.constant 2 : i32
      %add3A_581 = arith.addi %add3A_579, %add3A_580 : i32
      %dma_start3A_582 = arith.constant 4 : i32
      %dma_start3A_583 = arith.constant 0 : i32
      %dma_start3A_584 = arith.constant 0 : i32
      %dma_start3A_585 = tpu.memref_slice %arg5[%select_n3A_54, %add3A_581, %dma_start3A_582, %dma_start3A_583, %dma_start3A_584] : memref<2x64x64x64x64xf32, #tpu.memory_space<hbm>> -> memref<1x1x4x64x64xf32, #tpu.memory_space<hbm>>
      %dma_start3A_586 = tpu.memref_squeeze %dma_start3A_585 : memref<1x1x4x64x64xf32, #tpu.memory_space<hbm>> -> memref<4x64x64xf32, #tpu.memory_space<hbm>>
      %dma_start3A_587 = arith.constant 4 : i32
      %dma_start3A_588 = arith.constant 0 : i32
      %dma_start3A_589 = arith.constant 0 : i32
      %dma_start3A_590 = tpu.memref_slice %arg5[%select_n3A_54, %add3A_581, %dma_start3A_587, %dma_start3A_588, %dma_start3A_589] : memref<2x64x64x64x64xf32, #tpu.memory_space<hbm>> -> memref<1x1x4x64x64xf32, #tpu.memory_space<hbm>>
      %dma_start3A_591 = tpu.memref_squeeze %dma_start3A_590 : memref<1x1x4x64x64xf32, #tpu.memory_space<hbm>> -> memref<4x64x64xf32, #tpu.memory_space<hbm>>
      tpu.enqueue_dma source(%arg7 : memref<4x64x64xf32, #tpu.memory_space<vmem>>) target(%dma_start3A_591 : memref<4x64x64xf32, #tpu.memory_space<hbm>>) target_semaphore(%arg13 : memref<!tpu.dma_semaphore, #tpu.memory_space<semaphore_mem>>)
      %mul3A_592 = arith.constant 16 : i32
      %mul3A_593 = arith.muli %select_n3A_70, %mul3A_592 : i32
      %add3A_594 = arith.addi %mul3A_593, %mul3A_72 : i32
      %add3A_595 = arith.constant 2 : i32
      %add3A_596 = arith.addi %add3A_594, %add3A_595 : i32
      %dma_start3A_597 = arith.constant 8 : i32
      %dma_start3A_598 = arith.constant 0 : i32
      %dma_start3A_599 = arith.constant 0 : i32
      %dma_start3A_600 = tpu.memref_slice %arg5[%select_n3A_54, %add3A_596, %dma_start3A_597, %dma_start3A_598, %dma_start3A_599] : memref<2x64x64x64x64xf32, #tpu.memory_space<hbm>> -> memref<1x1x4x64x64xf32, #tpu.memory_space<hbm>>
      %dma_start3A_601 = tpu.memref_squeeze %dma_start3A_600 : memref<1x1x4x64x64xf32, #tpu.memory_space<hbm>> -> memref<4x64x64xf32, #tpu.memory_space<hbm>>
      %dma_start3A_602 = arith.constant 8 : i32
      %dma_start3A_603 = arith.constant 0 : i32
      %dma_start3A_604 = arith.constant 0 : i32
      %dma_start3A_605 = tpu.memref_slice %arg5[%select_n3A_54, %add3A_596, %dma_start3A_602, %dma_start3A_603, %dma_start3A_604] : memref<2x64x64x64x64xf32, #tpu.memory_space<hbm>> -> memref<1x1x4x64x64xf32, #tpu.memory_space<hbm>>
      %dma_start3A_606 = tpu.memref_squeeze %dma_start3A_605 : memref<1x1x4x64x64xf32, #tpu.memory_space<hbm>> -> memref<4x64x64xf32, #tpu.memory_space<hbm>>
      tpu.enqueue_dma source(%arg7 : memref<4x64x64xf32, #tpu.memory_space<vmem>>) target(%dma_start3A_606 : memref<4x64x64xf32, #tpu.memory_space<hbm>>) target_semaphore(%arg13 : memref<!tpu.dma_semaphore, #tpu.memory_space<semaphore_mem>>)
      %mul3A_607 = arith.constant 16 : i32
      %mul3A_608 = arith.muli %select_n3A_70, %mul3A_607 : i32
      %add3A_609 = arith.addi %mul3A_608, %mul3A_72 : i32
      %add3A_610 = arith.constant 2 : i32
      %add3A_611 = arith.addi %add3A_609, %add3A_610 : i32
      %dma_start3A_612 = arith.constant 12 : i32
      %dma_start3A_613 = arith.constant 0 : i32
      %dma_start3A_614 = arith.constant 0 : i32
      %dma_start3A_615 = tpu.memref_slice %arg5[%select_n3A_54, %add3A_611, %dma_start3A_612, %dma_start3A_613, %dma_start3A_614] : memref<2x64x64x64x64xf32, #tpu.memory_space<hbm>> -> memref<1x1x4x64x64xf32, #tpu.memory_space<hbm>>
      %dma_start3A_616 = tpu.memref_squeeze %dma_start3A_615 : memref<1x1x4x64x64xf32, #tpu.memory_space<hbm>> -> memref<4x64x64xf32, #tpu.memory_space<hbm>>
      %dma_start3A_617 = arith.constant 12 : i32
      %dma_start3A_618 = arith.constant 0 : i32
      %dma_start3A_619 = arith.constant 0 : i32
      %dma_start3A_620 = tpu.memref_slice %arg5[%select_n3A_54, %add3A_611, %dma_start3A_617, %dma_start3A_618, %dma_start3A_619] : memref<2x64x64x64x64xf32, #tpu.memory_space<hbm>> -> memref<1x1x4x64x64xf32, #tpu.memory_space<hbm>>
      %dma_start3A_621 = tpu.memref_squeeze %dma_start3A_620 : memref<1x1x4x64x64xf32, #tpu.memory_space<hbm>> -> memref<4x64x64xf32, #tpu.memory_space<hbm>>
      tpu.enqueue_dma source(%arg7 : memref<4x64x64xf32, #tpu.memory_space<vmem>>) target(%dma_start3A_621 : memref<4x64x64xf32, #tpu.memory_space<hbm>>) target_semaphore(%arg13 : memref<!tpu.dma_semaphore, #tpu.memory_space<semaphore_mem>>)
      %mul3A_622 = arith.constant 16 : i32
      %mul3A_623 = arith.muli %select_n3A_70, %mul3A_622 : i32
      %add3A_624 = arith.addi %mul3A_623, %mul3A_72 : i32
      %add3A_625 = arith.constant 2 : i32
      %add3A_626 = arith.addi %add3A_624, %add3A_625 : i32
      %dma_start3A_627 = arith.constant 16 : i32
      %dma_start3A_628 = arith.constant 0 : i32
      %dma_start3A_629 = arith.constant 0 : i32
      %dma_start3A_630 = tpu.memref_slice %arg5[%select_n3A_54, %add3A_626, %dma_start3A_627, %dma_start3A_628, %dma_start3A_629] : memref<2x64x64x64x64xf32, #tpu.memory_space<hbm>> -> memref<1x1x4x64x64xf32, #tpu.memory_space<hbm>>
      %dma_start3A_631 = tpu.memref_squeeze %dma_start3A_630 : memref<1x1x4x64x64xf32, #tpu.memory_space<hbm>> -> memref<4x64x64xf32, #tpu.memory_space<hbm>>
      %dma_start3A_632 = arith.constant 16 : i32
      %dma_start3A_633 = arith.constant 0 : i32
      %dma_start3A_634 = arith.constant 0 : i32
      %dma_start3A_635 = tpu.memref_slice %arg5[%select_n3A_54, %add3A_626, %dma_start3A_632, %dma_start3A_633, %dma_start3A_634] : memref<2x64x64x64x64xf32, #tpu.memory_space<hbm>> -> memref<1x1x4x64x64xf32, #tpu.memory_space<hbm>>
      %dma_start3A_636 = tpu.memref_squeeze %dma_start3A_635 : memref<1x1x4x64x64xf32, #tpu.memory_space<hbm>> -> memref<4x64x64xf32, #tpu.memory_space<hbm>>
      tpu.enqueue_dma source(%arg7 : memref<4x64x64xf32, #tpu.memory_space<vmem>>) target(%dma_start3A_636 : memref<4x64x64xf32, #tpu.memory_space<hbm>>) target_semaphore(%arg13 : memref<!tpu.dma_semaphore, #tpu.memory_space<semaphore_mem>>)
      %mul3A_637 = arith.constant 16 : i32
      %mul3A_638 = arith.muli %select_n3A_70, %mul3A_637 : i32
      %add3A_639 = arith.addi %mul3A_638, %mul3A_72 : i32
      %add3A_640 = arith.constant 2 : i32
      %add3A_641 = arith.addi %add3A_639, %add3A_640 : i32
      %dma_start3A_642 = arith.constant 20 : i32
      %dma_start3A_643 = arith.constant 0 : i32
      %dma_start3A_644 = arith.constant 0 : i32
      %dma_start3A_645 = tpu.memref_slice %arg5[%select_n3A_54, %add3A_641, %dma_start3A_642, %dma_start3A_643, %dma_start3A_644] : memref<2x64x64x64x64xf32, #tpu.memory_space<hbm>> -> memref<1x1x4x64x64xf32, #tpu.memory_space<hbm>>
      %dma_start3A_646 = tpu.memref_squeeze %dma_start3A_645 : memref<1x1x4x64x64xf32, #tpu.memory_space<hbm>> -> memref<4x64x64xf32, #tpu.memory_space<hbm>>
      %dma_start3A_647 = arith.constant 20 : i32
      %dma_start3A_648 = arith.constant 0 : i32
      %dma_start3A_649 = arith.constant 0 : i32
      %dma_start3A_650 = tpu.memref_slice %arg5[%select_n3A_54, %add3A_641, %dma_start3A_647, %dma_start3A_648, %dma_start3A_649] : memref<2x64x64x64x64xf32, #tpu.memory_space<hbm>> -> memref<1x1x4x64x64xf32, #tpu.memory_space<hbm>>
      %dma_start3A_651 = tpu.memref_squeeze %dma_start3A_650 : memref<1x1x4x64x64xf32, #tpu.memory_space<hbm>> -> memref<4x64x64xf32, #tpu.memory_space<hbm>>
      tpu.enqueue_dma source(%arg7 : memref<4x64x64xf32, #tpu.memory_space<vmem>>) target(%dma_start3A_651 : memref<4x64x64xf32, #tpu.memory_space<hbm>>) target_semaphore(%arg13 : memref<!tpu.dma_semaphore, #tpu.memory_space<semaphore_mem>>)
      %mul3A_652 = arith.constant 16 : i32
      %mul3A_653 = arith.muli %select_n3A_70, %mul3A_652 : i32
      %add3A_654 = arith.addi %mul3A_653, %mul3A_72 : i32
      %add3A_655 = arith.constant 2 : i32
      %add3A_656 = arith.addi %add3A_654, %add3A_655 : i32
      %dma_start3A_657 = arith.constant 24 : i32
      %dma_start3A_658 = arith.constant 0 : i32
      %dma_start3A_659 = arith.constant 0 : i32
      %dma_start3A_660 = tpu.memref_slice %arg5[%select_n3A_54, %add3A_656, %dma_start3A_657, %dma_start3A_658, %dma_start3A_659] : memref<2x64x64x64x64xf32, #tpu.memory_space<hbm>> -> memref<1x1x4x64x64xf32, #tpu.memory_space<hbm>>
      %dma_start3A_661 = tpu.memref_squeeze %dma_start3A_660 : memref<1x1x4x64x64xf32, #tpu.memory_space<hbm>> -> memref<4x64x64xf32, #tpu.memory_space<hbm>>
      %dma_start3A_662 = arith.constant 24 : i32
      %dma_start3A_663 = arith.constant 0 : i32
      %dma_start3A_664 = arith.constant 0 : i32
      %dma_start3A_665 = tpu.memref_slice %arg5[%select_n3A_54, %add3A_656, %dma_start3A_662, %dma_start3A_663, %dma_start3A_664] : memref<2x64x64x64x64xf32, #tpu.memory_space<hbm>> -> memref<1x1x4x64x64xf32, #tpu.memory_space<hbm>>
      %dma_start3A_666 = tpu.memref_squeeze %dma_start3A_665 : memref<1x1x4x64x64xf32, #tpu.memory_space<hbm>> -> memref<4x64x64xf32, #tpu.memory_space<hbm>>
      tpu.enqueue_dma source(%arg7 : memref<4x64x64xf32, #tpu.memory_space<vmem>>) target(%dma_start3A_666 : memref<4x64x64xf32, #tpu.memory_space<hbm>>) target_semaphore(%arg13 : memref<!tpu.dma_semaphore, #tpu.memory_space<semaphore_mem>>)
      %mul3A_667 = arith.constant 16 : i32
      %mul3A_668 = arith.muli %select_n3A_70, %mul3A_667 : i32
      %add3A_669 = arith.addi %mul3A_668, %mul3A_72 : i32
      %add3A_670 = arith.constant 2 : i32
      %add3A_671 = arith.addi %add3A_669, %add3A_670 : i32
      %dma_start3A_672 = arith.constant 28 : i32
      %dma_start3A_673 = arith.constant 0 : i32
      %dma_start3A_674 = arith.constant 0 : i32
      %dma_start3A_675 = tpu.memref_slice %arg5[%select_n3A_54, %add3A_671, %dma_start3A_672, %dma_start3A_673, %dma_start3A_674] : memref<2x64x64x64x64xf32, #tpu.memory_space<hbm>> -> memref<1x1x4x64x64xf32, #tpu.memory_space<hbm>>
      %dma_start3A_676 = tpu.memref_squeeze %dma_start3A_675 : memref<1x1x4x64x64xf32, #tpu.memory_space<hbm>> -> memref<4x64x64xf32, #tpu.memory_space<hbm>>
      %dma_start3A_677 = arith.constant 28 : i32
      %dma_start3A_678 = arith.constant 0 : i32
      %dma_start3A_679 = arith.constant 0 : i32
      %dma_start3A_680 = tpu.memref_slice %arg5[%select_n3A_54, %add3A_671, %dma_start3A_677, %dma_start3A_678, %dma_start3A_679] : memref<2x64x64x64x64xf32, #tpu.memory_space<hbm>> -> memref<1x1x4x64x64xf32, #tpu.memory_space<hbm>>
      %dma_start3A_681 = tpu.memref_squeeze %dma_start3A_680 : memref<1x1x4x64x64xf32, #tpu.memory_space<hbm>> -> memref<4x64x64xf32, #tpu.memory_space<hbm>>
      tpu.enqueue_dma source(%arg7 : memref<4x64x64xf32, #tpu.memory_space<vmem>>) target(%dma_start3A_681 : memref<4x64x64xf32, #tpu.memory_space<hbm>>) target_semaphore(%arg13 : memref<!tpu.dma_semaphore, #tpu.memory_space<semaphore_mem>>)
      %mul3A_682 = arith.constant 16 : i32
      %mul3A_683 = arith.muli %select_n3A_70, %mul3A_682 : i32
      %add3A_684 = arith.addi %mul3A_683, %mul3A_72 : i32
      %add3A_685 = arith.constant 2 : i32
      %add3A_686 = arith.addi %add3A_684, %add3A_685 : i32
      %dma_start3A_687 = arith.constant 32 : i32
      %dma_start3A_688 = arith.constant 0 : i32
      %dma_start3A_689 = arith.constant 0 : i32
      %dma_start3A_690 = tpu.memref_slice %arg5[%select_n3A_54, %add3A_686, %dma_start3A_687, %dma_start3A_688, %dma_start3A_689] : memref<2x64x64x64x64xf32, #tpu.memory_space<hbm>> -> memref<1x1x4x64x64xf32, #tpu.memory_space<hbm>>
      %dma_start3A_691 = tpu.memref_squeeze %dma_start3A_690 : memref<1x1x4x64x64xf32, #tpu.memory_space<hbm>> -> memref<4x64x64xf32, #tpu.memory_space<hbm>>
      %dma_start3A_692 = arith.constant 32 : i32
      %dma_start3A_693 = arith.constant 0 : i32
      %dma_start3A_694 = arith.constant 0 : i32
      %dma_start3A_695 = tpu.memref_slice %arg5[%select_n3A_54, %add3A_686, %dma_start3A_692, %dma_start3A_693, %dma_start3A_694] : memref<2x64x64x64x64xf32, #tpu.memory_space<hbm>> -> memref<1x1x4x64x64xf32, #tpu.memory_space<hbm>>
      %dma_start3A_696 = tpu.memref_squeeze %dma_start3A_695 : memref<1x1x4x64x64xf32, #tpu.memory_space<hbm>> -> memref<4x64x64xf32, #tpu.memory_space<hbm>>
      tpu.enqueue_dma source(%arg7 : memref<4x64x64xf32, #tpu.memory_space<vmem>>) target(%dma_start3A_696 : memref<4x64x64xf32, #tpu.memory_space<hbm>>) target_semaphore(%arg13 : memref<!tpu.dma_semaphore, #tpu.memory_space<semaphore_mem>>)
      %mul3A_697 = arith.constant 16 : i32
      %mul3A_698 = arith.muli %select_n3A_70, %mul3A_697 : i32
      %add3A_699 = arith.addi %mul3A_698, %mul3A_72 : i32
      %add3A_700 = arith.constant 2 : i32
      %add3A_701 = arith.addi %add3A_699, %add3A_700 : i32
      %dma_start3A_702 = arith.constant 36 : i32
      %dma_start3A_703 = arith.constant 0 : i32
      %dma_start3A_704 = arith.constant 0 : i32
      %dma_start3A_705 = tpu.memref_slice %arg5[%select_n3A_54, %add3A_701, %dma_start3A_702, %dma_start3A_703, %dma_start3A_704] : memref<2x64x64x64x64xf32, #tpu.memory_space<hbm>> -> memref<1x1x4x64x64xf32, #tpu.memory_space<hbm>>
      %dma_start3A_706 = tpu.memref_squeeze %dma_start3A_705 : memref<1x1x4x64x64xf32, #tpu.memory_space<hbm>> -> memref<4x64x64xf32, #tpu.memory_space<hbm>>
      %dma_start3A_707 = arith.constant 36 : i32
      %dma_start3A_708 = arith.constant 0 : i32
      %dma_start3A_709 = arith.constant 0 : i32
      %dma_start3A_710 = tpu.memref_slice %arg5[%select_n3A_54, %add3A_701, %dma_start3A_707, %dma_start3A_708, %dma_start3A_709] : memref<2x64x64x64x64xf32, #tpu.memory_space<hbm>> -> memref<1x1x4x64x64xf32, #tpu.memory_space<hbm>>
      %dma_start3A_711 = tpu.memref_squeeze %dma_start3A_710 : memref<1x1x4x64x64xf32, #tpu.memory_space<hbm>> -> memref<4x64x64xf32, #tpu.memory_space<hbm>>
      tpu.enqueue_dma source(%arg7 : memref<4x64x64xf32, #tpu.memory_space<vmem>>) target(%dma_start3A_711 : memref<4x64x64xf32, #tpu.memory_space<hbm>>) target_semaphore(%arg13 : memref<!tpu.dma_semaphore, #tpu.memory_space<semaphore_mem>>)
      %mul3A_712 = arith.constant 16 : i32
      %mul3A_713 = arith.muli %select_n3A_70, %mul3A_712 : i32
      %add3A_714 = arith.addi %mul3A_713, %mul3A_72 : i32
      %add3A_715 = arith.constant 2 : i32
      %add3A_716 = arith.addi %add3A_714, %add3A_715 : i32
      %dma_start3A_717 = arith.constant 40 : i32
      %dma_start3A_718 = arith.constant 0 : i32
      %dma_start3A_719 = arith.constant 0 : i32
      %dma_start3A_720 = tpu.memref_slice %arg5[%select_n3A_54, %add3A_716, %dma_start3A_717, %dma_start3A_718, %dma_start3A_719] : memref<2x64x64x64x64xf32, #tpu.memory_space<hbm>> -> memref<1x1x4x64x64xf32, #tpu.memory_space<hbm>>
      %dma_start3A_721 = tpu.memref_squeeze %dma_start3A_720 : memref<1x1x4x64x64xf32, #tpu.memory_space<hbm>> -> memref<4x64x64xf32, #tpu.memory_space<hbm>>
      %dma_start3A_722 = arith.constant 40 : i32
      %dma_start3A_723 = arith.constant 0 : i32
      %dma_start3A_724 = arith.constant 0 : i32
      %dma_start3A_725 = tpu.memref_slice %arg5[%select_n3A_54, %add3A_716, %dma_start3A_722, %dma_start3A_723, %dma_start3A_724] : memref<2x64x64x64x64xf32, #tpu.memory_space<hbm>> -> memref<1x1x4x64x64xf32, #tpu.memory_space<hbm>>
      %dma_start3A_726 = tpu.memref_squeeze %dma_start3A_725 : memref<1x1x4x64x64xf32, #tpu.memory_space<hbm>> -> memref<4x64x64xf32, #tpu.memory_space<hbm>>
      tpu.enqueue_dma source(%arg7 : memref<4x64x64xf32, #tpu.memory_space<vmem>>) target(%dma_start3A_726 : memref<4x64x64xf32, #tpu.memory_space<hbm>>) target_semaphore(%arg13 : memref<!tpu.dma_semaphore, #tpu.memory_space<semaphore_mem>>)
      %mul3A_727 = arith.constant 16 : i32
      %mul3A_728 = arith.muli %select_n3A_70, %mul3A_727 : i32
      %add3A_729 = arith.addi %mul3A_728, %mul3A_72 : i32
      %add3A_730 = arith.constant 2 : i32
      %add3A_731 = arith.addi %add3A_729, %add3A_730 : i32
      %dma_start3A_732 = arith.constant 44 : i32
      %dma_start3A_733 = arith.constant 0 : i32
      %dma_start3A_734 = arith.constant 0 : i32
      %dma_start3A_735 = tpu.memref_slice %arg5[%select_n3A_54, %add3A_731, %dma_start3A_732, %dma_start3A_733, %dma_start3A_734] : memref<2x64x64x64x64xf32, #tpu.memory_space<hbm>> -> memref<1x1x4x64x64xf32, #tpu.memory_space<hbm>>
      %dma_start3A_736 = tpu.memref_squeeze %dma_start3A_735 : memref<1x1x4x64x64xf32, #tpu.memory_space<hbm>> -> memref<4x64x64xf32, #tpu.memory_space<hbm>>
      %dma_start3A_737 = arith.constant 44 : i32
      %dma_start3A_738 = arith.constant 0 : i32
      %dma_start3A_739 = arith.constant 0 : i32
      %dma_start3A_740 = tpu.memref_slice %arg5[%select_n3A_54, %add3A_731, %dma_start3A_737, %dma_start3A_738, %dma_start3A_739] : memref<2x64x64x64x64xf32, #tpu.memory_space<hbm>> -> memref<1x1x4x64x64xf32, #tpu.memory_space<hbm>>
      %dma_start3A_741 = tpu.memref_squeeze %dma_start3A_740 : memref<1x1x4x64x64xf32, #tpu.memory_space<hbm>> -> memref<4x64x64xf32, #tpu.memory_space<hbm>>
      tpu.enqueue_dma source(%arg7 : memref<4x64x64xf32, #tpu.memory_space<vmem>>) target(%dma_start3A_741 : memref<4x64x64xf32, #tpu.memory_space<hbm>>) target_semaphore(%arg13 : memref<!tpu.dma_semaphore, #tpu.memory_space<semaphore_mem>>)
      %mul3A_742 = arith.constant 16 : i32
      %mul3A_743 = arith.muli %select_n3A_70, %mul3A_742 : i32
      %add3A_744 = arith.addi %mul3A_743, %mul3A_72 : i32
      %add3A_745 = arith.constant 2 : i32
      %add3A_746 = arith.addi %add3A_744, %add3A_745 : i32
      %dma_start3A_747 = arith.constant 48 : i32
      %dma_start3A_748 = arith.constant 0 : i32
      %dma_start3A_749 = arith.constant 0 : i32
      %dma_start3A_750 = tpu.memref_slice %arg5[%select_n3A_54, %add3A_746, %dma_start3A_747, %dma_start3A_748, %dma_start3A_749] : memref<2x64x64x64x64xf32, #tpu.memory_space<hbm>> -> memref<1x1x4x64x64xf32, #tpu.memory_space<hbm>>
      %dma_start3A_751 = tpu.memref_squeeze %dma_start3A_750 : memref<1x1x4x64x64xf32, #tpu.memory_space<hbm>> -> memref<4x64x64xf32, #tpu.memory_space<hbm>>
      %dma_start3A_752 = arith.constant 48 : i32
      %dma_start3A_753 = arith.constant 0 : i32
      %dma_start3A_754 = arith.constant 0 : i32
      %dma_start3A_755 = tpu.memref_slice %arg5[%select_n3A_54, %add3A_746, %dma_start3A_752, %dma_start3A_753, %dma_start3A_754] : memref<2x64x64x64x64xf32, #tpu.memory_space<hbm>> -> memref<1x1x4x64x64xf32, #tpu.memory_space<hbm>>
      %dma_start3A_756 = tpu.memref_squeeze %dma_start3A_755 : memref<1x1x4x64x64xf32, #tpu.memory_space<hbm>> -> memref<4x64x64xf32, #tpu.memory_space<hbm>>
      tpu.enqueue_dma source(%arg7 : memref<4x64x64xf32, #tpu.memory_space<vmem>>) target(%dma_start3A_756 : memref<4x64x64xf32, #tpu.memory_space<hbm>>) target_semaphore(%arg13 : memref<!tpu.dma_semaphore, #tpu.memory_space<semaphore_mem>>)
      %mul3A_757 = arith.constant 16 : i32
      %mul3A_758 = arith.muli %select_n3A_70, %mul3A_757 : i32
      %add3A_759 = arith.addi %mul3A_758, %mul3A_72 : i32
      %add3A_760 = arith.constant 2 : i32
      %add3A_761 = arith.addi %add3A_759, %add3A_760 : i32
      %dma_start3A_762 = arith.constant 52 : i32
      %dma_start3A_763 = arith.constant 0 : i32
      %dma_start3A_764 = arith.constant 0 : i32
      %dma_start3A_765 = tpu.memref_slice %arg5[%select_n3A_54, %add3A_761, %dma_start3A_762, %dma_start3A_763, %dma_start3A_764] : memref<2x64x64x64x64xf32, #tpu.memory_space<hbm>> -> memref<1x1x4x64x64xf32, #tpu.memory_space<hbm>>
      %dma_start3A_766 = tpu.memref_squeeze %dma_start3A_765 : memref<1x1x4x64x64xf32, #tpu.memory_space<hbm>> -> memref<4x64x64xf32, #tpu.memory_space<hbm>>
      %dma_start3A_767 = arith.constant 52 : i32
      %dma_start3A_768 = arith.constant 0 : i32
      %dma_start3A_769 = arith.constant 0 : i32
      %dma_start3A_770 = tpu.memref_slice %arg5[%select_n3A_54, %add3A_761, %dma_start3A_767, %dma_start3A_768, %dma_start3A_769] : memref<2x64x64x64x64xf32, #tpu.memory_space<hbm>> -> memref<1x1x4x64x64xf32, #tpu.memory_space<hbm>>
      %dma_start3A_771 = tpu.memref_squeeze %dma_start3A_770 : memref<1x1x4x64x64xf32, #tpu.memory_space<hbm>> -> memref<4x64x64xf32, #tpu.memory_space<hbm>>
      tpu.enqueue_dma source(%arg7 : memref<4x64x64xf32, #tpu.memory_space<vmem>>) target(%dma_start3A_771 : memref<4x64x64xf32, #tpu.memory_space<hbm>>) target_semaphore(%arg13 : memref<!tpu.dma_semaphore, #tpu.memory_space<semaphore_mem>>)
      %mul3A_772 = arith.constant 16 : i32
      %mul3A_773 = arith.muli %select_n3A_70, %mul3A_772 : i32
      %add3A_774 = arith.addi %mul3A_773, %mul3A_72 : i32
      %add3A_775 = arith.constant 2 : i32
      %add3A_776 = arith.addi %add3A_774, %add3A_775 : i32
      %dma_start3A_777 = arith.constant 56 : i32
      %dma_start3A_778 = arith.constant 0 : i32
      %dma_start3A_779 = arith.constant 0 : i32
      %dma_start3A_780 = tpu.memref_slice %arg5[%select_n3A_54, %add3A_776, %dma_start3A_777, %dma_start3A_778, %dma_start3A_779] : memref<2x64x64x64x64xf32, #tpu.memory_space<hbm>> -> memref<1x1x4x64x64xf32, #tpu.memory_space<hbm>>
      %dma_start3A_781 = tpu.memref_squeeze %dma_start3A_780 : memref<1x1x4x64x64xf32, #tpu.memory_space<hbm>> -> memref<4x64x64xf32, #tpu.memory_space<hbm>>
      %dma_start3A_782 = arith.constant 56 : i32
      %dma_start3A_783 = arith.constant 0 : i32
      %dma_start3A_784 = arith.constant 0 : i32
      %dma_start3A_785 = tpu.memref_slice %arg5[%select_n3A_54, %add3A_776, %dma_start3A_782, %dma_start3A_783, %dma_start3A_784] : memref<2x64x64x64x64xf32, #tpu.memory_space<hbm>> -> memref<1x1x4x64x64xf32, #tpu.memory_space<hbm>>
      %dma_start3A_786 = tpu.memref_squeeze %dma_start3A_785 : memref<1x1x4x64x64xf32, #tpu.memory_space<hbm>> -> memref<4x64x64xf32, #tpu.memory_space<hbm>>
      tpu.enqueue_dma source(%arg7 : memref<4x64x64xf32, #tpu.memory_space<vmem>>) target(%dma_start3A_786 : memref<4x64x64xf32, #tpu.memory_space<hbm>>) target_semaphore(%arg13 : memref<!tpu.dma_semaphore, #tpu.memory_space<semaphore_mem>>)
      %mul3A_787 = arith.constant 16 : i32
      %mul3A_788 = arith.muli %select_n3A_70, %mul3A_787 : i32
      %add3A_789 = arith.addi %mul3A_788, %mul3A_72 : i32
      %add3A_790 = arith.constant 2 : i32
      %add3A_791 = arith.addi %add3A_789, %add3A_790 : i32
      %dma_start3A_792 = arith.constant 60 : i32
      %dma_start3A_793 = arith.constant 0 : i32
      %dma_start3A_794 = arith.constant 0 : i32
      %dma_start3A_795 = tpu.memref_slice %arg5[%select_n3A_54, %add3A_791, %dma_start3A_792, %dma_start3A_793, %dma_start3A_794] : memref<2x64x64x64x64xf32, #tpu.memory_space<hbm>> -> memref<1x1x4x64x64xf32, #tpu.memory_space<hbm>>
      %dma_start3A_796 = tpu.memref_squeeze %dma_start3A_795 : memref<1x1x4x64x64xf32, #tpu.memory_space<hbm>> -> memref<4x64x64xf32, #tpu.memory_space<hbm>>
      %dma_start3A_797 = arith.constant 60 : i32
      %dma_start3A_798 = arith.constant 0 : i32
      %dma_start3A_799 = arith.constant 0 : i32
      %dma_start3A_800 = tpu.memref_slice %arg5[%select_n3A_54, %add3A_791, %dma_start3A_797, %dma_start3A_798, %dma_start3A_799] : memref<2x64x64x64x64xf32, #tpu.memory_space<hbm>> -> memref<1x1x4x64x64xf32, #tpu.memory_space<hbm>>
      %dma_start3A_801 = tpu.memref_squeeze %dma_start3A_800 : memref<1x1x4x64x64xf32, #tpu.memory_space<hbm>> -> memref<4x64x64xf32, #tpu.memory_space<hbm>>
      tpu.enqueue_dma source(%arg7 : memref<4x64x64xf32, #tpu.memory_space<vmem>>) target(%dma_start3A_801 : memref<4x64x64xf32, #tpu.memory_space<hbm>>) target_semaphore(%arg13 : memref<!tpu.dma_semaphore, #tpu.memory_space<semaphore_mem>>)
      %mul3A_802 = arith.constant 16 : i32
      %mul3A_803 = arith.muli %select_n3A_70, %mul3A_802 : i32
      %add3A_804 = arith.addi %mul3A_803, %mul3A_72 : i32
      %add3A_805 = arith.constant 3 : i32
      %add3A_806 = arith.addi %add3A_804, %add3A_805 : i32
      %dma_start3A_807 = arith.constant 0 : i32
      %dma_start3A_808 = arith.constant 0 : i32
      %dma_start3A_809 = arith.constant 0 : i32
      %dma_start3A_810 = tpu.memref_slice %arg5[%select_n3A_54, %add3A_806, %dma_start3A_807, %dma_start3A_808, %dma_start3A_809] : memref<2x64x64x64x64xf32, #tpu.memory_space<hbm>> -> memref<1x1x4x64x64xf32, #tpu.memory_space<hbm>>
      %dma_start3A_811 = tpu.memref_squeeze %dma_start3A_810 : memref<1x1x4x64x64xf32, #tpu.memory_space<hbm>> -> memref<4x64x64xf32, #tpu.memory_space<hbm>>
      %dma_start3A_812 = arith.constant 0 : i32
      %dma_start3A_813 = arith.constant 0 : i32
      %dma_start3A_814 = arith.constant 0 : i32
      %dma_start3A_815 = tpu.memref_slice %arg5[%select_n3A_54, %add3A_806, %dma_start3A_812, %dma_start3A_813, %dma_start3A_814] : memref<2x64x64x64x64xf32, #tpu.memory_space<hbm>> -> memref<1x1x4x64x64xf32, #tpu.memory_space<hbm>>
      %dma_start3A_816 = tpu.memref_squeeze %dma_start3A_815 : memref<1x1x4x64x64xf32, #tpu.memory_space<hbm>> -> memref<4x64x64xf32, #tpu.memory_space<hbm>>
      tpu.enqueue_dma source(%arg7 : memref<4x64x64xf32, #tpu.memory_space<vmem>>) target(%dma_start3A_816 : memref<4x64x64xf32, #tpu.memory_space<hbm>>) target_semaphore(%arg13 : memref<!tpu.dma_semaphore, #tpu.memory_space<semaphore_mem>>)
      %mul3A_817 = arith.constant 16 : i32
      %mul3A_818 = arith.muli %select_n3A_70, %mul3A_817 : i32
      %add3A_819 = arith.addi %mul3A_818, %mul3A_72 : i32
      %add3A_820 = arith.constant 3 : i32
      %add3A_821 = arith.addi %add3A_819, %add3A_820 : i32
      %dma_start3A_822 = arith.constant 4 : i32
      %dma_start3A_823 = arith.constant 0 : i32
      %dma_start3A_824 = arith.constant 0 : i32
      %dma_start3A_825 = tpu.memref_slice %arg5[%select_n3A_54, %add3A_821, %dma_start3A_822, %dma_start3A_823, %dma_start3A_824] : memref<2x64x64x64x64xf32, #tpu.memory_space<hbm>> -> memref<1x1x4x64x64xf32, #tpu.memory_space<hbm>>
      %dma_start3A_826 = tpu.memref_squeeze %dma_start3A_825 : memref<1x1x4x64x64xf32, #tpu.memory_space<hbm>> -> memref<4x64x64xf32, #tpu.memory_space<hbm>>
      %dma_start3A_827 = arith.constant 4 : i32
      %dma_start3A_828 = arith.constant 0 : i32
      %dma_start3A_829 = arith.constant 0 : i32
      %dma_start3A_830 = tpu.memref_slice %arg5[%select_n3A_54, %add3A_821, %dma_start3A_827, %dma_start3A_828, %dma_start3A_829] : memref<2x64x64x64x64xf32, #tpu.memory_space<hbm>> -> memref<1x1x4x64x64xf32, #tpu.memory_space<hbm>>
      %dma_start3A_831 = tpu.memref_squeeze %dma_start3A_830 : memref<1x1x4x64x64xf32, #tpu.memory_space<hbm>> -> memref<4x64x64xf32, #tpu.memory_space<hbm>>
      tpu.enqueue_dma source(%arg7 : memref<4x64x64xf32, #tpu.memory_space<vmem>>) target(%dma_start3A_831 : memref<4x64x64xf32, #tpu.memory_space<hbm>>) target_semaphore(%arg13 : memref<!tpu.dma_semaphore, #tpu.memory_space<semaphore_mem>>)
      %mul3A_832 = arith.constant 16 : i32
      %mul3A_833 = arith.muli %select_n3A_70, %mul3A_832 : i32
      %add3A_834 = arith.addi %mul3A_833, %mul3A_72 : i32
      %add3A_835 = arith.constant 3 : i32
      %add3A_836 = arith.addi %add3A_834, %add3A_835 : i32
      %dma_start3A_837 = arith.constant 8 : i32
      %dma_start3A_838 = arith.constant 0 : i32
      %dma_start3A_839 = arith.constant 0 : i32
      %dma_start3A_840 = tpu.memref_slice %arg5[%select_n3A_54, %add3A_836, %dma_start3A_837, %dma_start3A_838, %dma_start3A_839] : memref<2x64x64x64x64xf32, #tpu.memory_space<hbm>> -> memref<1x1x4x64x64xf32, #tpu.memory_space<hbm>>
      %dma_start3A_841 = tpu.memref_squeeze %dma_start3A_840 : memref<1x1x4x64x64xf32, #tpu.memory_space<hbm>> -> memref<4x64x64xf32, #tpu.memory_space<hbm>>
      %dma_start3A_842 = arith.constant 8 : i32
      %dma_start3A_843 = arith.constant 0 : i32
      %dma_start3A_844 = arith.constant 0 : i32
      %dma_start3A_845 = tpu.memref_slice %arg5[%select_n3A_54, %add3A_836, %dma_start3A_842, %dma_start3A_843, %dma_start3A_844] : memref<2x64x64x64x64xf32, #tpu.memory_space<hbm>> -> memref<1x1x4x64x64xf32, #tpu.memory_space<hbm>>
      %dma_start3A_846 = tpu.memref_squeeze %dma_start3A_845 : memref<1x1x4x64x64xf32, #tpu.memory_space<hbm>> -> memref<4x64x64xf32, #tpu.memory_space<hbm>>
      tpu.enqueue_dma source(%arg7 : memref<4x64x64xf32, #tpu.memory_space<vmem>>) target(%dma_start3A_846 : memref<4x64x64xf32, #tpu.memory_space<hbm>>) target_semaphore(%arg13 : memref<!tpu.dma_semaphore, #tpu.memory_space<semaphore_mem>>)
      %mul3A_847 = arith.constant 16 : i32
      %mul3A_848 = arith.muli %select_n3A_70, %mul3A_847 : i32
      %add3A_849 = arith.addi %mul3A_848, %mul3A_72 : i32
      %add3A_850 = arith.constant 3 : i32
      %add3A_851 = arith.addi %add3A_849, %add3A_850 : i32
      %dma_start3A_852 = arith.constant 12 : i32
      %dma_start3A_853 = arith.constant 0 : i32
      %dma_start3A_854 = arith.constant 0 : i32
      %dma_start3A_855 = tpu.memref_slice %arg5[%select_n3A_54, %add3A_851, %dma_start3A_852, %dma_start3A_853, %dma_start3A_854] : memref<2x64x64x64x64xf32, #tpu.memory_space<hbm>> -> memref<1x1x4x64x64xf32, #tpu.memory_space<hbm>>
      %dma_start3A_856 = tpu.memref_squeeze %dma_start3A_855 : memref<1x1x4x64x64xf32, #tpu.memory_space<hbm>> -> memref<4x64x64xf32, #tpu.memory_space<hbm>>
      %dma_start3A_857 = arith.constant 12 : i32
      %dma_start3A_858 = arith.constant 0 : i32
      %dma_start3A_859 = arith.constant 0 : i32
      %dma_start3A_860 = tpu.memref_slice %arg5[%select_n3A_54, %add3A_851, %dma_start3A_857, %dma_start3A_858, %dma_start3A_859] : memref<2x64x64x64x64xf32, #tpu.memory_space<hbm>> -> memref<1x1x4x64x64xf32, #tpu.memory_space<hbm>>
      %dma_start3A_861 = tpu.memref_squeeze %dma_start3A_860 : memref<1x1x4x64x64xf32, #tpu.memory_space<hbm>> -> memref<4x64x64xf32, #tpu.memory_space<hbm>>
      tpu.enqueue_dma source(%arg7 : memref<4x64x64xf32, #tpu.memory_space<vmem>>) target(%dma_start3A_861 : memref<4x64x64xf32, #tpu.memory_space<hbm>>) target_semaphore(%arg13 : memref<!tpu.dma_semaphore, #tpu.memory_space<semaphore_mem>>)
      %mul3A_862 = arith.constant 16 : i32
      %mul3A_863 = arith.muli %select_n3A_70, %mul3A_862 : i32
      %add3A_864 = arith.addi %mul3A_863, %mul3A_72 : i32
      %add3A_865 = arith.constant 3 : i32
      %add3A_866 = arith.addi %add3A_864, %add3A_865 : i32
      %dma_start3A_867 = arith.constant 16 : i32
      %dma_start3A_868 = arith.constant 0 : i32
      %dma_start3A_869 = arith.constant 0 : i32
      %dma_start3A_870 = tpu.memref_slice %arg5[%select_n3A_54, %add3A_866, %dma_start3A_867, %dma_start3A_868, %dma_start3A_869] : memref<2x64x64x64x64xf32, #tpu.memory_space<hbm>> -> memref<1x1x4x64x64xf32, #tpu.memory_space<hbm>>
      %dma_start3A_871 = tpu.memref_squeeze %dma_start3A_870 : memref<1x1x4x64x64xf32, #tpu.memory_space<hbm>> -> memref<4x64x64xf32, #tpu.memory_space<hbm>>
      %dma_start3A_872 = arith.constant 16 : i32
      %dma_start3A_873 = arith.constant 0 : i32
      %dma_start3A_874 = arith.constant 0 : i32
      %dma_start3A_875 = tpu.memref_slice %arg5[%select_n3A_54, %add3A_866, %dma_start3A_872, %dma_start3A_873, %dma_start3A_874] : memref<2x64x64x64x64xf32, #tpu.memory_space<hbm>> -> memref<1x1x4x64x64xf32, #tpu.memory_space<hbm>>
      %dma_start3A_876 = tpu.memref_squeeze %dma_start3A_875 : memref<1x1x4x64x64xf32, #tpu.memory_space<hbm>> -> memref<4x64x64xf32, #tpu.memory_space<hbm>>
      tpu.enqueue_dma source(%arg7 : memref<4x64x64xf32, #tpu.memory_space<vmem>>) target(%dma_start3A_876 : memref<4x64x64xf32, #tpu.memory_space<hbm>>) target_semaphore(%arg13 : memref<!tpu.dma_semaphore, #tpu.memory_space<semaphore_mem>>)
      %mul3A_877 = arith.constant 16 : i32
      %mul3A_878 = arith.muli %select_n3A_70, %mul3A_877 : i32
      %add3A_879 = arith.addi %mul3A_878, %mul3A_72 : i32
      %add3A_880 = arith.constant 3 : i32
      %add3A_881 = arith.addi %add3A_879, %add3A_880 : i32
      %dma_start3A_882 = arith.constant 20 : i32
      %dma_start3A_883 = arith.constant 0 : i32
      %dma_start3A_884 = arith.constant 0 : i32
      %dma_start3A_885 = tpu.memref_slice %arg5[%select_n3A_54, %add3A_881, %dma_start3A_882, %dma_start3A_883, %dma_start3A_884] : memref<2x64x64x64x64xf32, #tpu.memory_space<hbm>> -> memref<1x1x4x64x64xf32, #tpu.memory_space<hbm>>
      %dma_start3A_886 = tpu.memref_squeeze %dma_start3A_885 : memref<1x1x4x64x64xf32, #tpu.memory_space<hbm>> -> memref<4x64x64xf32, #tpu.memory_space<hbm>>
      %dma_start3A_887 = arith.constant 20 : i32
      %dma_start3A_888 = arith.constant 0 : i32
      %dma_start3A_889 = arith.constant 0 : i32
      %dma_start3A_890 = tpu.memref_slice %arg5[%select_n3A_54, %add3A_881, %dma_start3A_887, %dma_start3A_888, %dma_start3A_889] : memref<2x64x64x64x64xf32, #tpu.memory_space<hbm>> -> memref<1x1x4x64x64xf32, #tpu.memory_space<hbm>>
      %dma_start3A_891 = tpu.memref_squeeze %dma_start3A_890 : memref<1x1x4x64x64xf32, #tpu.memory_space<hbm>> -> memref<4x64x64xf32, #tpu.memory_space<hbm>>
      tpu.enqueue_dma source(%arg7 : memref<4x64x64xf32, #tpu.memory_space<vmem>>) target(%dma_start3A_891 : memref<4x64x64xf32, #tpu.memory_space<hbm>>) target_semaphore(%arg13 : memref<!tpu.dma_semaphore, #tpu.memory_space<semaphore_mem>>)
      %mul3A_892 = arith.constant 16 : i32
      %mul3A_893 = arith.muli %select_n3A_70, %mul3A_892 : i32
      %add3A_894 = arith.addi %mul3A_893, %mul3A_72 : i32
      %add3A_895 = arith.constant 3 : i32
      %add3A_896 = arith.addi %add3A_894, %add3A_895 : i32
      %dma_start3A_897 = arith.constant 24 : i32
      %dma_start3A_898 = arith.constant 0 : i32
      %dma_start3A_899 = arith.constant 0 : i32
      %dma_start3A_900 = tpu.memref_slice %arg5[%select_n3A_54, %add3A_896, %dma_start3A_897, %dma_start3A_898, %dma_start3A_899] : memref<2x64x64x64x64xf32, #tpu.memory_space<hbm>> -> memref<1x1x4x64x64xf32, #tpu.memory_space<hbm>>
      %dma_start3A_901 = tpu.memref_squeeze %dma_start3A_900 : memref<1x1x4x64x64xf32, #tpu.memory_space<hbm>> -> memref<4x64x64xf32, #tpu.memory_space<hbm>>
      %dma_start3A_902 = arith.constant 24 : i32
      %dma_start3A_903 = arith.constant 0 : i32
      %dma_start3A_904 = arith.constant 0 : i32
      %dma_start3A_905 = tpu.memref_slice %arg5[%select_n3A_54, %add3A_896, %dma_start3A_902, %dma_start3A_903, %dma_start3A_904] : memref<2x64x64x64x64xf32, #tpu.memory_space<hbm>> -> memref<1x1x4x64x64xf32, #tpu.memory_space<hbm>>
      %dma_start3A_906 = tpu.memref_squeeze %dma_start3A_905 : memref<1x1x4x64x64xf32, #tpu.memory_space<hbm>> -> memref<4x64x64xf32, #tpu.memory_space<hbm>>
      tpu.enqueue_dma source(%arg7 : memref<4x64x64xf32, #tpu.memory_space<vmem>>) target(%dma_start3A_906 : memref<4x64x64xf32, #tpu.memory_space<hbm>>) target_semaphore(%arg13 : memref<!tpu.dma_semaphore, #tpu.memory_space<semaphore_mem>>)
      %mul3A_907 = arith.constant 16 : i32
      %mul3A_908 = arith.muli %select_n3A_70, %mul3A_907 : i32
      %add3A_909 = arith.addi %mul3A_908, %mul3A_72 : i32
      %add3A_910 = arith.constant 3 : i32
      %add3A_911 = arith.addi %add3A_909, %add3A_910 : i32
      %dma_start3A_912 = arith.constant 28 : i32
      %dma_start3A_913 = arith.constant 0 : i32
      %dma_start3A_914 = arith.constant 0 : i32
      %dma_start3A_915 = tpu.memref_slice %arg5[%select_n3A_54, %add3A_911, %dma_start3A_912, %dma_start3A_913, %dma_start3A_914] : memref<2x64x64x64x64xf32, #tpu.memory_space<hbm>> -> memref<1x1x4x64x64xf32, #tpu.memory_space<hbm>>
      %dma_start3A_916 = tpu.memref_squeeze %dma_start3A_915 : memref<1x1x4x64x64xf32, #tpu.memory_space<hbm>> -> memref<4x64x64xf32, #tpu.memory_space<hbm>>
      %dma_start3A_917 = arith.constant 28 : i32
      %dma_start3A_918 = arith.constant 0 : i32
      %dma_start3A_919 = arith.constant 0 : i32
      %dma_start3A_920 = tpu.memref_slice %arg5[%select_n3A_54, %add3A_911, %dma_start3A_917, %dma_start3A_918, %dma_start3A_919] : memref<2x64x64x64x64xf32, #tpu.memory_space<hbm>> -> memref<1x1x4x64x64xf32, #tpu.memory_space<hbm>>
      %dma_start3A_921 = tpu.memref_squeeze %dma_start3A_920 : memref<1x1x4x64x64xf32, #tpu.memory_space<hbm>> -> memref<4x64x64xf32, #tpu.memory_space<hbm>>
      tpu.enqueue_dma source(%arg7 : memref<4x64x64xf32, #tpu.memory_space<vmem>>) target(%dma_start3A_921 : memref<4x64x64xf32, #tpu.memory_space<hbm>>) target_semaphore(%arg13 : memref<!tpu.dma_semaphore, #tpu.memory_space<semaphore_mem>>)
      %mul3A_922 = arith.constant 16 : i32
      %mul3A_923 = arith.muli %select_n3A_70, %mul3A_922 : i32
      %add3A_924 = arith.addi %mul3A_923, %mul3A_72 : i32
      %add3A_925 = arith.constant 3 : i32
      %add3A_926 = arith.addi %add3A_924, %add3A_925 : i32
      %dma_start3A_927 = arith.constant 32 : i32
      %dma_start3A_928 = arith.constant 0 : i32
      %dma_start3A_929 = arith.constant 0 : i32
      %dma_start3A_930 = tpu.memref_slice %arg5[%select_n3A_54, %add3A_926, %dma_start3A_927, %dma_start3A_928, %dma_start3A_929] : memref<2x64x64x64x64xf32, #tpu.memory_space<hbm>> -> memref<1x1x4x64x64xf32, #tpu.memory_space<hbm>>
      %dma_start3A_931 = tpu.memref_squeeze %dma_start3A_930 : memref<1x1x4x64x64xf32, #tpu.memory_space<hbm>> -> memref<4x64x64xf32, #tpu.memory_space<hbm>>
      %dma_start3A_932 = arith.constant 32 : i32
      %dma_start3A_933 = arith.constant 0 : i32
      %dma_start3A_934 = arith.constant 0 : i32
      %dma_start3A_935 = tpu.memref_slice %arg5[%select_n3A_54, %add3A_926, %dma_start3A_932, %dma_start3A_933, %dma_start3A_934] : memref<2x64x64x64x64xf32, #tpu.memory_space<hbm>> -> memref<1x1x4x64x64xf32, #tpu.memory_space<hbm>>
      %dma_start3A_936 = tpu.memref_squeeze %dma_start3A_935 : memref<1x1x4x64x64xf32, #tpu.memory_space<hbm>> -> memref<4x64x64xf32, #tpu.memory_space<hbm>>
      tpu.enqueue_dma source(%arg7 : memref<4x64x64xf32, #tpu.memory_space<vmem>>) target(%dma_start3A_936 : memref<4x64x64xf32, #tpu.memory_space<hbm>>) target_semaphore(%arg13 : memref<!tpu.dma_semaphore, #tpu.memory_space<semaphore_mem>>)
      %mul3A_937 = arith.constant 16 : i32
      %mul3A_938 = arith.muli %select_n3A_70, %mul3A_937 : i32
      %add3A_939 = arith.addi %mul3A_938, %mul3A_72 : i32
      %add3A_940 = arith.constant 3 : i32
      %add3A_941 = arith.addi %add3A_939, %add3A_940 : i32
      %dma_start3A_942 = arith.constant 36 : i32
      %dma_start3A_943 = arith.constant 0 : i32
      %dma_start3A_944 = arith.constant 0 : i32
      %dma_start3A_945 = tpu.memref_slice %arg5[%select_n3A_54, %add3A_941, %dma_start3A_942, %dma_start3A_943, %dma_start3A_944] : memref<2x64x64x64x64xf32, #tpu.memory_space<hbm>> -> memref<1x1x4x64x64xf32, #tpu.memory_space<hbm>>
      %dma_start3A_946 = tpu.memref_squeeze %dma_start3A_945 : memref<1x1x4x64x64xf32, #tpu.memory_space<hbm>> -> memref<4x64x64xf32, #tpu.memory_space<hbm>>
      %dma_start3A_947 = arith.constant 36 : i32
      %dma_start3A_948 = arith.constant 0 : i32
      %dma_start3A_949 = arith.constant 0 : i32
      %dma_start3A_950 = tpu.memref_slice %arg5[%select_n3A_54, %add3A_941, %dma_start3A_947, %dma_start3A_948, %dma_start3A_949] : memref<2x64x64x64x64xf32, #tpu.memory_space<hbm>> -> memref<1x1x4x64x64xf32, #tpu.memory_space<hbm>>
      %dma_start3A_951 = tpu.memref_squeeze %dma_start3A_950 : memref<1x1x4x64x64xf32, #tpu.memory_space<hbm>> -> memref<4x64x64xf32, #tpu.memory_space<hbm>>
      tpu.enqueue_dma source(%arg7 : memref<4x64x64xf32, #tpu.memory_space<vmem>>) target(%dma_start3A_951 : memref<4x64x64xf32, #tpu.memory_space<hbm>>) target_semaphore(%arg13 : memref<!tpu.dma_semaphore, #tpu.memory_space<semaphore_mem>>)
      %mul3A_952 = arith.constant 16 : i32
      %mul3A_953 = arith.muli %select_n3A_70, %mul3A_952 : i32
      %add3A_954 = arith.addi %mul3A_953, %mul3A_72 : i32
      %add3A_955 = arith.constant 3 : i32
      %add3A_956 = arith.addi %add3A_954, %add3A_955 : i32
      %dma_start3A_957 = arith.constant 40 : i32
      %dma_start3A_958 = arith.constant 0 : i32
      %dma_start3A_959 = arith.constant 0 : i32
      %dma_start3A_960 = tpu.memref_slice %arg5[%select_n3A_54, %add3A_956, %dma_start3A_957, %dma_start3A_958, %dma_start3A_959] : memref<2x64x64x64x64xf32, #tpu.memory_space<hbm>> -> memref<1x1x4x64x64xf32, #tpu.memory_space<hbm>>
      %dma_start3A_961 = tpu.memref_squeeze %dma_start3A_960 : memref<1x1x4x64x64xf32, #tpu.memory_space<hbm>> -> memref<4x64x64xf32, #tpu.memory_space<hbm>>
      %dma_start3A_962 = arith.constant 40 : i32
      %dma_start3A_963 = arith.constant 0 : i32
      %dma_start3A_964 = arith.constant 0 : i32
      %dma_start3A_965 = tpu.memref_slice %arg5[%select_n3A_54, %add3A_956, %dma_start3A_962, %dma_start3A_963, %dma_start3A_964] : memref<2x64x64x64x64xf32, #tpu.memory_space<hbm>> -> memref<1x1x4x64x64xf32, #tpu.memory_space<hbm>>
      %dma_start3A_966 = tpu.memref_squeeze %dma_start3A_965 : memref<1x1x4x64x64xf32, #tpu.memory_space<hbm>> -> memref<4x64x64xf32, #tpu.memory_space<hbm>>
      tpu.enqueue_dma source(%arg7 : memref<4x64x64xf32, #tpu.memory_space<vmem>>) target(%dma_start3A_966 : memref<4x64x64xf32, #tpu.memory_space<hbm>>) target_semaphore(%arg13 : memref<!tpu.dma_semaphore, #tpu.memory_space<semaphore_mem>>)
      %mul3A_967 = arith.constant 16 : i32
      %mul3A_968 = arith.muli %select_n3A_70, %mul3A_967 : i32
      %add3A_969 = arith.addi %mul3A_968, %mul3A_72 : i32
      %add3A_970 = arith.constant 3 : i32
      %add3A_971 = arith.addi %add3A_969, %add3A_970 : i32
      %dma_start3A_972 = arith.constant 44 : i32
      %dma_start3A_973 = arith.constant 0 : i32
      %dma_start3A_974 = arith.constant 0 : i32
      %dma_start3A_975 = tpu.memref_slice %arg5[%select_n3A_54, %add3A_971, %dma_start3A_972, %dma_start3A_973, %dma_start3A_974] : memref<2x64x64x64x64xf32, #tpu.memory_space<hbm>> -> memref<1x1x4x64x64xf32, #tpu.memory_space<hbm>>
      %dma_start3A_976 = tpu.memref_squeeze %dma_start3A_975 : memref<1x1x4x64x64xf32, #tpu.memory_space<hbm>> -> memref<4x64x64xf32, #tpu.memory_space<hbm>>
      %dma_start3A_977 = arith.constant 44 : i32
      %dma_start3A_978 = arith.constant 0 : i32
      %dma_start3A_979 = arith.constant 0 : i32
      %dma_start3A_980 = tpu.memref_slice %arg5[%select_n3A_54, %add3A_971, %dma_start3A_977, %dma_start3A_978, %dma_start3A_979] : memref<2x64x64x64x64xf32, #tpu.memory_space<hbm>> -> memref<1x1x4x64x64xf32, #tpu.memory_space<hbm>>
      %dma_start3A_981 = tpu.memref_squeeze %dma_start3A_980 : memref<1x1x4x64x64xf32, #tpu.memory_space<hbm>> -> memref<4x64x64xf32, #tpu.memory_space<hbm>>
      tpu.enqueue_dma source(%arg7 : memref<4x64x64xf32, #tpu.memory_space<vmem>>) target(%dma_start3A_981 : memref<4x64x64xf32, #tpu.memory_space<hbm>>) target_semaphore(%arg13 : memref<!tpu.dma_semaphore, #tpu.memory_space<semaphore_mem>>)
      %mul3A_982 = arith.constant 16 : i32
      %mul3A_983 = arith.muli %select_n3A_70, %mul3A_982 : i32
      %add3A_984 = arith.addi %mul3A_983, %mul3A_72 : i32
      %add3A_985 = arith.constant 3 : i32
      %add3A_986 = arith.addi %add3A_984, %add3A_985 : i32
      %dma_start3A_987 = arith.constant 48 : i32
      %dma_start3A_988 = arith.constant 0 : i32
      %dma_start3A_989 = arith.constant 0 : i32
      %dma_start3A_990 = tpu.memref_slice %arg5[%select_n3A_54, %add3A_986, %dma_start3A_987, %dma_start3A_988, %dma_start3A_989] : memref<2x64x64x64x64xf32, #tpu.memory_space<hbm>> -> memref<1x1x4x64x64xf32, #tpu.memory_space<hbm>>
      %dma_start3A_991 = tpu.memref_squeeze %dma_start3A_990 : memref<1x1x4x64x64xf32, #tpu.memory_space<hbm>> -> memref<4x64x64xf32, #tpu.memory_space<hbm>>
      %dma_start3A_992 = arith.constant 48 : i32
      %dma_start3A_993 = arith.constant 0 : i32
      %dma_start3A_994 = arith.constant 0 : i32
      %dma_start3A_995 = tpu.memref_slice %arg5[%select_n3A_54, %add3A_986, %dma_start3A_992, %dma_start3A_993, %dma_start3A_994] : memref<2x64x64x64x64xf32, #tpu.memory_space<hbm>> -> memref<1x1x4x64x64xf32, #tpu.memory_space<hbm>>
      %dma_start3A_996 = tpu.memref_squeeze %dma_start3A_995 : memref<1x1x4x64x64xf32, #tpu.memory_space<hbm>> -> memref<4x64x64xf32, #tpu.memory_space<hbm>>
      tpu.enqueue_dma source(%arg7 : memref<4x64x64xf32, #tpu.memory_space<vmem>>) target(%dma_start3A_996 : memref<4x64x64xf32, #tpu.memory_space<hbm>>) target_semaphore(%arg13 : memref<!tpu.dma_semaphore, #tpu.memory_space<semaphore_mem>>)
      %mul3A_997 = arith.constant 16 : i32
      %mul3A_998 = arith.muli %select_n3A_70, %mul3A_997 : i32
      %add3A_999 = arith.addi %mul3A_998, %mul3A_72 : i32
      %add3A_1000 = arith.constant 3 : i32
      %add3A_1001 = arith.addi %add3A_999, %add3A_1000 : i32
      %dma_start3A_1002 = arith.constant 52 : i32
      %dma_start3A_1003 = arith.constant 0 : i32
      %dma_start3A_1004 = arith.constant 0 : i32
      %dma_start3A_1005 = tpu.memref_slice %arg5[%select_n3A_54, %add3A_1001, %dma_start3A_1002, %dma_start3A_1003, %dma_start3A_1004] : memref<2x64x64x64x64xf32, #tpu.memory_space<hbm>> -> memref<1x1x4x64x64xf32, #tpu.memory_space<hbm>>
      %dma_start3A_1006 = tpu.memref_squeeze %dma_start3A_1005 : memref<1x1x4x64x64xf32, #tpu.memory_space<hbm>> -> memref<4x64x64xf32, #tpu.memory_space<hbm>>
      %dma_start3A_1007 = arith.constant 52 : i32
      %dma_start3A_1008 = arith.constant 0 : i32
      %dma_start3A_1009 = arith.constant 0 : i32
      %dma_start3A_1010 = tpu.memref_slice %arg5[%select_n3A_54, %add3A_1001, %dma_start3A_1007, %dma_start3A_1008, %dma_start3A_1009] : memref<2x64x64x64x64xf32, #tpu.memory_space<hbm>> -> memref<1x1x4x64x64xf32, #tpu.memory_space<hbm>>
      %dma_start3A_1011 = tpu.memref_squeeze %dma_start3A_1010 : memref<1x1x4x64x64xf32, #tpu.memory_space<hbm>> -> memref<4x64x64xf32, #tpu.memory_space<hbm>>
      tpu.enqueue_dma source(%arg7 : memref<4x64x64xf32, #tpu.memory_space<vmem>>) target(%dma_start3A_1011 : memref<4x64x64xf32, #tpu.memory_space<hbm>>) target_semaphore(%arg13 : memref<!tpu.dma_semaphore, #tpu.memory_space<semaphore_mem>>)
      %mul3A_1012 = arith.constant 16 : i32
      %mul3A_1013 = arith.muli %select_n3A_70, %mul3A_1012 : i32
      %add3A_1014 = arith.addi %mul3A_1013, %mul3A_72 : i32
      %add3A_1015 = arith.constant 3 : i32
      %add3A_1016 = arith.addi %add3A_1014, %add3A_1015 : i32
      %dma_start3A_1017 = arith.constant 56 : i32
      %dma_start3A_1018 = arith.constant 0 : i32
      %dma_start3A_1019 = arith.constant 0 : i32
      %dma_start3A_1020 = tpu.memref_slice %arg5[%select_n3A_54, %add3A_1016, %dma_start3A_1017, %dma_start3A_1018, %dma_start3A_1019] : memref<2x64x64x64x64xf32, #tpu.memory_space<hbm>> -> memref<1x1x4x64x64xf32, #tpu.memory_space<hbm>>
      %dma_start3A_1021 = tpu.memref_squeeze %dma_start3A_1020 : memref<1x1x4x64x64xf32, #tpu.memory_space<hbm>> -> memref<4x64x64xf32, #tpu.memory_space<hbm>>
      %dma_start3A_1022 = arith.constant 56 : i32
      %dma_start3A_1023 = arith.constant 0 : i32
      %dma_start3A_1024 = arith.constant 0 : i32
      %dma_start3A_1025 = tpu.memref_slice %arg5[%select_n3A_54, %add3A_1016, %dma_start3A_1022, %dma_start3A_1023, %dma_start3A_1024] : memref<2x64x64x64x64xf32, #tpu.memory_space<hbm>> -> memref<1x1x4x64x64xf32, #tpu.memory_space<hbm>>
      %dma_start3A_1026 = tpu.memref_squeeze %dma_start3A_1025 : memref<1x1x4x64x64xf32, #tpu.memory_space<hbm>> -> memref<4x64x64xf32, #tpu.memory_space<hbm>>
      tpu.enqueue_dma source(%arg7 : memref<4x64x64xf32, #tpu.memory_space<vmem>>) target(%dma_start3A_1026 : memref<4x64x64xf32, #tpu.memory_space<hbm>>) target_semaphore(%arg13 : memref<!tpu.dma_semaphore, #tpu.memory_space<semaphore_mem>>)
      %mul3A_1027 = arith.constant 16 : i32
      %mul3A_1028 = arith.muli %select_n3A_70, %mul3A_1027 : i32
      %add3A_1029 = arith.addi %mul3A_1028, %mul3A_72 : i32
      %add3A_1030 = arith.constant 3 : i32
      %add3A_1031 = arith.addi %add3A_1029, %add3A_1030 : i32
      %dma_start3A_1032 = arith.constant 60 : i32
      %dma_start3A_1033 = arith.constant 0 : i32
      %dma_start3A_1034 = arith.constant 0 : i32
      %dma_start3A_1035 = tpu.memref_slice %arg5[%select_n3A_54, %add3A_1031, %dma_start3A_1032, %dma_start3A_1033, %dma_start3A_1034] : memref<2x64x64x64x64xf32, #tpu.memory_space<hbm>> -> memref<1x1x4x64x64xf32, #tpu.memory_space<hbm>>
      %dma_start3A_1036 = tpu.memref_squeeze %dma_start3A_1035 : memref<1x1x4x64x64xf32, #tpu.memory_space<hbm>> -> memref<4x64x64xf32, #tpu.memory_space<hbm>>
      %dma_start3A_1037 = arith.constant 60 : i32
      %dma_start3A_1038 = arith.constant 0 : i32
      %dma_start3A_1039 = arith.constant 0 : i32
      %dma_start3A_1040 = tpu.memref_slice %arg5[%select_n3A_54, %add3A_1031, %dma_start3A_1037, %dma_start3A_1038, %dma_start3A_1039] : memref<2x64x64x64x64xf32, #tpu.memory_space<hbm>> -> memref<1x1x4x64x64xf32, #tpu.memory_space<hbm>>
      %dma_start3A_1041 = tpu.memref_squeeze %dma_start3A_1040 : memref<1x1x4x64x64xf32, #tpu.memory_space<hbm>> -> memref<4x64x64xf32, #tpu.memory_space<hbm>>
      tpu.enqueue_dma source(%arg7 : memref<4x64x64xf32, #tpu.memory_space<vmem>>) target(%dma_start3A_1041 : memref<4x64x64xf32, #tpu.memory_space<hbm>>) target_semaphore(%arg13 : memref<!tpu.dma_semaphore, #tpu.memory_space<semaphore_mem>>)
      %mul3A_1042 = arith.constant 16 : i32
      %mul3A_1043 = arith.muli %select_n3A_70, %mul3A_1042 : i32
      %add3A_1044 = arith.addi %mul3A_1043, %mul3A_72 : i32
      %add3A_1045 = arith.constant 0 : i32
      %add3A_1046 = arith.addi %add3A_1044, %add3A_1045 : i32
      %dma_wait3A = arith.constant 0 : i32
      %dma_wait3A_1047 = arith.constant 0 : i32
      %dma_wait3A_1048 = arith.constant 0 : i32
      %dma_wait3A_1049 = tpu.memref_slice %arg5[%select_n3A_54, %add3A_1046, %dma_wait3A, %dma_wait3A_1047, %dma_wait3A_1048] : memref<2x64x64x64x64xf32, #tpu.memory_space<hbm>> -> memref<1x1x4x64x64xf32, #tpu.memory_space<hbm>>
      %dma_wait3A_1050 = tpu.memref_squeeze %dma_wait3A_1049 : memref<1x1x4x64x64xf32, #tpu.memory_space<hbm>> -> memref<4x64x64xf32, #tpu.memory_space<hbm>>
      %dma_wait3A_1051 = arith.constant 0 : i32
      %dma_wait3A_1052 = arith.constant 0 : i32
      %dma_wait3A_1053 = arith.constant 0 : i32
      %dma_wait3A_1054 = tpu.memref_slice %arg5[%select_n3A_54, %add3A_1046, %dma_wait3A_1051, %dma_wait3A_1052, %dma_wait3A_1053] : memref<2x64x64x64x64xf32, #tpu.memory_space<hbm>> -> memref<1x1x4x64x64xf32, #tpu.memory_space<hbm>>
      %dma_wait3A_1055 = tpu.memref_squeeze %dma_wait3A_1054 : memref<1x1x4x64x64xf32, #tpu.memory_space<hbm>> -> memref<4x64x64xf32, #tpu.memory_space<hbm>>
      tpu.wait_dma2 semaphore(%arg13 : memref<!tpu.dma_semaphore, #tpu.memory_space<semaphore_mem>>) src(%arg7 : memref<4x64x64xf32, #tpu.memory_space<vmem>>) dst(%dma_wait3A_1055 : memref<4x64x64xf32, #tpu.memory_space<hbm>>)
      %mul3A_1056 = arith.constant 16 : i32
      %mul3A_1057 = arith.muli %select_n3A_70, %mul3A_1056 : i32
      %add3A_1058 = arith.addi %mul3A_1057, %mul3A_72 : i32
      %add3A_1059 = arith.constant 0 : i32
      %add3A_1060 = arith.addi %add3A_1058, %add3A_1059 : i32
      %dma_wait3A_1061 = arith.constant 4 : i32
      %dma_wait3A_1062 = arith.constant 0 : i32
      %dma_wait3A_1063 = arith.constant 0 : i32
      %dma_wait3A_1064 = tpu.memref_slice %arg5[%select_n3A_54, %add3A_1060, %dma_wait3A_1061, %dma_wait3A_1062, %dma_wait3A_1063] : memref<2x64x64x64x64xf32, #tpu.memory_space<hbm>> -> memref<1x1x4x64x64xf32, #tpu.memory_space<hbm>>
      %dma_wait3A_1065 = tpu.memref_squeeze %dma_wait3A_1064 : memref<1x1x4x64x64xf32, #tpu.memory_space<hbm>> -> memref<4x64x64xf32, #tpu.memory_space<hbm>>
      %dma_wait3A_1066 = arith.constant 4 : i32
      %dma_wait3A_1067 = arith.constant 0 : i32
      %dma_wait3A_1068 = arith.constant 0 : i32
      %dma_wait3A_1069 = tpu.memref_slice %arg5[%select_n3A_54, %add3A_1060, %dma_wait3A_1066, %dma_wait3A_1067, %dma_wait3A_1068] : memref<2x64x64x64x64xf32, #tpu.memory_space<hbm>> -> memref<1x1x4x64x64xf32, #tpu.memory_space<hbm>>
      %dma_wait3A_1070 = tpu.memref_squeeze %dma_wait3A_1069 : memref<1x1x4x64x64xf32, #tpu.memory_space<hbm>> -> memref<4x64x64xf32, #tpu.memory_space<hbm>>
      tpu.wait_dma2 semaphore(%arg13 : memref<!tpu.dma_semaphore, #tpu.memory_space<semaphore_mem>>) src(%arg7 : memref<4x64x64xf32, #tpu.memory_space<vmem>>) dst(%dma_wait3A_1070 : memref<4x64x64xf32, #tpu.memory_space<hbm>>)
      %mul3A_1071 = arith.constant 16 : i32
      %mul3A_1072 = arith.muli %select_n3A_70, %mul3A_1071 : i32
      %add3A_1073 = arith.addi %mul3A_1072, %mul3A_72 : i32
      %add3A_1074 = arith.constant 0 : i32
      %add3A_1075 = arith.addi %add3A_1073, %add3A_1074 : i32
      %dma_wait3A_1076 = arith.constant 8 : i32
      %dma_wait3A_1077 = arith.constant 0 : i32
      %dma_wait3A_1078 = arith.constant 0 : i32
      %dma_wait3A_1079 = tpu.memref_slice %arg5[%select_n3A_54, %add3A_1075, %dma_wait3A_1076, %dma_wait3A_1077, %dma_wait3A_1078] : memref<2x64x64x64x64xf32, #tpu.memory_space<hbm>> -> memref<1x1x4x64x64xf32, #tpu.memory_space<hbm>>
      %dma_wait3A_1080 = tpu.memref_squeeze %dma_wait3A_1079 : memref<1x1x4x64x64xf32, #tpu.memory_space<hbm>> -> memref<4x64x64xf32, #tpu.memory_space<hbm>>
      %dma_wait3A_1081 = arith.constant 8 : i32
      %dma_wait3A_1082 = arith.constant 0 : i32
      %dma_wait3A_1083 = arith.constant 0 : i32
      %dma_wait3A_1084 = tpu.memref_slice %arg5[%select_n3A_54, %add3A_1075, %dma_wait3A_1081, %dma_wait3A_1082, %dma_wait3A_1083] : memref<2x64x64x64x64xf32, #tpu.memory_space<hbm>> -> memref<1x1x4x64x64xf32, #tpu.memory_space<hbm>>
      %dma_wait3A_1085 = tpu.memref_squeeze %dma_wait3A_1084 : memref<1x1x4x64x64xf32, #tpu.memory_space<hbm>> -> memref<4x64x64xf32, #tpu.memory_space<hbm>>
      tpu.wait_dma2 semaphore(%arg13 : memref<!tpu.dma_semaphore, #tpu.memory_space<semaphore_mem>>) src(%arg7 : memref<4x64x64xf32, #tpu.memory_space<vmem>>) dst(%dma_wait3A_1085 : memref<4x64x64xf32, #tpu.memory_space<hbm>>)
      %mul3A_1086 = arith.constant 16 : i32
      %mul3A_1087 = arith.muli %select_n3A_70, %mul3A_1086 : i32
      %add3A_1088 = arith.addi %mul3A_1087, %mul3A_72 : i32
      %add3A_1089 = arith.constant 0 : i32
      %add3A_1090 = arith.addi %add3A_1088, %add3A_1089 : i32
      %dma_wait3A_1091 = arith.constant 12 : i32
      %dma_wait3A_1092 = arith.constant 0 : i32
      %dma_wait3A_1093 = arith.constant 0 : i32
      %dma_wait3A_1094 = tpu.memref_slice %arg5[%select_n3A_54, %add3A_1090, %dma_wait3A_1091, %dma_wait3A_1092, %dma_wait3A_1093] : memref<2x64x64x64x64xf32, #tpu.memory_space<hbm>> -> memref<1x1x4x64x64xf32, #tpu.memory_space<hbm>>
      %dma_wait3A_1095 = tpu.memref_squeeze %dma_wait3A_1094 : memref<1x1x4x64x64xf32, #tpu.memory_space<hbm>> -> memref<4x64x64xf32, #tpu.memory_space<hbm>>
      %dma_wait3A_1096 = arith.constant 12 : i32
      %dma_wait3A_1097 = arith.constant 0 : i32
      %dma_wait3A_1098 = arith.constant 0 : i32
      %dma_wait3A_1099 = tpu.memref_slice %arg5[%select_n3A_54, %add3A_1090, %dma_wait3A_1096, %dma_wait3A_1097, %dma_wait3A_1098] : memref<2x64x64x64x64xf32, #tpu.memory_space<hbm>> -> memref<1x1x4x64x64xf32, #tpu.memory_space<hbm>>
      %dma_wait3A_1100 = tpu.memref_squeeze %dma_wait3A_1099 : memref<1x1x4x64x64xf32, #tpu.memory_space<hbm>> -> memref<4x64x64xf32, #tpu.memory_space<hbm>>
      tpu.wait_dma2 semaphore(%arg13 : memref<!tpu.dma_semaphore, #tpu.memory_space<semaphore_mem>>) src(%arg7 : memref<4x64x64xf32, #tpu.memory_space<vmem>>) dst(%dma_wait3A_1100 : memref<4x64x64xf32, #tpu.memory_space<hbm>>)
      %mul3A_1101 = arith.constant 16 : i32
      %mul3A_1102 = arith.muli %select_n3A_70, %mul3A_1101 : i32
      %add3A_1103 = arith.addi %mul3A_1102, %mul3A_72 : i32
      %add3A_1104 = arith.constant 0 : i32
      %add3A_1105 = arith.addi %add3A_1103, %add3A_1104 : i32
      %dma_wait3A_1106 = arith.constant 16 : i32
      %dma_wait3A_1107 = arith.constant 0 : i32
      %dma_wait3A_1108 = arith.constant 0 : i32
      %dma_wait3A_1109 = tpu.memref_slice %arg5[%select_n3A_54, %add3A_1105, %dma_wait3A_1106, %dma_wait3A_1107, %dma_wait3A_1108] : memref<2x64x64x64x64xf32, #tpu.memory_space<hbm>> -> memref<1x1x4x64x64xf32, #tpu.memory_space<hbm>>
      %dma_wait3A_1110 = tpu.memref_squeeze %dma_wait3A_1109 : memref<1x1x4x64x64xf32, #tpu.memory_space<hbm>> -> memref<4x64x64xf32, #tpu.memory_space<hbm>>
      %dma_wait3A_1111 = arith.constant 16 : i32
      %dma_wait3A_1112 = arith.constant 0 : i32
      %dma_wait3A_1113 = arith.constant 0 : i32
      %dma_wait3A_1114 = tpu.memref_slice %arg5[%select_n3A_54, %add3A_1105, %dma_wait3A_1111, %dma_wait3A_1112, %dma_wait3A_1113] : memref<2x64x64x64x64xf32, #tpu.memory_space<hbm>> -> memref<1x1x4x64x64xf32, #tpu.memory_space<hbm>>
      %dma_wait3A_1115 = tpu.memref_squeeze %dma_wait3A_1114 : memref<1x1x4x64x64xf32, #tpu.memory_space<hbm>> -> memref<4x64x64xf32, #tpu.memory_space<hbm>>
      tpu.wait_dma2 semaphore(%arg13 : memref<!tpu.dma_semaphore, #tpu.memory_space<semaphore_mem>>) src(%arg7 : memref<4x64x64xf32, #tpu.memory_space<vmem>>) dst(%dma_wait3A_1115 : memref<4x64x64xf32, #tpu.memory_space<hbm>>)
      %mul3A_1116 = arith.constant 16 : i32
      %mul3A_1117 = arith.muli %select_n3A_70, %mul3A_1116 : i32
      %add3A_1118 = arith.addi %mul3A_1117, %mul3A_72 : i32
      %add3A_1119 = arith.constant 0 : i32
      %add3A_1120 = arith.addi %add3A_1118, %add3A_1119 : i32
      %dma_wait3A_1121 = arith.constant 20 : i32
      %dma_wait3A_1122 = arith.constant 0 : i32
      %dma_wait3A_1123 = arith.constant 0 : i32
      %dma_wait3A_1124 = tpu.memref_slice %arg5[%select_n3A_54, %add3A_1120, %dma_wait3A_1121, %dma_wait3A_1122, %dma_wait3A_1123] : memref<2x64x64x64x64xf32, #tpu.memory_space<hbm>> -> memref<1x1x4x64x64xf32, #tpu.memory_space<hbm>>
      %dma_wait3A_1125 = tpu.memref_squeeze %dma_wait3A_1124 : memref<1x1x4x64x64xf32, #tpu.memory_space<hbm>> -> memref<4x64x64xf32, #tpu.memory_space<hbm>>
      %dma_wait3A_1126 = arith.constant 20 : i32
      %dma_wait3A_1127 = arith.constant 0 : i32
      %dma_wait3A_1128 = arith.constant 0 : i32
      %dma_wait3A_1129 = tpu.memref_slice %arg5[%select_n3A_54, %add3A_1120, %dma_wait3A_1126, %dma_wait3A_1127, %dma_wait3A_1128] : memref<2x64x64x64x64xf32, #tpu.memory_space<hbm>> -> memref<1x1x4x64x64xf32, #tpu.memory_space<hbm>>
      %dma_wait3A_1130 = tpu.memref_squeeze %dma_wait3A_1129 : memref<1x1x4x64x64xf32, #tpu.memory_space<hbm>> -> memref<4x64x64xf32, #tpu.memory_space<hbm>>
      tpu.wait_dma2 semaphore(%arg13 : memref<!tpu.dma_semaphore, #tpu.memory_space<semaphore_mem>>) src(%arg7 : memref<4x64x64xf32, #tpu.memory_space<vmem>>) dst(%dma_wait3A_1130 : memref<4x64x64xf32, #tpu.memory_space<hbm>>)
      %mul3A_1131 = arith.constant 16 : i32
      %mul3A_1132 = arith.muli %select_n3A_70, %mul3A_1131 : i32
      %add3A_1133 = arith.addi %mul3A_1132, %mul3A_72 : i32
      %add3A_1134 = arith.constant 0 : i32
      %add3A_1135 = arith.addi %add3A_1133, %add3A_1134 : i32
      %dma_wait3A_1136 = arith.constant 24 : i32
      %dma_wait3A_1137 = arith.constant 0 : i32
      %dma_wait3A_1138 = arith.constant 0 : i32
      %dma_wait3A_1139 = tpu.memref_slice %arg5[%select_n3A_54, %add3A_1135, %dma_wait3A_1136, %dma_wait3A_1137, %dma_wait3A_1138] : memref<2x64x64x64x64xf32, #tpu.memory_space<hbm>> -> memref<1x1x4x64x64xf32, #tpu.memory_space<hbm>>
      %dma_wait3A_1140 = tpu.memref_squeeze %dma_wait3A_1139 : memref<1x1x4x64x64xf32, #tpu.memory_space<hbm>> -> memref<4x64x64xf32, #tpu.memory_space<hbm>>
      %dma_wait3A_1141 = arith.constant 24 : i32
      %dma_wait3A_1142 = arith.constant 0 : i32
      %dma_wait3A_1143 = arith.constant 0 : i32
      %dma_wait3A_1144 = tpu.memref_slice %arg5[%select_n3A_54, %add3A_1135, %dma_wait3A_1141, %dma_wait3A_1142, %dma_wait3A_1143] : memref<2x64x64x64x64xf32, #tpu.memory_space<hbm>> -> memref<1x1x4x64x64xf32, #tpu.memory_space<hbm>>
      %dma_wait3A_1145 = tpu.memref_squeeze %dma_wait3A_1144 : memref<1x1x4x64x64xf32, #tpu.memory_space<hbm>> -> memref<4x64x64xf32, #tpu.memory_space<hbm>>
      tpu.wait_dma2 semaphore(%arg13 : memref<!tpu.dma_semaphore, #tpu.memory_space<semaphore_mem>>) src(%arg7 : memref<4x64x64xf32, #tpu.memory_space<vmem>>) dst(%dma_wait3A_1145 : memref<4x64x64xf32, #tpu.memory_space<hbm>>)
      %mul3A_1146 = arith.constant 16 : i32
      %mul3A_1147 = arith.muli %select_n3A_70, %mul3A_1146 : i32
      %add3A_1148 = arith.addi %mul3A_1147, %mul3A_72 : i32
      %add3A_1149 = arith.constant 0 : i32
      %add3A_1150 = arith.addi %add3A_1148, %add3A_1149 : i32
      %dma_wait3A_1151 = arith.constant 28 : i32
      %dma_wait3A_1152 = arith.constant 0 : i32
      %dma_wait3A_1153 = arith.constant 0 : i32
      %dma_wait3A_1154 = tpu.memref_slice %arg5[%select_n3A_54, %add3A_1150, %dma_wait3A_1151, %dma_wait3A_1152, %dma_wait3A_1153] : memref<2x64x64x64x64xf32, #tpu.memory_space<hbm>> -> memref<1x1x4x64x64xf32, #tpu.memory_space<hbm>>
      %dma_wait3A_1155 = tpu.memref_squeeze %dma_wait3A_1154 : memref<1x1x4x64x64xf32, #tpu.memory_space<hbm>> -> memref<4x64x64xf32, #tpu.memory_space<hbm>>
      %dma_wait3A_1156 = arith.constant 28 : i32
      %dma_wait3A_1157 = arith.constant 0 : i32
      %dma_wait3A_1158 = arith.constant 0 : i32
      %dma_wait3A_1159 = tpu.memref_slice %arg5[%select_n3A_54, %add3A_1150, %dma_wait3A_1156, %dma_wait3A_1157, %dma_wait3A_1158] : memref<2x64x64x64x64xf32, #tpu.memory_space<hbm>> -> memref<1x1x4x64x64xf32, #tpu.memory_space<hbm>>
      %dma_wait3A_1160 = tpu.memref_squeeze %dma_wait3A_1159 : memref<1x1x4x64x64xf32, #tpu.memory_space<hbm>> -> memref<4x64x64xf32, #tpu.memory_space<hbm>>
      tpu.wait_dma2 semaphore(%arg13 : memref<!tpu.dma_semaphore, #tpu.memory_space<semaphore_mem>>) src(%arg7 : memref<4x64x64xf32, #tpu.memory_space<vmem>>) dst(%dma_wait3A_1160 : memref<4x64x64xf32, #tpu.memory_space<hbm>>)
      %mul3A_1161 = arith.constant 16 : i32
      %mul3A_1162 = arith.muli %select_n3A_70, %mul3A_1161 : i32
      %add3A_1163 = arith.addi %mul3A_1162, %mul3A_72 : i32
      %add3A_1164 = arith.constant 0 : i32
      %add3A_1165 = arith.addi %add3A_1163, %add3A_1164 : i32
      %dma_wait3A_1166 = arith.constant 32 : i32
      %dma_wait3A_1167 = arith.constant 0 : i32
      %dma_wait3A_1168 = arith.constant 0 : i32
      %dma_wait3A_1169 = tpu.memref_slice %arg5[%select_n3A_54, %add3A_1165, %dma_wait3A_1166, %dma_wait3A_1167, %dma_wait3A_1168] : memref<2x64x64x64x64xf32, #tpu.memory_space<hbm>> -> memref<1x1x4x64x64xf32, #tpu.memory_space<hbm>>
      %dma_wait3A_1170 = tpu.memref_squeeze %dma_wait3A_1169 : memref<1x1x4x64x64xf32, #tpu.memory_space<hbm>> -> memref<4x64x64xf32, #tpu.memory_space<hbm>>
      %dma_wait3A_1171 = arith.constant 32 : i32
      %dma_wait3A_1172 = arith.constant 0 : i32
      %dma_wait3A_1173 = arith.constant 0 : i32
      %dma_wait3A_1174 = tpu.memref_slice %arg5[%select_n3A_54, %add3A_1165, %dma_wait3A_1171, %dma_wait3A_1172, %dma_wait3A_1173] : memref<2x64x64x64x64xf32, #tpu.memory_space<hbm>> -> memref<1x1x4x64x64xf32, #tpu.memory_space<hbm>>
      %dma_wait3A_1175 = tpu.memref_squeeze %dma_wait3A_1174 : memref<1x1x4x64x64xf32, #tpu.memory_space<hbm>> -> memref<4x64x64xf32, #tpu.memory_space<hbm>>
      tpu.wait_dma2 semaphore(%arg13 : memref<!tpu.dma_semaphore, #tpu.memory_space<semaphore_mem>>) src(%arg7 : memref<4x64x64xf32, #tpu.memory_space<vmem>>) dst(%dma_wait3A_1175 : memref<4x64x64xf32, #tpu.memory_space<hbm>>)
      %mul3A_1176 = arith.constant 16 : i32
      %mul3A_1177 = arith.muli %select_n3A_70, %mul3A_1176 : i32
      %add3A_1178 = arith.addi %mul3A_1177, %mul3A_72 : i32
      %add3A_1179 = arith.constant 0 : i32
      %add3A_1180 = arith.addi %add3A_1178, %add3A_1179 : i32
      %dma_wait3A_1181 = arith.constant 36 : i32
      %dma_wait3A_1182 = arith.constant 0 : i32
      %dma_wait3A_1183 = arith.constant 0 : i32
      %dma_wait3A_1184 = tpu.memref_slice %arg5[%select_n3A_54, %add3A_1180, %dma_wait3A_1181, %dma_wait3A_1182, %dma_wait3A_1183] : memref<2x64x64x64x64xf32, #tpu.memory_space<hbm>> -> memref<1x1x4x64x64xf32, #tpu.memory_space<hbm>>
      %dma_wait3A_1185 = tpu.memref_squeeze %dma_wait3A_1184 : memref<1x1x4x64x64xf32, #tpu.memory_space<hbm>> -> memref<4x64x64xf32, #tpu.memory_space<hbm>>
      %dma_wait3A_1186 = arith.constant 36 : i32
      %dma_wait3A_1187 = arith.constant 0 : i32
      %dma_wait3A_1188 = arith.constant 0 : i32
      %dma_wait3A_1189 = tpu.memref_slice %arg5[%select_n3A_54, %add3A_1180, %dma_wait3A_1186, %dma_wait3A_1187, %dma_wait3A_1188] : memref<2x64x64x64x64xf32, #tpu.memory_space<hbm>> -> memref<1x1x4x64x64xf32, #tpu.memory_space<hbm>>
      %dma_wait3A_1190 = tpu.memref_squeeze %dma_wait3A_1189 : memref<1x1x4x64x64xf32, #tpu.memory_space<hbm>> -> memref<4x64x64xf32, #tpu.memory_space<hbm>>
      tpu.wait_dma2 semaphore(%arg13 : memref<!tpu.dma_semaphore, #tpu.memory_space<semaphore_mem>>) src(%arg7 : memref<4x64x64xf32, #tpu.memory_space<vmem>>) dst(%dma_wait3A_1190 : memref<4x64x64xf32, #tpu.memory_space<hbm>>)
      %mul3A_1191 = arith.constant 16 : i32
      %mul3A_1192 = arith.muli %select_n3A_70, %mul3A_1191 : i32
      %add3A_1193 = arith.addi %mul3A_1192, %mul3A_72 : i32
      %add3A_1194 = arith.constant 0 : i32
      %add3A_1195 = arith.addi %add3A_1193, %add3A_1194 : i32
      %dma_wait3A_1196 = arith.constant 40 : i32
      %dma_wait3A_1197 = arith.constant 0 : i32
      %dma_wait3A_1198 = arith.constant 0 : i32
      %dma_wait3A_1199 = tpu.memref_slice %arg5[%select_n3A_54, %add3A_1195, %dma_wait3A_1196, %dma_wait3A_1197, %dma_wait3A_1198] : memref<2x64x64x64x64xf32, #tpu.memory_space<hbm>> -> memref<1x1x4x64x64xf32, #tpu.memory_space<hbm>>
      %dma_wait3A_1200 = tpu.memref_squeeze %dma_wait3A_1199 : memref<1x1x4x64x64xf32, #tpu.memory_space<hbm>> -> memref<4x64x64xf32, #tpu.memory_space<hbm>>
      %dma_wait3A_1201 = arith.constant 40 : i32
      %dma_wait3A_1202 = arith.constant 0 : i32
      %dma_wait3A_1203 = arith.constant 0 : i32
      %dma_wait3A_1204 = tpu.memref_slice %arg5[%select_n3A_54, %add3A_1195, %dma_wait3A_1201, %dma_wait3A_1202, %dma_wait3A_1203] : memref<2x64x64x64x64xf32, #tpu.memory_space<hbm>> -> memref<1x1x4x64x64xf32, #tpu.memory_space<hbm>>
      %dma_wait3A_1205 = tpu.memref_squeeze %dma_wait3A_1204 : memref<1x1x4x64x64xf32, #tpu.memory_space<hbm>> -> memref<4x64x64xf32, #tpu.memory_space<hbm>>
      tpu.wait_dma2 semaphore(%arg13 : memref<!tpu.dma_semaphore, #tpu.memory_space<semaphore_mem>>) src(%arg7 : memref<4x64x64xf32, #tpu.memory_space<vmem>>) dst(%dma_wait3A_1205 : memref<4x64x64xf32, #tpu.memory_space<hbm>>)
      %mul3A_1206 = arith.constant 16 : i32
      %mul3A_1207 = arith.muli %select_n3A_70, %mul3A_1206 : i32
      %add3A_1208 = arith.addi %mul3A_1207, %mul3A_72 : i32
      %add3A_1209 = arith.constant 0 : i32
      %add3A_1210 = arith.addi %add3A_1208, %add3A_1209 : i32
      %dma_wait3A_1211 = arith.constant 44 : i32
      %dma_wait3A_1212 = arith.constant 0 : i32
      %dma_wait3A_1213 = arith.constant 0 : i32
      %dma_wait3A_1214 = tpu.memref_slice %arg5[%select_n3A_54, %add3A_1210, %dma_wait3A_1211, %dma_wait3A_1212, %dma_wait3A_1213] : memref<2x64x64x64x64xf32, #tpu.memory_space<hbm>> -> memref<1x1x4x64x64xf32, #tpu.memory_space<hbm>>
      %dma_wait3A_1215 = tpu.memref_squeeze %dma_wait3A_1214 : memref<1x1x4x64x64xf32, #tpu.memory_space<hbm>> -> memref<4x64x64xf32, #tpu.memory_space<hbm>>
      %dma_wait3A_1216 = arith.constant 44 : i32
      %dma_wait3A_1217 = arith.constant 0 : i32
      %dma_wait3A_1218 = arith.constant 0 : i32
      %dma_wait3A_1219 = tpu.memref_slice %arg5[%select_n3A_54, %add3A_1210, %dma_wait3A_1216, %dma_wait3A_1217, %dma_wait3A_1218] : memref<2x64x64x64x64xf32, #tpu.memory_space<hbm>> -> memref<1x1x4x64x64xf32, #tpu.memory_space<hbm>>
      %dma_wait3A_1220 = tpu.memref_squeeze %dma_wait3A_1219 : memref<1x1x4x64x64xf32, #tpu.memory_space<hbm>> -> memref<4x64x64xf32, #tpu.memory_space<hbm>>
      tpu.wait_dma2 semaphore(%arg13 : memref<!tpu.dma_semaphore, #tpu.memory_space<semaphore_mem>>) src(%arg7 : memref<4x64x64xf32, #tpu.memory_space<vmem>>) dst(%dma_wait3A_1220 : memref<4x64x64xf32, #tpu.memory_space<hbm>>)
      %mul3A_1221 = arith.constant 16 : i32
      %mul3A_1222 = arith.muli %select_n3A_70, %mul3A_1221 : i32
      %add3A_1223 = arith.addi %mul3A_1222, %mul3A_72 : i32
      %add3A_1224 = arith.constant 0 : i32
      %add3A_1225 = arith.addi %add3A_1223, %add3A_1224 : i32
      %dma_wait3A_1226 = arith.constant 48 : i32
      %dma_wait3A_1227 = arith.constant 0 : i32
      %dma_wait3A_1228 = arith.constant 0 : i32
      %dma_wait3A_1229 = tpu.memref_slice %arg5[%select_n3A_54, %add3A_1225, %dma_wait3A_1226, %dma_wait3A_1227, %dma_wait3A_1228] : memref<2x64x64x64x64xf32, #tpu.memory_space<hbm>> -> memref<1x1x4x64x64xf32, #tpu.memory_space<hbm>>
      %dma_wait3A_1230 = tpu.memref_squeeze %dma_wait3A_1229 : memref<1x1x4x64x64xf32, #tpu.memory_space<hbm>> -> memref<4x64x64xf32, #tpu.memory_space<hbm>>
      %dma_wait3A_1231 = arith.constant 48 : i32
      %dma_wait3A_1232 = arith.constant 0 : i32
      %dma_wait3A_1233 = arith.constant 0 : i32
      %dma_wait3A_1234 = tpu.memref_slice %arg5[%select_n3A_54, %add3A_1225, %dma_wait3A_1231, %dma_wait3A_1232, %dma_wait3A_1233] : memref<2x64x64x64x64xf32, #tpu.memory_space<hbm>> -> memref<1x1x4x64x64xf32, #tpu.memory_space<hbm>>
      %dma_wait3A_1235 = tpu.memref_squeeze %dma_wait3A_1234 : memref<1x1x4x64x64xf32, #tpu.memory_space<hbm>> -> memref<4x64x64xf32, #tpu.memory_space<hbm>>
      tpu.wait_dma2 semaphore(%arg13 : memref<!tpu.dma_semaphore, #tpu.memory_space<semaphore_mem>>) src(%arg7 : memref<4x64x64xf32, #tpu.memory_space<vmem>>) dst(%dma_wait3A_1235 : memref<4x64x64xf32, #tpu.memory_space<hbm>>)
      %mul3A_1236 = arith.constant 16 : i32
      %mul3A_1237 = arith.muli %select_n3A_70, %mul3A_1236 : i32
      %add3A_1238 = arith.addi %mul3A_1237, %mul3A_72 : i32
      %add3A_1239 = arith.constant 0 : i32
      %add3A_1240 = arith.addi %add3A_1238, %add3A_1239 : i32
      %dma_wait3A_1241 = arith.constant 52 : i32
      %dma_wait3A_1242 = arith.constant 0 : i32
      %dma_wait3A_1243 = arith.constant 0 : i32
      %dma_wait3A_1244 = tpu.memref_slice %arg5[%select_n3A_54, %add3A_1240, %dma_wait3A_1241, %dma_wait3A_1242, %dma_wait3A_1243] : memref<2x64x64x64x64xf32, #tpu.memory_space<hbm>> -> memref<1x1x4x64x64xf32, #tpu.memory_space<hbm>>
      %dma_wait3A_1245 = tpu.memref_squeeze %dma_wait3A_1244 : memref<1x1x4x64x64xf32, #tpu.memory_space<hbm>> -> memref<4x64x64xf32, #tpu.memory_space<hbm>>
      %dma_wait3A_1246 = arith.constant 52 : i32
      %dma_wait3A_1247 = arith.constant 0 : i32
      %dma_wait3A_1248 = arith.constant 0 : i32
      %dma_wait3A_1249 = tpu.memref_slice %arg5[%select_n3A_54, %add3A_1240, %dma_wait3A_1246, %dma_wait3A_1247, %dma_wait3A_1248] : memref<2x64x64x64x64xf32, #tpu.memory_space<hbm>> -> memref<1x1x4x64x64xf32, #tpu.memory_space<hbm>>
      %dma_wait3A_1250 = tpu.memref_squeeze %dma_wait3A_1249 : memref<1x1x4x64x64xf32, #tpu.memory_space<hbm>> -> memref<4x64x64xf32, #tpu.memory_space<hbm>>
      tpu.wait_dma2 semaphore(%arg13 : memref<!tpu.dma_semaphore, #tpu.memory_space<semaphore_mem>>) src(%arg7 : memref<4x64x64xf32, #tpu.memory_space<vmem>>) dst(%dma_wait3A_1250 : memref<4x64x64xf32, #tpu.memory_space<hbm>>)
      %mul3A_1251 = arith.constant 16 : i32
      %mul3A_1252 = arith.muli %select_n3A_70, %mul3A_1251 : i32
      %add3A_1253 = arith.addi %mul3A_1252, %mul3A_72 : i32
      %add3A_1254 = arith.constant 0 : i32
      %add3A_1255 = arith.addi %add3A_1253, %add3A_1254 : i32
      %dma_wait3A_1256 = arith.constant 56 : i32
      %dma_wait3A_1257 = arith.constant 0 : i32
      %dma_wait3A_1258 = arith.constant 0 : i32
      %dma_wait3A_1259 = tpu.memref_slice %arg5[%select_n3A_54, %add3A_1255, %dma_wait3A_1256, %dma_wait3A_1257, %dma_wait3A_1258] : memref<2x64x64x64x64xf32, #tpu.memory_space<hbm>> -> memref<1x1x4x64x64xf32, #tpu.memory_space<hbm>>
      %dma_wait3A_1260 = tpu.memref_squeeze %dma_wait3A_1259 : memref<1x1x4x64x64xf32, #tpu.memory_space<hbm>> -> memref<4x64x64xf32, #tpu.memory_space<hbm>>
      %dma_wait3A_1261 = arith.constant 56 : i32
      %dma_wait3A_1262 = arith.constant 0 : i32
      %dma_wait3A_1263 = arith.constant 0 : i32
      %dma_wait3A_1264 = tpu.memref_slice %arg5[%select_n3A_54, %add3A_1255, %dma_wait3A_1261, %dma_wait3A_1262, %dma_wait3A_1263] : memref<2x64x64x64x64xf32, #tpu.memory_space<hbm>> -> memref<1x1x4x64x64xf32, #tpu.memory_space<hbm>>
      %dma_wait3A_1265 = tpu.memref_squeeze %dma_wait3A_1264 : memref<1x1x4x64x64xf32, #tpu.memory_space<hbm>> -> memref<4x64x64xf32, #tpu.memory_space<hbm>>
      tpu.wait_dma2 semaphore(%arg13 : memref<!tpu.dma_semaphore, #tpu.memory_space<semaphore_mem>>) src(%arg7 : memref<4x64x64xf32, #tpu.memory_space<vmem>>) dst(%dma_wait3A_1265 : memref<4x64x64xf32, #tpu.memory_space<hbm>>)
      %mul3A_1266 = arith.constant 16 : i32
      %mul3A_1267 = arith.muli %select_n3A_70, %mul3A_1266 : i32
      %add3A_1268 = arith.addi %mul3A_1267, %mul3A_72 : i32
      %add3A_1269 = arith.constant 0 : i32
      %add3A_1270 = arith.addi %add3A_1268, %add3A_1269 : i32
      %dma_wait3A_1271 = arith.constant 60 : i32
      %dma_wait3A_1272 = arith.constant 0 : i32
      %dma_wait3A_1273 = arith.constant 0 : i32
      %dma_wait3A_1274 = tpu.memref_slice %arg5[%select_n3A_54, %add3A_1270, %dma_wait3A_1271, %dma_wait3A_1272, %dma_wait3A_1273] : memref<2x64x64x64x64xf32, #tpu.memory_space<hbm>> -> memref<1x1x4x64x64xf32, #tpu.memory_space<hbm>>
      %dma_wait3A_1275 = tpu.memref_squeeze %dma_wait3A_1274 : memref<1x1x4x64x64xf32, #tpu.memory_space<hbm>> -> memref<4x64x64xf32, #tpu.memory_space<hbm>>
      %dma_wait3A_1276 = arith.constant 60 : i32
      %dma_wait3A_1277 = arith.constant 0 : i32
      %dma_wait3A_1278 = arith.constant 0 : i32
      %dma_wait3A_1279 = tpu.memref_slice %arg5[%select_n3A_54, %add3A_1270, %dma_wait3A_1276, %dma_wait3A_1277, %dma_wait3A_1278] : memref<2x64x64x64x64xf32, #tpu.memory_space<hbm>> -> memref<1x1x4x64x64xf32, #tpu.memory_space<hbm>>
      %dma_wait3A_1280 = tpu.memref_squeeze %dma_wait3A_1279 : memref<1x1x4x64x64xf32, #tpu.memory_space<hbm>> -> memref<4x64x64xf32, #tpu.memory_space<hbm>>
      tpu.wait_dma2 semaphore(%arg13 : memref<!tpu.dma_semaphore, #tpu.memory_space<semaphore_mem>>) src(%arg7 : memref<4x64x64xf32, #tpu.memory_space<vmem>>) dst(%dma_wait3A_1280 : memref<4x64x64xf32, #tpu.memory_space<hbm>>)
      %mul3A_1281 = arith.constant 16 : i32
      %mul3A_1282 = arith.muli %select_n3A_70, %mul3A_1281 : i32
      %add3A_1283 = arith.addi %mul3A_1282, %mul3A_72 : i32
      %add3A_1284 = arith.constant 1 : i32
      %add3A_1285 = arith.addi %add3A_1283, %add3A_1284 : i32
      %dma_wait3A_1286 = arith.constant 0 : i32
      %dma_wait3A_1287 = arith.constant 0 : i32
      %dma_wait3A_1288 = arith.constant 0 : i32
      %dma_wait3A_1289 = tpu.memref_slice %arg5[%select_n3A_54, %add3A_1285, %dma_wait3A_1286, %dma_wait3A_1287, %dma_wait3A_1288] : memref<2x64x64x64x64xf32, #tpu.memory_space<hbm>> -> memref<1x1x4x64x64xf32, #tpu.memory_space<hbm>>
      %dma_wait3A_1290 = tpu.memref_squeeze %dma_wait3A_1289 : memref<1x1x4x64x64xf32, #tpu.memory_space<hbm>> -> memref<4x64x64xf32, #tpu.memory_space<hbm>>
      %dma_wait3A_1291 = arith.constant 0 : i32
      %dma_wait3A_1292 = arith.constant 0 : i32
      %dma_wait3A_1293 = arith.constant 0 : i32
      %dma_wait3A_1294 = tpu.memref_slice %arg5[%select_n3A_54, %add3A_1285, %dma_wait3A_1291, %dma_wait3A_1292, %dma_wait3A_1293] : memref<2x64x64x64x64xf32, #tpu.memory_space<hbm>> -> memref<1x1x4x64x64xf32, #tpu.memory_space<hbm>>
      %dma_wait3A_1295 = tpu.memref_squeeze %dma_wait3A_1294 : memref<1x1x4x64x64xf32, #tpu.memory_space<hbm>> -> memref<4x64x64xf32, #tpu.memory_space<hbm>>
      tpu.wait_dma2 semaphore(%arg13 : memref<!tpu.dma_semaphore, #tpu.memory_space<semaphore_mem>>) src(%arg7 : memref<4x64x64xf32, #tpu.memory_space<vmem>>) dst(%dma_wait3A_1295 : memref<4x64x64xf32, #tpu.memory_space<hbm>>)
      %mul3A_1296 = arith.constant 16 : i32
      %mul3A_1297 = arith.muli %select_n3A_70, %mul3A_1296 : i32
      %add3A_1298 = arith.addi %mul3A_1297, %mul3A_72 : i32
      %add3A_1299 = arith.constant 1 : i32
      %add3A_1300 = arith.addi %add3A_1298, %add3A_1299 : i32
      %dma_wait3A_1301 = arith.constant 4 : i32
      %dma_wait3A_1302 = arith.constant 0 : i32
      %dma_wait3A_1303 = arith.constant 0 : i32
      %dma_wait3A_1304 = tpu.memref_slice %arg5[%select_n3A_54, %add3A_1300, %dma_wait3A_1301, %dma_wait3A_1302, %dma_wait3A_1303] : memref<2x64x64x64x64xf32, #tpu.memory_space<hbm>> -> memref<1x1x4x64x64xf32, #tpu.memory_space<hbm>>
      %dma_wait3A_1305 = tpu.memref_squeeze %dma_wait3A_1304 : memref<1x1x4x64x64xf32, #tpu.memory_space<hbm>> -> memref<4x64x64xf32, #tpu.memory_space<hbm>>
      %dma_wait3A_1306 = arith.constant 4 : i32
      %dma_wait3A_1307 = arith.constant 0 : i32
      %dma_wait3A_1308 = arith.constant 0 : i32
      %dma_wait3A_1309 = tpu.memref_slice %arg5[%select_n3A_54, %add3A_1300, %dma_wait3A_1306, %dma_wait3A_1307, %dma_wait3A_1308] : memref<2x64x64x64x64xf32, #tpu.memory_space<hbm>> -> memref<1x1x4x64x64xf32, #tpu.memory_space<hbm>>
      %dma_wait3A_1310 = tpu.memref_squeeze %dma_wait3A_1309 : memref<1x1x4x64x64xf32, #tpu.memory_space<hbm>> -> memref<4x64x64xf32, #tpu.memory_space<hbm>>
      tpu.wait_dma2 semaphore(%arg13 : memref<!tpu.dma_semaphore, #tpu.memory_space<semaphore_mem>>) src(%arg7 : memref<4x64x64xf32, #tpu.memory_space<vmem>>) dst(%dma_wait3A_1310 : memref<4x64x64xf32, #tpu.memory_space<hbm>>)
      %mul3A_1311 = arith.constant 16 : i32
      %mul3A_1312 = arith.muli %select_n3A_70, %mul3A_1311 : i32
      %add3A_1313 = arith.addi %mul3A_1312, %mul3A_72 : i32
      %add3A_1314 = arith.constant 1 : i32
      %add3A_1315 = arith.addi %add3A_1313, %add3A_1314 : i32
      %dma_wait3A_1316 = arith.constant 8 : i32
      %dma_wait3A_1317 = arith.constant 0 : i32
      %dma_wait3A_1318 = arith.constant 0 : i32
      %dma_wait3A_1319 = tpu.memref_slice %arg5[%select_n3A_54, %add3A_1315, %dma_wait3A_1316, %dma_wait3A_1317, %dma_wait3A_1318] : memref<2x64x64x64x64xf32, #tpu.memory_space<hbm>> -> memref<1x1x4x64x64xf32, #tpu.memory_space<hbm>>
      %dma_wait3A_1320 = tpu.memref_squeeze %dma_wait3A_1319 : memref<1x1x4x64x64xf32, #tpu.memory_space<hbm>> -> memref<4x64x64xf32, #tpu.memory_space<hbm>>
      %dma_wait3A_1321 = arith.constant 8 : i32
      %dma_wait3A_1322 = arith.constant 0 : i32
      %dma_wait3A_1323 = arith.constant 0 : i32
      %dma_wait3A_1324 = tpu.memref_slice %arg5[%select_n3A_54, %add3A_1315, %dma_wait3A_1321, %dma_wait3A_1322, %dma_wait3A_1323] : memref<2x64x64x64x64xf32, #tpu.memory_space<hbm>> -> memref<1x1x4x64x64xf32, #tpu.memory_space<hbm>>
      %dma_wait3A_1325 = tpu.memref_squeeze %dma_wait3A_1324 : memref<1x1x4x64x64xf32, #tpu.memory_space<hbm>> -> memref<4x64x64xf32, #tpu.memory_space<hbm>>
      tpu.wait_dma2 semaphore(%arg13 : memref<!tpu.dma_semaphore, #tpu.memory_space<semaphore_mem>>) src(%arg7 : memref<4x64x64xf32, #tpu.memory_space<vmem>>) dst(%dma_wait3A_1325 : memref<4x64x64xf32, #tpu.memory_space<hbm>>)
      %mul3A_1326 = arith.constant 16 : i32
      %mul3A_1327 = arith.muli %select_n3A_70, %mul3A_1326 : i32
      %add3A_1328 = arith.addi %mul3A_1327, %mul3A_72 : i32
      %add3A_1329 = arith.constant 1 : i32
      %add3A_1330 = arith.addi %add3A_1328, %add3A_1329 : i32
      %dma_wait3A_1331 = arith.constant 12 : i32
      %dma_wait3A_1332 = arith.constant 0 : i32
      %dma_wait3A_1333 = arith.constant 0 : i32
      %dma_wait3A_1334 = tpu.memref_slice %arg5[%select_n3A_54, %add3A_1330, %dma_wait3A_1331, %dma_wait3A_1332, %dma_wait3A_1333] : memref<2x64x64x64x64xf32, #tpu.memory_space<hbm>> -> memref<1x1x4x64x64xf32, #tpu.memory_space<hbm>>
      %dma_wait3A_1335 = tpu.memref_squeeze %dma_wait3A_1334 : memref<1x1x4x64x64xf32, #tpu.memory_space<hbm>> -> memref<4x64x64xf32, #tpu.memory_space<hbm>>
      %dma_wait3A_1336 = arith.constant 12 : i32
      %dma_wait3A_1337 = arith.constant 0 : i32
      %dma_wait3A_1338 = arith.constant 0 : i32
      %dma_wait3A_1339 = tpu.memref_slice %arg5[%select_n3A_54, %add3A_1330, %dma_wait3A_1336, %dma_wait3A_1337, %dma_wait3A_1338] : memref<2x64x64x64x64xf32, #tpu.memory_space<hbm>> -> memref<1x1x4x64x64xf32, #tpu.memory_space<hbm>>
      %dma_wait3A_1340 = tpu.memref_squeeze %dma_wait3A_1339 : memref<1x1x4x64x64xf32, #tpu.memory_space<hbm>> -> memref<4x64x64xf32, #tpu.memory_space<hbm>>
      tpu.wait_dma2 semaphore(%arg13 : memref<!tpu.dma_semaphore, #tpu.memory_space<semaphore_mem>>) src(%arg7 : memref<4x64x64xf32, #tpu.memory_space<vmem>>) dst(%dma_wait3A_1340 : memref<4x64x64xf32, #tpu.memory_space<hbm>>)
      %mul3A_1341 = arith.constant 16 : i32
      %mul3A_1342 = arith.muli %select_n3A_70, %mul3A_1341 : i32
      %add3A_1343 = arith.addi %mul3A_1342, %mul3A_72 : i32
      %add3A_1344 = arith.constant 1 : i32
      %add3A_1345 = arith.addi %add3A_1343, %add3A_1344 : i32
      %dma_wait3A_1346 = arith.constant 16 : i32
      %dma_wait3A_1347 = arith.constant 0 : i32
      %dma_wait3A_1348 = arith.constant 0 : i32
      %dma_wait3A_1349 = tpu.memref_slice %arg5[%select_n3A_54, %add3A_1345, %dma_wait3A_1346, %dma_wait3A_1347, %dma_wait3A_1348] : memref<2x64x64x64x64xf32, #tpu.memory_space<hbm>> -> memref<1x1x4x64x64xf32, #tpu.memory_space<hbm>>
      %dma_wait3A_1350 = tpu.memref_squeeze %dma_wait3A_1349 : memref<1x1x4x64x64xf32, #tpu.memory_space<hbm>> -> memref<4x64x64xf32, #tpu.memory_space<hbm>>
      %dma_wait3A_1351 = arith.constant 16 : i32
      %dma_wait3A_1352 = arith.constant 0 : i32
      %dma_wait3A_1353 = arith.constant 0 : i32
      %dma_wait3A_1354 = tpu.memref_slice %arg5[%select_n3A_54, %add3A_1345, %dma_wait3A_1351, %dma_wait3A_1352, %dma_wait3A_1353] : memref<2x64x64x64x64xf32, #tpu.memory_space<hbm>> -> memref<1x1x4x64x64xf32, #tpu.memory_space<hbm>>
      %dma_wait3A_1355 = tpu.memref_squeeze %dma_wait3A_1354 : memref<1x1x4x64x64xf32, #tpu.memory_space<hbm>> -> memref<4x64x64xf32, #tpu.memory_space<hbm>>
      tpu.wait_dma2 semaphore(%arg13 : memref<!tpu.dma_semaphore, #tpu.memory_space<semaphore_mem>>) src(%arg7 : memref<4x64x64xf32, #tpu.memory_space<vmem>>) dst(%dma_wait3A_1355 : memref<4x64x64xf32, #tpu.memory_space<hbm>>)
      %mul3A_1356 = arith.constant 16 : i32
      %mul3A_1357 = arith.muli %select_n3A_70, %mul3A_1356 : i32
      %add3A_1358 = arith.addi %mul3A_1357, %mul3A_72 : i32
      %add3A_1359 = arith.constant 1 : i32
      %add3A_1360 = arith.addi %add3A_1358, %add3A_1359 : i32
      %dma_wait3A_1361 = arith.constant 20 : i32
      %dma_wait3A_1362 = arith.constant 0 : i32
      %dma_wait3A_1363 = arith.constant 0 : i32
      %dma_wait3A_1364 = tpu.memref_slice %arg5[%select_n3A_54, %add3A_1360, %dma_wait3A_1361, %dma_wait3A_1362, %dma_wait3A_1363] : memref<2x64x64x64x64xf32, #tpu.memory_space<hbm>> -> memref<1x1x4x64x64xf32, #tpu.memory_space<hbm>>
      %dma_wait3A_1365 = tpu.memref_squeeze %dma_wait3A_1364 : memref<1x1x4x64x64xf32, #tpu.memory_space<hbm>> -> memref<4x64x64xf32, #tpu.memory_space<hbm>>
      %dma_wait3A_1366 = arith.constant 20 : i32
      %dma_wait3A_1367 = arith.constant 0 : i32
      %dma_wait3A_1368 = arith.constant 0 : i32
      %dma_wait3A_1369 = tpu.memref_slice %arg5[%select_n3A_54, %add3A_1360, %dma_wait3A_1366, %dma_wait3A_1367, %dma_wait3A_1368] : memref<2x64x64x64x64xf32, #tpu.memory_space<hbm>> -> memref<1x1x4x64x64xf32, #tpu.memory_space<hbm>>
      %dma_wait3A_1370 = tpu.memref_squeeze %dma_wait3A_1369 : memref<1x1x4x64x64xf32, #tpu.memory_space<hbm>> -> memref<4x64x64xf32, #tpu.memory_space<hbm>>
      tpu.wait_dma2 semaphore(%arg13 : memref<!tpu.dma_semaphore, #tpu.memory_space<semaphore_mem>>) src(%arg7 : memref<4x64x64xf32, #tpu.memory_space<vmem>>) dst(%dma_wait3A_1370 : memref<4x64x64xf32, #tpu.memory_space<hbm>>)
      %mul3A_1371 = arith.constant 16 : i32
      %mul3A_1372 = arith.muli %select_n3A_70, %mul3A_1371 : i32
      %add3A_1373 = arith.addi %mul3A_1372, %mul3A_72 : i32
      %add3A_1374 = arith.constant 1 : i32
      %add3A_1375 = arith.addi %add3A_1373, %add3A_1374 : i32
      %dma_wait3A_1376 = arith.constant 24 : i32
      %dma_wait3A_1377 = arith.constant 0 : i32
      %dma_wait3A_1378 = arith.constant 0 : i32
      %dma_wait3A_1379 = tpu.memref_slice %arg5[%select_n3A_54, %add3A_1375, %dma_wait3A_1376, %dma_wait3A_1377, %dma_wait3A_1378] : memref<2x64x64x64x64xf32, #tpu.memory_space<hbm>> -> memref<1x1x4x64x64xf32, #tpu.memory_space<hbm>>
      %dma_wait3A_1380 = tpu.memref_squeeze %dma_wait3A_1379 : memref<1x1x4x64x64xf32, #tpu.memory_space<hbm>> -> memref<4x64x64xf32, #tpu.memory_space<hbm>>
      %dma_wait3A_1381 = arith.constant 24 : i32
      %dma_wait3A_1382 = arith.constant 0 : i32
      %dma_wait3A_1383 = arith.constant 0 : i32
      %dma_wait3A_1384 = tpu.memref_slice %arg5[%select_n3A_54, %add3A_1375, %dma_wait3A_1381, %dma_wait3A_1382, %dma_wait3A_1383] : memref<2x64x64x64x64xf32, #tpu.memory_space<hbm>> -> memref<1x1x4x64x64xf32, #tpu.memory_space<hbm>>
      %dma_wait3A_1385 = tpu.memref_squeeze %dma_wait3A_1384 : memref<1x1x4x64x64xf32, #tpu.memory_space<hbm>> -> memref<4x64x64xf32, #tpu.memory_space<hbm>>
      tpu.wait_dma2 semaphore(%arg13 : memref<!tpu.dma_semaphore, #tpu.memory_space<semaphore_mem>>) src(%arg7 : memref<4x64x64xf32, #tpu.memory_space<vmem>>) dst(%dma_wait3A_1385 : memref<4x64x64xf32, #tpu.memory_space<hbm>>)
      %mul3A_1386 = arith.constant 16 : i32
      %mul3A_1387 = arith.muli %select_n3A_70, %mul3A_1386 : i32
      %add3A_1388 = arith.addi %mul3A_1387, %mul3A_72 : i32
      %add3A_1389 = arith.constant 1 : i32
      %add3A_1390 = arith.addi %add3A_1388, %add3A_1389 : i32
      %dma_wait3A_1391 = arith.constant 28 : i32
      %dma_wait3A_1392 = arith.constant 0 : i32
      %dma_wait3A_1393 = arith.constant 0 : i32
      %dma_wait3A_1394 = tpu.memref_slice %arg5[%select_n3A_54, %add3A_1390, %dma_wait3A_1391, %dma_wait3A_1392, %dma_wait3A_1393] : memref<2x64x64x64x64xf32, #tpu.memory_space<hbm>> -> memref<1x1x4x64x64xf32, #tpu.memory_space<hbm>>
      %dma_wait3A_1395 = tpu.memref_squeeze %dma_wait3A_1394 : memref<1x1x4x64x64xf32, #tpu.memory_space<hbm>> -> memref<4x64x64xf32, #tpu.memory_space<hbm>>
      %dma_wait3A_1396 = arith.constant 28 : i32
      %dma_wait3A_1397 = arith.constant 0 : i32
      %dma_wait3A_1398 = arith.constant 0 : i32
      %dma_wait3A_1399 = tpu.memref_slice %arg5[%select_n3A_54, %add3A_1390, %dma_wait3A_1396, %dma_wait3A_1397, %dma_wait3A_1398] : memref<2x64x64x64x64xf32, #tpu.memory_space<hbm>> -> memref<1x1x4x64x64xf32, #tpu.memory_space<hbm>>
      %dma_wait3A_1400 = tpu.memref_squeeze %dma_wait3A_1399 : memref<1x1x4x64x64xf32, #tpu.memory_space<hbm>> -> memref<4x64x64xf32, #tpu.memory_space<hbm>>
      tpu.wait_dma2 semaphore(%arg13 : memref<!tpu.dma_semaphore, #tpu.memory_space<semaphore_mem>>) src(%arg7 : memref<4x64x64xf32, #tpu.memory_space<vmem>>) dst(%dma_wait3A_1400 : memref<4x64x64xf32, #tpu.memory_space<hbm>>)
      %mul3A_1401 = arith.constant 16 : i32
      %mul3A_1402 = arith.muli %select_n3A_70, %mul3A_1401 : i32
      %add3A_1403 = arith.addi %mul3A_1402, %mul3A_72 : i32
      %add3A_1404 = arith.constant 1 : i32
      %add3A_1405 = arith.addi %add3A_1403, %add3A_1404 : i32
      %dma_wait3A_1406 = arith.constant 32 : i32
      %dma_wait3A_1407 = arith.constant 0 : i32
      %dma_wait3A_1408 = arith.constant 0 : i32
      %dma_wait3A_1409 = tpu.memref_slice %arg5[%select_n3A_54, %add3A_1405, %dma_wait3A_1406, %dma_wait3A_1407, %dma_wait3A_1408] : memref<2x64x64x64x64xf32, #tpu.memory_space<hbm>> -> memref<1x1x4x64x64xf32, #tpu.memory_space<hbm>>
      %dma_wait3A_1410 = tpu.memref_squeeze %dma_wait3A_1409 : memref<1x1x4x64x64xf32, #tpu.memory_space<hbm>> -> memref<4x64x64xf32, #tpu.memory_space<hbm>>
      %dma_wait3A_1411 = arith.constant 32 : i32
      %dma_wait3A_1412 = arith.constant 0 : i32
      %dma_wait3A_1413 = arith.constant 0 : i32
      %dma_wait3A_1414 = tpu.memref_slice %arg5[%select_n3A_54, %add3A_1405, %dma_wait3A_1411, %dma_wait3A_1412, %dma_wait3A_1413] : memref<2x64x64x64x64xf32, #tpu.memory_space<hbm>> -> memref<1x1x4x64x64xf32, #tpu.memory_space<hbm>>
      %dma_wait3A_1415 = tpu.memref_squeeze %dma_wait3A_1414 : memref<1x1x4x64x64xf32, #tpu.memory_space<hbm>> -> memref<4x64x64xf32, #tpu.memory_space<hbm>>
      tpu.wait_dma2 semaphore(%arg13 : memref<!tpu.dma_semaphore, #tpu.memory_space<semaphore_mem>>) src(%arg7 : memref<4x64x64xf32, #tpu.memory_space<vmem>>) dst(%dma_wait3A_1415 : memref<4x64x64xf32, #tpu.memory_space<hbm>>)
      %mul3A_1416 = arith.constant 16 : i32
      %mul3A_1417 = arith.muli %select_n3A_70, %mul3A_1416 : i32
      %add3A_1418 = arith.addi %mul3A_1417, %mul3A_72 : i32
      %add3A_1419 = arith.constant 1 : i32
      %add3A_1420 = arith.addi %add3A_1418, %add3A_1419 : i32
      %dma_wait3A_1421 = arith.constant 36 : i32
      %dma_wait3A_1422 = arith.constant 0 : i32
      %dma_wait3A_1423 = arith.constant 0 : i32
      %dma_wait3A_1424 = tpu.memref_slice %arg5[%select_n3A_54, %add3A_1420, %dma_wait3A_1421, %dma_wait3A_1422, %dma_wait3A_1423] : memref<2x64x64x64x64xf32, #tpu.memory_space<hbm>> -> memref<1x1x4x64x64xf32, #tpu.memory_space<hbm>>
      %dma_wait3A_1425 = tpu.memref_squeeze %dma_wait3A_1424 : memref<1x1x4x64x64xf32, #tpu.memory_space<hbm>> -> memref<4x64x64xf32, #tpu.memory_space<hbm>>
      %dma_wait3A_1426 = arith.constant 36 : i32
      %dma_wait3A_1427 = arith.constant 0 : i32
      %dma_wait3A_1428 = arith.constant 0 : i32
      %dma_wait3A_1429 = tpu.memref_slice %arg5[%select_n3A_54, %add3A_1420, %dma_wait3A_1426, %dma_wait3A_1427, %dma_wait3A_1428] : memref<2x64x64x64x64xf32, #tpu.memory_space<hbm>> -> memref<1x1x4x64x64xf32, #tpu.memory_space<hbm>>
      %dma_wait3A_1430 = tpu.memref_squeeze %dma_wait3A_1429 : memref<1x1x4x64x64xf32, #tpu.memory_space<hbm>> -> memref<4x64x64xf32, #tpu.memory_space<hbm>>
      tpu.wait_dma2 semaphore(%arg13 : memref<!tpu.dma_semaphore, #tpu.memory_space<semaphore_mem>>) src(%arg7 : memref<4x64x64xf32, #tpu.memory_space<vmem>>) dst(%dma_wait3A_1430 : memref<4x64x64xf32, #tpu.memory_space<hbm>>)
      %mul3A_1431 = arith.constant 16 : i32
      %mul3A_1432 = arith.muli %select_n3A_70, %mul3A_1431 : i32
      %add3A_1433 = arith.addi %mul3A_1432, %mul3A_72 : i32
      %add3A_1434 = arith.constant 1 : i32
      %add3A_1435 = arith.addi %add3A_1433, %add3A_1434 : i32
      %dma_wait3A_1436 = arith.constant 40 : i32
      %dma_wait3A_1437 = arith.constant 0 : i32
      %dma_wait3A_1438 = arith.constant 0 : i32
      %dma_wait3A_1439 = tpu.memref_slice %arg5[%select_n3A_54, %add3A_1435, %dma_wait3A_1436, %dma_wait3A_1437, %dma_wait3A_1438] : memref<2x64x64x64x64xf32, #tpu.memory_space<hbm>> -> memref<1x1x4x64x64xf32, #tpu.memory_space<hbm>>
      %dma_wait3A_1440 = tpu.memref_squeeze %dma_wait3A_1439 : memref<1x1x4x64x64xf32, #tpu.memory_space<hbm>> -> memref<4x64x64xf32, #tpu.memory_space<hbm>>
      %dma_wait3A_1441 = arith.constant 40 : i32
      %dma_wait3A_1442 = arith.constant 0 : i32
      %dma_wait3A_1443 = arith.constant 0 : i32
      %dma_wait3A_1444 = tpu.memref_slice %arg5[%select_n3A_54, %add3A_1435, %dma_wait3A_1441, %dma_wait3A_1442, %dma_wait3A_1443] : memref<2x64x64x64x64xf32, #tpu.memory_space<hbm>> -> memref<1x1x4x64x64xf32, #tpu.memory_space<hbm>>
      %dma_wait3A_1445 = tpu.memref_squeeze %dma_wait3A_1444 : memref<1x1x4x64x64xf32, #tpu.memory_space<hbm>> -> memref<4x64x64xf32, #tpu.memory_space<hbm>>
      tpu.wait_dma2 semaphore(%arg13 : memref<!tpu.dma_semaphore, #tpu.memory_space<semaphore_mem>>) src(%arg7 : memref<4x64x64xf32, #tpu.memory_space<vmem>>) dst(%dma_wait3A_1445 : memref<4x64x64xf32, #tpu.memory_space<hbm>>)
      %mul3A_1446 = arith.constant 16 : i32
      %mul3A_1447 = arith.muli %select_n3A_70, %mul3A_1446 : i32
      %add3A_1448 = arith.addi %mul3A_1447, %mul3A_72 : i32
      %add3A_1449 = arith.constant 1 : i32
      %add3A_1450 = arith.addi %add3A_1448, %add3A_1449 : i32
      %dma_wait3A_1451 = arith.constant 44 : i32
      %dma_wait3A_1452 = arith.constant 0 : i32
      %dma_wait3A_1453 = arith.constant 0 : i32
      %dma_wait3A_1454 = tpu.memref_slice %arg5[%select_n3A_54, %add3A_1450, %dma_wait3A_1451, %dma_wait3A_1452, %dma_wait3A_1453] : memref<2x64x64x64x64xf32, #tpu.memory_space<hbm>> -> memref<1x1x4x64x64xf32, #tpu.memory_space<hbm>>
      %dma_wait3A_1455 = tpu.memref_squeeze %dma_wait3A_1454 : memref<1x1x4x64x64xf32, #tpu.memory_space<hbm>> -> memref<4x64x64xf32, #tpu.memory_space<hbm>>
      %dma_wait3A_1456 = arith.constant 44 : i32
      %dma_wait3A_1457 = arith.constant 0 : i32
      %dma_wait3A_1458 = arith.constant 0 : i32
      %dma_wait3A_1459 = tpu.memref_slice %arg5[%select_n3A_54, %add3A_1450, %dma_wait3A_1456, %dma_wait3A_1457, %dma_wait3A_1458] : memref<2x64x64x64x64xf32, #tpu.memory_space<hbm>> -> memref<1x1x4x64x64xf32, #tpu.memory_space<hbm>>
      %dma_wait3A_1460 = tpu.memref_squeeze %dma_wait3A_1459 : memref<1x1x4x64x64xf32, #tpu.memory_space<hbm>> -> memref<4x64x64xf32, #tpu.memory_space<hbm>>
      tpu.wait_dma2 semaphore(%arg13 : memref<!tpu.dma_semaphore, #tpu.memory_space<semaphore_mem>>) src(%arg7 : memref<4x64x64xf32, #tpu.memory_space<vmem>>) dst(%dma_wait3A_1460 : memref<4x64x64xf32, #tpu.memory_space<hbm>>)
      %mul3A_1461 = arith.constant 16 : i32
      %mul3A_1462 = arith.muli %select_n3A_70, %mul3A_1461 : i32
      %add3A_1463 = arith.addi %mul3A_1462, %mul3A_72 : i32
      %add3A_1464 = arith.constant 1 : i32
      %add3A_1465 = arith.addi %add3A_1463, %add3A_1464 : i32
      %dma_wait3A_1466 = arith.constant 48 : i32
      %dma_wait3A_1467 = arith.constant 0 : i32
      %dma_wait3A_1468 = arith.constant 0 : i32
      %dma_wait3A_1469 = tpu.memref_slice %arg5[%select_n3A_54, %add3A_1465, %dma_wait3A_1466, %dma_wait3A_1467, %dma_wait3A_1468] : memref<2x64x64x64x64xf32, #tpu.memory_space<hbm>> -> memref<1x1x4x64x64xf32, #tpu.memory_space<hbm>>
      %dma_wait3A_1470 = tpu.memref_squeeze %dma_wait3A_1469 : memref<1x1x4x64x64xf32, #tpu.memory_space<hbm>> -> memref<4x64x64xf32, #tpu.memory_space<hbm>>
      %dma_wait3A_1471 = arith.constant 48 : i32
      %dma_wait3A_1472 = arith.constant 0 : i32
      %dma_wait3A_1473 = arith.constant 0 : i32
      %dma_wait3A_1474 = tpu.memref_slice %arg5[%select_n3A_54, %add3A_1465, %dma_wait3A_1471, %dma_wait3A_1472, %dma_wait3A_1473] : memref<2x64x64x64x64xf32, #tpu.memory_space<hbm>> -> memref<1x1x4x64x64xf32, #tpu.memory_space<hbm>>
      %dma_wait3A_1475 = tpu.memref_squeeze %dma_wait3A_1474 : memref<1x1x4x64x64xf32, #tpu.memory_space<hbm>> -> memref<4x64x64xf32, #tpu.memory_space<hbm>>
      tpu.wait_dma2 semaphore(%arg13 : memref<!tpu.dma_semaphore, #tpu.memory_space<semaphore_mem>>) src(%arg7 : memref<4x64x64xf32, #tpu.memory_space<vmem>>) dst(%dma_wait3A_1475 : memref<4x64x64xf32, #tpu.memory_space<hbm>>)
      %mul3A_1476 = arith.constant 16 : i32
      %mul3A_1477 = arith.muli %select_n3A_70, %mul3A_1476 : i32
      %add3A_1478 = arith.addi %mul3A_1477, %mul3A_72 : i32
      %add3A_1479 = arith.constant 1 : i32
      %add3A_1480 = arith.addi %add3A_1478, %add3A_1479 : i32
      %dma_wait3A_1481 = arith.constant 52 : i32
      %dma_wait3A_1482 = arith.constant 0 : i32
      %dma_wait3A_1483 = arith.constant 0 : i32
      %dma_wait3A_1484 = tpu.memref_slice %arg5[%select_n3A_54, %add3A_1480, %dma_wait3A_1481, %dma_wait3A_1482, %dma_wait3A_1483] : memref<2x64x64x64x64xf32, #tpu.memory_space<hbm>> -> memref<1x1x4x64x64xf32, #tpu.memory_space<hbm>>
      %dma_wait3A_1485 = tpu.memref_squeeze %dma_wait3A_1484 : memref<1x1x4x64x64xf32, #tpu.memory_space<hbm>> -> memref<4x64x64xf32, #tpu.memory_space<hbm>>
      %dma_wait3A_1486 = arith.constant 52 : i32
      %dma_wait3A_1487 = arith.constant 0 : i32
      %dma_wait3A_1488 = arith.constant 0 : i32
      %dma_wait3A_1489 = tpu.memref_slice %arg5[%select_n3A_54, %add3A_1480, %dma_wait3A_1486, %dma_wait3A_1487, %dma_wait3A_1488] : memref<2x64x64x64x64xf32, #tpu.memory_space<hbm>> -> memref<1x1x4x64x64xf32, #tpu.memory_space<hbm>>
      %dma_wait3A_1490 = tpu.memref_squeeze %dma_wait3A_1489 : memref<1x1x4x64x64xf32, #tpu.memory_space<hbm>> -> memref<4x64x64xf32, #tpu.memory_space<hbm>>
      tpu.wait_dma2 semaphore(%arg13 : memref<!tpu.dma_semaphore, #tpu.memory_space<semaphore_mem>>) src(%arg7 : memref<4x64x64xf32, #tpu.memory_space<vmem>>) dst(%dma_wait3A_1490 : memref<4x64x64xf32, #tpu.memory_space<hbm>>)
      %mul3A_1491 = arith.constant 16 : i32
      %mul3A_1492 = arith.muli %select_n3A_70, %mul3A_1491 : i32
      %add3A_1493 = arith.addi %mul3A_1492, %mul3A_72 : i32
      %add3A_1494 = arith.constant 1 : i32
      %add3A_1495 = arith.addi %add3A_1493, %add3A_1494 : i32
      %dma_wait3A_1496 = arith.constant 56 : i32
      %dma_wait3A_1497 = arith.constant 0 : i32
      %dma_wait3A_1498 = arith.constant 0 : i32
      %dma_wait3A_1499 = tpu.memref_slice %arg5[%select_n3A_54, %add3A_1495, %dma_wait3A_1496, %dma_wait3A_1497, %dma_wait3A_1498] : memref<2x64x64x64x64xf32, #tpu.memory_space<hbm>> -> memref<1x1x4x64x64xf32, #tpu.memory_space<hbm>>
      %dma_wait3A_1500 = tpu.memref_squeeze %dma_wait3A_1499 : memref<1x1x4x64x64xf32, #tpu.memory_space<hbm>> -> memref<4x64x64xf32, #tpu.memory_space<hbm>>
      %dma_wait3A_1501 = arith.constant 56 : i32
      %dma_wait3A_1502 = arith.constant 0 : i32
      %dma_wait3A_1503 = arith.constant 0 : i32
      %dma_wait3A_1504 = tpu.memref_slice %arg5[%select_n3A_54, %add3A_1495, %dma_wait3A_1501, %dma_wait3A_1502, %dma_wait3A_1503] : memref<2x64x64x64x64xf32, #tpu.memory_space<hbm>> -> memref<1x1x4x64x64xf32, #tpu.memory_space<hbm>>
      %dma_wait3A_1505 = tpu.memref_squeeze %dma_wait3A_1504 : memref<1x1x4x64x64xf32, #tpu.memory_space<hbm>> -> memref<4x64x64xf32, #tpu.memory_space<hbm>>
      tpu.wait_dma2 semaphore(%arg13 : memref<!tpu.dma_semaphore, #tpu.memory_space<semaphore_mem>>) src(%arg7 : memref<4x64x64xf32, #tpu.memory_space<vmem>>) dst(%dma_wait3A_1505 : memref<4x64x64xf32, #tpu.memory_space<hbm>>)
      %mul3A_1506 = arith.constant 16 : i32
      %mul3A_1507 = arith.muli %select_n3A_70, %mul3A_1506 : i32
      %add3A_1508 = arith.addi %mul3A_1507, %mul3A_72 : i32
      %add3A_1509 = arith.constant 1 : i32
      %add3A_1510 = arith.addi %add3A_1508, %add3A_1509 : i32
      %dma_wait3A_1511 = arith.constant 60 : i32
      %dma_wait3A_1512 = arith.constant 0 : i32
      %dma_wait3A_1513 = arith.constant 0 : i32
      %dma_wait3A_1514 = tpu.memref_slice %arg5[%select_n3A_54, %add3A_1510, %dma_wait3A_1511, %dma_wait3A_1512, %dma_wait3A_1513] : memref<2x64x64x64x64xf32, #tpu.memory_space<hbm>> -> memref<1x1x4x64x64xf32, #tpu.memory_space<hbm>>
      %dma_wait3A_1515 = tpu.memref_squeeze %dma_wait3A_1514 : memref<1x1x4x64x64xf32, #tpu.memory_space<hbm>> -> memref<4x64x64xf32, #tpu.memory_space<hbm>>
      %dma_wait3A_1516 = arith.constant 60 : i32
      %dma_wait3A_1517 = arith.constant 0 : i32
      %dma_wait3A_1518 = arith.constant 0 : i32
      %dma_wait3A_1519 = tpu.memref_slice %arg5[%select_n3A_54, %add3A_1510, %dma_wait3A_1516, %dma_wait3A_1517, %dma_wait3A_1518] : memref<2x64x64x64x64xf32, #tpu.memory_space<hbm>> -> memref<1x1x4x64x64xf32, #tpu.memory_space<hbm>>
      %dma_wait3A_1520 = tpu.memref_squeeze %dma_wait3A_1519 : memref<1x1x4x64x64xf32, #tpu.memory_space<hbm>> -> memref<4x64x64xf32, #tpu.memory_space<hbm>>
      tpu.wait_dma2 semaphore(%arg13 : memref<!tpu.dma_semaphore, #tpu.memory_space<semaphore_mem>>) src(%arg7 : memref<4x64x64xf32, #tpu.memory_space<vmem>>) dst(%dma_wait3A_1520 : memref<4x64x64xf32, #tpu.memory_space<hbm>>)
      %mul3A_1521 = arith.constant 16 : i32
      %mul3A_1522 = arith.muli %select_n3A_70, %mul3A_1521 : i32
      %add3A_1523 = arith.addi %mul3A_1522, %mul3A_72 : i32
      %add3A_1524 = arith.constant 2 : i32
      %add3A_1525 = arith.addi %add3A_1523, %add3A_1524 : i32
      %dma_wait3A_1526 = arith.constant 0 : i32
      %dma_wait3A_1527 = arith.constant 0 : i32
      %dma_wait3A_1528 = arith.constant 0 : i32
      %dma_wait3A_1529 = tpu.memref_slice %arg5[%select_n3A_54, %add3A_1525, %dma_wait3A_1526, %dma_wait3A_1527, %dma_wait3A_1528] : memref<2x64x64x64x64xf32, #tpu.memory_space<hbm>> -> memref<1x1x4x64x64xf32, #tpu.memory_space<hbm>>
      %dma_wait3A_1530 = tpu.memref_squeeze %dma_wait3A_1529 : memref<1x1x4x64x64xf32, #tpu.memory_space<hbm>> -> memref<4x64x64xf32, #tpu.memory_space<hbm>>
      %dma_wait3A_1531 = arith.constant 0 : i32
      %dma_wait3A_1532 = arith.constant 0 : i32
      %dma_wait3A_1533 = arith.constant 0 : i32
      %dma_wait3A_1534 = tpu.memref_slice %arg5[%select_n3A_54, %add3A_1525, %dma_wait3A_1531, %dma_wait3A_1532, %dma_wait3A_1533] : memref<2x64x64x64x64xf32, #tpu.memory_space<hbm>> -> memref<1x1x4x64x64xf32, #tpu.memory_space<hbm>>
      %dma_wait3A_1535 = tpu.memref_squeeze %dma_wait3A_1534 : memref<1x1x4x64x64xf32, #tpu.memory_space<hbm>> -> memref<4x64x64xf32, #tpu.memory_space<hbm>>
      tpu.wait_dma2 semaphore(%arg13 : memref<!tpu.dma_semaphore, #tpu.memory_space<semaphore_mem>>) src(%arg7 : memref<4x64x64xf32, #tpu.memory_space<vmem>>) dst(%dma_wait3A_1535 : memref<4x64x64xf32, #tpu.memory_space<hbm>>)
      %mul3A_1536 = arith.constant 16 : i32
      %mul3A_1537 = arith.muli %select_n3A_70, %mul3A_1536 : i32
      %add3A_1538 = arith.addi %mul3A_1537, %mul3A_72 : i32
      %add3A_1539 = arith.constant 2 : i32
      %add3A_1540 = arith.addi %add3A_1538, %add3A_1539 : i32
      %dma_wait3A_1541 = arith.constant 4 : i32
      %dma_wait3A_1542 = arith.constant 0 : i32
      %dma_wait3A_1543 = arith.constant 0 : i32
      %dma_wait3A_1544 = tpu.memref_slice %arg5[%select_n3A_54, %add3A_1540, %dma_wait3A_1541, %dma_wait3A_1542, %dma_wait3A_1543] : memref<2x64x64x64x64xf32, #tpu.memory_space<hbm>> -> memref<1x1x4x64x64xf32, #tpu.memory_space<hbm>>
      %dma_wait3A_1545 = tpu.memref_squeeze %dma_wait3A_1544 : memref<1x1x4x64x64xf32, #tpu.memory_space<hbm>> -> memref<4x64x64xf32, #tpu.memory_space<hbm>>
      %dma_wait3A_1546 = arith.constant 4 : i32
      %dma_wait3A_1547 = arith.constant 0 : i32
      %dma_wait3A_1548 = arith.constant 0 : i32
      %dma_wait3A_1549 = tpu.memref_slice %arg5[%select_n3A_54, %add3A_1540, %dma_wait3A_1546, %dma_wait3A_1547, %dma_wait3A_1548] : memref<2x64x64x64x64xf32, #tpu.memory_space<hbm>> -> memref<1x1x4x64x64xf32, #tpu.memory_space<hbm>>
      %dma_wait3A_1550 = tpu.memref_squeeze %dma_wait3A_1549 : memref<1x1x4x64x64xf32, #tpu.memory_space<hbm>> -> memref<4x64x64xf32, #tpu.memory_space<hbm>>
      tpu.wait_dma2 semaphore(%arg13 : memref<!tpu.dma_semaphore, #tpu.memory_space<semaphore_mem>>) src(%arg7 : memref<4x64x64xf32, #tpu.memory_space<vmem>>) dst(%dma_wait3A_1550 : memref<4x64x64xf32, #tpu.memory_space<hbm>>)
      %mul3A_1551 = arith.constant 16 : i32
      %mul3A_1552 = arith.muli %select_n3A_70, %mul3A_1551 : i32
      %add3A_1553 = arith.addi %mul3A_1552, %mul3A_72 : i32
      %add3A_1554 = arith.constant 2 : i32
      %add3A_1555 = arith.addi %add3A_1553, %add3A_1554 : i32
      %dma_wait3A_1556 = arith.constant 8 : i32
      %dma_wait3A_1557 = arith.constant 0 : i32
      %dma_wait3A_1558 = arith.constant 0 : i32
      %dma_wait3A_1559 = tpu.memref_slice %arg5[%select_n3A_54, %add3A_1555, %dma_wait3A_1556, %dma_wait3A_1557, %dma_wait3A_1558] : memref<2x64x64x64x64xf32, #tpu.memory_space<hbm>> -> memref<1x1x4x64x64xf32, #tpu.memory_space<hbm>>
      %dma_wait3A_1560 = tpu.memref_squeeze %dma_wait3A_1559 : memref<1x1x4x64x64xf32, #tpu.memory_space<hbm>> -> memref<4x64x64xf32, #tpu.memory_space<hbm>>
      %dma_wait3A_1561 = arith.constant 8 : i32
      %dma_wait3A_1562 = arith.constant 0 : i32
      %dma_wait3A_1563 = arith.constant 0 : i32
      %dma_wait3A_1564 = tpu.memref_slice %arg5[%select_n3A_54, %add3A_1555, %dma_wait3A_1561, %dma_wait3A_1562, %dma_wait3A_1563] : memref<2x64x64x64x64xf32, #tpu.memory_space<hbm>> -> memref<1x1x4x64x64xf32, #tpu.memory_space<hbm>>
      %dma_wait3A_1565 = tpu.memref_squeeze %dma_wait3A_1564 : memref<1x1x4x64x64xf32, #tpu.memory_space<hbm>> -> memref<4x64x64xf32, #tpu.memory_space<hbm>>
      tpu.wait_dma2 semaphore(%arg13 : memref<!tpu.dma_semaphore, #tpu.memory_space<semaphore_mem>>) src(%arg7 : memref<4x64x64xf32, #tpu.memory_space<vmem>>) dst(%dma_wait3A_1565 : memref<4x64x64xf32, #tpu.memory_space<hbm>>)
      %mul3A_1566 = arith.constant 16 : i32
      %mul3A_1567 = arith.muli %select_n3A_70, %mul3A_1566 : i32
      %add3A_1568 = arith.addi %mul3A_1567, %mul3A_72 : i32
      %add3A_1569 = arith.constant 2 : i32
      %add3A_1570 = arith.addi %add3A_1568, %add3A_1569 : i32
      %dma_wait3A_1571 = arith.constant 12 : i32
      %dma_wait3A_1572 = arith.constant 0 : i32
      %dma_wait3A_1573 = arith.constant 0 : i32
      %dma_wait3A_1574 = tpu.memref_slice %arg5[%select_n3A_54, %add3A_1570, %dma_wait3A_1571, %dma_wait3A_1572, %dma_wait3A_1573] : memref<2x64x64x64x64xf32, #tpu.memory_space<hbm>> -> memref<1x1x4x64x64xf32, #tpu.memory_space<hbm>>
      %dma_wait3A_1575 = tpu.memref_squeeze %dma_wait3A_1574 : memref<1x1x4x64x64xf32, #tpu.memory_space<hbm>> -> memref<4x64x64xf32, #tpu.memory_space<hbm>>
      %dma_wait3A_1576 = arith.constant 12 : i32
      %dma_wait3A_1577 = arith.constant 0 : i32
      %dma_wait3A_1578 = arith.constant 0 : i32
      %dma_wait3A_1579 = tpu.memref_slice %arg5[%select_n3A_54, %add3A_1570, %dma_wait3A_1576, %dma_wait3A_1577, %dma_wait3A_1578] : memref<2x64x64x64x64xf32, #tpu.memory_space<hbm>> -> memref<1x1x4x64x64xf32, #tpu.memory_space<hbm>>
      %dma_wait3A_1580 = tpu.memref_squeeze %dma_wait3A_1579 : memref<1x1x4x64x64xf32, #tpu.memory_space<hbm>> -> memref<4x64x64xf32, #tpu.memory_space<hbm>>
      tpu.wait_dma2 semaphore(%arg13 : memref<!tpu.dma_semaphore, #tpu.memory_space<semaphore_mem>>) src(%arg7 : memref<4x64x64xf32, #tpu.memory_space<vmem>>) dst(%dma_wait3A_1580 : memref<4x64x64xf32, #tpu.memory_space<hbm>>)
      %mul3A_1581 = arith.constant 16 : i32
      %mul3A_1582 = arith.muli %select_n3A_70, %mul3A_1581 : i32
      %add3A_1583 = arith.addi %mul3A_1582, %mul3A_72 : i32
      %add3A_1584 = arith.constant 2 : i32
      %add3A_1585 = arith.addi %add3A_1583, %add3A_1584 : i32
      %dma_wait3A_1586 = arith.constant 16 : i32
      %dma_wait3A_1587 = arith.constant 0 : i32
      %dma_wait3A_1588 = arith.constant 0 : i32
      %dma_wait3A_1589 = tpu.memref_slice %arg5[%select_n3A_54, %add3A_1585, %dma_wait3A_1586, %dma_wait3A_1587, %dma_wait3A_1588] : memref<2x64x64x64x64xf32, #tpu.memory_space<hbm>> -> memref<1x1x4x64x64xf32, #tpu.memory_space<hbm>>
      %dma_wait3A_1590 = tpu.memref_squeeze %dma_wait3A_1589 : memref<1x1x4x64x64xf32, #tpu.memory_space<hbm>> -> memref<4x64x64xf32, #tpu.memory_space<hbm>>
      %dma_wait3A_1591 = arith.constant 16 : i32
      %dma_wait3A_1592 = arith.constant 0 : i32
      %dma_wait3A_1593 = arith.constant 0 : i32
      %dma_wait3A_1594 = tpu.memref_slice %arg5[%select_n3A_54, %add3A_1585, %dma_wait3A_1591, %dma_wait3A_1592, %dma_wait3A_1593] : memref<2x64x64x64x64xf32, #tpu.memory_space<hbm>> -> memref<1x1x4x64x64xf32, #tpu.memory_space<hbm>>
      %dma_wait3A_1595 = tpu.memref_squeeze %dma_wait3A_1594 : memref<1x1x4x64x64xf32, #tpu.memory_space<hbm>> -> memref<4x64x64xf32, #tpu.memory_space<hbm>>
      tpu.wait_dma2 semaphore(%arg13 : memref<!tpu.dma_semaphore, #tpu.memory_space<semaphore_mem>>) src(%arg7 : memref<4x64x64xf32, #tpu.memory_space<vmem>>) dst(%dma_wait3A_1595 : memref<4x64x64xf32, #tpu.memory_space<hbm>>)
      %mul3A_1596 = arith.constant 16 : i32
      %mul3A_1597 = arith.muli %select_n3A_70, %mul3A_1596 : i32
      %add3A_1598 = arith.addi %mul3A_1597, %mul3A_72 : i32
      %add3A_1599 = arith.constant 2 : i32
      %add3A_1600 = arith.addi %add3A_1598, %add3A_1599 : i32
      %dma_wait3A_1601 = arith.constant 20 : i32
      %dma_wait3A_1602 = arith.constant 0 : i32
      %dma_wait3A_1603 = arith.constant 0 : i32
      %dma_wait3A_1604 = tpu.memref_slice %arg5[%select_n3A_54, %add3A_1600, %dma_wait3A_1601, %dma_wait3A_1602, %dma_wait3A_1603] : memref<2x64x64x64x64xf32, #tpu.memory_space<hbm>> -> memref<1x1x4x64x64xf32, #tpu.memory_space<hbm>>
      %dma_wait3A_1605 = tpu.memref_squeeze %dma_wait3A_1604 : memref<1x1x4x64x64xf32, #tpu.memory_space<hbm>> -> memref<4x64x64xf32, #tpu.memory_space<hbm>>
      %dma_wait3A_1606 = arith.constant 20 : i32
      %dma_wait3A_1607 = arith.constant 0 : i32
      %dma_wait3A_1608 = arith.constant 0 : i32
      %dma_wait3A_1609 = tpu.memref_slice %arg5[%select_n3A_54, %add3A_1600, %dma_wait3A_1606, %dma_wait3A_1607, %dma_wait3A_1608] : memref<2x64x64x64x64xf32, #tpu.memory_space<hbm>> -> memref<1x1x4x64x64xf32, #tpu.memory_space<hbm>>
      %dma_wait3A_1610 = tpu.memref_squeeze %dma_wait3A_1609 : memref<1x1x4x64x64xf32, #tpu.memory_space<hbm>> -> memref<4x64x64xf32, #tpu.memory_space<hbm>>
      tpu.wait_dma2 semaphore(%arg13 : memref<!tpu.dma_semaphore, #tpu.memory_space<semaphore_mem>>) src(%arg7 : memref<4x64x64xf32, #tpu.memory_space<vmem>>) dst(%dma_wait3A_1610 : memref<4x64x64xf32, #tpu.memory_space<hbm>>)
      %mul3A_1611 = arith.constant 16 : i32
      %mul3A_1612 = arith.muli %select_n3A_70, %mul3A_1611 : i32
      %add3A_1613 = arith.addi %mul3A_1612, %mul3A_72 : i32
      %add3A_1614 = arith.constant 2 : i32
      %add3A_1615 = arith.addi %add3A_1613, %add3A_1614 : i32
      %dma_wait3A_1616 = arith.constant 24 : i32
      %dma_wait3A_1617 = arith.constant 0 : i32
      %dma_wait3A_1618 = arith.constant 0 : i32
      %dma_wait3A_1619 = tpu.memref_slice %arg5[%select_n3A_54, %add3A_1615, %dma_wait3A_1616, %dma_wait3A_1617, %dma_wait3A_1618] : memref<2x64x64x64x64xf32, #tpu.memory_space<hbm>> -> memref<1x1x4x64x64xf32, #tpu.memory_space<hbm>>
      %dma_wait3A_1620 = tpu.memref_squeeze %dma_wait3A_1619 : memref<1x1x4x64x64xf32, #tpu.memory_space<hbm>> -> memref<4x64x64xf32, #tpu.memory_space<hbm>>
      %dma_wait3A_1621 = arith.constant 24 : i32
      %dma_wait3A_1622 = arith.constant 0 : i32
      %dma_wait3A_1623 = arith.constant 0 : i32
      %dma_wait3A_1624 = tpu.memref_slice %arg5[%select_n3A_54, %add3A_1615, %dma_wait3A_1621, %dma_wait3A_1622, %dma_wait3A_1623] : memref<2x64x64x64x64xf32, #tpu.memory_space<hbm>> -> memref<1x1x4x64x64xf32, #tpu.memory_space<hbm>>
      %dma_wait3A_1625 = tpu.memref_squeeze %dma_wait3A_1624 : memref<1x1x4x64x64xf32, #tpu.memory_space<hbm>> -> memref<4x64x64xf32, #tpu.memory_space<hbm>>
      tpu.wait_dma2 semaphore(%arg13 : memref<!tpu.dma_semaphore, #tpu.memory_space<semaphore_mem>>) src(%arg7 : memref<4x64x64xf32, #tpu.memory_space<vmem>>) dst(%dma_wait3A_1625 : memref<4x64x64xf32, #tpu.memory_space<hbm>>)
      %mul3A_1626 = arith.constant 16 : i32
      %mul3A_1627 = arith.muli %select_n3A_70, %mul3A_1626 : i32
      %add3A_1628 = arith.addi %mul3A_1627, %mul3A_72 : i32
      %add3A_1629 = arith.constant 2 : i32
      %add3A_1630 = arith.addi %add3A_1628, %add3A_1629 : i32
      %dma_wait3A_1631 = arith.constant 28 : i32
      %dma_wait3A_1632 = arith.constant 0 : i32
      %dma_wait3A_1633 = arith.constant 0 : i32
      %dma_wait3A_1634 = tpu.memref_slice %arg5[%select_n3A_54, %add3A_1630, %dma_wait3A_1631, %dma_wait3A_1632, %dma_wait3A_1633] : memref<2x64x64x64x64xf32, #tpu.memory_space<hbm>> -> memref<1x1x4x64x64xf32, #tpu.memory_space<hbm>>
      %dma_wait3A_1635 = tpu.memref_squeeze %dma_wait3A_1634 : memref<1x1x4x64x64xf32, #tpu.memory_space<hbm>> -> memref<4x64x64xf32, #tpu.memory_space<hbm>>
      %dma_wait3A_1636 = arith.constant 28 : i32
      %dma_wait3A_1637 = arith.constant 0 : i32
      %dma_wait3A_1638 = arith.constant 0 : i32
      %dma_wait3A_1639 = tpu.memref_slice %arg5[%select_n3A_54, %add3A_1630, %dma_wait3A_1636, %dma_wait3A_1637, %dma_wait3A_1638] : memref<2x64x64x64x64xf32, #tpu.memory_space<hbm>> -> memref<1x1x4x64x64xf32, #tpu.memory_space<hbm>>
      %dma_wait3A_1640 = tpu.memref_squeeze %dma_wait3A_1639 : memref<1x1x4x64x64xf32, #tpu.memory_space<hbm>> -> memref<4x64x64xf32, #tpu.memory_space<hbm>>
      tpu.wait_dma2 semaphore(%arg13 : memref<!tpu.dma_semaphore, #tpu.memory_space<semaphore_mem>>) src(%arg7 : memref<4x64x64xf32, #tpu.memory_space<vmem>>) dst(%dma_wait3A_1640 : memref<4x64x64xf32, #tpu.memory_space<hbm>>)
      %mul3A_1641 = arith.constant 16 : i32
      %mul3A_1642 = arith.muli %select_n3A_70, %mul3A_1641 : i32
      %add3A_1643 = arith.addi %mul3A_1642, %mul3A_72 : i32
      %add3A_1644 = arith.constant 2 : i32
      %add3A_1645 = arith.addi %add3A_1643, %add3A_1644 : i32
      %dma_wait3A_1646 = arith.constant 32 : i32
      %dma_wait3A_1647 = arith.constant 0 : i32
      %dma_wait3A_1648 = arith.constant 0 : i32
      %dma_wait3A_1649 = tpu.memref_slice %arg5[%select_n3A_54, %add3A_1645, %dma_wait3A_1646, %dma_wait3A_1647, %dma_wait3A_1648] : memref<2x64x64x64x64xf32, #tpu.memory_space<hbm>> -> memref<1x1x4x64x64xf32, #tpu.memory_space<hbm>>
      %dma_wait3A_1650 = tpu.memref_squeeze %dma_wait3A_1649 : memref<1x1x4x64x64xf32, #tpu.memory_space<hbm>> -> memref<4x64x64xf32, #tpu.memory_space<hbm>>
      %dma_wait3A_1651 = arith.constant 32 : i32
      %dma_wait3A_1652 = arith.constant 0 : i32
      %dma_wait3A_1653 = arith.constant 0 : i32
      %dma_wait3A_1654 = tpu.memref_slice %arg5[%select_n3A_54, %add3A_1645, %dma_wait3A_1651, %dma_wait3A_1652, %dma_wait3A_1653] : memref<2x64x64x64x64xf32, #tpu.memory_space<hbm>> -> memref<1x1x4x64x64xf32, #tpu.memory_space<hbm>>
      %dma_wait3A_1655 = tpu.memref_squeeze %dma_wait3A_1654 : memref<1x1x4x64x64xf32, #tpu.memory_space<hbm>> -> memref<4x64x64xf32, #tpu.memory_space<hbm>>
      tpu.wait_dma2 semaphore(%arg13 : memref<!tpu.dma_semaphore, #tpu.memory_space<semaphore_mem>>) src(%arg7 : memref<4x64x64xf32, #tpu.memory_space<vmem>>) dst(%dma_wait3A_1655 : memref<4x64x64xf32, #tpu.memory_space<hbm>>)
      %mul3A_1656 = arith.constant 16 : i32
      %mul3A_1657 = arith.muli %select_n3A_70, %mul3A_1656 : i32
      %add3A_1658 = arith.addi %mul3A_1657, %mul3A_72 : i32
      %add3A_1659 = arith.constant 2 : i32
      %add3A_1660 = arith.addi %add3A_1658, %add3A_1659 : i32
      %dma_wait3A_1661 = arith.constant 36 : i32
      %dma_wait3A_1662 = arith.constant 0 : i32
      %dma_wait3A_1663 = arith.constant 0 : i32
      %dma_wait3A_1664 = tpu.memref_slice %arg5[%select_n3A_54, %add3A_1660, %dma_wait3A_1661, %dma_wait3A_1662, %dma_wait3A_1663] : memref<2x64x64x64x64xf32, #tpu.memory_space<hbm>> -> memref<1x1x4x64x64xf32, #tpu.memory_space<hbm>>
      %dma_wait3A_1665 = tpu.memref_squeeze %dma_wait3A_1664 : memref<1x1x4x64x64xf32, #tpu.memory_space<hbm>> -> memref<4x64x64xf32, #tpu.memory_space<hbm>>
      %dma_wait3A_1666 = arith.constant 36 : i32
      %dma_wait3A_1667 = arith.constant 0 : i32
      %dma_wait3A_1668 = arith.constant 0 : i32
      %dma_wait3A_1669 = tpu.memref_slice %arg5[%select_n3A_54, %add3A_1660, %dma_wait3A_1666, %dma_wait3A_1667, %dma_wait3A_1668] : memref<2x64x64x64x64xf32, #tpu.memory_space<hbm>> -> memref<1x1x4x64x64xf32, #tpu.memory_space<hbm>>
      %dma_wait3A_1670 = tpu.memref_squeeze %dma_wait3A_1669 : memref<1x1x4x64x64xf32, #tpu.memory_space<hbm>> -> memref<4x64x64xf32, #tpu.memory_space<hbm>>
      tpu.wait_dma2 semaphore(%arg13 : memref<!tpu.dma_semaphore, #tpu.memory_space<semaphore_mem>>) src(%arg7 : memref<4x64x64xf32, #tpu.memory_space<vmem>>) dst(%dma_wait3A_1670 : memref<4x64x64xf32, #tpu.memory_space<hbm>>)
      %mul3A_1671 = arith.constant 16 : i32
      %mul3A_1672 = arith.muli %select_n3A_70, %mul3A_1671 : i32
      %add3A_1673 = arith.addi %mul3A_1672, %mul3A_72 : i32
      %add3A_1674 = arith.constant 2 : i32
      %add3A_1675 = arith.addi %add3A_1673, %add3A_1674 : i32
      %dma_wait3A_1676 = arith.constant 40 : i32
      %dma_wait3A_1677 = arith.constant 0 : i32
      %dma_wait3A_1678 = arith.constant 0 : i32
      %dma_wait3A_1679 = tpu.memref_slice %arg5[%select_n3A_54, %add3A_1675, %dma_wait3A_1676, %dma_wait3A_1677, %dma_wait3A_1678] : memref<2x64x64x64x64xf32, #tpu.memory_space<hbm>> -> memref<1x1x4x64x64xf32, #tpu.memory_space<hbm>>
      %dma_wait3A_1680 = tpu.memref_squeeze %dma_wait3A_1679 : memref<1x1x4x64x64xf32, #tpu.memory_space<hbm>> -> memref<4x64x64xf32, #tpu.memory_space<hbm>>
      %dma_wait3A_1681 = arith.constant 40 : i32
      %dma_wait3A_1682 = arith.constant 0 : i32
      %dma_wait3A_1683 = arith.constant 0 : i32
      %dma_wait3A_1684 = tpu.memref_slice %arg5[%select_n3A_54, %add3A_1675, %dma_wait3A_1681, %dma_wait3A_1682, %dma_wait3A_1683] : memref<2x64x64x64x64xf32, #tpu.memory_space<hbm>> -> memref<1x1x4x64x64xf32, #tpu.memory_space<hbm>>
      %dma_wait3A_1685 = tpu.memref_squeeze %dma_wait3A_1684 : memref<1x1x4x64x64xf32, #tpu.memory_space<hbm>> -> memref<4x64x64xf32, #tpu.memory_space<hbm>>
      tpu.wait_dma2 semaphore(%arg13 : memref<!tpu.dma_semaphore, #tpu.memory_space<semaphore_mem>>) src(%arg7 : memref<4x64x64xf32, #tpu.memory_space<vmem>>) dst(%dma_wait3A_1685 : memref<4x64x64xf32, #tpu.memory_space<hbm>>)
      %mul3A_1686 = arith.constant 16 : i32
      %mul3A_1687 = arith.muli %select_n3A_70, %mul3A_1686 : i32
      %add3A_1688 = arith.addi %mul3A_1687, %mul3A_72 : i32
      %add3A_1689 = arith.constant 2 : i32
      %add3A_1690 = arith.addi %add3A_1688, %add3A_1689 : i32
      %dma_wait3A_1691 = arith.constant 44 : i32
      %dma_wait3A_1692 = arith.constant 0 : i32
      %dma_wait3A_1693 = arith.constant 0 : i32
      %dma_wait3A_1694 = tpu.memref_slice %arg5[%select_n3A_54, %add3A_1690, %dma_wait3A_1691, %dma_wait3A_1692, %dma_wait3A_1693] : memref<2x64x64x64x64xf32, #tpu.memory_space<hbm>> -> memref<1x1x4x64x64xf32, #tpu.memory_space<hbm>>
      %dma_wait3A_1695 = tpu.memref_squeeze %dma_wait3A_1694 : memref<1x1x4x64x64xf32, #tpu.memory_space<hbm>> -> memref<4x64x64xf32, #tpu.memory_space<hbm>>
      %dma_wait3A_1696 = arith.constant 44 : i32
      %dma_wait3A_1697 = arith.constant 0 : i32
      %dma_wait3A_1698 = arith.constant 0 : i32
      %dma_wait3A_1699 = tpu.memref_slice %arg5[%select_n3A_54, %add3A_1690, %dma_wait3A_1696, %dma_wait3A_1697, %dma_wait3A_1698] : memref<2x64x64x64x64xf32, #tpu.memory_space<hbm>> -> memref<1x1x4x64x64xf32, #tpu.memory_space<hbm>>
      %dma_wait3A_1700 = tpu.memref_squeeze %dma_wait3A_1699 : memref<1x1x4x64x64xf32, #tpu.memory_space<hbm>> -> memref<4x64x64xf32, #tpu.memory_space<hbm>>
      tpu.wait_dma2 semaphore(%arg13 : memref<!tpu.dma_semaphore, #tpu.memory_space<semaphore_mem>>) src(%arg7 : memref<4x64x64xf32, #tpu.memory_space<vmem>>) dst(%dma_wait3A_1700 : memref<4x64x64xf32, #tpu.memory_space<hbm>>)
      %mul3A_1701 = arith.constant 16 : i32
      %mul3A_1702 = arith.muli %select_n3A_70, %mul3A_1701 : i32
      %add3A_1703 = arith.addi %mul3A_1702, %mul3A_72 : i32
      %add3A_1704 = arith.constant 2 : i32
      %add3A_1705 = arith.addi %add3A_1703, %add3A_1704 : i32
      %dma_wait3A_1706 = arith.constant 48 : i32
      %dma_wait3A_1707 = arith.constant 0 : i32
      %dma_wait3A_1708 = arith.constant 0 : i32
      %dma_wait3A_1709 = tpu.memref_slice %arg5[%select_n3A_54, %add3A_1705, %dma_wait3A_1706, %dma_wait3A_1707, %dma_wait3A_1708] : memref<2x64x64x64x64xf32, #tpu.memory_space<hbm>> -> memref<1x1x4x64x64xf32, #tpu.memory_space<hbm>>
      %dma_wait3A_1710 = tpu.memref_squeeze %dma_wait3A_1709 : memref<1x1x4x64x64xf32, #tpu.memory_space<hbm>> -> memref<4x64x64xf32, #tpu.memory_space<hbm>>
      %dma_wait3A_1711 = arith.constant 48 : i32
      %dma_wait3A_1712 = arith.constant 0 : i32
      %dma_wait3A_1713 = arith.constant 0 : i32
      %dma_wait3A_1714 = tpu.memref_slice %arg5[%select_n3A_54, %add3A_1705, %dma_wait3A_1711, %dma_wait3A_1712, %dma_wait3A_1713] : memref<2x64x64x64x64xf32, #tpu.memory_space<hbm>> -> memref<1x1x4x64x64xf32, #tpu.memory_space<hbm>>
      %dma_wait3A_1715 = tpu.memref_squeeze %dma_wait3A_1714 : memref<1x1x4x64x64xf32, #tpu.memory_space<hbm>> -> memref<4x64x64xf32, #tpu.memory_space<hbm>>
      tpu.wait_dma2 semaphore(%arg13 : memref<!tpu.dma_semaphore, #tpu.memory_space<semaphore_mem>>) src(%arg7 : memref<4x64x64xf32, #tpu.memory_space<vmem>>) dst(%dma_wait3A_1715 : memref<4x64x64xf32, #tpu.memory_space<hbm>>)
      %mul3A_1716 = arith.constant 16 : i32
      %mul3A_1717 = arith.muli %select_n3A_70, %mul3A_1716 : i32
      %add3A_1718 = arith.addi %mul3A_1717, %mul3A_72 : i32
      %add3A_1719 = arith.constant 2 : i32
      %add3A_1720 = arith.addi %add3A_1718, %add3A_1719 : i32
      %dma_wait3A_1721 = arith.constant 52 : i32
      %dma_wait3A_1722 = arith.constant 0 : i32
      %dma_wait3A_1723 = arith.constant 0 : i32
      %dma_wait3A_1724 = tpu.memref_slice %arg5[%select_n3A_54, %add3A_1720, %dma_wait3A_1721, %dma_wait3A_1722, %dma_wait3A_1723] : memref<2x64x64x64x64xf32, #tpu.memory_space<hbm>> -> memref<1x1x4x64x64xf32, #tpu.memory_space<hbm>>
      %dma_wait3A_1725 = tpu.memref_squeeze %dma_wait3A_1724 : memref<1x1x4x64x64xf32, #tpu.memory_space<hbm>> -> memref<4x64x64xf32, #tpu.memory_space<hbm>>
      %dma_wait3A_1726 = arith.constant 52 : i32
      %dma_wait3A_1727 = arith.constant 0 : i32
      %dma_wait3A_1728 = arith.constant 0 : i32
      %dma_wait3A_1729 = tpu.memref_slice %arg5[%select_n3A_54, %add3A_1720, %dma_wait3A_1726, %dma_wait3A_1727, %dma_wait3A_1728] : memref<2x64x64x64x64xf32, #tpu.memory_space<hbm>> -> memref<1x1x4x64x64xf32, #tpu.memory_space<hbm>>
      %dma_wait3A_1730 = tpu.memref_squeeze %dma_wait3A_1729 : memref<1x1x4x64x64xf32, #tpu.memory_space<hbm>> -> memref<4x64x64xf32, #tpu.memory_space<hbm>>
      tpu.wait_dma2 semaphore(%arg13 : memref<!tpu.dma_semaphore, #tpu.memory_space<semaphore_mem>>) src(%arg7 : memref<4x64x64xf32, #tpu.memory_space<vmem>>) dst(%dma_wait3A_1730 : memref<4x64x64xf32, #tpu.memory_space<hbm>>)
      %mul3A_1731 = arith.constant 16 : i32
      %mul3A_1732 = arith.muli %select_n3A_70, %mul3A_1731 : i32
      %add3A_1733 = arith.addi %mul3A_1732, %mul3A_72 : i32
      %add3A_1734 = arith.constant 2 : i32
      %add3A_1735 = arith.addi %add3A_1733, %add3A_1734 : i32
      %dma_wait3A_1736 = arith.constant 56 : i32
      %dma_wait3A_1737 = arith.constant 0 : i32
      %dma_wait3A_1738 = arith.constant 0 : i32
      %dma_wait3A_1739 = tpu.memref_slice %arg5[%select_n3A_54, %add3A_1735, %dma_wait3A_1736, %dma_wait3A_1737, %dma_wait3A_1738] : memref<2x64x64x64x64xf32, #tpu.memory_space<hbm>> -> memref<1x1x4x64x64xf32, #tpu.memory_space<hbm>>
      %dma_wait3A_1740 = tpu.memref_squeeze %dma_wait3A_1739 : memref<1x1x4x64x64xf32, #tpu.memory_space<hbm>> -> memref<4x64x64xf32, #tpu.memory_space<hbm>>
      %dma_wait3A_1741 = arith.constant 56 : i32
      %dma_wait3A_1742 = arith.constant 0 : i32
      %dma_wait3A_1743 = arith.constant 0 : i32
      %dma_wait3A_1744 = tpu.memref_slice %arg5[%select_n3A_54, %add3A_1735, %dma_wait3A_1741, %dma_wait3A_1742, %dma_wait3A_1743] : memref<2x64x64x64x64xf32, #tpu.memory_space<hbm>> -> memref<1x1x4x64x64xf32, #tpu.memory_space<hbm>>
      %dma_wait3A_1745 = tpu.memref_squeeze %dma_wait3A_1744 : memref<1x1x4x64x64xf32, #tpu.memory_space<hbm>> -> memref<4x64x64xf32, #tpu.memory_space<hbm>>
      tpu.wait_dma2 semaphore(%arg13 : memref<!tpu.dma_semaphore, #tpu.memory_space<semaphore_mem>>) src(%arg7 : memref<4x64x64xf32, #tpu.memory_space<vmem>>) dst(%dma_wait3A_1745 : memref<4x64x64xf32, #tpu.memory_space<hbm>>)
      %mul3A_1746 = arith.constant 16 : i32
      %mul3A_1747 = arith.muli %select_n3A_70, %mul3A_1746 : i32
      %add3A_1748 = arith.addi %mul3A_1747, %mul3A_72 : i32
      %add3A_1749 = arith.constant 2 : i32
      %add3A_1750 = arith.addi %add3A_1748, %add3A_1749 : i32
      %dma_wait3A_1751 = arith.constant 60 : i32
      %dma_wait3A_1752 = arith.constant 0 : i32
      %dma_wait3A_1753 = arith.constant 0 : i32
      %dma_wait3A_1754 = tpu.memref_slice %arg5[%select_n3A_54, %add3A_1750, %dma_wait3A_1751, %dma_wait3A_1752, %dma_wait3A_1753] : memref<2x64x64x64x64xf32, #tpu.memory_space<hbm>> -> memref<1x1x4x64x64xf32, #tpu.memory_space<hbm>>
      %dma_wait3A_1755 = tpu.memref_squeeze %dma_wait3A_1754 : memref<1x1x4x64x64xf32, #tpu.memory_space<hbm>> -> memref<4x64x64xf32, #tpu.memory_space<hbm>>
      %dma_wait3A_1756 = arith.constant 60 : i32
      %dma_wait3A_1757 = arith.constant 0 : i32
      %dma_wait3A_1758 = arith.constant 0 : i32
      %dma_wait3A_1759 = tpu.memref_slice %arg5[%select_n3A_54, %add3A_1750, %dma_wait3A_1756, %dma_wait3A_1757, %dma_wait3A_1758] : memref<2x64x64x64x64xf32, #tpu.memory_space<hbm>> -> memref<1x1x4x64x64xf32, #tpu.memory_space<hbm>>
      %dma_wait3A_1760 = tpu.memref_squeeze %dma_wait3A_1759 : memref<1x1x4x64x64xf32, #tpu.memory_space<hbm>> -> memref<4x64x64xf32, #tpu.memory_space<hbm>>
      tpu.wait_dma2 semaphore(%arg13 : memref<!tpu.dma_semaphore, #tpu.memory_space<semaphore_mem>>) src(%arg7 : memref<4x64x64xf32, #tpu.memory_space<vmem>>) dst(%dma_wait3A_1760 : memref<4x64x64xf32, #tpu.memory_space<hbm>>)
      %mul3A_1761 = arith.constant 16 : i32
      %mul3A_1762 = arith.muli %select_n3A_70, %mul3A_1761 : i32
      %add3A_1763 = arith.addi %mul3A_1762, %mul3A_72 : i32
      %add3A_1764 = arith.constant 3 : i32
      %add3A_1765 = arith.addi %add3A_1763, %add3A_1764 : i32
      %dma_wait3A_1766 = arith.constant 0 : i32
      %dma_wait3A_1767 = arith.constant 0 : i32
      %dma_wait3A_1768 = arith.constant 0 : i32
      %dma_wait3A_1769 = tpu.memref_slice %arg5[%select_n3A_54, %add3A_1765, %dma_wait3A_1766, %dma_wait3A_1767, %dma_wait3A_1768] : memref<2x64x64x64x64xf32, #tpu.memory_space<hbm>> -> memref<1x1x4x64x64xf32, #tpu.memory_space<hbm>>
      %dma_wait3A_1770 = tpu.memref_squeeze %dma_wait3A_1769 : memref<1x1x4x64x64xf32, #tpu.memory_space<hbm>> -> memref<4x64x64xf32, #tpu.memory_space<hbm>>
      %dma_wait3A_1771 = arith.constant 0 : i32
      %dma_wait3A_1772 = arith.constant 0 : i32
      %dma_wait3A_1773 = arith.constant 0 : i32
      %dma_wait3A_1774 = tpu.memref_slice %arg5[%select_n3A_54, %add3A_1765, %dma_wait3A_1771, %dma_wait3A_1772, %dma_wait3A_1773] : memref<2x64x64x64x64xf32, #tpu.memory_space<hbm>> -> memref<1x1x4x64x64xf32, #tpu.memory_space<hbm>>
      %dma_wait3A_1775 = tpu.memref_squeeze %dma_wait3A_1774 : memref<1x1x4x64x64xf32, #tpu.memory_space<hbm>> -> memref<4x64x64xf32, #tpu.memory_space<hbm>>
      tpu.wait_dma2 semaphore(%arg13 : memref<!tpu.dma_semaphore, #tpu.memory_space<semaphore_mem>>) src(%arg7 : memref<4x64x64xf32, #tpu.memory_space<vmem>>) dst(%dma_wait3A_1775 : memref<4x64x64xf32, #tpu.memory_space<hbm>>)
      %mul3A_1776 = arith.constant 16 : i32
      %mul3A_1777 = arith.muli %select_n3A_70, %mul3A_1776 : i32
      %add3A_1778 = arith.addi %mul3A_1777, %mul3A_72 : i32
      %add3A_1779 = arith.constant 3 : i32
      %add3A_1780 = arith.addi %add3A_1778, %add3A_1779 : i32
      %dma_wait3A_1781 = arith.constant 4 : i32
      %dma_wait3A_1782 = arith.constant 0 : i32
      %dma_wait3A_1783 = arith.constant 0 : i32
      %dma_wait3A_1784 = tpu.memref_slice %arg5[%select_n3A_54, %add3A_1780, %dma_wait3A_1781, %dma_wait3A_1782, %dma_wait3A_1783] : memref<2x64x64x64x64xf32, #tpu.memory_space<hbm>> -> memref<1x1x4x64x64xf32, #tpu.memory_space<hbm>>
      %dma_wait3A_1785 = tpu.memref_squeeze %dma_wait3A_1784 : memref<1x1x4x64x64xf32, #tpu.memory_space<hbm>> -> memref<4x64x64xf32, #tpu.memory_space<hbm>>
      %dma_wait3A_1786 = arith.constant 4 : i32
      %dma_wait3A_1787 = arith.constant 0 : i32
      %dma_wait3A_1788 = arith.constant 0 : i32
      %dma_wait3A_1789 = tpu.memref_slice %arg5[%select_n3A_54, %add3A_1780, %dma_wait3A_1786, %dma_wait3A_1787, %dma_wait3A_1788] : memref<2x64x64x64x64xf32, #tpu.memory_space<hbm>> -> memref<1x1x4x64x64xf32, #tpu.memory_space<hbm>>
      %dma_wait3A_1790 = tpu.memref_squeeze %dma_wait3A_1789 : memref<1x1x4x64x64xf32, #tpu.memory_space<hbm>> -> memref<4x64x64xf32, #tpu.memory_space<hbm>>
      tpu.wait_dma2 semaphore(%arg13 : memref<!tpu.dma_semaphore, #tpu.memory_space<semaphore_mem>>) src(%arg7 : memref<4x64x64xf32, #tpu.memory_space<vmem>>) dst(%dma_wait3A_1790 : memref<4x64x64xf32, #tpu.memory_space<hbm>>)
      %mul3A_1791 = arith.constant 16 : i32
      %mul3A_1792 = arith.muli %select_n3A_70, %mul3A_1791 : i32
      %add3A_1793 = arith.addi %mul3A_1792, %mul3A_72 : i32
      %add3A_1794 = arith.constant 3 : i32
      %add3A_1795 = arith.addi %add3A_1793, %add3A_1794 : i32
      %dma_wait3A_1796 = arith.constant 8 : i32
      %dma_wait3A_1797 = arith.constant 0 : i32
      %dma_wait3A_1798 = arith.constant 0 : i32
      %dma_wait3A_1799 = tpu.memref_slice %arg5[%select_n3A_54, %add3A_1795, %dma_wait3A_1796, %dma_wait3A_1797, %dma_wait3A_1798] : memref<2x64x64x64x64xf32, #tpu.memory_space<hbm>> -> memref<1x1x4x64x64xf32, #tpu.memory_space<hbm>>
      %dma_wait3A_1800 = tpu.memref_squeeze %dma_wait3A_1799 : memref<1x1x4x64x64xf32, #tpu.memory_space<hbm>> -> memref<4x64x64xf32, #tpu.memory_space<hbm>>
      %dma_wait3A_1801 = arith.constant 8 : i32
      %dma_wait3A_1802 = arith.constant 0 : i32
      %dma_wait3A_1803 = arith.constant 0 : i32
      %dma_wait3A_1804 = tpu.memref_slice %arg5[%select_n3A_54, %add3A_1795, %dma_wait3A_1801, %dma_wait3A_1802, %dma_wait3A_1803] : memref<2x64x64x64x64xf32, #tpu.memory_space<hbm>> -> memref<1x1x4x64x64xf32, #tpu.memory_space<hbm>>
      %dma_wait3A_1805 = tpu.memref_squeeze %dma_wait3A_1804 : memref<1x1x4x64x64xf32, #tpu.memory_space<hbm>> -> memref<4x64x64xf32, #tpu.memory_space<hbm>>
      tpu.wait_dma2 semaphore(%arg13 : memref<!tpu.dma_semaphore, #tpu.memory_space<semaphore_mem>>) src(%arg7 : memref<4x64x64xf32, #tpu.memory_space<vmem>>) dst(%dma_wait3A_1805 : memref<4x64x64xf32, #tpu.memory_space<hbm>>)
      %mul3A_1806 = arith.constant 16 : i32
      %mul3A_1807 = arith.muli %select_n3A_70, %mul3A_1806 : i32
      %add3A_1808 = arith.addi %mul3A_1807, %mul3A_72 : i32
      %add3A_1809 = arith.constant 3 : i32
      %add3A_1810 = arith.addi %add3A_1808, %add3A_1809 : i32
      %dma_wait3A_1811 = arith.constant 12 : i32
      %dma_wait3A_1812 = arith.constant 0 : i32
      %dma_wait3A_1813 = arith.constant 0 : i32
      %dma_wait3A_1814 = tpu.memref_slice %arg5[%select_n3A_54, %add3A_1810, %dma_wait3A_1811, %dma_wait3A_1812, %dma_wait3A_1813] : memref<2x64x64x64x64xf32, #tpu.memory_space<hbm>> -> memref<1x1x4x64x64xf32, #tpu.memory_space<hbm>>
      %dma_wait3A_1815 = tpu.memref_squeeze %dma_wait3A_1814 : memref<1x1x4x64x64xf32, #tpu.memory_space<hbm>> -> memref<4x64x64xf32, #tpu.memory_space<hbm>>
      %dma_wait3A_1816 = arith.constant 12 : i32
      %dma_wait3A_1817 = arith.constant 0 : i32
      %dma_wait3A_1818 = arith.constant 0 : i32
      %dma_wait3A_1819 = tpu.memref_slice %arg5[%select_n3A_54, %add3A_1810, %dma_wait3A_1816, %dma_wait3A_1817, %dma_wait3A_1818] : memref<2x64x64x64x64xf32, #tpu.memory_space<hbm>> -> memref<1x1x4x64x64xf32, #tpu.memory_space<hbm>>
      %dma_wait3A_1820 = tpu.memref_squeeze %dma_wait3A_1819 : memref<1x1x4x64x64xf32, #tpu.memory_space<hbm>> -> memref<4x64x64xf32, #tpu.memory_space<hbm>>
      tpu.wait_dma2 semaphore(%arg13 : memref<!tpu.dma_semaphore, #tpu.memory_space<semaphore_mem>>) src(%arg7 : memref<4x64x64xf32, #tpu.memory_space<vmem>>) dst(%dma_wait3A_1820 : memref<4x64x64xf32, #tpu.memory_space<hbm>>)
      %mul3A_1821 = arith.constant 16 : i32
      %mul3A_1822 = arith.muli %select_n3A_70, %mul3A_1821 : i32
      %add3A_1823 = arith.addi %mul3A_1822, %mul3A_72 : i32
      %add3A_1824 = arith.constant 3 : i32
      %add3A_1825 = arith.addi %add3A_1823, %add3A_1824 : i32
      %dma_wait3A_1826 = arith.constant 16 : i32
      %dma_wait3A_1827 = arith.constant 0 : i32
      %dma_wait3A_1828 = arith.constant 0 : i32
      %dma_wait3A_1829 = tpu.memref_slice %arg5[%select_n3A_54, %add3A_1825, %dma_wait3A_1826, %dma_wait3A_1827, %dma_wait3A_1828] : memref<2x64x64x64x64xf32, #tpu.memory_space<hbm>> -> memref<1x1x4x64x64xf32, #tpu.memory_space<hbm>>
      %dma_wait3A_1830 = tpu.memref_squeeze %dma_wait3A_1829 : memref<1x1x4x64x64xf32, #tpu.memory_space<hbm>> -> memref<4x64x64xf32, #tpu.memory_space<hbm>>
      %dma_wait3A_1831 = arith.constant 16 : i32
      %dma_wait3A_1832 = arith.constant 0 : i32
      %dma_wait3A_1833 = arith.constant 0 : i32
      %dma_wait3A_1834 = tpu.memref_slice %arg5[%select_n3A_54, %add3A_1825, %dma_wait3A_1831, %dma_wait3A_1832, %dma_wait3A_1833] : memref<2x64x64x64x64xf32, #tpu.memory_space<hbm>> -> memref<1x1x4x64x64xf32, #tpu.memory_space<hbm>>
      %dma_wait3A_1835 = tpu.memref_squeeze %dma_wait3A_1834 : memref<1x1x4x64x64xf32, #tpu.memory_space<hbm>> -> memref<4x64x64xf32, #tpu.memory_space<hbm>>
      tpu.wait_dma2 semaphore(%arg13 : memref<!tpu.dma_semaphore, #tpu.memory_space<semaphore_mem>>) src(%arg7 : memref<4x64x64xf32, #tpu.memory_space<vmem>>) dst(%dma_wait3A_1835 : memref<4x64x64xf32, #tpu.memory_space<hbm>>)
      %mul3A_1836 = arith.constant 16 : i32
      %mul3A_1837 = arith.muli %select_n3A_70, %mul3A_1836 : i32
      %add3A_1838 = arith.addi %mul3A_1837, %mul3A_72 : i32
      %add3A_1839 = arith.constant 3 : i32
      %add3A_1840 = arith.addi %add3A_1838, %add3A_1839 : i32
      %dma_wait3A_1841 = arith.constant 20 : i32
      %dma_wait3A_1842 = arith.constant 0 : i32
      %dma_wait3A_1843 = arith.constant 0 : i32
      %dma_wait3A_1844 = tpu.memref_slice %arg5[%select_n3A_54, %add3A_1840, %dma_wait3A_1841, %dma_wait3A_1842, %dma_wait3A_1843] : memref<2x64x64x64x64xf32, #tpu.memory_space<hbm>> -> memref<1x1x4x64x64xf32, #tpu.memory_space<hbm>>
      %dma_wait3A_1845 = tpu.memref_squeeze %dma_wait3A_1844 : memref<1x1x4x64x64xf32, #tpu.memory_space<hbm>> -> memref<4x64x64xf32, #tpu.memory_space<hbm>>
      %dma_wait3A_1846 = arith.constant 20 : i32
      %dma_wait3A_1847 = arith.constant 0 : i32
      %dma_wait3A_1848 = arith.constant 0 : i32
      %dma_wait3A_1849 = tpu.memref_slice %arg5[%select_n3A_54, %add3A_1840, %dma_wait3A_1846, %dma_wait3A_1847, %dma_wait3A_1848] : memref<2x64x64x64x64xf32, #tpu.memory_space<hbm>> -> memref<1x1x4x64x64xf32, #tpu.memory_space<hbm>>
      %dma_wait3A_1850 = tpu.memref_squeeze %dma_wait3A_1849 : memref<1x1x4x64x64xf32, #tpu.memory_space<hbm>> -> memref<4x64x64xf32, #tpu.memory_space<hbm>>
      tpu.wait_dma2 semaphore(%arg13 : memref<!tpu.dma_semaphore, #tpu.memory_space<semaphore_mem>>) src(%arg7 : memref<4x64x64xf32, #tpu.memory_space<vmem>>) dst(%dma_wait3A_1850 : memref<4x64x64xf32, #tpu.memory_space<hbm>>)
      %mul3A_1851 = arith.constant 16 : i32
      %mul3A_1852 = arith.muli %select_n3A_70, %mul3A_1851 : i32
      %add3A_1853 = arith.addi %mul3A_1852, %mul3A_72 : i32
      %add3A_1854 = arith.constant 3 : i32
      %add3A_1855 = arith.addi %add3A_1853, %add3A_1854 : i32
      %dma_wait3A_1856 = arith.constant 24 : i32
      %dma_wait3A_1857 = arith.constant 0 : i32
      %dma_wait3A_1858 = arith.constant 0 : i32
      %dma_wait3A_1859 = tpu.memref_slice %arg5[%select_n3A_54, %add3A_1855, %dma_wait3A_1856, %dma_wait3A_1857, %dma_wait3A_1858] : memref<2x64x64x64x64xf32, #tpu.memory_space<hbm>> -> memref<1x1x4x64x64xf32, #tpu.memory_space<hbm>>
      %dma_wait3A_1860 = tpu.memref_squeeze %dma_wait3A_1859 : memref<1x1x4x64x64xf32, #tpu.memory_space<hbm>> -> memref<4x64x64xf32, #tpu.memory_space<hbm>>
      %dma_wait3A_1861 = arith.constant 24 : i32
      %dma_wait3A_1862 = arith.constant 0 : i32
      %dma_wait3A_1863 = arith.constant 0 : i32
      %dma_wait3A_1864 = tpu.memref_slice %arg5[%select_n3A_54, %add3A_1855, %dma_wait3A_1861, %dma_wait3A_1862, %dma_wait3A_1863] : memref<2x64x64x64x64xf32, #tpu.memory_space<hbm>> -> memref<1x1x4x64x64xf32, #tpu.memory_space<hbm>>
      %dma_wait3A_1865 = tpu.memref_squeeze %dma_wait3A_1864 : memref<1x1x4x64x64xf32, #tpu.memory_space<hbm>> -> memref<4x64x64xf32, #tpu.memory_space<hbm>>
      tpu.wait_dma2 semaphore(%arg13 : memref<!tpu.dma_semaphore, #tpu.memory_space<semaphore_mem>>) src(%arg7 : memref<4x64x64xf32, #tpu.memory_space<vmem>>) dst(%dma_wait3A_1865 : memref<4x64x64xf32, #tpu.memory_space<hbm>>)
      %mul3A_1866 = arith.constant 16 : i32
      %mul3A_1867 = arith.muli %select_n3A_70, %mul3A_1866 : i32
      %add3A_1868 = arith.addi %mul3A_1867, %mul3A_72 : i32
      %add3A_1869 = arith.constant 3 : i32
      %add3A_1870 = arith.addi %add3A_1868, %add3A_1869 : i32
      %dma_wait3A_1871 = arith.constant 28 : i32
      %dma_wait3A_1872 = arith.constant 0 : i32
      %dma_wait3A_1873 = arith.constant 0 : i32
      %dma_wait3A_1874 = tpu.memref_slice %arg5[%select_n3A_54, %add3A_1870, %dma_wait3A_1871, %dma_wait3A_1872, %dma_wait3A_1873] : memref<2x64x64x64x64xf32, #tpu.memory_space<hbm>> -> memref<1x1x4x64x64xf32, #tpu.memory_space<hbm>>
      %dma_wait3A_1875 = tpu.memref_squeeze %dma_wait3A_1874 : memref<1x1x4x64x64xf32, #tpu.memory_space<hbm>> -> memref<4x64x64xf32, #tpu.memory_space<hbm>>
      %dma_wait3A_1876 = arith.constant 28 : i32
      %dma_wait3A_1877 = arith.constant 0 : i32
      %dma_wait3A_1878 = arith.constant 0 : i32
      %dma_wait3A_1879 = tpu.memref_slice %arg5[%select_n3A_54, %add3A_1870, %dma_wait3A_1876, %dma_wait3A_1877, %dma_wait3A_1878] : memref<2x64x64x64x64xf32, #tpu.memory_space<hbm>> -> memref<1x1x4x64x64xf32, #tpu.memory_space<hbm>>
      %dma_wait3A_1880 = tpu.memref_squeeze %dma_wait3A_1879 : memref<1x1x4x64x64xf32, #tpu.memory_space<hbm>> -> memref<4x64x64xf32, #tpu.memory_space<hbm>>
      tpu.wait_dma2 semaphore(%arg13 : memref<!tpu.dma_semaphore, #tpu.memory_space<semaphore_mem>>) src(%arg7 : memref<4x64x64xf32, #tpu.memory_space<vmem>>) dst(%dma_wait3A_1880 : memref<4x64x64xf32, #tpu.memory_space<hbm>>)
      %mul3A_1881 = arith.constant 16 : i32
      %mul3A_1882 = arith.muli %select_n3A_70, %mul3A_1881 : i32
      %add3A_1883 = arith.addi %mul3A_1882, %mul3A_72 : i32
      %add3A_1884 = arith.constant 3 : i32
      %add3A_1885 = arith.addi %add3A_1883, %add3A_1884 : i32
      %dma_wait3A_1886 = arith.constant 32 : i32
      %dma_wait3A_1887 = arith.constant 0 : i32
      %dma_wait3A_1888 = arith.constant 0 : i32
      %dma_wait3A_1889 = tpu.memref_slice %arg5[%select_n3A_54, %add3A_1885, %dma_wait3A_1886, %dma_wait3A_1887, %dma_wait3A_1888] : memref<2x64x64x64x64xf32, #tpu.memory_space<hbm>> -> memref<1x1x4x64x64xf32, #tpu.memory_space<hbm>>
      %dma_wait3A_1890 = tpu.memref_squeeze %dma_wait3A_1889 : memref<1x1x4x64x64xf32, #tpu.memory_space<hbm>> -> memref<4x64x64xf32, #tpu.memory_space<hbm>>
      %dma_wait3A_1891 = arith.constant 32 : i32
      %dma_wait3A_1892 = arith.constant 0 : i32
      %dma_wait3A_1893 = arith.constant 0 : i32
      %dma_wait3A_1894 = tpu.memref_slice %arg5[%select_n3A_54, %add3A_1885, %dma_wait3A_1891, %dma_wait3A_1892, %dma_wait3A_1893] : memref<2x64x64x64x64xf32, #tpu.memory_space<hbm>> -> memref<1x1x4x64x64xf32, #tpu.memory_space<hbm>>
      %dma_wait3A_1895 = tpu.memref_squeeze %dma_wait3A_1894 : memref<1x1x4x64x64xf32, #tpu.memory_space<hbm>> -> memref<4x64x64xf32, #tpu.memory_space<hbm>>
      tpu.wait_dma2 semaphore(%arg13 : memref<!tpu.dma_semaphore, #tpu.memory_space<semaphore_mem>>) src(%arg7 : memref<4x64x64xf32, #tpu.memory_space<vmem>>) dst(%dma_wait3A_1895 : memref<4x64x64xf32, #tpu.memory_space<hbm>>)
      %mul3A_1896 = arith.constant 16 : i32
      %mul3A_1897 = arith.muli %select_n3A_70, %mul3A_1896 : i32
      %add3A_1898 = arith.addi %mul3A_1897, %mul3A_72 : i32
      %add3A_1899 = arith.constant 3 : i32
      %add3A_1900 = arith.addi %add3A_1898, %add3A_1899 : i32
      %dma_wait3A_1901 = arith.constant 36 : i32
      %dma_wait3A_1902 = arith.constant 0 : i32
      %dma_wait3A_1903 = arith.constant 0 : i32
      %dma_wait3A_1904 = tpu.memref_slice %arg5[%select_n3A_54, %add3A_1900, %dma_wait3A_1901, %dma_wait3A_1902, %dma_wait3A_1903] : memref<2x64x64x64x64xf32, #tpu.memory_space<hbm>> -> memref<1x1x4x64x64xf32, #tpu.memory_space<hbm>>
      %dma_wait3A_1905 = tpu.memref_squeeze %dma_wait3A_1904 : memref<1x1x4x64x64xf32, #tpu.memory_space<hbm>> -> memref<4x64x64xf32, #tpu.memory_space<hbm>>
      %dma_wait3A_1906 = arith.constant 36 : i32
      %dma_wait3A_1907 = arith.constant 0 : i32
      %dma_wait3A_1908 = arith.constant 0 : i32
      %dma_wait3A_1909 = tpu.memref_slice %arg5[%select_n3A_54, %add3A_1900, %dma_wait3A_1906, %dma_wait3A_1907, %dma_wait3A_1908] : memref<2x64x64x64x64xf32, #tpu.memory_space<hbm>> -> memref<1x1x4x64x64xf32, #tpu.memory_space<hbm>>
      %dma_wait3A_1910 = tpu.memref_squeeze %dma_wait3A_1909 : memref<1x1x4x64x64xf32, #tpu.memory_space<hbm>> -> memref<4x64x64xf32, #tpu.memory_space<hbm>>
      tpu.wait_dma2 semaphore(%arg13 : memref<!tpu.dma_semaphore, #tpu.memory_space<semaphore_mem>>) src(%arg7 : memref<4x64x64xf32, #tpu.memory_space<vmem>>) dst(%dma_wait3A_1910 : memref<4x64x64xf32, #tpu.memory_space<hbm>>)
      %mul3A_1911 = arith.constant 16 : i32
      %mul3A_1912 = arith.muli %select_n3A_70, %mul3A_1911 : i32
      %add3A_1913 = arith.addi %mul3A_1912, %mul3A_72 : i32
      %add3A_1914 = arith.constant 3 : i32
      %add3A_1915 = arith.addi %add3A_1913, %add3A_1914 : i32
      %dma_wait3A_1916 = arith.constant 40 : i32
      %dma_wait3A_1917 = arith.constant 0 : i32
      %dma_wait3A_1918 = arith.constant 0 : i32
      %dma_wait3A_1919 = tpu.memref_slice %arg5[%select_n3A_54, %add3A_1915, %dma_wait3A_1916, %dma_wait3A_1917, %dma_wait3A_1918] : memref<2x64x64x64x64xf32, #tpu.memory_space<hbm>> -> memref<1x1x4x64x64xf32, #tpu.memory_space<hbm>>
      %dma_wait3A_1920 = tpu.memref_squeeze %dma_wait3A_1919 : memref<1x1x4x64x64xf32, #tpu.memory_space<hbm>> -> memref<4x64x64xf32, #tpu.memory_space<hbm>>
      %dma_wait3A_1921 = arith.constant 40 : i32
      %dma_wait3A_1922 = arith.constant 0 : i32
      %dma_wait3A_1923 = arith.constant 0 : i32
      %dma_wait3A_1924 = tpu.memref_slice %arg5[%select_n3A_54, %add3A_1915, %dma_wait3A_1921, %dma_wait3A_1922, %dma_wait3A_1923] : memref<2x64x64x64x64xf32, #tpu.memory_space<hbm>> -> memref<1x1x4x64x64xf32, #tpu.memory_space<hbm>>
      %dma_wait3A_1925 = tpu.memref_squeeze %dma_wait3A_1924 : memref<1x1x4x64x64xf32, #tpu.memory_space<hbm>> -> memref<4x64x64xf32, #tpu.memory_space<hbm>>
      tpu.wait_dma2 semaphore(%arg13 : memref<!tpu.dma_semaphore, #tpu.memory_space<semaphore_mem>>) src(%arg7 : memref<4x64x64xf32, #tpu.memory_space<vmem>>) dst(%dma_wait3A_1925 : memref<4x64x64xf32, #tpu.memory_space<hbm>>)
      %mul3A_1926 = arith.constant 16 : i32
      %mul3A_1927 = arith.muli %select_n3A_70, %mul3A_1926 : i32
      %add3A_1928 = arith.addi %mul3A_1927, %mul3A_72 : i32
      %add3A_1929 = arith.constant 3 : i32
      %add3A_1930 = arith.addi %add3A_1928, %add3A_1929 : i32
      %dma_wait3A_1931 = arith.constant 44 : i32
      %dma_wait3A_1932 = arith.constant 0 : i32
      %dma_wait3A_1933 = arith.constant 0 : i32
      %dma_wait3A_1934 = tpu.memref_slice %arg5[%select_n3A_54, %add3A_1930, %dma_wait3A_1931, %dma_wait3A_1932, %dma_wait3A_1933] : memref<2x64x64x64x64xf32, #tpu.memory_space<hbm>> -> memref<1x1x4x64x64xf32, #tpu.memory_space<hbm>>
      %dma_wait3A_1935 = tpu.memref_squeeze %dma_wait3A_1934 : memref<1x1x4x64x64xf32, #tpu.memory_space<hbm>> -> memref<4x64x64xf32, #tpu.memory_space<hbm>>
      %dma_wait3A_1936 = arith.constant 44 : i32
      %dma_wait3A_1937 = arith.constant 0 : i32
      %dma_wait3A_1938 = arith.constant 0 : i32
      %dma_wait3A_1939 = tpu.memref_slice %arg5[%select_n3A_54, %add3A_1930, %dma_wait3A_1936, %dma_wait3A_1937, %dma_wait3A_1938] : memref<2x64x64x64x64xf32, #tpu.memory_space<hbm>> -> memref<1x1x4x64x64xf32, #tpu.memory_space<hbm>>
      %dma_wait3A_1940 = tpu.memref_squeeze %dma_wait3A_1939 : memref<1x1x4x64x64xf32, #tpu.memory_space<hbm>> -> memref<4x64x64xf32, #tpu.memory_space<hbm>>
      tpu.wait_dma2 semaphore(%arg13 : memref<!tpu.dma_semaphore, #tpu.memory_space<semaphore_mem>>) src(%arg7 : memref<4x64x64xf32, #tpu.memory_space<vmem>>) dst(%dma_wait3A_1940 : memref<4x64x64xf32, #tpu.memory_space<hbm>>)
      %mul3A_1941 = arith.constant 16 : i32
      %mul3A_1942 = arith.muli %select_n3A_70, %mul3A_1941 : i32
      %add3A_1943 = arith.addi %mul3A_1942, %mul3A_72 : i32
      %add3A_1944 = arith.constant 3 : i32
      %add3A_1945 = arith.addi %add3A_1943, %add3A_1944 : i32
      %dma_wait3A_1946 = arith.constant 48 : i32
      %dma_wait3A_1947 = arith.constant 0 : i32
      %dma_wait3A_1948 = arith.constant 0 : i32
      %dma_wait3A_1949 = tpu.memref_slice %arg5[%select_n3A_54, %add3A_1945, %dma_wait3A_1946, %dma_wait3A_1947, %dma_wait3A_1948] : memref<2x64x64x64x64xf32, #tpu.memory_space<hbm>> -> memref<1x1x4x64x64xf32, #tpu.memory_space<hbm>>
      %dma_wait3A_1950 = tpu.memref_squeeze %dma_wait3A_1949 : memref<1x1x4x64x64xf32, #tpu.memory_space<hbm>> -> memref<4x64x64xf32, #tpu.memory_space<hbm>>
      %dma_wait3A_1951 = arith.constant 48 : i32
      %dma_wait3A_1952 = arith.constant 0 : i32
      %dma_wait3A_1953 = arith.constant 0 : i32
      %dma_wait3A_1954 = tpu.memref_slice %arg5[%select_n3A_54, %add3A_1945, %dma_wait3A_1951, %dma_wait3A_1952, %dma_wait3A_1953] : memref<2x64x64x64x64xf32, #tpu.memory_space<hbm>> -> memref<1x1x4x64x64xf32, #tpu.memory_space<hbm>>
      %dma_wait3A_1955 = tpu.memref_squeeze %dma_wait3A_1954 : memref<1x1x4x64x64xf32, #tpu.memory_space<hbm>> -> memref<4x64x64xf32, #tpu.memory_space<hbm>>
      tpu.wait_dma2 semaphore(%arg13 : memref<!tpu.dma_semaphore, #tpu.memory_space<semaphore_mem>>) src(%arg7 : memref<4x64x64xf32, #tpu.memory_space<vmem>>) dst(%dma_wait3A_1955 : memref<4x64x64xf32, #tpu.memory_space<hbm>>)
      %mul3A_1956 = arith.constant 16 : i32
      %mul3A_1957 = arith.muli %select_n3A_70, %mul3A_1956 : i32
      %add3A_1958 = arith.addi %mul3A_1957, %mul3A_72 : i32
      %add3A_1959 = arith.constant 3 : i32
      %add3A_1960 = arith.addi %add3A_1958, %add3A_1959 : i32
      %dma_wait3A_1961 = arith.constant 52 : i32
      %dma_wait3A_1962 = arith.constant 0 : i32
      %dma_wait3A_1963 = arith.constant 0 : i32
      %dma_wait3A_1964 = tpu.memref_slice %arg5[%select_n3A_54, %add3A_1960, %dma_wait3A_1961, %dma_wait3A_1962, %dma_wait3A_1963] : memref<2x64x64x64x64xf32, #tpu.memory_space<hbm>> -> memref<1x1x4x64x64xf32, #tpu.memory_space<hbm>>
      %dma_wait3A_1965 = tpu.memref_squeeze %dma_wait3A_1964 : memref<1x1x4x64x64xf32, #tpu.memory_space<hbm>> -> memref<4x64x64xf32, #tpu.memory_space<hbm>>
      %dma_wait3A_1966 = arith.constant 52 : i32
      %dma_wait3A_1967 = arith.constant 0 : i32
      %dma_wait3A_1968 = arith.constant 0 : i32
      %dma_wait3A_1969 = tpu.memref_slice %arg5[%select_n3A_54, %add3A_1960, %dma_wait3A_1966, %dma_wait3A_1967, %dma_wait3A_1968] : memref<2x64x64x64x64xf32, #tpu.memory_space<hbm>> -> memref<1x1x4x64x64xf32, #tpu.memory_space<hbm>>
      %dma_wait3A_1970 = tpu.memref_squeeze %dma_wait3A_1969 : memref<1x1x4x64x64xf32, #tpu.memory_space<hbm>> -> memref<4x64x64xf32, #tpu.memory_space<hbm>>
      tpu.wait_dma2 semaphore(%arg13 : memref<!tpu.dma_semaphore, #tpu.memory_space<semaphore_mem>>) src(%arg7 : memref<4x64x64xf32, #tpu.memory_space<vmem>>) dst(%dma_wait3A_1970 : memref<4x64x64xf32, #tpu.memory_space<hbm>>)
      %mul3A_1971 = arith.constant 16 : i32
      %mul3A_1972 = arith.muli %select_n3A_70, %mul3A_1971 : i32
      %add3A_1973 = arith.addi %mul3A_1972, %mul3A_72 : i32
      %add3A_1974 = arith.constant 3 : i32
      %add3A_1975 = arith.addi %add3A_1973, %add3A_1974 : i32
      %dma_wait3A_1976 = arith.constant 56 : i32
      %dma_wait3A_1977 = arith.constant 0 : i32
      %dma_wait3A_1978 = arith.constant 0 : i32
      %dma_wait3A_1979 = tpu.memref_slice %arg5[%select_n3A_54, %add3A_1975, %dma_wait3A_1976, %dma_wait3A_1977, %dma_wait3A_1978] : memref<2x64x64x64x64xf32, #tpu.memory_space<hbm>> -> memref<1x1x4x64x64xf32, #tpu.memory_space<hbm>>
      %dma_wait3A_1980 = tpu.memref_squeeze %dma_wait3A_1979 : memref<1x1x4x64x64xf32, #tpu.memory_space<hbm>> -> memref<4x64x64xf32, #tpu.memory_space<hbm>>
      %dma_wait3A_1981 = arith.constant 56 : i32
      %dma_wait3A_1982 = arith.constant 0 : i32
      %dma_wait3A_1983 = arith.constant 0 : i32
      %dma_wait3A_1984 = tpu.memref_slice %arg5[%select_n3A_54, %add3A_1975, %dma_wait3A_1981, %dma_wait3A_1982, %dma_wait3A_1983] : memref<2x64x64x64x64xf32, #tpu.memory_space<hbm>> -> memref<1x1x4x64x64xf32, #tpu.memory_space<hbm>>
      %dma_wait3A_1985 = tpu.memref_squeeze %dma_wait3A_1984 : memref<1x1x4x64x64xf32, #tpu.memory_space<hbm>> -> memref<4x64x64xf32, #tpu.memory_space<hbm>>
      tpu.wait_dma2 semaphore(%arg13 : memref<!tpu.dma_semaphore, #tpu.memory_space<semaphore_mem>>) src(%arg7 : memref<4x64x64xf32, #tpu.memory_space<vmem>>) dst(%dma_wait3A_1985 : memref<4x64x64xf32, #tpu.memory_space<hbm>>)
      %mul3A_1986 = arith.constant 16 : i32
      %mul3A_1987 = arith.muli %select_n3A_70, %mul3A_1986 : i32
      %add3A_1988 = arith.addi %mul3A_1987, %mul3A_72 : i32
      %add3A_1989 = arith.constant 3 : i32
      %add3A_1990 = arith.addi %add3A_1988, %add3A_1989 : i32
      %dma_wait3A_1991 = arith.constant 60 : i32
      %dma_wait3A_1992 = arith.constant 0 : i32
      %dma_wait3A_1993 = arith.constant 0 : i32
      %dma_wait3A_1994 = tpu.memref_slice %arg5[%select_n3A_54, %add3A_1990, %dma_wait3A_1991, %dma_wait3A_1992, %dma_wait3A_1993] : memref<2x64x64x64x64xf32, #tpu.memory_space<hbm>> -> memref<1x1x4x64x64xf32, #tpu.memory_space<hbm>>
      %dma_wait3A_1995 = tpu.memref_squeeze %dma_wait3A_1994 : memref<1x1x4x64x64xf32, #tpu.memory_space<hbm>> -> memref<4x64x64xf32, #tpu.memory_space<hbm>>
      %dma_wait3A_1996 = arith.constant 60 : i32
      %dma_wait3A_1997 = arith.constant 0 : i32
      %dma_wait3A_1998 = arith.constant 0 : i32
      %dma_wait3A_1999 = tpu.memref_slice %arg5[%select_n3A_54, %add3A_1990, %dma_wait3A_1996, %dma_wait3A_1997, %dma_wait3A_1998] : memref<2x64x64x64x64xf32, #tpu.memory_space<hbm>> -> memref<1x1x4x64x64xf32, #tpu.memory_space<hbm>>
      %dma_wait3A_2000 = tpu.memref_squeeze %dma_wait3A_1999 : memref<1x1x4x64x64xf32, #tpu.memory_space<hbm>> -> memref<4x64x64xf32, #tpu.memory_space<hbm>>
      tpu.wait_dma2 semaphore(%arg13 : memref<!tpu.dma_semaphore, #tpu.memory_space<semaphore_mem>>) src(%arg7 : memref<4x64x64xf32, #tpu.memory_space<vmem>>) dst(%dma_wait3A_2000 : memref<4x64x64xf32, #tpu.memory_space<hbm>>)
    } else {
    }
    return
  }
}

</mosaic_0001>

<sc_bundles>
// kernel: kernel.3.cloned.1.call-start
scs
__scs_entry_jumppad:
0x0: {  	(pc) =	sbr.rel $0x88, $3  }
0x1: {  	(tag) =	ssettag $0x0;
	lr =	simm.s32 $0x1  }
0x2: {  	[smem:$0x3F9F] =	sst lr;
	_ =	strace $0xD0000000  }
0x3: {  	_ = 	snop  }
0x4: {  	_ = 	snop  }
0x5: {  	_ = 	snop  }
0x6: {  	_ = 	snop  }
0x7: {  	_ = 	snop  }
__scs_overlays_trampoline_lowered:
0x8: {  	[smem:$0x3FAE] =	sst s0  }
0x9: {  	[smem:$0x3FAF] =	sst s1  }
0xa: {  	[smem:$0x3FB0] =	sst s2  }
0xb: {  	[smem:$0x3FB1] =	sst s3  }
0xc: {  	[smem:$0x3FB2] =	sst s4  }
0xd: {  	[smem:$0x3FB3] =	sst s5  }
0xe: {  	[smem:$0x3FB4] =	sst s6  }
0xf: {  	[smem:$0x3FB5] =	sst s7  }
0x10: {  	[smem:$0x3FB6] =	sst s8  }
0x11: {  	[smem:$0x3FB7] =	sst s9;
	s0 =	simm.s32 @!p0 $0x0  }
0x12: {  	s1 =	sld [smem:$0x3F9D];
	s0 =	simm.s32 @p0 $0x1  }
0x13: {  	[smem:$0x3FB8] =	sst s0;
	s0 =	simm.s32 @!p1 $0x0  }
0x14: {  	s2 =	sld [smem:$0x3F9C];
	s0 =	simm.s32 @p1 $0x1  }
0x15: {  	[smem:$0x3FB9] =	sst s0;
	s0 =	simm.s32 @!p2 $0x0  }
0x16: {  	s3 =	sld [smem:$0x3FDB];
	s0 =	simm.s32 @p2 $0x1  }
0x17: {  	s4 =	simm.s32 $0x1BF5;
	[smem:$0x3FBB] =	sst s0  }
0x18: {  	s0 =	sld [smem:$0x3F9E];
	_ =	swait.ge [sflag:s4], $0x0  }
0x19: {  	s7 =	sld [smem:$0x3F9F]  }
0x1a: {  	s8 =	sadd.s32 $0xFFFFE003, lr  }
0x1b: {  	s9 =	sadd.s32 $0xFFFFFEF7, lr;
	s5 =	simm.s32 $0xFFFFFFFF;
	p2 =	slt.u32 s8, $0xFFFFF086  }
0x1c: {  	p1 =	slt.u32 s9, $0xF7A;
	s5 =	simm.s32 @!p2 $0x0  }
0x1d: {  	s5 =	simm.s32 @p1 $0x1;
	p0 =	seq.s32 s7, s2  }
0x1e: {  	s7 =	smul.u32 @!p0 $0xF7A, s2;
	p2 =	seq.s32 @!p0 s5, $0x0  }
0x1f: {  	s9 =	smul.u32 $0xF7A, s1;
	s8 =	simm.s32 @!p0 $0x1BF5;
	p2 =	por !p2, p0  }
0x20: {  	[sflag:s8] =	ssyncset.s32 @!p0 $0xFFFFF086;
	s6 =	sadd.s32 @!p0 s3, s7;
	s7 =	simm.s32 @!p0 $0x108  }
0x21: {  	s3 =	sadd.s32 s3, s9;
	s6 =	sadd.s32 @!p0 $0x88, s6;
	s7 =	simm.s32 @p2 $0x1082  }
0x22: {  	[simem:s7], [sflag:s8] =	dma.local @!p0 [hbm:s6], $0xF7A  }
0x23: {  	s9 =	sor.u32 $0xD0000000, s2;
	s6 =	simm.s32 $0x108;
	_ =	swait.ge @!p0 [sflag:s8], $0x0  }
0x24: {  	s3 =	sadd.s32 $0x88, s3;
	s6 =	simm.s32 @!p1 $0x1082;
	[sflag:s4] =	ssyncset.s32 $0xFFFFF086  }
0x25: {  	[simem:s6], [sflag:s4] =	dma.local [hbm:s3], $0xF7A  }
0x26: {  	[smem:$0x3F9F] =	sst s1;
	(tag) =	ssettag s2;
	_ =	strace s9  }
0x27: {  	s1 =	sld [smem:$0x3FAF]  }
0x28: {  	s2 =	sld [smem:$0x3FB0]  }
0x29: {  	s4 =	sld [smem:$0x3FB2]  }
0x2a: {  	p0 =	seq.s32 s5, $0x0;
	s5 =	sld [smem:$0x3FB3]  }
0x2b: {  	s6 =	sld [smem:$0x3FB4]  }
0x2c: {  	s7 =	sld [smem:$0x3FB5]  }
0x2d: {  	s3 =	simm.s32 $0x108;
	s8 =	sld [smem:$0x3FB6]  }
0x2e: {  	s3 =	simm.s32 @!p0 $0x1082;
	s9 =	sld [smem:$0x3FB7]  }
0x2f: {  	lr =	sadd.s32 s0, s3;
	s0 =	sld [smem:$0x3FAE]  }
0x30: {  	s3 =	sld [smem:$0x3FB1]  }
0x31: {  	[smem:$0x3FBA] =	sst s10  }
0x32: {  	s10 =	sld [smem:$0x3FB8];
	_ =	sdelay $0x3  }
0x33: {  	p0 =	seq.s32 s10, $0x1;
	s10 =	sld [smem:$0x3FBA];
	_ =	sdelay $0x3  }
0x34: {  	[smem:$0x3FBA] =	sst s10  }
0x35: {  	s10 =	sld [smem:$0x3FB9];
	_ =	sdelay $0x3  }
0x36: {  	p1 =	seq.s32 s10, $0x1;
	s10 =	sld [smem:$0x3FBA];
	_ =	sdelay $0x3  }
0x37: {  	[smem:$0x3FBA] =	sst s10  }
0x38: {  	s10 =	sld [smem:$0x3FBB]  }
0x39: {  	_ = 	snop;
	(pc) =	sbr.ind lr, $3  }
0x3a: {  	_ = 	snop  }
0x3b: {  	_ = 	snop  }
0x3c: {  	p2 =	seq.s32 s10, $0x1;
	s10 =	sld [smem:$0x3FBA]  }
0x3d: {  	_ =	shalt  }
0x3e: {  	_ =	shalt  }
0x3f: {  	_ =	shalt  }
0x40: {  	_ =	shalt  }
0x41: {  	_ =	shalt  }
0x42: {  	_ =	shalt  }
0x43: {  	_ =	shalt  }
0x44: {  	_ =	shalt  }
0x45: {  	_ =	shalt  }
0x46: {  	_ =	shalt  }
0x47: {  	_ =	shalt  }
0x48: {  	_ =	shalt  }
0x49: {  	_ =	shalt  }
0x4a: {  	_ =	shalt  }
0x4b: {  	_ =	shalt  }
0x4c: {  	_ =	shalt  }
0x4d: {  	_ =	shalt  }
0x4e: {  	_ =	shalt  }
0x4f: {  	_ =	shalt  }
0x50: {  	_ =	shalt  }
0x51: {  	_ =	shalt  }
0x52: {  	_ =	shalt  }
0x53: {  	_ =	shalt  }
0x54: {  	_ =	shalt  }
0x55: {  	_ =	shalt  }
0x56: {  	_ =	shalt  }
0x57: {  	_ =	shalt  }
0x58: {  	_ =	shalt  }
0x59: {  	_ =	shalt  }
0x5a: {  	_ =	shalt  }
0x5b: {  	_ =	shalt  }
0x5c: {  	_ =	shalt  }
0x5d: {  	_ =	shalt  }
0x5e: {  	_ =	shalt  }
0x5f: {  	_ =	shalt  }
0x60: {  	_ =	shalt  }
0x61: {  	_ =	shalt  }
0x62: {  	_ =	shalt  }
0x63: {  	_ =	shalt  }
0x64: {  	_ =	shalt  }
0x65: {  	_ =	shalt  }
0x66: {  	_ =	shalt  }
0x67: {  	_ =	shalt  }
0x68: {  	_ =	shalt  }
0x69: {  	_ =	shalt  }
0x6a: {  	_ =	shalt  }
0x6b: {  	_ =	shalt  }
0x6c: {  	_ =	shalt  }
0x6d: {  	_ =	shalt  }
0x6e: {  	_ =	shalt  }
0x6f: {  	_ =	shalt  }
0x70: {  	_ =	shalt  }
0x71: {  	_ =	shalt  }
0x72: {  	_ =	shalt  }
0x73: {  	_ =	shalt  }
0x74: {  	_ =	shalt  }
0x75: {  	_ =	shalt  }
0x76: {  	_ =	shalt  }
0x77: {  	_ =	shalt  }
0x78: {  	_ =	shalt  }
0x79: {  	_ =	shalt  }
0x7a: {  	_ =	shalt  }
0x7b: {  	_ =	shalt  }
0x7c: {  	_ =	shalt  }
0x7d: {  	_ =	shalt  }
0x7e: {  	_ =	shalt  }
0x7f: {  	_ =	shalt  }
0x80: {  	_ =	shalt  }
0x81: {  	_ =	shalt  }
0x82: {  	_ =	shalt  }
0x83: {  	_ =	shalt  }
0x84: {  	_ =	shalt  }
0x85: {  	_ =	shalt  }
0x86: {  	_ =	shalt  }
0x87: {  	_ =	shalt  }
.Lfunc_end0:
.L_simem_size_0:
called_computation_lowered:
.L_overlay_start_0:
0x88: {  	s2 =	sld [smem:$0x3FD9]  }
0x89: {  	s3 =	sld [smem:$0x3FFE];
	_ =	sdelay $0x1  }
0x8a: {  	s1 =	srdreg.scid  }
0x8b: {  	s0 =	sand.u32 $0x1, s1  }
0x8c: {  	s17 =	sshll.u32 s0, $0xA;
	s2 =	sadd.s32 s3, s2  }
0x8d: {  	s2 =	sadd.s32 s2, s17  }
0x8e: {  	[smem:$0x3FC6] =	sst s2  }
0x8f: {  	_ = 	snop  }
0x90: {  	s2 =	sld [smem:$0x3FC9]  }
0x91: {  	s18 =	sld [smem:$0x3FD0];
	(tm) =	ssettm $0x1  }
0x92: {  	s4 =	sld [smem:$0x3FFB];
	_ =	sdelay $0x3  }
0x93: {  	_ =	strace s4  }
0x94: {  	s4 =	sld [smem:$0x3FFC];
	_ =	sdelay $0x3  }
0x95: {  	_ =	strace s4  }
0x96: {  	s4 =	sld [smem:$0x3FFD];
	_ =	sdelay $0x3  }
0x97: {  	_ =	strace s4  }
0x98: {  	_ =	strace $0x8FFFFFFF  }
0x99: {  	s19 =	sld [smem:$0x3FDB];
	_ =	sdelay $0x1  }
0x9a: {  	s5 =	simm.s32 $_scs_section_size  }
0x9b: {  	s6 =	simm.s32 $_size__tile_overlayer_lowered;
	s7 =	simm.s32 $_tile_overlayer_lowered  }
0x9c: {  	s22 =	simm.s32 $0x1BFF;
	s21 =	sshll.u32 s7, $0x1;
	s4 =	sadd.s32 s5, s19  }
0x9d: {  	s8 =	simm.s32 $0x0;
	s20 =	sshll.u32 s6, $0x1;
	s6 =	sadd.s32 s21, s4  }
0x9e: {  	[timem:s8], [sflag:s22] =	dma.local [hbm:s6], s20  }
0x9f: {  	_ =	swait.ge [sflag:s22], s20  }
0xa0: {  	s5 =	ssub.s32 $0x0, s20;
	[sflag:s22] =	ssyncset.done $0x0  }
0xa1: {  	[sflag:s22] =	ssyncadd.s32 s5;
	_ =	sdelay $0x1  }
0xa2: {  	s23 =	simm.s32 $0x1B8B  }
0xa3: {  	_ =	swait.ge [sflag:s23], $0x1  }
0xa4: {  	[sflag:s23] =	ssyncset.done $0x0  }
0xa5: {  	s25 =	simm.s32 $0x1B8E;
	s24 =	sld [smem:$0x3FFE];
	[sflag:s23] =	ssyncadd.s32 $0xFFFFFFFF  }
0xa6: {  	s26 =	simm.s32 $execute0_lowered;
	[smem:$0x3FD2] =	sst s25  }
0xa7: {  	s6 =	sshll.u32 s26, $0x1;
	_ =	strace $0x80000046;
	[dreg:$0x1] =	wrdreg $0xFFFFFFFF  }
0xa8: {  	s28 =	simm.s32 $_size_execute0_lowered;
	s4 =	sadd.s32 s4, s6;
	[dreg:$0x0] =	wrdreg $0x0  }
0xa9: {  	s6 =	sshll.u32 s28, $0x1;
	[dreg:$0x2] =	wrdreg s4  }
0xaa: {  	[dreg:$0x3] =	wrdreg s6  }
0xab: {  	[dreg:$0x4] =	wrdreg $0xC0  }
0xac: {  	_ =	task [dreg:s8], $0x5FFFF  }
0xad: {  	[dreg:$0x1] =	wrdreg $0xFFFFFFFF  }
0xae: {  	[dreg:$0x0] =	wrdreg $0x60  }
0xaf: {  	[dreg:$0x2] =	wrdreg s2  }
0xb0: {  	[dreg:$0x3] =	wrdreg s24  }
0xb1: {  	[dreg:$0x4] =	wrdreg s18  }
0xb2: {  	[dreg:$0x5] =	wrdreg $0x9  }
0xb3: {  	_ =	task.clear_ibuf [dreg:s8], $0x6FFFF;
	_ =	strace $0x90000046  }
0xb4: {  	s29 =	simm.s32 $0x9;
	_ =	strace $0x80000048  }
0xb5: {  	_ =	swait.ge [sflag:s29], $0x1  }
0xb6: {  	[sflag:s29] =	ssyncadd.s32 $0xFFFFFFFF  }
0xb7: {  	_ =	strace $0x90000048  }
0xb8: {  	_ =	sfence  }
0xb9: {  	s30 =	sld [smem:$0x0];
	_ =	sdelay $0x2  }
0xba: {  	s31 =	sshll.u32 s1, $0xD;
	s1 =	sshrl.u32 s1, $0x2  }
0xbb: {  	s3 =	sand.u32 $0x4000, s31;
	s1 =	sadd.s32 s1, s30  }
0xbc: {  	s0 =	sor.u32 s3, s0;
	s1 =	sshll.u32 s1, $0x11  }
0xbd: {  	s0 =	sor.u32 s1, s0  }
0xbe: {  	s0 =	sadd.s32 $0x8F2B, s0  }
0xbf: {  	[sflag:s0] =	ssyncadd.remote.s32 $0x1  }
0xc0: {  	_ =	sfence.sel $0xFFFF  }
0xc1: {  	[dreg:$0x0] =	wrdreg $0xFFFFFFFF;
	(pc) =	sbr.abs _section_cstart, $3  }
0xc2: {  	[dreg:$0x1] =	wrdreg $0xFFFFFFFF  }
0xc3: {  	_ =	task.clear_ibuf [dreg:s8], $0x2FFFF;
	_ =	strace $0x9FFFFFFF  }
0xc4: {  	(tm) =	ssettm $0x7FFFFFFF  }
0xc5: {  	_ =	shalt  }
tec
execute0_lowered:
.L_overlay_start_1:
0x0: {  	(tag) =	ssettag $0x1  }
0x1: {  	s4 =	stileid.u32  }
0x2: {  	s0 =	srdreg.scid;
	s1 =	sshll.u32 s4, $0x1  }
0x3: {  	s2 =	sand.u32 $0x1, s0;
	s1 =	sand.u32 $0x2, s1  }
0x4: {  	s4 =	sshll.u32 s4, $0x16;
	s3 =	sor.u32 s2, s1  }
0x5: {  	s0 =	rddreg [dreg:$0x2];
	s5 =	sand.u32 $0x1800000, s4;
	s3 =	sshll.u32 s3, $0x15  }
0x6: {  	s4 =	sand.u32 $0x2000000, s4;
	s2 =	ssub.s32 $0x2, s2;
	s6 =	sor.u32 s5, s3  }
0x7: {  	s1 =	simm.s32 $0x0;
	s7 =	sshrl.u32 s2, $0x1;
	s6 =	sor.u32 s4, s6  }
0x8: {  	[smem:$0x7FF] =	sst s1;
	s2 =	ssub.s32 s2, s7;
	s19 =	sshrl.u32 s6, $0x3  }
0x9: {  	[smem:$0x7FD] =	sst s2;
	s6 =	sor.u32 s4, s5;
	s20 =	sor.u32 $0x10000, s19  }
0xa: {  	s2 =	sadd.s32 $0x1000, s0;
	s6 =	sor.u32 s3, s6;
	s21 =	sadd.s32 s0, s20  }
0xb: {  	s3 =	sadd.s32 $0x2000, s0;
	s7 =	sadd.s32 s20, s2;
	[dreg:$0x4] =	wrdreg s21  }
0xc: {  	s4 =	sadd.s32 $0x3000, s0;
	s22 =	sadd.s32 s20, s3;
	[dreg:$0x5] =	wrdreg s7  }
0xd: {  	s5 =	sadd.s32 $0x4000, s0;
	s23 =	sadd.s32 s20, s4;
	[dreg:$0x6] =	wrdreg s22  }
0xe: {  	s8 =	sadd.s32 $0x5000, s0;
	s24 =	sadd.s32 s20, s5;
	[dreg:$0x7] =	wrdreg s23  }
0xf: {  	s9 =	sadd.s32 $0x6000, s0;
	s25 =	sadd.s32 s20, s8;
	[dreg:$0x8] =	wrdreg s24  }
0x10: {  	s10 =	sadd.s32 $0x7000, s0;
	s26 =	sadd.s32 s20, s9;
	[dreg:$0x9] =	wrdreg s25  }
0x11: {  	s11 =	sadd.s32 $0x8000, s0;
	[dreg:$0xa] =	wrdreg s26;
	s7 =	sadd.s32 s20, s10  }
0x12: {  	s12 =	sadd.s32 $0x9000, s0;
	s22 =	sadd.s32 s20, s11;
	[dreg:$0xb] =	wrdreg s7  }
0x13: {  	s13 =	sadd.s32 $0xA000, s0;
	s23 =	sadd.s32 s20, s12;
	[dreg:$0xc] =	wrdreg s22  }
0x14: {  	s14 =	sadd.s32 $0xB000, s0;
	s24 =	sadd.s32 s20, s13;
	[dreg:$0xd] =	wrdreg s23  }
0x15: {  	s15 =	sadd.s32 $0xC000, s0;
	s25 =	sadd.s32 s20, s14;
	[dreg:$0xe] =	wrdreg s24  }
0x16: {  	s26 =	sadd.s32 s20, s15;
	[dreg:$0xf] =	wrdreg s25  }
0x17: {  	s16 =	sadd.s32 $0xD000, s0;
	s21 =	sadd.s32 s19, s8;
	[dreg:$0x10] =	wrdreg s26  }
0x18: {  	s17 =	sadd.s32 $0xE000, s0;
	s7 =	sadd.s32 s20, s16;
	[dreg:$0x19] =	wrdreg s21  }
0x19: {  	s18 =	sadd.s32 $0xF000, s0;
	s22 =	sadd.s32 s20, s17;
	[dreg:$0x11] =	wrdreg s7  }
0x1a: {  	s20 =	sadd.s32 s20, s18;
	[dreg:$0x12] =	wrdreg s22  }
0x1b: {  	s23 =	sadd.s32 s0, s19;
	[dreg:$0x13] =	wrdreg s20  }
0x1c: {  	s24 =	sadd.s32 s19, s2;
	[dreg:$0x14] =	wrdreg s23  }
0x1d: {  	s25 =	sadd.s32 s19, s3;
	[dreg:$0x15] =	wrdreg s24  }
0x1e: {  	s26 =	sadd.s32 s19, s4;
	[dreg:$0x16] =	wrdreg s25  }
0x1f: {  	s21 =	sadd.s32 s19, s15;
	[dreg:$0x17] =	wrdreg s26  }
0x20: {  	s7 =	sadd.s32 s19, s5;
	[smem:$0x7A6] =	sst s21  }
0x21: {  	s22 =	sadd.s32 s19, s9;
	[dreg:$0x18] =	wrdreg s7  }
0x22: {  	s23 =	sadd.s32 s19, s10;
	[dreg:$0x1a] =	wrdreg s22  }
0x23: {  	s24 =	sadd.s32 s19, s11;
	[dreg:$0x1b] =	wrdreg s23  }
0x24: {  	s25 =	sadd.s32 s19, s12;
	[dreg:$0x1c] =	wrdreg s24  }
0x25: {  	s26 =	sadd.s32 s19, s13;
	[dreg:$0x1d] =	wrdreg s25  }
0x26: {  	[dreg:$0x1e] =	wrdreg s26;
	s7 =	sadd.s32 s19, s14  }
0x27: {  	s22 =	sadd.s32 s19, s16;
	[dreg:$0x1f] =	wrdreg s7  }
0x28: {  	s23 =	sadd.s32 s19, s17;
	[smem:$0x7A7] =	sst s22  }
0x29: {  	s20 =	sor.u32 $0x20000, s19;
	s24 =	sadd.s32 s19, s18;
	[smem:$0x7A8] =	sst s23  }
0x2a: {  	s25 =	sadd.s32 s0, s20;
	[smem:$0x7A9] =	sst s24  }
0x2b: {  	s26 =	sadd.s32 s20, s2;
	[smem:$0x7AA] =	sst s25  }
0x2c: {  	[smem:$0x7AB] =	sst s26;
	s7 =	sadd.s32 s20, s3  }
0x2d: {  	s22 =	sadd.s32 s20, s4;
	[smem:$0x7AC] =	sst s7  }
0x2e: {  	s23 =	sadd.s32 s20, s5;
	[smem:$0x7AD] =	sst s22  }
0x2f: {  	s24 =	sadd.s32 s20, s8;
	[smem:$0x7AE] =	sst s23  }
0x30: {  	s25 =	sadd.s32 s20, s9;
	[smem:$0x7AF] =	sst s24  }
0x31: {  	s19 =	sor.u32 $0x30000, s19;
	s26 =	sadd.s32 s20, s10;
	[smem:$0x7B0] =	sst s25  }
0x32: {  	s0 =	sadd.s32 s0, s19;
	[smem:$0x7B1] =	sst s26  }
0x33: {  	s21 =	sadd.s32 s19, s3;
	[smem:$0x7BA] =	sst s0  }
0x34: {  	s7 =	sadd.s32 s20, s11;
	[smem:$0x7BC] =	sst s21  }
0x35: {  	s22 =	sadd.s32 s20, s12;
	[smem:$0x7B2] =	sst s7  }
0x36: {  	s28 =	sadd.s32 s19, s10;
	s23 =	sadd.s32 s20, s13;
	[smem:$0x7B3] =	sst s22  }
0x37: {  	s29 =	sadd.s32 s19, s11;
	s24 =	sadd.s32 s20, s14;
	[smem:$0x7B4] =	sst s23  }
0x38: {  	s30 =	sadd.s32 s19, s12;
	s25 =	sadd.s32 s20, s15;
	[smem:$0x7B5] =	sst s24  }
0x39: {  	s31 =	sadd.s32 s19, s13;
	s26 =	sadd.s32 s20, s16;
	[smem:$0x7B6] =	sst s25  }
0x3a: {  	s3 =	sadd.s32 s19, s16;
	s0 =	sadd.s32 s19, s14;
	[smem:$0x7B7] =	sst s26  }
0x3b: {  	s7 =	sadd.s32 s20, s17;
	s25 =	sadd.s32 s19, s8;
	s8 =	rddreg [dreg:$0x0]  }
0x3c: {  	s20 =	sadd.s32 s20, s18;
	s22 =	sadd.s32 s19, s4;
	[smem:$0x7B8] =	sst s7  }
0x3d: {  	s23 =	sadd.s32 s19, s5;
	s26 =	sadd.s32 s19, s9;
	[smem:$0x7B9] =	sst s20  }
0x3e: {  	s4 =	sadd.s32 s19, s17;
	s5 =	sadd.s32 s19, s18;
	[smem:$0x7BD] =	sst s22  }
0x3f: {  	s20 =	sadd.s32 s19, s2;
	[smem:$0x7BE] =	sst s23;
	s23 =	sshrl.u32 s6, $0x3  }
0x40: {  	s2 =	sadd.s32 s19, s15;
	s10 =	sadd.s32 $0x1000, s8;
	s24 =	sor.u32 $0x10000, s23  }
0x41: {  	s11 =	sadd.s32 $0x2000, s8;
	[smem:$0x7BB] =	sst s20;
	s7 =	sadd.s32 s8, s24  }
0x42: {  	s12 =	sadd.s32 $0x3000, s8;
	[smem:$0x7BF] =	sst s7;
	s7 =	sadd.s32 s24, s10  }
0x43: {  	s13 =	sadd.s32 $0x4000, s8;
	[smem:$0x7C0] =	sst s7;
	s7 =	sadd.s32 s24, s11  }
0x44: {  	s14 =	sadd.s32 $0x5000, s8;
	[smem:$0x7C1] =	sst s7;
	s7 =	sadd.s32 s24, s12  }
0x45: {  	s15 =	sadd.s32 $0x6000, s8;
	[smem:$0x7C2] =	sst s7;
	s7 =	sadd.s32 s24, s13  }
0x46: {  	s16 =	sadd.s32 $0x7000, s8;
	[smem:$0x7C3] =	sst s7;
	s7 =	sadd.s32 s24, s14  }
0x47: {  	s17 =	sadd.s32 $0x8000, s8;
	[smem:$0x7C4] =	sst s7;
	s7 =	sadd.s32 s24, s15  }
0x48: {  	s18 =	sadd.s32 $0x9000, s8;
	[smem:$0x7C5] =	sst s7;
	s7 =	sadd.s32 s24, s16  }
0x49: {  	s19 =	sadd.s32 $0xA000, s8;
	[smem:$0x7C6] =	sst s7;
	s7 =	sadd.s32 s24, s17  }
0x4a: {  	s21 =	sadd.s32 $0xC000, s8;
	[smem:$0x7C7] =	sst s7;
	s7 =	sadd.s32 s24, s18  }
0x4b: {  	s20 =	sadd.s32 $0xB000, s8;
	[smem:$0x7C8] =	sst s7;
	s7 =	sadd.s32 s24, s19  }
0x4c: {  	s6 =	sadd.s32 $0xD000, s8;
	[smem:$0x7C9] =	sst s7;
	s7 =	sadd.s32 s24, s20  }
0x4d: {  	s22 =	sadd.s32 $0xE000, s8;
	[smem:$0x7CA] =	sst s7;
	s7 =	sadd.s32 s24, s21  }
0x4e: {  	s9 =	sadd.s32 $0xF000, s8;
	[smem:$0x7CB] =	sst s7;
	s7 =	sadd.s32 s24, s6  }
0x4f: {  	[smem:$0x7CC] =	sst s7;
	s7 =	sadd.s32 s24, s22;
	s24 =	sadd.s32 s24, s9  }
0x50: {  	[smem:$0x7CE] =	sst s24;
	s24 =	sadd.s32 s8, s23  }
0x51: {  	[smem:$0x7CF] =	sst s24;
	s24 =	sadd.s32 s23, s10  }
0x52: {  	[smem:$0x7D0] =	sst s24;
	s24 =	sadd.s32 s23, s11  }
0x53: {  	[smem:$0x7D1] =	sst s24;
	s24 =	sadd.s32 s23, s12  }
0x54: {  	[smem:$0x7D2] =	sst s24;
	s24 =	sadd.s32 s23, s13  }
0x55: {  	[smem:$0x7D3] =	sst s24;
	s24 =	sadd.s32 s23, s14  }
0x56: {  	[smem:$0x7D4] =	sst s24;
	s24 =	sadd.s32 s23, s15  }
0x57: {  	[smem:$0x7D5] =	sst s24;
	s24 =	sadd.s32 s23, s16  }
0x58: {  	[smem:$0x7D6] =	sst s24;
	s24 =	sadd.s32 s23, s17  }
0x59: {  	[smem:$0x7D7] =	sst s24;
	s24 =	sadd.s32 s23, s18  }
0x5a: {  	[smem:$0x7D8] =	sst s24;
	s24 =	sadd.s32 s23, s19  }
0x5b: {  	[smem:$0x7D9] =	sst s24;
	s24 =	sadd.s32 s23, s20  }
0x5c: {  	[smem:$0x7DA] =	sst s24;
	s24 =	sadd.s32 s23, s21  }
0x5d: {  	[smem:$0x7DB] =	sst s24;
	s24 =	sadd.s32 s23, s6  }
0x5e: {  	[smem:$0x7DC] =	sst s24;
	s24 =	sadd.s32 s23, s22  }
0x5f: {  	[smem:$0x7DD] =	sst s24;
	s24 =	sadd.s32 s23, s9  }
0x60: {  	[smem:$0x7DE] =	sst s24;
	s24 =	sor.u32 $0x20000, s23  }
0x61: {  	[smem:$0x7CD] =	sst s7;
	s23 =	sor.u32 $0x30000, s23;
	s7 =	sadd.s32 s8, s24  }
0x62: {  	s8 =	sadd.s32 s8, s23;
	[smem:$0x7DF] =	sst s7  }
0x63: {  	s7 =	sadd.s32 s24, s10;
	[smem:$0x7EE] =	sst s8  }
0x64: {  	s10 =	sadd.s32 s23, s10;
	[smem:$0x7E0] =	sst s7  }
0x65: {  	s8 =	sadd.s32 s23, s14;
	[smem:$0x7EF] =	sst s10  }
0x66: {  	s7 =	sadd.s32 s24, s11;
	[smem:$0x7F3] =	sst s8  }
0x67: {  	s11 =	sadd.s32 s23, s11;
	[smem:$0x7E1] =	sst s7  }
0x68: {  	s10 =	sadd.s32 s23, s15;
	[smem:$0x7F0] =	sst s11  }
0x69: {  	s7 =	sadd.s32 s24, s12;
	[smem:$0x7F4] =	sst s10  }
0x6a: {  	s12 =	sadd.s32 s23, s12;
	[smem:$0x7E2] =	sst s7  }
0x6b: {  	s11 =	sadd.s32 s23, s16;
	[smem:$0x7F1] =	sst s12  }
0x6c: {  	s7 =	sadd.s32 s24, s13;
	[smem:$0x7F5] =	sst s11  }
0x6d: {  	s13 =	sadd.s32 s23, s13;
	[smem:$0x7E3] =	sst s7  }
0x6e: {  	s12 =	sadd.s32 s23, s17;
	[smem:$0x7F2] =	sst s13  }
0x6f: {  	s7 =	sadd.s32 s24, s14;
	[smem:$0x7F6] =	sst s12  }
0x70: {  	s13 =	sadd.s32 s23, s18;
	[smem:$0x7E4] =	sst s7  }
0x71: {  	s14 =	sadd.s32 s23, s19;
	[smem:$0x7F7] =	sst s13  }
0x72: {  	s7 =	sadd.s32 s24, s15;
	[smem:$0x7F8] =	sst s14  }
0x73: {  	s15 =	sadd.s32 s23, s20;
	[smem:$0x7E5] =	sst s7  }
0x74: {  	s7 =	sadd.s32 s24, s16;
	[smem:$0x7F9] =	sst s15  }
0x75: {  	s16 =	sadd.s32 s23, s21;
	[smem:$0x7E6] =	sst s7  }
0x76: {  	[smem:$0x7FA] =	sst s16  }
0x77: {  	s7 =	sadd.s32 s24, s17;
	s17 =	rddreg [dreg:$0x1]  }
0x78: {  	[smem:$0x7E7] =	sst s7;
	s7 =	sadd.s32 s24, s18  }
0x79: {  	[smem:$0x7E8] =	sst s7;
	s7 =	sadd.s32 s24, s19  }
0x7a: {  	[smem:$0x7E9] =	sst s7;
	s7 =	sadd.s32 s24, s20  }
0x7b: {  	[smem:$0x7EA] =	sst s7;
	s7 =	sadd.s32 s24, s21  }
0x7c: {  	[smem:$0x7EB] =	sst s7;
	s7 =	sadd.s32 s24, s6  }
0x7d: {  	s10 =	simm.s32 $0x80;
	s6 =	sadd.s32 s23, s6;
	[smem:$0x7EC] =	sst s7  }
0x7e: {  	s11 =	simm.s32 $0x4;
	s7 =	sadd.s32 s24, s22;
	[smem:$0x7FB] =	sst s6  }
0x7f: {  	s12 =	simm.s32 $0x1;
	s13 =	simm.s32 $0x2;
	[smem:$0x7ED] =	sst s7  }
.Ltmp0:
0x80: {  	s21 =	rddreg [dreg:$0x3];
	_ =	strace $0x80000047;
	(pc) =	sbr.rel .LBB2_1-.Ltmp0, $4  }
0x81: {  	s14 =	simm.s32 $0x3;
	s18 =	stileid.u32;
	s20 =	sld [smem:$0x7FD]  }
0x82: {  	s19 =	sadd.s32 $0x600, s17;
	s8 =	sshrl.u32 s18, $0x1;
	s24 =	sadd.s32 s24, s9  }
0x83: {  	s22 =	sadd.s32 s23, s22;
	s23 =	sadd.s32 s23, s9;
	s6 =	sadd.s32 $0x400, s17  }
0x84: {  	s9 =	simm.s32 $0x5;
	[smem:$0x7FC] =	sst s19;
	s7 =	smax.u32 s20, $0x1  }
.LBB2_3:
0x85: {  	s15 =	sld [smem:$0x7FC];
	_ =	sdelay $0x2  }
0x86: {  	[tilespmem:s10], [sflag:$0x5] =	stream.linear.gather [hbm4b:s15+s1], $0x8000, $0x38;
	[tilespmem:$0x8080] =	vst v63  }
0x87: {  	_ =	swait.ge [sflag:s9], $0x8000  }
0x88: {  	[sflag:s9] =	ssyncset.done $0x0;
	s20 =	rddreg [dreg:$0x14]  }
0x89: {  	s16 =	rddreg [dreg:$0x15];
	[sflag:s9] =	ssyncadd.s32 $0xFFFF8000  }
0x8a: {  	[hbm4b:s20+s1] =	stream.linear.scatter [tilespmem:s10], [sflag:$0x4], $0x8000, $0x38;
	[tilespmem:$0x8080] =	vst v63  }
0x8b: {  	s17 =	rddreg [dreg:$0x16]  }
0x8c: {  	[hbm4b:s16+s1] =	stream.linear.scatter [tilespmem:s10], [sflag:$0x4], $0x8000, $0x38;
	[tilespmem:$0x8080] =	vst v63  }
0x8d: {  	s19 =	rddreg [dreg:$0x17]  }
0x8e: {  	[hbm4b:s17+s1] =	stream.linear.scatter [tilespmem:s10], [sflag:$0x4], $0x8000, $0x38;
	[tilespmem:$0x8080] =	vst v63  }
0x8f: {  	s20 =	rddreg [dreg:$0x18]  }
0x90: {  	[hbm4b:s19+s1] =	stream.linear.scatter [tilespmem:s10], [sflag:$0x4], $0x8000, $0x38;
	[tilespmem:$0x8080] =	vst v63  }
0x91: {  	s16 =	rddreg [dreg:$0x19]  }
0x92: {  	[hbm4b:s20+s1] =	stream.linear.scatter [tilespmem:s10], [sflag:$0x4], $0x8000, $0x38;
	[tilespmem:$0x8080] =	vst v63  }
0x93: {  	s17 =	rddreg [dreg:$0x1a]  }
0x94: {  	[hbm4b:s16+s1] =	stream.linear.scatter [tilespmem:s10], [sflag:$0x4], $0x8000, $0x38;
	[tilespmem:$0x8080] =	vst v63  }
0x95: {  	s19 =	rddreg [dreg:$0x1b]  }
0x96: {  	[hbm4b:s17+s1] =	stream.linear.scatter [tilespmem:s10], [sflag:$0x4], $0x8000, $0x38;
	[tilespmem:$0x8080] =	vst v63  }
0x97: {  	s20 =	rddreg [dreg:$0x1c]  }
0x98: {  	[hbm4b:s19+s1] =	stream.linear.scatter [tilespmem:s10], [sflag:$0x4], $0x8000, $0x38;
	[tilespmem:$0x8080] =	vst v63  }
0x99: {  	s16 =	rddreg [dreg:$0x1d]  }
0x9a: {  	[hbm4b:s20+s1] =	stream.linear.scatter [tilespmem:s10], [sflag:$0x4], $0x8000, $0x38;
	[tilespmem:$0x8080] =	vst v63  }
0x9b: {  	s17 =	rddreg [dreg:$0x1e]  }
0x9c: {  	[hbm4b:s16+s1] =	stream.linear.scatter [tilespmem:s10], [sflag:$0x4], $0x8000, $0x38;
	[tilespmem:$0x8080] =	vst v63  }
0x9d: {  	s19 =	rddreg [dreg:$0x1f]  }
0x9e: {  	[hbm4b:s17+s1] =	stream.linear.scatter [tilespmem:s10], [sflag:$0x4], $0x8000, $0x38;
	[tilespmem:$0x8080] =	vst v63  }
0x9f: {  	s20 =	sld [smem:$0x7A6]  }
0xa0: {  	[hbm4b:s19+s1] =	stream.linear.scatter [tilespmem:s10], [sflag:$0x4], $0x8000, $0x38;
	[tilespmem:$0x8080] =	vst v63  }
0xa1: {  	s16 =	sld [smem:$0x7A7]  }
0xa2: {  	[hbm4b:s20+s1] =	stream.linear.scatter [tilespmem:s10], [sflag:$0x4], $0x8000, $0x38;
	[tilespmem:$0x8080] =	vst v63  }
0xa3: {  	s17 =	sld [smem:$0x7A8]  }
0xa4: {  	[hbm4b:s16+s1] =	stream.linear.scatter [tilespmem:s10], [sflag:$0x4], $0x8000, $0x38;
	[tilespmem:$0x8080] =	vst v63  }
0xa5: {  	s19 =	sld [smem:$0x7A9]  }
0xa6: {  	[hbm4b:s17+s1] =	stream.linear.scatter [tilespmem:s10], [sflag:$0x4], $0x8000, $0x38;
	[tilespmem:$0x8080] =	vst v63  }
0xa7: {  	s20 =	rddreg [dreg:$0x4]  }
0xa8: {  	[hbm4b:s19+s1] =	stream.linear.scatter [tilespmem:s10], [sflag:$0x4], $0x8000, $0x38;
	[tilespmem:$0x8080] =	vst v63  }
0xa9: {  	s16 =	rddreg [dreg:$0x5]  }
0xaa: {  	[hbm4b:s20+s1] =	stream.linear.scatter [tilespmem:s10], [sflag:$0x4], $0x8000, $0x38;
	[tilespmem:$0x8080] =	vst v63  }
0xab: {  	s17 =	rddreg [dreg:$0x6]  }
0xac: {  	[hbm4b:s16+s1] =	stream.linear.scatter [tilespmem:s10], [sflag:$0x4], $0x8000, $0x38;
	[tilespmem:$0x8080] =	vst v63  }
0xad: {  	s19 =	rddreg [dreg:$0x7]  }
0xae: {  	[hbm4b:s17+s1] =	stream.linear.scatter [tilespmem:s10], [sflag:$0x4], $0x8000, $0x38;
	[tilespmem:$0x8080] =	vst v63  }
0xaf: {  	s20 =	rddreg [dreg:$0x8]  }
0xb0: {  	[hbm4b:s19+s1] =	stream.linear.scatter [tilespmem:s10], [sflag:$0x4], $0x8000, $0x38;
	[tilespmem:$0x8080] =	vst v63  }
0xb1: {  	s16 =	rddreg [dreg:$0x9]  }
0xb2: {  	[hbm4b:s20+s1] =	stream.linear.scatter [tilespmem:s10], [sflag:$0x4], $0x8000, $0x38;
	[tilespmem:$0x8080] =	vst v63  }
0xb3: {  	s17 =	rddreg [dreg:$0xa]  }
0xb4: {  	[hbm4b:s16+s1] =	stream.linear.scatter [tilespmem:s10], [sflag:$0x4], $0x8000, $0x38;
	[tilespmem:$0x8080] =	vst v63  }
0xb5: {  	s19 =	rddreg [dreg:$0xb]  }
0xb6: {  	[hbm4b:s17+s1] =	stream.linear.scatter [tilespmem:s10], [sflag:$0x4], $0x8000, $0x38;
	[tilespmem:$0x8080] =	vst v63  }
0xb7: {  	s20 =	rddreg [dreg:$0xc]  }
0xb8: {  	[hbm4b:s19+s1] =	stream.linear.scatter [tilespmem:s10], [sflag:$0x4], $0x8000, $0x38;
	[tilespmem:$0x8080] =	vst v63  }
0xb9: {  	s16 =	rddreg [dreg:$0xd]  }
0xba: {  	[hbm4b:s20+s1] =	stream.linear.scatter [tilespmem:s10], [sflag:$0x4], $0x8000, $0x38;
	[tilespmem:$0x8080] =	vst v63  }
0xbb: {  	s17 =	rddreg [dreg:$0xe]  }
0xbc: {  	[hbm4b:s16+s1] =	stream.linear.scatter [tilespmem:s10], [sflag:$0x4], $0x8000, $0x38;
	[tilespmem:$0x8080] =	vst v63  }
0xbd: {  	s19 =	rddreg [dreg:$0xf]  }
0xbe: {  	[hbm4b:s17+s1] =	stream.linear.scatter [tilespmem:s10], [sflag:$0x4], $0x8000, $0x38;
	[tilespmem:$0x8080] =	vst v63  }
0xbf: {  	s20 =	rddreg [dreg:$0x10]  }
0xc0: {  	[hbm4b:s19+s1] =	stream.linear.scatter [tilespmem:s10], [sflag:$0x4], $0x8000, $0x38;
	[tilespmem:$0x8080] =	vst v63  }
0xc1: {  	s16 =	rddreg [dreg:$0x11]  }
0xc2: {  	[hbm4b:s20+s1] =	stream.linear.scatter [tilespmem:s10], [sflag:$0x4], $0x8000, $0x38;
	[tilespmem:$0x8080] =	vst v63  }
0xc3: {  	s17 =	rddreg [dreg:$0x12]  }
0xc4: {  	[hbm4b:s16+s1] =	stream.linear.scatter [tilespmem:s10], [sflag:$0x4], $0x8000, $0x38;
	[tilespmem:$0x8080] =	vst v63  }
0xc5: {  	s19 =	rddreg [dreg:$0x13]  }
0xc6: {  	[hbm4b:s17+s1] =	stream.linear.scatter [tilespmem:s10], [sflag:$0x4], $0x8000, $0x38;
	[tilespmem:$0x8080] =	vst v63  }
0xc7: {  	s20 =	sld [smem:$0x7AA]  }
0xc8: {  	[hbm4b:s19+s1] =	stream.linear.scatter [tilespmem:s10], [sflag:$0x4], $0x8000, $0x38;
	[tilespmem:$0x8080] =	vst v63  }
0xc9: {  	s16 =	sld [smem:$0x7AB]  }
0xca: {  	[hbm4b:s20+s1] =	stream.linear.scatter [tilespmem:s10], [sflag:$0x4], $0x8000, $0x38;
	[tilespmem:$0x8080] =	vst v63  }
0xcb: {  	s17 =	sld [smem:$0x7AC]  }
0xcc: {  	[hbm4b:s16+s1] =	stream.linear.scatter [tilespmem:s10], [sflag:$0x4], $0x8000, $0x38;
	[tilespmem:$0x8080] =	vst v63  }
0xcd: {  	s19 =	sld [smem:$0x7AD]  }
0xce: {  	[hbm4b:s17+s1] =	stream.linear.scatter [tilespmem:s10], [sflag:$0x4], $0x8000, $0x38;
	[tilespmem:$0x8080] =	vst v63  }
0xcf: {  	s20 =	sld [smem:$0x7AE]  }
0xd0: {  	[hbm4b:s19+s1] =	stream.linear.scatter [tilespmem:s10], [sflag:$0x4], $0x8000, $0x38;
	[tilespmem:$0x8080] =	vst v63  }
0xd1: {  	s16 =	sld [smem:$0x7AF]  }
0xd2: {  	[hbm4b:s20+s1] =	stream.linear.scatter [tilespmem:s10], [sflag:$0x4], $0x8000, $0x38;
	[tilespmem:$0x8080] =	vst v63  }
0xd3: {  	s17 =	sld [smem:$0x7B0]  }
0xd4: {  	[hbm4b:s16+s1] =	stream.linear.scatter [tilespmem:s10], [sflag:$0x4], $0x8000, $0x38;
	[tilespmem:$0x8080] =	vst v63  }
0xd5: {  	s19 =	sld [smem:$0x7B1]  }
0xd6: {  	[hbm4b:s17+s1] =	stream.linear.scatter [tilespmem:s10], [sflag:$0x4], $0x8000, $0x38;
	[tilespmem:$0x8080] =	vst v63  }
0xd7: {  	s20 =	sld [smem:$0x7B2]  }
0xd8: {  	[hbm4b:s19+s1] =	stream.linear.scatter [tilespmem:s10], [sflag:$0x4], $0x8000, $0x38;
	[tilespmem:$0x8080] =	vst v63  }
0xd9: {  	s16 =	sld [smem:$0x7B3]  }
0xda: {  	[hbm4b:s20+s1] =	stream.linear.scatter [tilespmem:s10], [sflag:$0x4], $0x8000, $0x38;
	[tilespmem:$0x8080] =	vst v63  }
0xdb: {  	s17 =	sld [smem:$0x7B4]  }
0xdc: {  	[hbm4b:s16+s1] =	stream.linear.scatter [tilespmem:s10], [sflag:$0x4], $0x8000, $0x38;
	[tilespmem:$0x8080] =	vst v63  }
0xdd: {  	s19 =	sld [smem:$0x7B5]  }
0xde: {  	[hbm4b:s17+s1] =	stream.linear.scatter [tilespmem:s10], [sflag:$0x4], $0x8000, $0x38;
	[tilespmem:$0x8080] =	vst v63  }
0xdf: {  	s20 =	sld [smem:$0x7B6]  }
0xe0: {  	[hbm4b:s19+s1] =	stream.linear.scatter [tilespmem:s10], [sflag:$0x4], $0x8000, $0x38;
	[tilespmem:$0x8080] =	vst v63  }
0xe1: {  	s16 =	sld [smem:$0x7B7]  }
0xe2: {  	[hbm4b:s20+s1] =	stream.linear.scatter [tilespmem:s10], [sflag:$0x4], $0x8000, $0x38;
	[tilespmem:$0x8080] =	vst v63  }
0xe3: {  	s17 =	sld [smem:$0x7B8]  }
0xe4: {  	[hbm4b:s16+s1] =	stream.linear.scatter [tilespmem:s10], [sflag:$0x4], $0x8000, $0x38;
	[tilespmem:$0x8080] =	vst v63  }
0xe5: {  	s19 =	sld [smem:$0x7B9]  }
0xe6: {  	[hbm4b:s17+s1] =	stream.linear.scatter [tilespmem:s10], [sflag:$0x4], $0x8000, $0x38;
	[tilespmem:$0x8080] =	vst v63  }
0xe7: {  	s20 =	sld [smem:$0x7BA]  }
0xe8: {  	[hbm4b:s19+s1] =	stream.linear.scatter [tilespmem:s10], [sflag:$0x4], $0x8000, $0x38;
	[tilespmem:$0x8080] =	vst v63  }
0xe9: {  	s16 =	sld [smem:$0x7BB]  }
0xea: {  	[hbm4b:s20+s1] =	stream.linear.scatter [tilespmem:s10], [sflag:$0x4], $0x8000, $0x38;
	[tilespmem:$0x8080] =	vst v63  }
0xeb: {  	s17 =	sld [smem:$0x7BC]  }
0xec: {  	[hbm4b:s16+s1] =	stream.linear.scatter [tilespmem:s10], [sflag:$0x4], $0x8000, $0x38;
	[tilespmem:$0x8080] =	vst v63  }
0xed: {  	s19 =	sld [smem:$0x7BD]  }
0xee: {  	[hbm4b:s17+s1] =	stream.linear.scatter [tilespmem:s10], [sflag:$0x4], $0x8000, $0x38;
	[tilespmem:$0x8080] =	vst v63  }
0xef: {  	s20 =	sld [smem:$0x7BE]  }
0xf0: {  	[hbm4b:s19+s1] =	stream.linear.scatter [tilespmem:s10], [sflag:$0x4], $0x8000, $0x38;
	[tilespmem:$0x8080] =	vst v63  }
0xf1: {  	_ = 	snop  }
0xf2: {  	[hbm4b:s20+s1] =	stream.linear.scatter [tilespmem:s10], [sflag:$0x4], $0x8000, $0x38;
	[tilespmem:$0x8080] =	vst v63  }
0xf3: {  	_ = 	snop  }
0xf4: {  	[hbm4b:s25+s1] =	stream.linear.scatter [tilespmem:s10], [sflag:$0x4], $0x8000, $0x38;
	[tilespmem:$0x8080] =	vst v63  }
0xf5: {  	_ = 	snop  }
0xf6: {  	[hbm4b:s26+s1] =	stream.linear.scatter [tilespmem:s10], [sflag:$0x4], $0x8000, $0x38;
	[tilespmem:$0x8080] =	vst v63  }
0xf7: {  	_ = 	snop  }
0xf8: {  	[hbm4b:s28+s1] =	stream.linear.scatter [tilespmem:s10], [sflag:$0x4], $0x8000, $0x38;
	[tilespmem:$0x8080] =	vst v63  }
0xf9: {  	_ = 	snop  }
0xfa: {  	[hbm4b:s29+s1] =	stream.linear.scatter [tilespmem:s10], [sflag:$0x4], $0x8000, $0x38;
	[tilespmem:$0x8080] =	vst v63  }
0xfb: {  	_ = 	snop  }
0xfc: {  	[hbm4b:s30+s1] =	stream.linear.scatter [tilespmem:s10], [sflag:$0x4], $0x8000, $0x38;
	[tilespmem:$0x8080] =	vst v63  }
0xfd: {  	_ = 	snop  }
0xfe: {  	[hbm4b:s31+s1] =	stream.linear.scatter [tilespmem:s10], [sflag:$0x4], $0x8000, $0x38;
	[tilespmem:$0x8080] =	vst v63  }
0xff: {  	_ = 	snop  }
0x100: {  	[hbm4b:s0+s1] =	stream.linear.scatter [tilespmem:s10], [sflag:$0x4], $0x8000, $0x38;
	[tilespmem:$0x8080] =	vst v63  }
0x101: {  	_ = 	snop  }
0x102: {  	[hbm4b:s2+s1] =	stream.linear.scatter [tilespmem:s10], [sflag:$0x4], $0x8000, $0x38;
	[tilespmem:$0x8080] =	vst v63  }
0x103: {  	_ = 	snop  }
0x104: {  	[hbm4b:s3+s1] =	stream.linear.scatter [tilespmem:s10], [sflag:$0x4], $0x8000, $0x38;
	[tilespmem:$0x8080] =	vst v63  }
0x105: {  	_ = 	snop  }
0x106: {  	[hbm4b:s4+s1] =	stream.linear.scatter [tilespmem:s10], [sflag:$0x4], $0x8000, $0x38;
	[tilespmem:$0x8080] =	vst v63  }
0x107: {  	_ = 	snop  }
0x108: {  	[hbm4b:s5+s1] =	stream.linear.scatter [tilespmem:s10], [sflag:$0x4], $0x8000, $0x38;
	[tilespmem:$0x8080] =	vst v63  }
0x109: {  	_ =	swait.ge [sflag:s11], $0x8000  }
0x10a: {  	[sflag:s11] =	ssyncset.done $0x0  }
0x10b: {  	[sflag:s11] =	ssyncadd.s32 $0xFFFF8000  }
0x10c: {  	_ =	swait.ge [sflag:s11], $0x8000  }
0x10d: {  	[sflag:s11] =	ssyncset.done $0x0  }
0x10e: {  	[sflag:s11] =	ssyncadd.s32 $0xFFFF8000  }
0x10f: {  	_ =	swait.ge [sflag:s11], $0x8000  }
0x110: {  	[sflag:s11] =	ssyncset.done $0x0  }
0x111: {  	[sflag:s11] =	ssyncadd.s32 $0xFFFF8000  }
0x112: {  	_ =	swait.ge [sflag:s11], $0x8000  }
0x113: {  	[sflag:s11] =	ssyncset.done $0x0  }
0x114: {  	[sflag:s11] =	ssyncadd.s32 $0xFFFF8000  }
0x115: {  	_ =	swait.ge [sflag:s11], $0x8000  }
0x116: {  	[sflag:s11] =	ssyncset.done $0x0  }
0x117: {  	[sflag:s11] =	ssyncadd.s32 $0xFFFF8000  }
0x118: {  	_ =	swait.ge [sflag:s11], $0x8000  }
0x119: {  	[sflag:s11] =	ssyncset.done $0x0  }
0x11a: {  	[sflag:s11] =	ssyncadd.s32 $0xFFFF8000  }
0x11b: {  	_ =	swait.ge [sflag:s11], $0x8000  }
0x11c: {  	[sflag:s11] =	ssyncset.done $0x0  }
0x11d: {  	[sflag:s11] =	ssyncadd.s32 $0xFFFF8000  }
0x11e: {  	_ =	swait.ge [sflag:s11], $0x8000  }
0x11f: {  	[sflag:s11] =	ssyncset.done $0x0  }
0x120: {  	[sflag:s11] =	ssyncadd.s32 $0xFFFF8000  }
0x121: {  	_ =	swait.ge [sflag:s11], $0x8000  }
0x122: {  	[sflag:s11] =	ssyncset.done $0x0  }
0x123: {  	[sflag:s11] =	ssyncadd.s32 $0xFFFF8000  }
0x124: {  	_ =	swait.ge [sflag:s11], $0x8000  }
0x125: {  	[sflag:s11] =	ssyncset.done $0x0  }
0x126: {  	[sflag:s11] =	ssyncadd.s32 $0xFFFF8000  }
0x127: {  	_ =	swait.ge [sflag:s11], $0x8000  }
0x128: {  	[sflag:s11] =	ssyncset.done $0x0  }
0x129: {  	[sflag:s11] =	ssyncadd.s32 $0xFFFF8000  }
0x12a: {  	_ =	swait.ge [sflag:s11], $0x8000  }
0x12b: {  	[sflag:s11] =	ssyncset.done $0x0  }
0x12c: {  	[sflag:s11] =	ssyncadd.s32 $0xFFFF8000  }
0x12d: {  	_ =	swait.ge [sflag:s11], $0x8000  }
0x12e: {  	[sflag:s11] =	ssyncset.done $0x0  }
0x12f: {  	[sflag:s11] =	ssyncadd.s32 $0xFFFF8000  }
0x130: {  	_ =	swait.ge [sflag:s11], $0x8000  }
0x131: {  	[sflag:s11] =	ssyncset.done $0x0  }
0x132: {  	[sflag:s11] =	ssyncadd.s32 $0xFFFF8000  }
0x133: {  	_ =	swait.ge [sflag:s11], $0x8000  }
0x134: {  	[sflag:s11] =	ssyncset.done $0x0  }
0x135: {  	[sflag:s11] =	ssyncadd.s32 $0xFFFF8000  }
0x136: {  	_ =	swait.ge [sflag:s11], $0x8000  }
0x137: {  	[sflag:s11] =	ssyncset.done $0x0  }
0x138: {  	[sflag:s11] =	ssyncadd.s32 $0xFFFF8000  }
0x139: {  	_ =	swait.ge [sflag:s11], $0x8000  }
0x13a: {  	[sflag:s11] =	ssyncset.done $0x0  }
0x13b: {  	[sflag:s11] =	ssyncadd.s32 $0xFFFF8000  }
0x13c: {  	_ =	swait.ge [sflag:s11], $0x8000  }
0x13d: {  	[sflag:s11] =	ssyncset.done $0x0  }
0x13e: {  	[sflag:s11] =	ssyncadd.s32 $0xFFFF8000  }
0x13f: {  	_ =	swait.ge [sflag:s11], $0x8000  }
0x140: {  	[sflag:s11] =	ssyncset.done $0x0  }
0x141: {  	[sflag:s11] =	ssyncadd.s32 $0xFFFF8000  }
0x142: {  	_ =	swait.ge [sflag:s11], $0x8000  }
0x143: {  	[sflag:s11] =	ssyncset.done $0x0  }
0x144: {  	[sflag:s11] =	ssyncadd.s32 $0xFFFF8000  }
0x145: {  	_ =	swait.ge [sflag:s11], $0x8000  }
0x146: {  	[sflag:s11] =	ssyncset.done $0x0  }
0x147: {  	[sflag:s11] =	ssyncadd.s32 $0xFFFF8000  }
0x148: {  	_ =	swait.ge [sflag:s11], $0x8000  }
0x149: {  	[sflag:s11] =	ssyncset.done $0x0  }
0x14a: {  	[sflag:s11] =	ssyncadd.s32 $0xFFFF8000  }
0x14b: {  	_ =	swait.ge [sflag:s11], $0x8000  }
0x14c: {  	[sflag:s11] =	ssyncset.done $0x0  }
0x14d: {  	[sflag:s11] =	ssyncadd.s32 $0xFFFF8000  }
0x14e: {  	_ =	swait.ge [sflag:s11], $0x8000  }
0x14f: {  	[sflag:s11] =	ssyncset.done $0x0  }
0x150: {  	[sflag:s11] =	ssyncadd.s32 $0xFFFF8000  }
0x151: {  	_ =	swait.ge [sflag:s11], $0x8000  }
0x152: {  	[sflag:s11] =	ssyncset.done $0x0  }
0x153: {  	[sflag:s11] =	ssyncadd.s32 $0xFFFF8000  }
0x154: {  	_ =	swait.ge [sflag:s11], $0x8000  }
0x155: {  	[sflag:s11] =	ssyncset.done $0x0  }
0x156: {  	[sflag:s11] =	ssyncadd.s32 $0xFFFF8000  }
0x157: {  	_ =	swait.ge [sflag:s11], $0x8000  }
0x158: {  	[sflag:s11] =	ssyncset.done $0x0  }
0x159: {  	[sflag:s11] =	ssyncadd.s32 $0xFFFF8000  }
0x15a: {  	_ =	swait.ge [sflag:s11], $0x8000  }
0x15b: {  	[sflag:s11] =	ssyncset.done $0x0  }
0x15c: {  	[sflag:s11] =	ssyncadd.s32 $0xFFFF8000  }
0x15d: {  	_ =	swait.ge [sflag:s11], $0x8000  }
0x15e: {  	[sflag:s11] =	ssyncset.done $0x0  }
0x15f: {  	[sflag:s11] =	ssyncadd.s32 $0xFFFF8000  }
0x160: {  	_ =	swait.ge [sflag:s11], $0x8000  }
0x161: {  	[sflag:s11] =	ssyncset.done $0x0  }
0x162: {  	[sflag:s11] =	ssyncadd.s32 $0xFFFF8000  }
0x163: {  	_ =	swait.ge [sflag:s11], $0x8000  }
0x164: {  	[sflag:s11] =	ssyncset.done $0x0  }
0x165: {  	[sflag:s11] =	ssyncadd.s32 $0xFFFF8000  }
0x166: {  	_ =	swait.ge [sflag:s11], $0x8000  }
0x167: {  	[sflag:s11] =	ssyncset.done $0x0  }
0x168: {  	[sflag:s11] =	ssyncadd.s32 $0xFFFF8000  }
0x169: {  	_ =	swait.ge [sflag:s11], $0x8000  }
0x16a: {  	[sflag:s11] =	ssyncset.done $0x0  }
0x16b: {  	[sflag:s11] =	ssyncadd.s32 $0xFFFF8000  }
0x16c: {  	_ =	swait.ge [sflag:s11], $0x8000  }
0x16d: {  	[sflag:s11] =	ssyncset.done $0x0  }
0x16e: {  	[sflag:s11] =	ssyncadd.s32 $0xFFFF8000  }
0x16f: {  	_ =	swait.ge [sflag:s11], $0x8000  }
0x170: {  	[sflag:s11] =	ssyncset.done $0x0  }
0x171: {  	[sflag:s11] =	ssyncadd.s32 $0xFFFF8000  }
0x172: {  	_ =	swait.ge [sflag:s11], $0x8000  }
0x173: {  	[sflag:s11] =	ssyncset.done $0x0  }
0x174: {  	[sflag:s11] =	ssyncadd.s32 $0xFFFF8000  }
0x175: {  	_ =	swait.ge [sflag:s11], $0x8000  }
0x176: {  	[sflag:s11] =	ssyncset.done $0x0  }
0x177: {  	[sflag:s11] =	ssyncadd.s32 $0xFFFF8000  }
0x178: {  	_ =	swait.ge [sflag:s11], $0x8000  }
0x179: {  	[sflag:s11] =	ssyncset.done $0x0  }
0x17a: {  	[sflag:s11] =	ssyncadd.s32 $0xFFFF8000  }
0x17b: {  	_ =	swait.ge [sflag:s11], $0x8000  }
0x17c: {  	[sflag:s11] =	ssyncset.done $0x0  }
0x17d: {  	[sflag:s11] =	ssyncadd.s32 $0xFFFF8000  }
0x17e: {  	_ =	swait.ge [sflag:s11], $0x8000  }
0x17f: {  	[sflag:s11] =	ssyncset.done $0x0  }
0x180: {  	[sflag:s11] =	ssyncadd.s32 $0xFFFF8000  }
0x181: {  	_ =	swait.ge [sflag:s11], $0x8000  }
0x182: {  	[sflag:s11] =	ssyncset.done $0x0  }
0x183: {  	[sflag:s11] =	ssyncadd.s32 $0xFFFF8000  }
0x184: {  	_ =	swait.ge [sflag:s11], $0x8000  }
0x185: {  	[sflag:s11] =	ssyncset.done $0x0  }
0x186: {  	[sflag:s11] =	ssyncadd.s32 $0xFFFF8000  }
0x187: {  	_ =	swait.ge [sflag:s11], $0x8000  }
0x188: {  	[sflag:s11] =	ssyncset.done $0x0  }
0x189: {  	[sflag:s11] =	ssyncadd.s32 $0xFFFF8000  }
0x18a: {  	_ =	swait.ge [sflag:s11], $0x8000  }
0x18b: {  	[sflag:s11] =	ssyncset.done $0x0  }
0x18c: {  	[sflag:s11] =	ssyncadd.s32 $0xFFFF8000  }
0x18d: {  	_ =	swait.ge [sflag:s11], $0x8000  }
0x18e: {  	[sflag:s11] =	ssyncset.done $0x0  }
0x18f: {  	[sflag:s11] =	ssyncadd.s32 $0xFFFF8000  }
0x190: {  	_ =	swait.ge [sflag:s11], $0x8000  }
0x191: {  	[sflag:s11] =	ssyncset.done $0x0  }
0x192: {  	[sflag:s11] =	ssyncadd.s32 $0xFFFF8000  }
0x193: {  	_ =	swait.ge [sflag:s11], $0x8000  }
0x194: {  	[sflag:s11] =	ssyncset.done $0x0  }
0x195: {  	[sflag:s11] =	ssyncadd.s32 $0xFFFF8000  }
0x196: {  	_ =	swait.ge [sflag:s11], $0x8000  }
0x197: {  	[sflag:s11] =	ssyncset.done $0x0  }
0x198: {  	[sflag:s11] =	ssyncadd.s32 $0xFFFF8000  }
0x199: {  	_ =	swait.ge [sflag:s11], $0x8000  }
0x19a: {  	[sflag:s11] =	ssyncset.done $0x0  }
0x19b: {  	[sflag:s11] =	ssyncadd.s32 $0xFFFF8000  }
0x19c: {  	_ =	swait.ge [sflag:s11], $0x8000  }
0x19d: {  	[sflag:s11] =	ssyncset.done $0x0  }
0x19e: {  	[sflag:s11] =	ssyncadd.s32 $0xFFFF8000  }
0x19f: {  	_ =	swait.ge [sflag:s11], $0x8000  }
0x1a0: {  	[sflag:s11] =	ssyncset.done $0x0  }
0x1a1: {  	[sflag:s11] =	ssyncadd.s32 $0xFFFF8000  }
0x1a2: {  	_ =	swait.ge [sflag:s11], $0x8000  }
0x1a3: {  	[sflag:s11] =	ssyncset.done $0x0  }
0x1a4: {  	[sflag:s11] =	ssyncadd.s32 $0xFFFF8000  }
0x1a5: {  	_ =	swait.ge [sflag:s11], $0x8000  }
0x1a6: {  	[sflag:s11] =	ssyncset.done $0x0  }
0x1a7: {  	[sflag:s11] =	ssyncadd.s32 $0xFFFF8000  }
0x1a8: {  	_ =	swait.ge [sflag:s11], $0x8000  }
0x1a9: {  	[sflag:s11] =	ssyncset.done $0x0  }
0x1aa: {  	[sflag:s11] =	ssyncadd.s32 $0xFFFF8000  }
0x1ab: {  	_ =	swait.ge [sflag:s11], $0x8000  }
0x1ac: {  	[sflag:s11] =	ssyncset.done $0x0  }
0x1ad: {  	[sflag:s11] =	ssyncadd.s32 $0xFFFF8000  }
0x1ae: {  	_ =	swait.ge [sflag:s11], $0x8000  }
0x1af: {  	[sflag:s11] =	ssyncset.done $0x0  }
0x1b0: {  	[sflag:s11] =	ssyncadd.s32 $0xFFFF8000  }
0x1b1: {  	_ =	swait.ge [sflag:s11], $0x8000  }
0x1b2: {  	[sflag:s11] =	ssyncset.done $0x0  }
0x1b3: {  	[sflag:s11] =	ssyncadd.s32 $0xFFFF8000  }
0x1b4: {  	_ =	swait.ge [sflag:s11], $0x8000  }
0x1b5: {  	[sflag:s11] =	ssyncset.done $0x0  }
0x1b6: {  	[sflag:s11] =	ssyncadd.s32 $0xFFFF8000  }
0x1b7: {  	_ =	swait.ge [sflag:s11], $0x8000  }
0x1b8: {  	[sflag:s11] =	ssyncset.done $0x0  }
0x1b9: {  	[sflag:s11] =	ssyncadd.s32 $0xFFFF8000  }
0x1ba: {  	_ =	swait.ge [sflag:s11], $0x8000  }
0x1bb: {  	[sflag:s11] =	ssyncset.done $0x0  }
0x1bc: {  	[sflag:s11] =	ssyncadd.s32 $0xFFFF8000  }
0x1bd: {  	_ =	swait.ge [sflag:s11], $0x8000  }
0x1be: {  	[sflag:s11] =	ssyncset.done $0x0  }
0x1bf: {  	[sflag:s11] =	ssyncadd.s32 $0xFFFF8000  }
0x1c0: {  	_ =	swait.ge [sflag:s11], $0x8000  }
0x1c1: {  	[sflag:s11] =	ssyncset.done $0x0  }
0x1c2: {  	[sflag:s11] =	ssyncadd.s32 $0xFFFF8000  }
0x1c3: {  	_ =	swait.ge [sflag:s11], $0x8000  }
0x1c4: {  	[sflag:s11] =	ssyncset.done $0x0  }
0x1c5: {  	[sflag:s11] =	ssyncadd.s32 $0xFFFF8000  }
0x1c6: {  	_ =	swait.ge [sflag:s11], $0x8000  }
0x1c7: {  	[sflag:s11] =	ssyncset.done $0x0  }
0x1c8: {  	[sflag:s11] =	ssyncadd.s32 $0xFFFF8000  }
.LBB2_4:
0x1c9: {  	s7 =	sadd.s32 $0xFFFFFFFF, s7  }
0x1ca: {  	p0 =	sne.s32 s7, $0x0  }
.Ltmp1:
0x1cb: {  	_ = 	snop;
	(pc) =	sbr.rel @!p0 .LBB2_5-.Ltmp1, $1  }
0x1cc: {  	_ =	sdelay $0x3  }
.LBB2_1:
0x1cd: {  	[tilespmem:s1], [sflag:$0x5] =	stream.linear.gather [hbm4b:s6+s1], $0x80, $0x38;
	[tilespmem:$0x8080] =	vst v63  }
0x1ce: {  	_ =	swait.ge [sflag:s9], $0x80  }
0x1cf: {  	[sflag:s9] =	ssyncset.done $0x0  }
0x1d0: {  	[sflag:s9] =	ssyncadd.s32 $0xFFFFFF80  }
0x1d1: {  	v0 =	vld.msk [tilespmem:s8+$0x0], $0x1;
	_ =	sdelay $0x4  }
0x1d2: {  	(v2sf) =	vpush v0, $0x0;
	_ =	sdelay $0xe  }
0x1d3: {  	s15 =	spop (v2sf)  }
0x1d4: {  	p0 =	seq.s32 s15, $0x0  }
.Ltmp2:
0x1d5: {  	_ = 	snop;
	(pc) =	sbr.rel @p0 .LBB2_3-.Ltmp2, $1  }
0x1d6: {  	_ =	sdelay $0x3  }
0x1d7: {  	s19 =	sld [smem:$0x7CF]  }
0x1d8: {  	s16 =	sshll.u32 s18, $0x6  }
0x1d9: {  	s17 =	rddreg [dreg:$0x14];
	s15 =	sor.u32 $0x1C01, s16  }
0x1da: {  	[hbm:s17], [sflag:s15] =	dma.local [hbm:s19], $0x1000  }
0x1db: {  	s20 =	sld [smem:$0x7D0];
	_ =	sdelay $0x1  }
0x1dc: {  	s17 =	sor.u32 $0x1C02, s16;
	s19 =	rddreg [dreg:$0x15]  }
0x1dd: {  	[hbm:s19], [sflag:s17] =	dma.local [hbm:s20], $0x1000  }
0x1de: {  	s20 =	sld [smem:$0x7D1];
	_ =	sdelay $0x1  }
0x1df: {  	s16 =	sor.u32 $0x1C03, s16;
	s19 =	rddreg [dreg:$0x16]  }
0x1e0: {  	[hbm:s19], [sflag:s16] =	dma.local [hbm:s20], $0x1000  }
0x1e1: {  	s20 =	sld [smem:$0x7D2];
	_ =	sdelay $0x1  }
0x1e2: {  	s19 =	rddreg [dreg:$0x17]  }
0x1e3: {  	[hbm:s19], [sflag:s15] =	dma.local [hbm:s20], $0x1000  }
0x1e4: {  	s20 =	sld [smem:$0x7D3];
	_ =	sdelay $0x1  }
0x1e5: {  	s19 =	rddreg [dreg:$0x18]  }
0x1e6: {  	[hbm:s19], [sflag:s17] =	dma.local [hbm:s20], $0x1000  }
0x1e7: {  	s20 =	sld [smem:$0x7D4];
	_ =	sdelay $0x1  }
0x1e8: {  	s19 =	rddreg [dreg:$0x19]  }
0x1e9: {  	[hbm:s19], [sflag:s16] =	dma.local [hbm:s20], $0x1000  }
0x1ea: {  	s20 =	sld [smem:$0x7D5];
	_ =	sdelay $0x1  }
0x1eb: {  	s19 =	rddreg [dreg:$0x1a]  }
0x1ec: {  	[hbm:s19], [sflag:s15] =	dma.local [hbm:s20], $0x1000  }
0x1ed: {  	_ =	swait.ge [sflag:s12], $0x1000  }
0x1ee: {  	s20 =	sld [smem:$0x7D6]  }
0x1ef: {  	[sflag:s12] =	ssyncset.done $0x0  }
0x1f0: {  	s19 =	rddreg [dreg:$0x1b];
	[sflag:s12] =	ssyncadd.s32 $0xFFFFF000  }
0x1f1: {  	[hbm:s19], [sflag:s17] =	dma.local [hbm:s20], $0x1000  }
0x1f2: {  	_ =	swait.ge [sflag:s13], $0x1000  }
0x1f3: {  	s20 =	sld [smem:$0x7D7]  }
0x1f4: {  	[sflag:s13] =	ssyncset.done $0x0  }
0x1f5: {  	s19 =	rddreg [dreg:$0x1c];
	[sflag:s13] =	ssyncadd.s32 $0xFFFFF000  }
0x1f6: {  	[hbm:s19], [sflag:s16] =	dma.local [hbm:s20], $0x1000  }
0x1f7: {  	_ =	swait.ge [sflag:s14], $0x1000  }
0x1f8: {  	s20 =	sld [smem:$0x7D8]  }
0x1f9: {  	[sflag:s14] =	ssyncset.done $0x0  }
0x1fa: {  	s19 =	rddreg [dreg:$0x1d];
	[sflag:s14] =	ssyncadd.s32 $0xFFFFF000  }
0x1fb: {  	[hbm:s19], [sflag:s15] =	dma.local [hbm:s20], $0x1000  }
0x1fc: {  	_ =	swait.ge [sflag:s12], $0x1000  }
0x1fd: {  	s20 =	sld [smem:$0x7D9]  }
0x1fe: {  	[sflag:s12] =	ssyncset.done $0x0  }
0x1ff: {  	s19 =	rddreg [dreg:$0x1e];
	[sflag:s12] =	ssyncadd.s32 $0xFFFFF000  }
0x200: {  	[hbm:s19], [sflag:s17] =	dma.local [hbm:s20], $0x1000  }
0x201: {  	_ =	swait.ge [sflag:s13], $0x1000  }
0x202: {  	s20 =	sld [smem:$0x7DA]  }
0x203: {  	[sflag:s13] =	ssyncset.done $0x0  }
0x204: {  	s19 =	rddreg [dreg:$0x1f];
	[sflag:s13] =	ssyncadd.s32 $0xFFFFF000  }
0x205: {  	[hbm:s19], [sflag:s16] =	dma.local [hbm:s20], $0x1000  }
0x206: {  	_ =	swait.ge [sflag:s14], $0x1000  }
0x207: {  	s19 =	sld [smem:$0x7A6]  }
0x208: {  	s20 =	sld [smem:$0x7DB]  }
0x209: {  	[sflag:s14] =	ssyncset.done $0x0  }
0x20a: {  	[sflag:s14] =	ssyncadd.s32 $0xFFFFF000  }
0x20b: {  	[hbm:s19], [sflag:s15] =	dma.local [hbm:s20], $0x1000  }
0x20c: {  	_ =	swait.ge [sflag:s12], $0x1000  }
0x20d: {  	s19 =	sld [smem:$0x7A7]  }
0x20e: {  	s20 =	sld [smem:$0x7DC]  }
0x20f: {  	[sflag:s12] =	ssyncset.done $0x0  }
0x210: {  	[sflag:s12] =	ssyncadd.s32 $0xFFFFF000  }
0x211: {  	[hbm:s19], [sflag:s17] =	dma.local [hbm:s20], $0x1000  }
0x212: {  	_ =	swait.ge [sflag:s13], $0x1000  }
0x213: {  	s19 =	sld [smem:$0x7A8]  }
0x214: {  	s20 =	sld [smem:$0x7DD]  }
0x215: {  	[sflag:s13] =	ssyncset.done $0x0  }
0x216: {  	[sflag:s13] =	ssyncadd.s32 $0xFFFFF000  }
0x217: {  	[hbm:s19], [sflag:s16] =	dma.local [hbm:s20], $0x1000  }
0x218: {  	_ =	swait.ge [sflag:s14], $0x1000  }
0x219: {  	s19 =	sld [smem:$0x7A9]  }
0x21a: {  	s20 =	sld [smem:$0x7DE]  }
0x21b: {  	[sflag:s14] =	ssyncset.done $0x0  }
0x21c: {  	[sflag:s14] =	ssyncadd.s32 $0xFFFFF000  }
0x21d: {  	[hbm:s19], [sflag:s15] =	dma.local [hbm:s20], $0x1000  }
0x21e: {  	_ =	swait.ge [sflag:s12], $0x1000  }
0x21f: {  	s20 =	sld [smem:$0x7BF]  }
0x220: {  	[sflag:s12] =	ssyncset.done $0x0  }
0x221: {  	s19 =	rddreg [dreg:$0x4];
	[sflag:s12] =	ssyncadd.s32 $0xFFFFF000  }
0x222: {  	[hbm:s19], [sflag:s17] =	dma.local [hbm:s20], $0x1000  }
0x223: {  	_ =	swait.ge [sflag:s13], $0x1000  }
0x224: {  	s20 =	sld [smem:$0x7C0]  }
0x225: {  	[sflag:s13] =	ssyncset.done $0x0  }
0x226: {  	s19 =	rddreg [dreg:$0x5];
	[sflag:s13] =	ssyncadd.s32 $0xFFFFF000  }
0x227: {  	[hbm:s19], [sflag:s16] =	dma.local [hbm:s20], $0x1000  }
0x228: {  	_ =	swait.ge [sflag:s14], $0x1000  }
0x229: {  	s20 =	sld [smem:$0x7C1]  }
0x22a: {  	[sflag:s14] =	ssyncset.done $0x0  }
0x22b: {  	s19 =	rddreg [dreg:$0x6];
	[sflag:s14] =	ssyncadd.s32 $0xFFFFF000  }
0x22c: {  	[hbm:s19], [sflag:s15] =	dma.local [hbm:s20], $0x1000  }
0x22d: {  	_ =	swait.ge [sflag:s12], $0x1000  }
0x22e: {  	s20 =	sld [smem:$0x7C2]  }
0x22f: {  	[sflag:s12] =	ssyncset.done $0x0  }
0x230: {  	s19 =	rddreg [dreg:$0x7];
	[sflag:s12] =	ssyncadd.s32 $0xFFFFF000  }
0x231: {  	[hbm:s19], [sflag:s17] =	dma.local [hbm:s20], $0x1000  }
0x232: {  	_ =	swait.ge [sflag:s13], $0x1000  }
0x233: {  	s20 =	sld [smem:$0x7C3]  }
0x234: {  	[sflag:s13] =	ssyncset.done $0x0  }
0x235: {  	s19 =	rddreg [dreg:$0x8];
	[sflag:s13] =	ssyncadd.s32 $0xFFFFF000  }
0x236: {  	[hbm:s19], [sflag:s16] =	dma.local [hbm:s20], $0x1000  }
0x237: {  	_ =	swait.ge [sflag:s14], $0x1000  }
0x238: {  	s20 =	sld [smem:$0x7C4]  }
0x239: {  	[sflag:s14] =	ssyncset.done $0x0  }
0x23a: {  	s19 =	rddreg [dreg:$0x9];
	[sflag:s14] =	ssyncadd.s32 $0xFFFFF000  }
0x23b: {  	[hbm:s19], [sflag:s15] =	dma.local [hbm:s20], $0x1000  }
0x23c: {  	_ =	swait.ge [sflag:s12], $0x1000  }
0x23d: {  	s20 =	sld [smem:$0x7C5]  }
0x23e: {  	[sflag:s12] =	ssyncset.done $0x0  }
0x23f: {  	s19 =	rddreg [dreg:$0xa];
	[sflag:s12] =	ssyncadd.s32 $0xFFFFF000  }
0x240: {  	[hbm:s19], [sflag:s17] =	dma.local [hbm:s20], $0x1000  }
0x241: {  	_ =	swait.ge [sflag:s13], $0x1000  }
0x242: {  	s20 =	sld [smem:$0x7C6]  }
0x243: {  	[sflag:s13] =	ssyncset.done $0x0  }
0x244: {  	s19 =	rddreg [dreg:$0xb];
	[sflag:s13] =	ssyncadd.s32 $0xFFFFF000  }
0x245: {  	[hbm:s19], [sflag:s16] =	dma.local [hbm:s20], $0x1000  }
0x246: {  	_ =	swait.ge [sflag:s14], $0x1000  }
0x247: {  	s20 =	sld [smem:$0x7C7]  }
0x248: {  	[sflag:s14] =	ssyncset.done $0x0  }
0x249: {  	s19 =	rddreg [dreg:$0xc];
	[sflag:s14] =	ssyncadd.s32 $0xFFFFF000  }
0x24a: {  	[hbm:s19], [sflag:s15] =	dma.local [hbm:s20], $0x1000  }
0x24b: {  	_ =	swait.ge [sflag:s12], $0x1000  }
0x24c: {  	s20 =	sld [smem:$0x7C8]  }
0x24d: {  	[sflag:s12] =	ssyncset.done $0x0  }
0x24e: {  	s19 =	rddreg [dreg:$0xd];
	[sflag:s12] =	ssyncadd.s32 $0xFFFFF000  }
0x24f: {  	[hbm:s19], [sflag:s17] =	dma.local [hbm:s20], $0x1000  }
0x250: {  	_ =	swait.ge [sflag:s13], $0x1000  }
0x251: {  	s20 =	sld [smem:$0x7C9]  }
0x252: {  	[sflag:s13] =	ssyncset.done $0x0  }
0x253: {  	s19 =	rddreg [dreg:$0xe];
	[sflag:s13] =	ssyncadd.s32 $0xFFFFF000  }
0x254: {  	[hbm:s19], [sflag:s16] =	dma.local [hbm:s20], $0x1000  }
0x255: {  	_ =	swait.ge [sflag:s14], $0x1000  }
0x256: {  	s20 =	sld [smem:$0x7CA]  }
0x257: {  	[sflag:s14] =	ssyncset.done $0x0  }
0x258: {  	s19 =	rddreg [dreg:$0xf];
	[sflag:s14] =	ssyncadd.s32 $0xFFFFF000  }
0x259: {  	[hbm:s19], [sflag:s15] =	dma.local [hbm:s20], $0x1000  }
0x25a: {  	_ =	swait.ge [sflag:s12], $0x1000  }
0x25b: {  	s20 =	sld [smem:$0x7CB]  }
0x25c: {  	[sflag:s12] =	ssyncset.done $0x0  }
0x25d: {  	s19 =	rddreg [dreg:$0x10];
	[sflag:s12] =	ssyncadd.s32 $0xFFFFF000  }
0x25e: {  	[hbm:s19], [sflag:s17] =	dma.local [hbm:s20], $0x1000  }
0x25f: {  	_ =	swait.ge [sflag:s13], $0x1000  }
0x260: {  	s20 =	sld [smem:$0x7CC]  }
0x261: {  	[sflag:s13] =	ssyncset.done $0x0  }
0x262: {  	s19 =	rddreg [dreg:$0x11];
	[sflag:s13] =	ssyncadd.s32 $0xFFFFF000  }
0x263: {  	[hbm:s19], [sflag:s16] =	dma.local [hbm:s20], $0x1000  }
0x264: {  	_ =	swait.ge [sflag:s14], $0x1000  }
0x265: {  	s20 =	sld [smem:$0x7CD]  }
0x266: {  	[sflag:s14] =	ssyncset.done $0x0  }
0x267: {  	s19 =	rddreg [dreg:$0x12];
	[sflag:s14] =	ssyncadd.s32 $0xFFFFF000  }
0x268: {  	[hbm:s19], [sflag:s15] =	dma.local [hbm:s20], $0x1000  }
0x269: {  	_ =	swait.ge [sflag:s12], $0x1000  }
0x26a: {  	s20 =	sld [smem:$0x7CE]  }
0x26b: {  	[sflag:s12] =	ssyncset.done $0x0  }
0x26c: {  	s19 =	rddreg [dreg:$0x13];
	[sflag:s12] =	ssyncadd.s32 $0xFFFFF000  }
0x26d: {  	[hbm:s19], [sflag:s17] =	dma.local [hbm:s20], $0x1000  }
0x26e: {  	_ =	swait.ge [sflag:s13], $0x1000  }
0x26f: {  	s19 =	sld [smem:$0x7AA]  }
0x270: {  	s20 =	sld [smem:$0x7DF]  }
0x271: {  	[sflag:s13] =	ssyncset.done $0x0  }
0x272: {  	[sflag:s13] =	ssyncadd.s32 $0xFFFFF000  }
0x273: {  	[hbm:s19], [sflag:s16] =	dma.local [hbm:s20], $0x1000  }
0x274: {  	_ =	swait.ge [sflag:s14], $0x1000  }
0x275: {  	s19 =	sld [smem:$0x7AB]  }
0x276: {  	s20 =	sld [smem:$0x7E0]  }
0x277: {  	[sflag:s14] =	ssyncset.done $0x0  }
0x278: {  	[sflag:s14] =	ssyncadd.s32 $0xFFFFF000  }
0x279: {  	[hbm:s19], [sflag:s15] =	dma.local [hbm:s20], $0x1000  }
0x27a: {  	_ =	swait.ge [sflag:s12], $0x1000  }
0x27b: {  	s19 =	sld [smem:$0x7AC]  }
0x27c: {  	s20 =	sld [smem:$0x7E1]  }
0x27d: {  	[sflag:s12] =	ssyncset.done $0x0  }
0x27e: {  	[sflag:s12] =	ssyncadd.s32 $0xFFFFF000  }
0x27f: {  	[hbm:s19], [sflag:s17] =	dma.local [hbm:s20], $0x1000  }
0x280: {  	_ =	swait.ge [sflag:s13], $0x1000  }
0x281: {  	s19 =	sld [smem:$0x7AD]  }
0x282: {  	s20 =	sld [smem:$0x7E2]  }
0x283: {  	[sflag:s13] =	ssyncset.done $0x0  }
0x284: {  	[sflag:s13] =	ssyncadd.s32 $0xFFFFF000  }
0x285: {  	[hbm:s19], [sflag:s16] =	dma.local [hbm:s20], $0x1000  }
0x286: {  	_ =	swait.ge [sflag:s14], $0x1000  }
0x287: {  	s19 =	sld [smem:$0x7AE]  }
0x288: {  	s20 =	sld [smem:$0x7E3]  }
0x289: {  	[sflag:s14] =	ssyncset.done $0x0  }
0x28a: {  	[sflag:s14] =	ssyncadd.s32 $0xFFFFF000  }
0x28b: {  	[hbm:s19], [sflag:s15] =	dma.local [hbm:s20], $0x1000  }
0x28c: {  	_ =	swait.ge [sflag:s12], $0x1000  }
0x28d: {  	s19 =	sld [smem:$0x7AF]  }
0x28e: {  	s20 =	sld [smem:$0x7E4]  }
0x28f: {  	[sflag:s12] =	ssyncset.done $0x0  }
0x290: {  	[sflag:s12] =	ssyncadd.s32 $0xFFFFF000  }
0x291: {  	[hbm:s19], [sflag:s17] =	dma.local [hbm:s20], $0x1000  }
0x292: {  	_ =	swait.ge [sflag:s13], $0x1000  }
0x293: {  	s19 =	sld [smem:$0x7B0]  }
0x294: {  	s20 =	sld [smem:$0x7E5]  }
0x295: {  	[sflag:s13] =	ssyncset.done $0x0  }
0x296: {  	[sflag:s13] =	ssyncadd.s32 $0xFFFFF000  }
0x297: {  	[hbm:s19], [sflag:s16] =	dma.local [hbm:s20], $0x1000  }
0x298: {  	_ =	swait.ge [sflag:s14], $0x1000  }
0x299: {  	s19 =	sld [smem:$0x7B1]  }
0x29a: {  	s20 =	sld [smem:$0x7E6]  }
0x29b: {  	[sflag:s14] =	ssyncset.done $0x0  }
0x29c: {  	[sflag:s14] =	ssyncadd.s32 $0xFFFFF000  }
0x29d: {  	[hbm:s19], [sflag:s15] =	dma.local [hbm:s20], $0x1000  }
0x29e: {  	_ =	swait.ge [sflag:s12], $0x1000  }
0x29f: {  	s19 =	sld [smem:$0x7B2]  }
0x2a0: {  	s20 =	sld [smem:$0x7E7]  }
0x2a1: {  	[sflag:s12] =	ssyncset.done $0x0  }
0x2a2: {  	[sflag:s12] =	ssyncadd.s32 $0xFFFFF000  }
0x2a3: {  	[hbm:s19], [sflag:s17] =	dma.local [hbm:s20], $0x1000  }
0x2a4: {  	_ =	swait.ge [sflag:s13], $0x1000  }
0x2a5: {  	s19 =	sld [smem:$0x7B3]  }
0x2a6: {  	s20 =	sld [smem:$0x7E8]  }
0x2a7: {  	[sflag:s13] =	ssyncset.done $0x0  }
0x2a8: {  	[sflag:s13] =	ssyncadd.s32 $0xFFFFF000  }
0x2a9: {  	[hbm:s19], [sflag:s16] =	dma.local [hbm:s20], $0x1000  }
0x2aa: {  	_ =	swait.ge [sflag:s14], $0x1000  }
0x2ab: {  	s19 =	sld [smem:$0x7B4]  }
0x2ac: {  	s20 =	sld [smem:$0x7E9]  }
0x2ad: {  	[sflag:s14] =	ssyncset.done $0x0  }
0x2ae: {  	[sflag:s14] =	ssyncadd.s32 $0xFFFFF000  }
0x2af: {  	[hbm:s19], [sflag:s15] =	dma.local [hbm:s20], $0x1000  }
0x2b0: {  	_ =	swait.ge [sflag:s12], $0x1000  }
0x2b1: {  	s19 =	sld [smem:$0x7B5]  }
0x2b2: {  	s20 =	sld [smem:$0x7EA]  }
0x2b3: {  	[sflag:s12] =	ssyncset.done $0x0  }
0x2b4: {  	[sflag:s12] =	ssyncadd.s32 $0xFFFFF000  }
0x2b5: {  	[hbm:s19], [sflag:s17] =	dma.local [hbm:s20], $0x1000  }
0x2b6: {  	_ =	swait.ge [sflag:s13], $0x1000  }
0x2b7: {  	s19 =	sld [smem:$0x7B6]  }
0x2b8: {  	s20 =	sld [smem:$0x7EB]  }
0x2b9: {  	[sflag:s13] =	ssyncset.done $0x0  }
0x2ba: {  	[sflag:s13] =	ssyncadd.s32 $0xFFFFF000  }
0x2bb: {  	[hbm:s19], [sflag:s16] =	dma.local [hbm:s20], $0x1000  }
0x2bc: {  	_ =	swait.ge [sflag:s14], $0x1000  }
0x2bd: {  	s19 =	sld [smem:$0x7B7]  }
0x2be: {  	s20 =	sld [smem:$0x7EC]  }
0x2bf: {  	[sflag:s14] =	ssyncset.done $0x0  }
0x2c0: {  	[sflag:s14] =	ssyncadd.s32 $0xFFFFF000  }
0x2c1: {  	[hbm:s19], [sflag:s15] =	dma.local [hbm:s20], $0x1000  }
0x2c2: {  	_ =	swait.ge [sflag:s12], $0x1000  }
0x2c3: {  	s19 =	sld [smem:$0x7B8]  }
0x2c4: {  	s20 =	sld [smem:$0x7ED]  }
0x2c5: {  	[sflag:s12] =	ssyncset.done $0x0  }
0x2c6: {  	[sflag:s12] =	ssyncadd.s32 $0xFFFFF000  }
0x2c7: {  	[hbm:s19], [sflag:s17] =	dma.local [hbm:s20], $0x1000  }
0x2c8: {  	_ =	swait.ge [sflag:s13], $0x1000  }
0x2c9: {  	s20 =	sld [smem:$0x7B9]  }
0x2ca: {  	[sflag:s13] =	ssyncset.done $0x0  }
0x2cb: {  	[sflag:s13] =	ssyncadd.s32 $0xFFFFF000  }
0x2cc: {  	[hbm:s20], [sflag:s16] =	dma.local [hbm:s24], $0x1000  }
0x2cd: {  	_ =	swait.ge [sflag:s14], $0x1000  }
0x2ce: {  	s19 =	sld [smem:$0x7BA]  }
0x2cf: {  	s20 =	sld [smem:$0x7EE]  }
0x2d0: {  	[sflag:s14] =	ssyncset.done $0x0  }
0x2d1: {  	[sflag:s14] =	ssyncadd.s32 $0xFFFFF000  }
0x2d2: {  	[hbm:s19], [sflag:s15] =	dma.local [hbm:s20], $0x1000  }
0x2d3: {  	_ =	swait.ge [sflag:s12], $0x1000  }
0x2d4: {  	s19 =	sld [smem:$0x7BB]  }
0x2d5: {  	s20 =	sld [smem:$0x7EF]  }
0x2d6: {  	[sflag:s12] =	ssyncset.done $0x0  }
0x2d7: {  	[sflag:s12] =	ssyncadd.s32 $0xFFFFF000  }
0x2d8: {  	[hbm:s19], [sflag:s17] =	dma.local [hbm:s20], $0x1000  }
0x2d9: {  	_ =	swait.ge [sflag:s13], $0x1000  }
0x2da: {  	s19 =	sld [smem:$0x7BC]  }
0x2db: {  	s20 =	sld [smem:$0x7F0]  }
0x2dc: {  	[sflag:s13] =	ssyncset.done $0x0  }
0x2dd: {  	[sflag:s13] =	ssyncadd.s32 $0xFFFFF000  }
0x2de: {  	[hbm:s19], [sflag:s16] =	dma.local [hbm:s20], $0x1000  }
0x2df: {  	_ =	swait.ge [sflag:s14], $0x1000  }
0x2e0: {  	s19 =	sld [smem:$0x7BD]  }
0x2e1: {  	s20 =	sld [smem:$0x7F1]  }
0x2e2: {  	[sflag:s14] =	ssyncset.done $0x0  }
0x2e3: {  	[sflag:s14] =	ssyncadd.s32 $0xFFFFF000  }
0x2e4: {  	[hbm:s19], [sflag:s15] =	dma.local [hbm:s20], $0x1000  }
0x2e5: {  	_ =	swait.ge [sflag:s12], $0x1000  }
0x2e6: {  	s19 =	sld [smem:$0x7BE]  }
0x2e7: {  	s20 =	sld [smem:$0x7F2]  }
0x2e8: {  	[sflag:s12] =	ssyncset.done $0x0  }
0x2e9: {  	[sflag:s12] =	ssyncadd.s32 $0xFFFFF000  }
0x2ea: {  	[hbm:s19], [sflag:s17] =	dma.local [hbm:s20], $0x1000  }
0x2eb: {  	_ =	swait.ge [sflag:s13], $0x1000  }
0x2ec: {  	s20 =	sld [smem:$0x7F3]  }
0x2ed: {  	[sflag:s13] =	ssyncset.done $0x0  }
0x2ee: {  	[sflag:s13] =	ssyncadd.s32 $0xFFFFF000  }
0x2ef: {  	[hbm:s25], [sflag:s16] =	dma.local [hbm:s20], $0x1000  }
0x2f0: {  	_ =	swait.ge [sflag:s14], $0x1000  }
0x2f1: {  	s20 =	sld [smem:$0x7F4]  }
0x2f2: {  	[sflag:s14] =	ssyncset.done $0x0  }
0x2f3: {  	[sflag:s14] =	ssyncadd.s32 $0xFFFFF000  }
0x2f4: {  	[hbm:s26], [sflag:s15] =	dma.local [hbm:s20], $0x1000  }
0x2f5: {  	_ =	swait.ge [sflag:s12], $0x1000  }
0x2f6: {  	s20 =	sld [smem:$0x7F5]  }
0x2f7: {  	[sflag:s12] =	ssyncset.done $0x0  }
0x2f8: {  	[sflag:s12] =	ssyncadd.s32 $0xFFFFF000  }
0x2f9: {  	[hbm:s28], [sflag:s17] =	dma.local [hbm:s20], $0x1000  }
0x2fa: {  	_ =	swait.ge [sflag:s13], $0x1000  }
0x2fb: {  	s20 =	sld [smem:$0x7F6]  }
0x2fc: {  	[sflag:s13] =	ssyncset.done $0x0  }
0x2fd: {  	[sflag:s13] =	ssyncadd.s32 $0xFFFFF000  }
0x2fe: {  	[hbm:s29], [sflag:s16] =	dma.local [hbm:s20], $0x1000  }
0x2ff: {  	_ =	swait.ge [sflag:s14], $0x1000  }
0x300: {  	s20 =	sld [smem:$0x7F7]  }
0x301: {  	[sflag:s14] =	ssyncset.done $0x0  }
0x302: {  	[sflag:s14] =	ssyncadd.s32 $0xFFFFF000  }
0x303: {  	[hbm:s30], [sflag:s15] =	dma.local [hbm:s20], $0x1000  }
0x304: {  	_ =	swait.ge [sflag:s12], $0x1000  }
0x305: {  	s20 =	sld [smem:$0x7F8]  }
0x306: {  	[sflag:s12] =	ssyncset.done $0x0  }
0x307: {  	[sflag:s12] =	ssyncadd.s32 $0xFFFFF000  }
0x308: {  	[hbm:s31], [sflag:s17] =	dma.local [hbm:s20], $0x1000  }
0x309: {  	_ =	swait.ge [sflag:s13], $0x1000  }
0x30a: {  	s20 =	sld [smem:$0x7F9]  }
0x30b: {  	[sflag:s13] =	ssyncset.done $0x0  }
0x30c: {  	[sflag:s13] =	ssyncadd.s32 $0xFFFFF000  }
0x30d: {  	[hbm:s0], [sflag:s16] =	dma.local [hbm:s20], $0x1000  }
0x30e: {  	_ =	swait.ge [sflag:s14], $0x1000  }
0x30f: {  	s20 =	sld [smem:$0x7FA]  }
0x310: {  	[sflag:s14] =	ssyncset.done $0x0  }
0x311: {  	[sflag:s14] =	ssyncadd.s32 $0xFFFFF000  }
0x312: {  	[hbm:s2], [sflag:s15] =	dma.local [hbm:s20], $0x1000  }
0x313: {  	_ =	swait.ge [sflag:s12], $0x1000  }
0x314: {  	s20 =	sld [smem:$0x7FB]  }
0x315: {  	[sflag:s12] =	ssyncset.done $0x0  }
0x316: {  	[sflag:s12] =	ssyncadd.s32 $0xFFFFF000  }
0x317: {  	[hbm:s3], [sflag:s17] =	dma.local [hbm:s20], $0x1000  }
0x318: {  	_ =	swait.ge [sflag:s13], $0x1000  }
0x319: {  	[sflag:s13] =	ssyncset.done $0x0  }
0x31a: {  	[sflag:s13] =	ssyncadd.s32 $0xFFFFF000  }
0x31b: {  	[hbm:s4], [sflag:s16] =	dma.local [hbm:s22], $0x1000  }
0x31c: {  	_ =	swait.ge [sflag:s14], $0x1000  }
0x31d: {  	[sflag:s14] =	ssyncset.done $0x0  }
0x31e: {  	[sflag:s14] =	ssyncadd.s32 $0xFFFFF000  }
0x31f: {  	[hbm:s5], [sflag:s15] =	dma.local [hbm:s23], $0x1000  }
0x320: {  	_ =	swait.ge [sflag:s12], $0x1000  }
0x321: {  	[sflag:s12] =	ssyncset.done $0x0  }
0x322: {  	[sflag:s12] =	ssyncadd.s32 $0xFFFFF000  }
0x323: {  	_ =	swait.ge [sflag:s13], $0x1000  }
0x324: {  	[sflag:s13] =	ssyncset.done $0x0  }
0x325: {  	[sflag:s13] =	ssyncadd.s32 $0xFFFFF000  }
0x326: {  	_ =	swait.ge [sflag:s14], $0x1000  }
0x327: {  	[sflag:s14] =	ssyncset.done $0x0  }
0x328: {  	[sflag:s14] =	ssyncadd.s32 $0xFFFFF000  }
0x329: {  	_ =	swait.ge [sflag:s12], $0x1000  }
0x32a: {  	[sflag:s12] =	ssyncset.done $0x0  }
0x32b: {  	[sflag:s12] =	ssyncadd.s32 $0xFFFFF000  }
0x32c: {  	_ =	swait.ge [sflag:s13], $0x1000  }
0x32d: {  	[sflag:s13] =	ssyncset.done $0x0  }
0x32e: {  	[sflag:s13] =	ssyncadd.s32 $0xFFFFF000  }
0x32f: {  	_ =	swait.ge [sflag:s14], $0x1000  }
.Ltmp3:
0x330: {  	[sflag:s14] =	ssyncset.done $0x0;
	(pc) =	sbr.rel .LBB2_4-.Ltmp3, $4  }
0x331: {  	[sflag:s14] =	ssyncadd.s32 $0xFFFFF000  }
0x332: {  	_ =	swait.ge [sflag:s12], $0x1000  }
0x333: {  	[sflag:s12] =	ssyncset.done $0x0  }
0x334: {  	[sflag:s12] =	ssyncadd.s32 $0xFFFFF000  }
.LBB2_5:
0x335: {  	_ =	sfence.sel $0x180000  }
0x336: {  	[bflag:$0x0] =	sbarrier.arrive $0xFFFF  }
0x337: {  	p0 =	sne.s32 s18, $0x0;
	_ =	strace $0x90000047  }
0x338: {  	s0 =	sadd.s32 @!p0 $0x100000, s21;
	[bflag:$0x2] =	sbarrier.arrive $0xFFFF  }
0x339: {  	[sflag:s0] =	ssyncadd.tile.s32 @!p0 $0x1;
	_ =	shalt  }
.Lfunc_end2:
_tile_overlayer_lowered:
.L_overlay_start_2:
0x33a: {  	(tag) =	ssettag $0x2  }
0x33b: {  	s0 =	rddreg [dreg:$0x0];
	s2 =	stileid.u32  }
0x33c: {  	s1 =	rddreg [dreg:$0x1];
	p0 =	sne.s32 s2, $0x0  }
0x33d: {  	s3 =	rddreg [dreg:$0x2];
	[bflag:$0x3] =	sbarrier.arrive $0xFFFF;
	s2 =	simm.s32 @!p0 $0x1C05  }
0x33e: {  	[timem:s3], [sflag:s2] =	dma.local @!p0 [hbm:s0], s1  }
0x33f: {  	s0 =	simm.s32 @!p0 $0x5  }
0x340: {  	_ =	swait.ge @!p0 [sflag:s0], s1  }
0x341: {  	s1 =	ssub.s32 @!p0 $0x0, s1;
	[sflag:s0] =	ssyncset.done @!p0 $0x0  }
0x342: {  	[sflag:s0] =	ssyncadd.s32 @!p0 s1  }
0x343: {  	[bflag:$0x3] =	sbarrier.arrive $0xFFFF  }
0x344: {  	_ =	shalt  }

</sc_bundles>
